<compile_context>
chip_gen: v7x
topology: tpu7x:2x2x1
jax: 0.10.2.dev20260603
libtpu: 0.0.44.dev20260713+nightly
codegen_flags: <defaults>
</compile_context>

<pallas_src>
import functools

import jax
import jax.numpy as jnp
from jax import lax
from jax.experimental import pallas as pl
from jax.experimental.pallas import tpu as pltpu
from jax.experimental.pallas import tpu_sc as plsc

N = 10000
E = 320000
D = 128
H = 64

NC = 2
NS = 16
NW = NC * NS
CHUNK = 128
NCHT = E // CHUNK
NSLOT = NCHT // NW
LEFT = NCHT - NSLOT * NW
NPAD = 10240
RPT = NPAD // NS
DEG_PAD = NPAD
DPT = DEG_PAD // NS


def _seg_body(with_deg, *refs):
    if with_deg:
        (h_hbm, ei_hbm, znd_hbm, zdeg_hbm, ones_hbm,
         agg_out, deg_out, i0, i1, i2, i3, rows_a, rows_b, ones_v,
         agg_sh, deg_sh, sg0, sg1, ss0, ss1, si0, si1, si2, si3) = refs
    else:
        (h_hbm, ei_hbm, znd_hbm,
         agg_out, i0, i1, i2, i3, rows_a, rows_b, agg_sh,
         sg0, sg1, ss0, ss1, si0, si1, si2, si3) = refs
    c = lax.axis_index("c")
    s = lax.axis_index("s")
    w = s * NC + c

    t0 = s * RPT
    pltpu.sync_copy(znd_hbm.at[pl.ds(t0, RPT)], agg_sh.at[pl.ds(t0, RPT)])
    if with_deg:
        d0 = s * DPT
        pltpu.sync_copy(zdeg_hbm.at[pl.ds(d0, DPT)], deg_sh.at[pl.ds(d0, DPT)])
        pltpu.sync_copy(ones_hbm, ones_v)

    I = [i0, i1, i2, i3]
    R = [rows_a, rows_b]
    GS = [sg0, sg1]
    SS = [ss0, ss1]
    IS = [si0, si1, si2, si3]
    idummy = ei_hbm.at[:, pl.ds(0, CHUNK)]
    rdummy = znd_hbm.at[pl.ds(0, CHUNK)]

    def ifetch(j, k):
        e0 = jnp.minimum(j * NW + w, NCHT - 1) * CHUNK
        pltpu.async_copy(ei_hbm.at[:, pl.ds(e0, CHUNK)], I[k], IS[k])

    def slot(q, j, skip_swait=False):
        p, pn = q % 2, 1 - q % 2
        k, kp, kf = q % 4, (q + 1) % 4, (q + 3) % 4
        pltpu.make_async_copy(rdummy, R[p], GS[p]).wait()
        pltpu.async_copy(R[p], agg_sh.at[I[k].at[1]], SS[p], add=True)
        if with_deg:
            pltpu.async_copy(ones_v, deg_sh.at[I[k].at[1]], SS[p], add=True)
        if not skip_swait:
            pltpu.make_async_copy(rdummy, R[pn], SS[pn]).wait()
            if with_deg:
                pltpu.make_async_copy(ones_hbm, ones_v, SS[pn]).wait()
        ifetch(j + 3, kf)
        pltpu.make_async_copy(idummy, I[kp], IS[kp]).wait()
        pltpu.async_copy(h_hbm.at[I[kp].at[0]],
                         R[pn], GS[pn])

    pltpu.sync_copy(ei_hbm.at[:, pl.ds(w * CHUNK, CHUNK)], i0)
    ifetch(1, 1)
    ifetch(2, 2)
    pltpu.async_copy(h_hbm.at[i0.at[0]], rows_a, sg0)
    plsc.subcore_barrier()

    slot(0, 0, skip_swait=True)
    slot(1, 1)
    slot(2, 2)
    slot(3, 3)

    def group(t, carry):
        j = 4 * t
        slot(0, j)
        slot(1, j + 1)
        slot(2, j + 2)
        slot(3, j + 3)
        return carry

    lax.fori_loop(1, NSLOT // 4, group, 0)
    slot(0, NSLOT - 2)
    slot(1, NSLOT - 1)

    pltpu.make_async_copy(rdummy, rows_a, sg0).wait()

    @pl.when(w < LEFT)
    def _leftover():
        pltpu.async_copy(rows_a, agg_sh.at[i2.at[1]], ss0, add=True)
        if with_deg:
            pltpu.async_copy(ones_v, deg_sh.at[i2.at[1]], ss0, add=True)

    pltpu.make_async_copy(rdummy, rows_b, ss1).wait()
    if with_deg:
        pltpu.make_async_copy(ones_hbm, ones_v, ss1).wait()

    @pl.when(w < LEFT)
    def _drain_leftover():
        pltpu.make_async_copy(rdummy, rows_a, ss0).wait()
        if with_deg:
            pltpu.make_async_copy(ones_hbm, ones_v, ss0).wait()

    pltpu.make_async_copy(idummy, i3, si3).wait()
    pltpu.make_async_copy(idummy, i0, si0).wait()
    plsc.subcore_barrier()

    pltpu.sync_copy(agg_sh.at[pl.ds(t0, RPT)], agg_out.at[c, pl.ds(t0, RPT)])
    if with_deg:
        pltpu.sync_copy(deg_sh.at[pl.ds(d0, DPT)], deg_out.at[c, pl.ds(d0, DPT)])


def _make_seg(with_deg):
    mesh = plsc.VectorSubcoreMesh(core_axis_name="c", subcore_axis_name="s")
    out_type = [jax.ShapeDtypeStruct((NC, NPAD, D), jnp.float32)]
    if with_deg:
        out_type.append(jax.ShapeDtypeStruct((NC, DEG_PAD), jnp.float32))
    scratch = [
        pltpu.VMEM((2, CHUNK), jnp.int32),
        pltpu.VMEM((2, CHUNK), jnp.int32),
        pltpu.VMEM((2, CHUNK), jnp.int32),
        pltpu.VMEM((2, CHUNK), jnp.int32),
        pltpu.VMEM((CHUNK, D), jnp.float32),
        pltpu.VMEM((CHUNK, D), jnp.float32),
    ]
    if with_deg:
        scratch.append(pltpu.VMEM((CHUNK,), jnp.float32))
    scratch += [
        pltpu.VMEM_SHARED((NPAD, D), jnp.float32),
    ]
    if with_deg:
        scratch.append(pltpu.VMEM_SHARED((DEG_PAD,), jnp.float32))
    scratch += [pltpu.SemaphoreType.DMA] * 8
    return pl.kernel(
        functools.partial(_seg_body, with_deg),
        out_type=out_type,
        mesh=mesh,
        scratch_types=scratch,
    )


_seg_deg = _make_seg(True)
_seg = _make_seg(False)

BLK = 2000
GRID = N // BLK


def _layer_body(h_ref, p_ref, dd_ref, ws_ref, wn_ref, b_ref, o_ref, *, relu):
    agg = p_ref[0] + p_ref[1]
    deg = dd_ref[0] + dd_ref[1]
    rdeg = 1.0 / jnp.maximum(deg, 1.0)
    out = (jnp.dot(h_ref[...], ws_ref[...], preferred_element_type=jnp.float32)
           + jnp.dot(agg * rdeg, wn_ref[...], preferred_element_type=jnp.float32)
           + b_ref[...])
    o_ref[...] = jnp.maximum(out, 0.0) if relu else out


def _head_body(h_ref, p_ref, dd_ref, ws_ref, wn_ref, b_ref, v_ref,
               mw1_ref, mb1_ref, mw2_ref, mb2_ref,
               hw1_ref, hb1_ref, hw2_ref, hb2_ref, o_ref):
    agg = p_ref[0] + p_ref[1]
    deg = dd_ref[0] + dd_ref[1]
    rdeg = 1.0 / jnp.maximum(deg, 1.0)
    h3 = (jnp.dot(h_ref[...], ws_ref[...], preferred_element_type=jnp.float32)
          + jnp.dot(agg * rdeg, wn_ref[...], preferred_element_type=jnp.float32)
          + b_ref[...])
    v = jnp.maximum(
        jnp.dot(v_ref[...], mw1_ref[...], preferred_element_type=jnp.float32)
        + mb1_ref[...], 0.0)
    v = jnp.dot(v, mw2_ref[...], preferred_element_type=jnp.float32) + mb2_ref[...]
    f = h3 + v
    o = jnp.maximum(
        jnp.dot(f, hw1_ref[...], preferred_element_type=jnp.float32)
        + hb1_ref[...], 0.0)
    o_ref[...] = (jnp.dot(o, hw2_ref[...], preferred_element_type=jnp.float32)
                  + hb2_ref[...])


def _full(shape):
    return pl.BlockSpec(shape, lambda i: tuple(0 for _ in shape))


_SPEC_H = pl.BlockSpec((BLK, D), lambda i: (i, 0))
_SPEC_P = pl.BlockSpec((NC, BLK, D), lambda i: (0, i, 0))
_SPEC_DD = pl.BlockSpec((NC, BLK, 1), lambda i: (0, i, 0))


def _tc_layer(h, p, dd, Ws, Wn, b, relu):
    return pl.pallas_call(
        functools.partial(_layer_body, relu=relu),
        grid=(GRID,),
        in_specs=[_SPEC_H, _SPEC_P, _SPEC_DD,
                  _full((D, D)), _full((D, D)), _full((1, D))],
        out_specs=_SPEC_H,
        out_shape=jax.ShapeDtypeStruct((N, D), jnp.float32),
    )(h, p, dd, Ws, Wn, b)


def _tc_head(h, p, dd, Ws, Wn, b, v, mW1, mb1, mW2, mb2, hW1, hb1, hW2, hb2):
    return pl.pallas_call(
        _head_body,
        grid=(GRID,),
        in_specs=[_SPEC_H, _SPEC_P, _SPEC_DD,
                  _full((D, D)), _full((D, D)), _full((1, D)),
                  _full((1, D)),
                  _full((D, D)), _full((1, D)), _full((D, D)), _full((1, D)),
                  _full((D, H)), _full((1, H)), _full((H, 1)), _full((1, 1))],
        out_specs=pl.BlockSpec((BLK, 1), lambda i: (i, 0)),
        out_shape=jax.ShapeDtypeStruct((N, 1), jnp.float32),
    )(h, p, dd, Ws, Wn, b, v, mW1, mb1, mW2, mb2, hW1, hb1, hW2, hb2)


def kernel(x, edge_index, v_node_x, gW0s, gW0n, gb0, gW1s, gW1n, gb1,
           gW2s, gW2n, gb2, mW1, mb1, mW2, mb2, hW1, hb1, hW2, hb2):
    znd = jnp.zeros((NPAD, D), jnp.float32)
    zdeg = jnp.zeros((DEG_PAD,), jnp.float32)
    ones = jnp.ones((CHUNK,), jnp.float32)

    agg0, degp = _seg_deg(x, edge_index, znd, zdeg, ones)
    dd = degp.reshape(NC, DEG_PAD, 1)

    b0 = gb0.reshape(1, D)
    b1 = gb1.reshape(1, D)
    b2 = gb2.reshape(1, D)

    h1 = _tc_layer(x, agg0, dd, gW0s, gW0n, b0, True)
    (agg1,) = _seg(h1, edge_index, znd)
    h2 = _tc_layer(h1, agg1, dd, gW1s, gW1n, b1, True)
    (agg2,) = _seg(h2, edge_index, znd)
    out = _tc_head(h2, agg2, dd, gW2s, gW2n, b2, v_node_x,
                   mW1, mb1.reshape(1, D), mW2, mb2.reshape(1, D),
                   hW1, hb1.reshape(1, H), hW2, hb2.reshape(1, 1))
    return out.reshape(1, N)

# --- scband reference (transcript-rebuilt; emitter-appended) ---
"""Pipeline reference for scband-actor-77154792505427 (READ-ONLY COPY).

The authoritative reference and input builder live on the scoring server;
editing this copy changes nothing except your own understanding.
"""

import jax, jax.numpy as jnp
import numpy as np

N = 10000
E = 320000
D = 128
H = 64

def setup_inputs(seed: int = 0) -> dict:
    key = jax.random.key(seed)
    ks = jax.random.split(key, 24)
    inp = {}
    inp["x"] = jax.random.normal(ks[0], (N, D), dtype=jnp.float32)
    inp["edge_index"] = jax.random.randint(ks[1], (2, E), 0, N, dtype=jnp.int32)
    inp["v_node_x"] = jax.random.normal(ks[2], (1, D), dtype=jnp.float32)
    # GNN layer params (3 layers, GCN-style self + neighbor transforms)
    inp["gW0s"] = jax.random.normal(ks[3], (D, D), dtype=jnp.float32) * 0.05
    inp["gW0n"] = jax.random.normal(ks[4], (D, D), dtype=jnp.float32) * 0.05
    inp["gb0"] = jnp.zeros((D,), dtype=jnp.float32)
    inp["gW1s"] = jax.random.normal(ks[5], (D, D), dtype=jnp.float32) * 0.05
    inp["gW1n"] = jax.random.normal(ks[6], (D, D), dtype=jnp.float32) * 0.05
    inp["gb1"] = jnp.zeros((D,), dtype=jnp.float32)
    inp["gW2s"] = jax.random.normal(ks[7], (D, D), dtype=jnp.float32) * 0.05
    inp["gW2n"] = jax.random.normal(ks[8], (D, D), dtype=jnp.float32) * 0.05
    inp["gb2"] = jnp.zeros((D,), dtype=jnp.float32)
    # MLP for v_node_x (2 layers D->D->D)
    inp["mW1"] = jax.random.normal(ks[9], (D, D), dtype=jnp.float32) * 0.05
    inp["mb1"] = jnp.zeros((D,), dtype=jnp.float32)
    inp["mW2"] = jax.random.normal(ks[10], (D, D), dtype=jnp.float32) * 0.05
    inp["mb2"] = jnp.zeros((D,), dtype=jnp.float32)
    # Head MLP (2 layers D->D/2->1)
    inp["hW1"] = jax.random.normal(ks[11], (D, H), dtype=jnp.float32) * 0.05
    inp["hb1"] = jnp.zeros((H,), dtype=jnp.float32)
    inp["hW2"] = jax.random.normal(ks[12], (H, 1), dtype=jnp.float32) * 0.05
    inp["hb2"] = jnp.zeros((1,), dtype=jnp.float32)
    return inp

def reference(x, edge_index, v_node_x, gW0s, gW0n, gb0, gW1s, gW1n, gb1, gW2s, gW2n, gb2, mW1, mb1, mW2, mb2, hW1, hb1, hW2, hb2):
    src = edge_index[0]
    dst = edge_index[1]
    n = x.shape[0]
    deg = jax.ops.segment_sum(jnp.ones(src.shape[0], dtype=x.dtype), dst, num_segments=n)
    deg = jnp.clip(deg, 1.0)[:, None]
    h = x
    params = [(gW0s, gW0n, gb0), (gW1s, gW1n, gb1), (gW2s, gW2n, gb2)]
    for i, (Ws, Wn, b) in enumerate(params):
        msg = h[src]  # gather
        agg = jax.ops.segment_sum(msg, dst, num_segments=n) / deg  # scatter-add
        h_new = h @ Ws + agg @ Wn + b
        if i < len(params) - 1:
            h_new = jax.nn.relu(h_new)
        h = h_new
    p_emb = h[None, :, :]  # [1, N, D] (return_batch=True)
    v = jax.nn.relu(v_node_x @ mW1 + mb1)
    v = v @ mW2 + mb2  # [1, D]
    fusion = p_emb + v[:, None, :]  # broadcast expand over nodes
    out = jax.nn.relu(fusion @ hW1 + hb1)
    out = out @ hW2 + hb2  # [1, N, 1]
    return out.squeeze(-1)  # [1, N]

if __name__ == "__main__":
    import jax
    _d = setup_inputs()
    print(jax.jit(kernel)(*tuple(_d.values())))

</pallas_src>

<mosaic_0001>
#map = affine_map<(d0, d1) -> (0, 0)>
#map1 = affine_map<(d0, d1) -> (0, 0, 0)>
module attributes {stable_mosaic.version = 14 : i64} {
  func.func @_seg_body(%arg0: i32, %arg1: i32, %arg2: memref<10000x128xf32, #tpu.memory_space<hbm>>, %arg3: memref<2x320000xi32, #tpu.memory_space<hbm>>, %arg4: memref<10240x128xf32, #tpu.memory_space<hbm>>, %arg5: memref<2x10240x128xf32, #tpu.memory_space<hbm>>, %arg6: memref<2x128xi32, #tpu.memory_space<vmem>>, %arg7: memref<2x128xi32, #tpu.memory_space<vmem>>, %arg8: memref<2x128xi32, #tpu.memory_space<vmem>>, %arg9: memref<2x128xi32, #tpu.memory_space<vmem>>, %arg10: memref<128x128xf32, #tpu.memory_space<vmem>>, %arg11: memref<128x128xf32, #tpu.memory_space<vmem>>, %arg12: memref<10240x128xf32, #tpu.memory_space<vmem_shared>>, %arg13: memref<!tpu.dma_semaphore, #tpu.memory_space<semaphore_mem>>, %arg14: memref<!tpu.dma_semaphore, #tpu.memory_space<semaphore_mem>>, %arg15: memref<!tpu.dma_semaphore, #tpu.memory_space<semaphore_mem>>, %arg16: memref<!tpu.dma_semaphore, #tpu.memory_space<semaphore_mem>>, %arg17: memref<!tpu.dma_semaphore, #tpu.memory_space<semaphore_mem>>, %arg18: memref<!tpu.dma_semaphore, #tpu.memory_space<semaphore_mem>>, %arg19: memref<!tpu.dma_semaphore, #tpu.memory_space<semaphore_mem>>, %arg20: memref<!tpu.dma_semaphore, #tpu.memory_space<semaphore_mem>>) attributes {dimension_semantics = [#tpu.dimension_semantics<core_parallel>, #tpu.dimension_semantics<subcore_parallel>], iteration_bounds = array<i64: 2, 16>, scalar_prefetch = 0 : i64, scratch_operands = 15 : i64, tpu.core_type = #tpu.core_type<sc_vector_subcore>, window_params = [{transform_indices = #map}, {transform_indices = #map}, {transform_indices = #map}, {transform_indices = #map1}]} {
    %mul3A = arith.constant 2 : i32
    %mul3A_0 = arith.muli %arg1, %mul3A : i32
    %add3A = arith.addi %mul3A_0, %arg0 : i32
    %mul3A_1 = arith.constant 640 : i32
    %mul3A_2 = arith.muli %arg1, %mul3A_1 : i32
    "tpu.region"() ({
      %run_scoped3A = tpu.sem_alloc : memref<!tpu.dma_semaphore, #tpu.memory_space<semaphore_mem>>
      %dma_start3A_312 = arith.constant 0 : i32
      %dma_start3A_313 = tpu.memref_slice %arg12[%mul3A_2, %dma_start3A_312] : memref<10240x128xf32, #tpu.memory_space<vmem_shared>> -> memref<640x128xf32, #tpu.memory_space<vmem_shared>>
      %dma_start3A_314 = arith.constant 0 : i32
      %dma_start3A_315 = tpu.memref_slice %arg4[%mul3A_2, %dma_start3A_314] : memref<10240x128xf32, #tpu.memory_space<hbm>> -> memref<640x128xf32, #tpu.memory_space<hbm>>
      tpu.enqueue_dma source(%dma_start3A_315 : memref<640x128xf32, #tpu.memory_space<hbm>>) target(%dma_start3A_313 : memref<640x128xf32, #tpu.memory_space<vmem_shared>>) target_semaphore(%run_scoped3A : memref<!tpu.dma_semaphore, #tpu.memory_space<semaphore_mem>>)
      %dma_wait3A_316 = arith.constant 0 : i32
      %dma_wait3A_317 = tpu.memref_slice %arg12[%mul3A_2, %dma_wait3A_316] : memref<10240x128xf32, #tpu.memory_space<vmem_shared>> -> memref<640x128xf32, #tpu.memory_space<vmem_shared>>
      %dma_wait3A_318 = arith.constant 0 : i32
      %dma_wait3A_319 = tpu.memref_slice %arg4[%mul3A_2, %dma_wait3A_318] : memref<10240x128xf32, #tpu.memory_space<hbm>> -> memref<640x128xf32, #tpu.memory_space<hbm>>
      tpu.wait_dma2 semaphore(%run_scoped3A : memref<!tpu.dma_semaphore, #tpu.memory_space<semaphore_mem>>) src(%dma_wait3A_319 : memref<640x128xf32, #tpu.memory_space<hbm>>) dst(%dma_wait3A_317 : memref<640x128xf32, #tpu.memory_space<vmem_shared>>)
      tpu.yield
    }) : () -> ()
    %mul3A_3 = arith.constant 128 : i32
    %mul3A_4 = arith.muli %add3A, %mul3A_3 : i32
    "tpu.region"() ({
      %run_scoped3A = tpu.sem_alloc : memref<!tpu.dma_semaphore, #tpu.memory_space<semaphore_mem>>
      %dma_start3A_312 = arith.constant 0 : i32
      %dma_start3A_313 = tpu.memref_slice %arg3[%dma_start3A_312, %mul3A_4] : memref<2x320000xi32, #tpu.memory_space<hbm>> -> memref<2x128xi32, #tpu.memory_space<hbm>>
      %dma_start3A_314 = arith.constant 0 : i32
      %dma_start3A_315 = tpu.memref_slice %arg3[%dma_start3A_314, %mul3A_4] : memref<2x320000xi32, #tpu.memory_space<hbm>> -> memref<2x128xi32, #tpu.memory_space<hbm>>
      tpu.enqueue_dma source(%dma_start3A_315 : memref<2x128xi32, #tpu.memory_space<hbm>>) target(%arg6 : memref<2x128xi32, #tpu.memory_space<vmem>>) target_semaphore(%run_scoped3A : memref<!tpu.dma_semaphore, #tpu.memory_space<semaphore_mem>>)
      %dma_wait3A_316 = arith.constant 0 : i32
      %dma_wait3A_317 = tpu.memref_slice %arg3[%dma_wait3A_316, %mul3A_4] : memref<2x320000xi32, #tpu.memory_space<hbm>> -> memref<2x128xi32, #tpu.memory_space<hbm>>
      %dma_wait3A_318 = arith.constant 0 : i32
      %dma_wait3A_319 = tpu.memref_slice %arg3[%dma_wait3A_318, %mul3A_4] : memref<2x320000xi32, #tpu.memory_space<hbm>> -> memref<2x128xi32, #tpu.memory_space<hbm>>
      tpu.wait_dma2 semaphore(%run_scoped3A : memref<!tpu.dma_semaphore, #tpu.memory_space<semaphore_mem>>) src(%dma_wait3A_319 : memref<2x128xi32, #tpu.memory_space<hbm>>) dst(%arg6 : memref<2x128xi32, #tpu.memory_space<vmem>>)
      tpu.yield
    }) : () -> ()
    %add3A_5 = arith.constant 32 : i32
    %add3A_6 = arith.addi %add3A_5, %add3A : i32
    %min3A = arith.constant 2499 : i32
    %min3A_7 = arith.minsi %add3A_6, %min3A : i32
    %mul3A_8 = arith.constant 128 : i32
    %mul3A_9 = arith.muli %min3A_7, %mul3A_8 : i32
    %dma_start3A = arith.constant 0 : i32
    %dma_start3A_10 = tpu.memref_slice %arg3[%dma_start3A, %mul3A_9] : memref<2x320000xi32, #tpu.memory_space<hbm>> -> memref<2x128xi32, #tpu.memory_space<hbm>>
    %dma_start3A_11 = arith.constant 0 : i32
    %dma_start3A_12 = tpu.memref_slice %arg3[%dma_start3A_11, %mul3A_9] : memref<2x320000xi32, #tpu.memory_space<hbm>> -> memref<2x128xi32, #tpu.memory_space<hbm>>
    tpu.enqueue_dma source(%dma_start3A_12 : memref<2x128xi32, #tpu.memory_space<hbm>>) target(%arg7 : memref<2x128xi32, #tpu.memory_space<vmem>>) target_semaphore(%arg18 : memref<!tpu.dma_semaphore, #tpu.memory_space<semaphore_mem>>)
    %add3A_13 = arith.constant 64 : i32
    %add3A_14 = arith.addi %add3A_13, %add3A : i32
    %min3A_15 = arith.constant 2499 : i32
    %min3A_16 = arith.minsi %add3A_14, %min3A_15 : i32
    %mul3A_17 = arith.constant 128 : i32
    %mul3A_18 = arith.muli %min3A_16, %mul3A_17 : i32
    %dma_start3A_19 = arith.constant 0 : i32
    %dma_start3A_20 = tpu.memref_slice %arg3[%dma_start3A_19, %mul3A_18] : memref<2x320000xi32, #tpu.memory_space<hbm>> -> memref<2x128xi32, #tpu.memory_space<hbm>>
    %dma_start3A_21 = arith.constant 0 : i32
    %dma_start3A_22 = tpu.memref_slice %arg3[%dma_start3A_21, %mul3A_18] : memref<2x320000xi32, #tpu.memory_space<hbm>> -> memref<2x128xi32, #tpu.memory_space<hbm>>
    tpu.enqueue_dma source(%dma_start3A_22 : memref<2x128xi32, #tpu.memory_space<hbm>>) target(%arg8 : memref<2x128xi32, #tpu.memory_space<vmem>>) target_semaphore(%arg19 : memref<!tpu.dma_semaphore, #tpu.memory_space<semaphore_mem>>)
    %dma_start3A_23 = arith.constant 0 : i32
    %dma_start3A_24 = arith.constant 0 : i32
    %dma_start3A_25 = tpu.memref_slice %arg6[%dma_start3A_23, %dma_start3A_24] : memref<2x128xi32, #tpu.memory_space<vmem>> -> memref<1x128xi32, #tpu.memory_space<vmem>>
    %dma_start3A_26 = tpu.memref_squeeze %dma_start3A_25 : memref<1x128xi32, #tpu.memory_space<vmem>> -> memref<128xi32, #tpu.memory_space<vmem>>
    %dma_start3A_27 = arith.constant 0 : i32
    %dma_start3A_28 = arith.constant 0 : i32
    %dma_start3A_29 = tpu.memref_slice %arg2[%dma_start3A_27, %dma_start3A_28] : memref<10000x128xf32, #tpu.memory_space<hbm>> -> memref<10000x128xf32, #tpu.memory_space<hbm>>
    tpu.enqueue_indirect_dma source(%dma_start3A_29 : memref<10000x128xf32, #tpu.memory_space<hbm>>) target(%arg10 : memref<128x128xf32, #tpu.memory_space<vmem>>) offsets(%dma_start3A_26 : memref<128xi32, #tpu.memory_space<vmem>>) semaphore(%arg13 : memref<!tpu.dma_semaphore, #tpu.memory_space<semaphore_mem>>)
    %barrier3A = arith.constant 0 : index
    tpu.barrier barrier_id(%barrier3A)
    %dma_wait3A = arith.constant 0 : i32
    %dma_wait3A_30 = arith.constant 0 : i32
    %dma_wait3A_31 = tpu.memref_slice %arg4[%dma_wait3A, %dma_wait3A_30] : memref<10240x128xf32, #tpu.memory_space<hbm>> -> memref<128x128xf32, #tpu.memory_space<hbm>>
    %dma_wait3A_32 = arith.constant 0 : i32
    %dma_wait3A_33 = arith.constant 0 : i32
    %dma_wait3A_34 = tpu.memref_slice %arg4[%dma_wait3A_32, %dma_wait3A_33] : memref<10240x128xf32, #tpu.memory_space<hbm>> -> memref<128x128xf32, #tpu.memory_space<hbm>>
    tpu.wait_dma2 semaphore(%arg13 : memref<!tpu.dma_semaphore, #tpu.memory_space<semaphore_mem>>) src(%dma_wait3A_34 : memref<128x128xf32, #tpu.memory_space<hbm>>) dst(%arg10 : memref<128x128xf32, #tpu.memory_space<vmem>>)
    %dma_start3A_35 = arith.constant 1 : i32
    %dma_start3A_36 = arith.constant 0 : i32
    %dma_start3A_37 = tpu.memref_slice %arg6[%dma_start3A_35, %dma_start3A_36] : memref<2x128xi32, #tpu.memory_space<vmem>> -> memref<1x128xi32, #tpu.memory_space<vmem>>
    %dma_start3A_38 = tpu.memref_squeeze %dma_start3A_37 : memref<1x128xi32, #tpu.memory_space<vmem>> -> memref<128xi32, #tpu.memory_space<vmem>>
    %dma_start3A_39 = arith.constant 0 : i32
    %dma_start3A_40 = arith.constant 0 : i32
    %dma_start3A_41 = tpu.memref_slice %arg12[%dma_start3A_39, %dma_start3A_40] : memref<10240x128xf32, #tpu.memory_space<vmem_shared>> -> memref<10240x128xf32, #tpu.memory_space<vmem_shared>>
    tpu.enqueue_indirect_dma source(%arg10 : memref<128x128xf32, #tpu.memory_space<vmem>>) target(%dma_start3A_41 : memref<10240x128xf32, #tpu.memory_space<vmem_shared>>) offsets(%dma_start3A_38 : memref<128xi32, #tpu.memory_space<vmem>>) semaphore(%arg15 : memref<!tpu.dma_semaphore, #tpu.memory_space<semaphore_mem>>) {add = true}
    %add3A_42 = arith.constant 96 : i32
    %add3A_43 = arith.addi %add3A_42, %add3A : i32
    %min3A_44 = arith.constant 2499 : i32
    %min3A_45 = arith.minsi %add3A_43, %min3A_44 : i32
    %mul3A_46 = arith.constant 128 : i32
    %mul3A_47 = arith.muli %min3A_45, %mul3A_46 : i32
    %dma_start3A_48 = arith.constant 0 : i32
    %dma_start3A_49 = tpu.memref_slice %arg3[%dma_start3A_48, %mul3A_47] : memref<2x320000xi32, #tpu.memory_space<hbm>> -> memref<2x128xi32, #tpu.memory_space<hbm>>
    %dma_start3A_50 = arith.constant 0 : i32
    %dma_start3A_51 = tpu.memref_slice %arg3[%dma_start3A_50, %mul3A_47] : memref<2x320000xi32, #tpu.memory_space<hbm>> -> memref<2x128xi32, #tpu.memory_space<hbm>>
    tpu.enqueue_dma source(%dma_start3A_51 : memref<2x128xi32, #tpu.memory_space<hbm>>) target(%arg9 : memref<2x128xi32, #tpu.memory_space<vmem>>) target_semaphore(%arg20 : memref<!tpu.dma_semaphore, #tpu.memory_space<semaphore_mem>>)
    %dma_wait3A_52 = arith.constant 0 : i32
    %dma_wait3A_53 = arith.constant 0 : i32
    %dma_wait3A_54 = tpu.memref_slice %arg3[%dma_wait3A_52, %dma_wait3A_53] : memref<2x320000xi32, #tpu.memory_space<hbm>> -> memref<2x128xi32, #tpu.memory_space<hbm>>
    %dma_wait3A_55 = arith.constant 0 : i32
    %dma_wait3A_56 = arith.constant 0 : i32
    %dma_wait3A_57 = tpu.memref_slice %arg3[%dma_wait3A_55, %dma_wait3A_56] : memref<2x320000xi32, #tpu.memory_space<hbm>> -> memref<2x128xi32, #tpu.memory_space<hbm>>
    tpu.wait_dma2 semaphore(%arg18 : memref<!tpu.dma_semaphore, #tpu.memory_space<semaphore_mem>>) src(%dma_wait3A_57 : memref<2x128xi32, #tpu.memory_space<hbm>>) dst(%arg7 : memref<2x128xi32, #tpu.memory_space<vmem>>)
    %dma_start3A_58 = arith.constant 0 : i32
    %dma_start3A_59 = arith.constant 0 : i32
    %dma_start3A_60 = tpu.memref_slice %arg7[%dma_start3A_58, %dma_start3A_59] : memref<2x128xi32, #tpu.memory_space<vmem>> -> memref<1x128xi32, #tpu.memory_space<vmem>>
    %dma_start3A_61 = tpu.memref_squeeze %dma_start3A_60 : memref<1x128xi32, #tpu.memory_space<vmem>> -> memref<128xi32, #tpu.memory_space<vmem>>
    %dma_start3A_62 = arith.constant 0 : i32
    %dma_start3A_63 = arith.constant 0 : i32
    %dma_start3A_64 = tpu.memref_slice %arg2[%dma_start3A_62, %dma_start3A_63] : memref<10000x128xf32, #tpu.memory_space<hbm>> -> memref<10000x128xf32, #tpu.memory_space<hbm>>
    tpu.enqueue_indirect_dma source(%dma_start3A_64 : memref<10000x128xf32, #tpu.memory_space<hbm>>) target(%arg11 : memref<128x128xf32, #tpu.memory_space<vmem>>) offsets(%dma_start3A_61 : memref<128xi32, #tpu.memory_space<vmem>>) semaphore(%arg14 : memref<!tpu.dma_semaphore, #tpu.memory_space<semaphore_mem>>)
    %dma_wait3A_65 = arith.constant 0 : i32
    %dma_wait3A_66 = arith.constant 0 : i32
    %dma_wait3A_67 = tpu.memref_slice %arg4[%dma_wait3A_65, %dma_wait3A_66] : memref<10240x128xf32, #tpu.memory_space<hbm>> -> memref<128x128xf32, #tpu.memory_space<hbm>>
    %dma_wait3A_68 = arith.constant 0 : i32
    %dma_wait3A_69 = arith.constant 0 : i32
    %dma_wait3A_70 = tpu.memref_slice %arg4[%dma_wait3A_68, %dma_wait3A_69] : memref<10240x128xf32, #tpu.memory_space<hbm>> -> memref<128x128xf32, #tpu.memory_space<hbm>>
    tpu.wait_dma2 semaphore(%arg14 : memref<!tpu.dma_semaphore, #tpu.memory_space<semaphore_mem>>) src(%dma_wait3A_70 : memref<128x128xf32, #tpu.memory_space<hbm>>) dst(%arg11 : memref<128x128xf32, #tpu.memory_space<vmem>>)
    %dma_start3A_71 = arith.constant 1 : i32
    %dma_start3A_72 = arith.constant 0 : i32
    %dma_start3A_73 = tpu.memref_slice %arg7[%dma_start3A_71, %dma_start3A_72] : memref<2x128xi32, #tpu.memory_space<vmem>> -> memref<1x128xi32, #tpu.memory_space<vmem>>
    %dma_start3A_74 = tpu.memref_squeeze %dma_start3A_73 : memref<1x128xi32, #tpu.memory_space<vmem>> -> memref<128xi32, #tpu.memory_space<vmem>>
    %dma_start3A_75 = arith.constant 0 : i32
    %dma_start3A_76 = arith.constant 0 : i32
    %dma_start3A_77 = tpu.memref_slice %arg12[%dma_start3A_75, %dma_start3A_76] : memref<10240x128xf32, #tpu.memory_space<vmem_shared>> -> memref<10240x128xf32, #tpu.memory_space<vmem_shared>>
    tpu.enqueue_indirect_dma source(%arg11 : memref<128x128xf32, #tpu.memory_space<vmem>>) target(%dma_start3A_77 : memref<10240x128xf32, #tpu.memory_space<vmem_shared>>) offsets(%dma_start3A_74 : memref<128xi32, #tpu.memory_space<vmem>>) semaphore(%arg16 : memref<!tpu.dma_semaphore, #tpu.memory_space<semaphore_mem>>) {add = true}
    %dma_wait3A_78 = arith.constant 0 : i32
    %dma_wait3A_79 = arith.constant 0 : i32
    %dma_wait3A_80 = tpu.memref_slice %arg4[%dma_wait3A_78, %dma_wait3A_79] : memref<10240x128xf32, #tpu.memory_space<hbm>> -> memref<128x128xf32, #tpu.memory_space<hbm>>
    %dma_wait3A_81 = arith.constant 0 : i32
    %dma_wait3A_82 = arith.constant 0 : i32
    %dma_wait3A_83 = tpu.memref_slice %arg4[%dma_wait3A_81, %dma_wait3A_82] : memref<10240x128xf32, #tpu.memory_space<hbm>> -> memref<128x128xf32, #tpu.memory_space<hbm>>
    tpu.wait_dma2 semaphore(%arg15 : memref<!tpu.dma_semaphore, #tpu.memory_space<semaphore_mem>>) src(%dma_wait3A_83 : memref<128x128xf32, #tpu.memory_space<hbm>>) dst(%arg10 : memref<128x128xf32, #tpu.memory_space<vmem>>)
    %add3A_84 = arith.constant 128 : i32
    %add3A_85 = arith.addi %add3A_84, %add3A : i32
    %min3A_86 = arith.constant 2499 : i32
    %min3A_87 = arith.minsi %add3A_85, %min3A_86 : i32
    %mul3A_88 = arith.constant 128 : i32
    %mul3A_89 = arith.muli %min3A_87, %mul3A_88 : i32
    %dma_start3A_90 = arith.constant 0 : i32
    %dma_start3A_91 = tpu.memref_slice %arg3[%dma_start3A_90, %mul3A_89] : memref<2x320000xi32, #tpu.memory_space<hbm>> -> memref<2x128xi32, #tpu.memory_space<hbm>>
    %dma_start3A_92 = arith.constant 0 : i32
    %dma_start3A_93 = tpu.memref_slice %arg3[%dma_start3A_92, %mul3A_89] : memref<2x320000xi32, #tpu.memory_space<hbm>> -> memref<2x128xi32, #tpu.memory_space<hbm>>
    tpu.enqueue_dma source(%dma_start3A_93 : memref<2x128xi32, #tpu.memory_space<hbm>>) target(%arg6 : memref<2x128xi32, #tpu.memory_space<vmem>>) target_semaphore(%arg17 : memref<!tpu.dma_semaphore, #tpu.memory_space<semaphore_mem>>)
    %dma_wait3A_94 = arith.constant 0 : i32
    %dma_wait3A_95 = arith.constant 0 : i32
    %dma_wait3A_96 = tpu.memref_slice %arg3[%dma_wait3A_94, %dma_wait3A_95] : memref<2x320000xi32, #tpu.memory_space<hbm>> -> memref<2x128xi32, #tpu.memory_space<hbm>>
    %dma_wait3A_97 = arith.constant 0 : i32
    %dma_wait3A_98 = arith.constant 0 : i32
    %dma_wait3A_99 = tpu.memref_slice %arg3[%dma_wait3A_97, %dma_wait3A_98] : memref<2x320000xi32, #tpu.memory_space<hbm>> -> memref<2x128xi32, #tpu.memory_space<hbm>>
    tpu.wait_dma2 semaphore(%arg19 : memref<!tpu.dma_semaphore, #tpu.memory_space<semaphore_mem>>) src(%dma_wait3A_99 : memref<2x128xi32, #tpu.memory_space<hbm>>) dst(%arg8 : memref<2x128xi32, #tpu.memory_space<vmem>>)
    %dma_start3A_100 = arith.constant 0 : i32
    %dma_start3A_101 = arith.constant 0 : i32
    %dma_start3A_102 = tpu.memref_slice %arg8[%dma_start3A_100, %dma_start3A_101] : memref<2x128xi32, #tpu.memory_space<vmem>> -> memref<1x128xi32, #tpu.memory_space<vmem>>
    %dma_start3A_103 = tpu.memref_squeeze %dma_start3A_102 : memref<1x128xi32, #tpu.memory_space<vmem>> -> memref<128xi32, #tpu.memory_space<vmem>>
    %dma_start3A_104 = arith.constant 0 : i32
    %dma_start3A_105 = arith.constant 0 : i32
    %dma_start3A_106 = tpu.memref_slice %arg2[%dma_start3A_104, %dma_start3A_105] : memref<10000x128xf32, #tpu.memory_space<hbm>> -> memref<10000x128xf32, #tpu.memory_space<hbm>>
    tpu.enqueue_indirect_dma source(%dma_start3A_106 : memref<10000x128xf32, #tpu.memory_space<hbm>>) target(%arg10 : memref<128x128xf32, #tpu.memory_space<vmem>>) offsets(%dma_start3A_103 : memref<128xi32, #tpu.memory_space<vmem>>) semaphore(%arg13 : memref<!tpu.dma_semaphore, #tpu.memory_space<semaphore_mem>>)
    %dma_wait3A_107 = arith.constant 0 : i32
    %dma_wait3A_108 = arith.constant 0 : i32
    %dma_wait3A_109 = tpu.memref_slice %arg4[%dma_wait3A_107, %dma_wait3A_108] : memref<10240x128xf32, #tpu.memory_space<hbm>> -> memref<128x128xf32, #tpu.memory_space<hbm>>
    %dma_wait3A_110 = arith.constant 0 : i32
    %dma_wait3A_111 = arith.constant 0 : i32
    %dma_wait3A_112 = tpu.memref_slice %arg4[%dma_wait3A_110, %dma_wait3A_111] : memref<10240x128xf32, #tpu.memory_space<hbm>> -> memref<128x128xf32, #tpu.memory_space<hbm>>
    tpu.wait_dma2 semaphore(%arg13 : memref<!tpu.dma_semaphore, #tpu.memory_space<semaphore_mem>>) src(%dma_wait3A_112 : memref<128x128xf32, #tpu.memory_space<hbm>>) dst(%arg10 : memref<128x128xf32, #tpu.memory_space<vmem>>)
    %dma_start3A_113 = arith.constant 1 : i32
    %dma_start3A_114 = arith.constant 0 : i32
    %dma_start3A_115 = tpu.memref_slice %arg8[%dma_start3A_113, %dma_start3A_114] : memref<2x128xi32, #tpu.memory_space<vmem>> -> memref<1x128xi32, #tpu.memory_space<vmem>>
    %dma_start3A_116 = tpu.memref_squeeze %dma_start3A_115 : memref<1x128xi32, #tpu.memory_space<vmem>> -> memref<128xi32, #tpu.memory_space<vmem>>
    %dma_start3A_117 = arith.constant 0 : i32
    %dma_start3A_118 = arith.constant 0 : i32
    %dma_start3A_119 = tpu.memref_slice %arg12[%dma_start3A_117, %dma_start3A_118] : memref<10240x128xf32, #tpu.memory_space<vmem_shared>> -> memref<10240x128xf32, #tpu.memory_space<vmem_shared>>
    tpu.enqueue_indirect_dma source(%arg10 : memref<128x128xf32, #tpu.memory_space<vmem>>) target(%dma_start3A_119 : memref<10240x128xf32, #tpu.memory_space<vmem_shared>>) offsets(%dma_start3A_116 : memref<128xi32, #tpu.memory_space<vmem>>) semaphore(%arg15 : memref<!tpu.dma_semaphore, #tpu.memory_space<semaphore_mem>>) {add = true}
    %dma_wait3A_120 = arith.constant 0 : i32
    %dma_wait3A_121 = arith.constant 0 : i32
    %dma_wait3A_122 = tpu.memref_slice %arg4[%dma_wait3A_120, %dma_wait3A_121] : memref<10240x128xf32, #tpu.memory_space<hbm>> -> memref<128x128xf32, #tpu.memory_space<hbm>>
    %dma_wait3A_123 = arith.constant 0 : i32
    %dma_wait3A_124 = arith.constant 0 : i32
    %dma_wait3A_125 = tpu.memref_slice %arg4[%dma_wait3A_123, %dma_wait3A_124] : memref<10240x128xf32, #tpu.memory_space<hbm>> -> memref<128x128xf32, #tpu.memory_space<hbm>>
    tpu.wait_dma2 semaphore(%arg16 : memref<!tpu.dma_semaphore, #tpu.memory_space<semaphore_mem>>) src(%dma_wait3A_125 : memref<128x128xf32, #tpu.memory_space<hbm>>) dst(%arg11 : memref<128x128xf32, #tpu.memory_space<vmem>>)
    %add3A_126 = arith.constant 160 : i32
    %add3A_127 = arith.addi %add3A_126, %add3A : i32
    %min3A_128 = arith.constant 2499 : i32
    %min3A_129 = arith.minsi %add3A_127, %min3A_128 : i32
    %mul3A_130 = arith.constant 128 : i32
    %mul3A_131 = arith.muli %min3A_129, %mul3A_130 : i32
    %dma_start3A_132 = arith.constant 0 : i32
    %dma_start3A_133 = tpu.memref_slice %arg3[%dma_start3A_132, %mul3A_131] : memref<2x320000xi32, #tpu.memory_space<hbm>> -> memref<2x128xi32, #tpu.memory_space<hbm>>
    %dma_start3A_134 = arith.constant 0 : i32
    %dma_start3A_135 = tpu.memref_slice %arg3[%dma_start3A_134, %mul3A_131] : memref<2x320000xi32, #tpu.memory_space<hbm>> -> memref<2x128xi32, #tpu.memory_space<hbm>>
    tpu.enqueue_dma source(%dma_start3A_135 : memref<2x128xi32, #tpu.memory_space<hbm>>) target(%arg7 : memref<2x128xi32, #tpu.memory_space<vmem>>) target_semaphore(%arg18 : memref<!tpu.dma_semaphore, #tpu.memory_space<semaphore_mem>>)
    %dma_wait3A_136 = arith.constant 0 : i32
    %dma_wait3A_137 = arith.constant 0 : i32
    %dma_wait3A_138 = tpu.memref_slice %arg3[%dma_wait3A_136, %dma_wait3A_137] : memref<2x320000xi32, #tpu.memory_space<hbm>> -> memref<2x128xi32, #tpu.memory_space<hbm>>
    %dma_wait3A_139 = arith.constant 0 : i32
    %dma_wait3A_140 = arith.constant 0 : i32
    %dma_wait3A_141 = tpu.memref_slice %arg3[%dma_wait3A_139, %dma_wait3A_140] : memref<2x320000xi32, #tpu.memory_space<hbm>> -> memref<2x128xi32, #tpu.memory_space<hbm>>
    tpu.wait_dma2 semaphore(%arg20 : memref<!tpu.dma_semaphore, #tpu.memory_space<semaphore_mem>>) src(%dma_wait3A_141 : memref<2x128xi32, #tpu.memory_space<hbm>>) dst(%arg9 : memref<2x128xi32, #tpu.memory_space<vmem>>)
    %dma_start3A_142 = arith.constant 0 : i32
    %dma_start3A_143 = arith.constant 0 : i32
    %dma_start3A_144 = tpu.memref_slice %arg9[%dma_start3A_142, %dma_start3A_143] : memref<2x128xi32, #tpu.memory_space<vmem>> -> memref<1x128xi32, #tpu.memory_space<vmem>>
    %dma_start3A_145 = tpu.memref_squeeze %dma_start3A_144 : memref<1x128xi32, #tpu.memory_space<vmem>> -> memref<128xi32, #tpu.memory_space<vmem>>
    %dma_start3A_146 = arith.constant 0 : i32
    %dma_start3A_147 = arith.constant 0 : i32
    %dma_start3A_148 = tpu.memref_slice %arg2[%dma_start3A_146, %dma_start3A_147] : memref<10000x128xf32, #tpu.memory_space<hbm>> -> memref<10000x128xf32, #tpu.memory_space<hbm>>
    tpu.enqueue_indirect_dma source(%dma_start3A_148 : memref<10000x128xf32, #tpu.memory_space<hbm>>) target(%arg11 : memref<128x128xf32, #tpu.memory_space<vmem>>) offsets(%dma_start3A_145 : memref<128xi32, #tpu.memory_space<vmem>>) semaphore(%arg14 : memref<!tpu.dma_semaphore, #tpu.memory_space<semaphore_mem>>)
    %dma_wait3A_149 = arith.constant 0 : i32
    %dma_wait3A_150 = arith.constant 0 : i32
    %dma_wait3A_151 = tpu.memref_slice %arg4[%dma_wait3A_149, %dma_wait3A_150] : memref<10240x128xf32, #tpu.memory_space<hbm>> -> memref<128x128xf32, #tpu.memory_space<hbm>>
    %dma_wait3A_152 = arith.constant 0 : i32
    %dma_wait3A_153 = arith.constant 0 : i32
    %dma_wait3A_154 = tpu.memref_slice %arg4[%dma_wait3A_152, %dma_wait3A_153] : memref<10240x128xf32, #tpu.memory_space<hbm>> -> memref<128x128xf32, #tpu.memory_space<hbm>>
    tpu.wait_dma2 semaphore(%arg14 : memref<!tpu.dma_semaphore, #tpu.memory_space<semaphore_mem>>) src(%dma_wait3A_154 : memref<128x128xf32, #tpu.memory_space<hbm>>) dst(%arg11 : memref<128x128xf32, #tpu.memory_space<vmem>>)
    %dma_start3A_155 = arith.constant 1 : i32
    %dma_start3A_156 = arith.constant 0 : i32
    %dma_start3A_157 = tpu.memref_slice %arg9[%dma_start3A_155, %dma_start3A_156] : memref<2x128xi32, #tpu.memory_space<vmem>> -> memref<1x128xi32, #tpu.memory_space<vmem>>
    %dma_start3A_158 = tpu.memref_squeeze %dma_start3A_157 : memref<1x128xi32, #tpu.memory_space<vmem>> -> memref<128xi32, #tpu.memory_space<vmem>>
    %dma_start3A_159 = arith.constant 0 : i32
    %dma_start3A_160 = arith.constant 0 : i32
    %dma_start3A_161 = tpu.memref_slice %arg12[%dma_start3A_159, %dma_start3A_160] : memref<10240x128xf32, #tpu.memory_space<vmem_shared>> -> memref<10240x128xf32, #tpu.memory_space<vmem_shared>>
    tpu.enqueue_indirect_dma source(%arg11 : memref<128x128xf32, #tpu.memory_space<vmem>>) target(%dma_start3A_161 : memref<10240x128xf32, #tpu.memory_space<vmem_shared>>) offsets(%dma_start3A_158 : memref<128xi32, #tpu.memory_space<vmem>>) semaphore(%arg16 : memref<!tpu.dma_semaphore, #tpu.memory_space<semaphore_mem>>) {add = true}
    %dma_wait3A_162 = arith.constant 0 : i32
    %dma_wait3A_163 = arith.constant 0 : i32
    %dma_wait3A_164 = tpu.memref_slice %arg4[%dma_wait3A_162, %dma_wait3A_163] : memref<10240x128xf32, #tpu.memory_space<hbm>> -> memref<128x128xf32, #tpu.memory_space<hbm>>
    %dma_wait3A_165 = arith.constant 0 : i32
    %dma_wait3A_166 = arith.constant 0 : i32
    %dma_wait3A_167 = tpu.memref_slice %arg4[%dma_wait3A_165, %dma_wait3A_166] : memref<10240x128xf32, #tpu.memory_space<hbm>> -> memref<128x128xf32, #tpu.memory_space<hbm>>
    tpu.wait_dma2 semaphore(%arg15 : memref<!tpu.dma_semaphore, #tpu.memory_space<semaphore_mem>>) src(%dma_wait3A_167 : memref<128x128xf32, #tpu.memory_space<hbm>>) dst(%arg10 : memref<128x128xf32, #tpu.memory_space<vmem>>)
    %add3A_168 = arith.constant 192 : i32
    %add3A_169 = arith.addi %add3A_168, %add3A : i32
    %min3A_170 = arith.constant 2499 : i32
    %min3A_171 = arith.minsi %add3A_169, %min3A_170 : i32
    %mul3A_172 = arith.constant 128 : i32
    %mul3A_173 = arith.muli %min3A_171, %mul3A_172 : i32
    %dma_start3A_174 = arith.constant 0 : i32
    %dma_start3A_175 = tpu.memref_slice %arg3[%dma_start3A_174, %mul3A_173] : memref<2x320000xi32, #tpu.memory_space<hbm>> -> memref<2x128xi32, #tpu.memory_space<hbm>>
    %dma_start3A_176 = arith.constant 0 : i32
    %dma_start3A_177 = tpu.memref_slice %arg3[%dma_start3A_176, %mul3A_173] : memref<2x320000xi32, #tpu.memory_space<hbm>> -> memref<2x128xi32, #tpu.memory_space<hbm>>
    tpu.enqueue_dma source(%dma_start3A_177 : memref<2x128xi32, #tpu.memory_space<hbm>>) target(%arg8 : memref<2x128xi32, #tpu.memory_space<vmem>>) target_semaphore(%arg19 : memref<!tpu.dma_semaphore, #tpu.memory_space<semaphore_mem>>)
    %dma_wait3A_178 = arith.constant 0 : i32
    %dma_wait3A_179 = arith.constant 0 : i32
    %dma_wait3A_180 = tpu.memref_slice %arg3[%dma_wait3A_178, %dma_wait3A_179] : memref<2x320000xi32, #tpu.memory_space<hbm>> -> memref<2x128xi32, #tpu.memory_space<hbm>>
    %dma_wait3A_181 = arith.constant 0 : i32
    %dma_wait3A_182 = arith.constant 0 : i32
    %dma_wait3A_183 = tpu.memref_slice %arg3[%dma_wait3A_181, %dma_wait3A_182] : memref<2x320000xi32, #tpu.memory_space<hbm>> -> memref<2x128xi32, #tpu.memory_space<hbm>>
    tpu.wait_dma2 semaphore(%arg17 : memref<!tpu.dma_semaphore, #tpu.memory_space<semaphore_mem>>) src(%dma_wait3A_183 : memref<2x128xi32, #tpu.memory_space<hbm>>) dst(%arg6 : memref<2x128xi32, #tpu.memory_space<vmem>>)
    %dma_start3A_184 = arith.constant 0 : i32
    %dma_start3A_185 = arith.constant 0 : i32
    %dma_start3A_186 = tpu.memref_slice %arg6[%dma_start3A_184, %dma_start3A_185] : memref<2x128xi32, #tpu.memory_space<vmem>> -> memref<1x128xi32, #tpu.memory_space<vmem>>
    %dma_start3A_187 = tpu.memref_squeeze %dma_start3A_186 : memref<1x128xi32, #tpu.memory_space<vmem>> -> memref<128xi32, #tpu.memory_space<vmem>>
    %dma_start3A_188 = arith.constant 0 : i32
    %dma_start3A_189 = arith.constant 0 : i32
    %dma_start3A_190 = tpu.memref_slice %arg2[%dma_start3A_188, %dma_start3A_189] : memref<10000x128xf32, #tpu.memory_space<hbm>> -> memref<10000x128xf32, #tpu.memory_space<hbm>>
    tpu.enqueue_indirect_dma source(%dma_start3A_190 : memref<10000x128xf32, #tpu.memory_space<hbm>>) target(%arg10 : memref<128x128xf32, #tpu.memory_space<vmem>>) offsets(%dma_start3A_187 : memref<128xi32, #tpu.memory_space<vmem>>) semaphore(%arg13 : memref<!tpu.dma_semaphore, #tpu.memory_space<semaphore_mem>>)
    %scan3A = arith.constant 0 : i32
    %scan3A_191 = arith.constant 1 : i32
    %scan3A_192 = arith.constant 18 : i32
    %scan3A_193 = arith.addi %scan3A_191, %scan3A_192 : i32
    %scan3A_194 = arith.constant 1 : i32
    scf.for %scan3A_312 = %scan3A_191 to %scan3A_193 step %scan3A_194  : i32 {
      %mul3A_313 = arith.constant 4 : i32
      %mul3A_314 = arith.muli %mul3A_313, %scan3A_312 : i32
      %dma_wait3A_315 = arith.constant 0 : i32
      %dma_wait3A_316 = arith.constant 0 : i32
      %dma_wait3A_317 = tpu.memref_slice %arg4[%dma_wait3A_315, %dma_wait3A_316] : memref<10240x128xf32, #tpu.memory_space<hbm>> -> memref<128x128xf32, #tpu.memory_space<hbm>>
      %dma_wait3A_318 = arith.constant 0 : i32
      %dma_wait3A_319 = arith.constant 0 : i32
      %dma_wait3A_320 = tpu.memref_slice %arg4[%dma_wait3A_318, %dma_wait3A_319] : memref<10240x128xf32, #tpu.memory_space<hbm>> -> memref<128x128xf32, #tpu.memory_space<hbm>>
      tpu.wait_dma2 semaphore(%arg13 : memref<!tpu.dma_semaphore, #tpu.memory_space<semaphore_mem>>) src(%dma_wait3A_320 : memref<128x128xf32, #tpu.memory_space<hbm>>) dst(%arg10 : memref<128x128xf32, #tpu.memory_space<vmem>>)
      %dma_start3A_321 = arith.constant 1 : i32
      %dma_start3A_322 = arith.constant 0 : i32
      %dma_start3A_323 = tpu.memref_slice %arg6[%dma_start3A_321, %dma_start3A_322] : memref<2x128xi32, #tpu.memory_space<vmem>> -> memref<1x128xi32, #tpu.memory_space<vmem>>
      %dma_start3A_324 = tpu.memref_squeeze %dma_start3A_323 : memref<1x128xi32, #tpu.memory_space<vmem>> -> memref<128xi32, #tpu.memory_space<vmem>>
      %dma_start3A_325 = arith.constant 0 : i32
      %dma_start3A_326 = arith.constant 0 : i32
      %dma_start3A_327 = tpu.memref_slice %arg12[%dma_start3A_325, %dma_start3A_326] : memref<10240x128xf32, #tpu.memory_space<vmem_shared>> -> memref<10240x128xf32, #tpu.memory_space<vmem_shared>>
      tpu.enqueue_indirect_dma source(%arg10 : memref<128x128xf32, #tpu.memory_space<vmem>>) target(%dma_start3A_327 : memref<10240x128xf32, #tpu.memory_space<vmem_shared>>) offsets(%dma_start3A_324 : memref<128xi32, #tpu.memory_space<vmem>>) semaphore(%arg15 : memref<!tpu.dma_semaphore, #tpu.memory_space<semaphore_mem>>) {add = true}
      %dma_wait3A_328 = arith.constant 0 : i32
      %dma_wait3A_329 = arith.constant 0 : i32
      %dma_wait3A_330 = tpu.memref_slice %arg4[%dma_wait3A_328, %dma_wait3A_329] : memref<10240x128xf32, #tpu.memory_space<hbm>> -> memref<128x128xf32, #tpu.memory_space<hbm>>
      %dma_wait3A_331 = arith.constant 0 : i32
      %dma_wait3A_332 = arith.constant 0 : i32
      %dma_wait3A_333 = tpu.memref_slice %arg4[%dma_wait3A_331, %dma_wait3A_332] : memref<10240x128xf32, #tpu.memory_space<hbm>> -> memref<128x128xf32, #tpu.memory_space<hbm>>
      tpu.wait_dma2 semaphore(%arg16 : memref<!tpu.dma_semaphore, #tpu.memory_space<semaphore_mem>>) src(%dma_wait3A_333 : memref<128x128xf32, #tpu.memory_space<hbm>>) dst(%arg11 : memref<128x128xf32, #tpu.memory_space<vmem>>)
      %add3A_334 = arith.constant 3 : i32
      %add3A_335 = arith.addi %mul3A_314, %add3A_334 : i32
      %mul3A_336 = arith.constant 32 : i32
      %mul3A_337 = arith.muli %add3A_335, %mul3A_336 : i32
      %add3A_338 = arith.addi %mul3A_337, %add3A : i32
      %min3A_339 = arith.constant 2499 : i32
      %min3A_340 = arith.minsi %add3A_338, %min3A_339 : i32
      %mul3A_341 = arith.constant 128 : i32
      %mul3A_342 = arith.muli %min3A_340, %mul3A_341 : i32
      %dma_start3A_343 = arith.constant 0 : i32
      %dma_start3A_344 = tpu.memref_slice %arg3[%dma_start3A_343, %mul3A_342] : memref<2x320000xi32, #tpu.memory_space<hbm>> -> memref<2x128xi32, #tpu.memory_space<hbm>>
      %dma_start3A_345 = arith.constant 0 : i32
      %dma_start3A_346 = tpu.memref_slice %arg3[%dma_start3A_345, %mul3A_342] : memref<2x320000xi32, #tpu.memory_space<hbm>> -> memref<2x128xi32, #tpu.memory_space<hbm>>
      tpu.enqueue_dma source(%dma_start3A_346 : memref<2x128xi32, #tpu.memory_space<hbm>>) target(%arg9 : memref<2x128xi32, #tpu.memory_space<vmem>>) target_semaphore(%arg20 : memref<!tpu.dma_semaphore, #tpu.memory_space<semaphore_mem>>)
      %dma_wait3A_347 = arith.constant 0 : i32
      %dma_wait3A_348 = arith.constant 0 : i32
      %dma_wait3A_349 = tpu.memref_slice %arg3[%dma_wait3A_347, %dma_wait3A_348] : memref<2x320000xi32, #tpu.memory_space<hbm>> -> memref<2x128xi32, #tpu.memory_space<hbm>>
      %dma_wait3A_350 = arith.constant 0 : i32
      %dma_wait3A_351 = arith.constant 0 : i32
      %dma_wait3A_352 = tpu.memref_slice %arg3[%dma_wait3A_350, %dma_wait3A_351] : memref<2x320000xi32, #tpu.memory_space<hbm>> -> memref<2x128xi32, #tpu.memory_space<hbm>>
      tpu.wait_dma2 semaphore(%arg18 : memref<!tpu.dma_semaphore, #tpu.memory_space<semaphore_mem>>) src(%dma_wait3A_352 : memref<2x128xi32, #tpu.memory_space<hbm>>) dst(%arg7 : memref<2x128xi32, #tpu.memory_space<vmem>>)
      %dma_start3A_353 = arith.constant 0 : i32
      %dma_start3A_354 = arith.constant 0 : i32
      %dma_start3A_355 = tpu.memref_slice %arg7[%dma_start3A_353, %dma_start3A_354] : memref<2x128xi32, #tpu.memory_space<vmem>> -> memref<1x128xi32, #tpu.memory_space<vmem>>
      %dma_start3A_356 = tpu.memref_squeeze %dma_start3A_355 : memref<1x128xi32, #tpu.memory_space<vmem>> -> memref<128xi32, #tpu.memory_space<vmem>>
      %dma_start3A_357 = arith.constant 0 : i32
      %dma_start3A_358 = arith.constant 0 : i32
      %dma_start3A_359 = tpu.memref_slice %arg2[%dma_start3A_357, %dma_start3A_358] : memref<10000x128xf32, #tpu.memory_space<hbm>> -> memref<10000x128xf32, #tpu.memory_space<hbm>>
      tpu.enqueue_indirect_dma source(%dma_start3A_359 : memref<10000x128xf32, #tpu.memory_space<hbm>>) target(%arg11 : memref<128x128xf32, #tpu.memory_space<vmem>>) offsets(%dma_start3A_356 : memref<128xi32, #tpu.memory_space<vmem>>) semaphore(%arg14 : memref<!tpu.dma_semaphore, #tpu.memory_space<semaphore_mem>>)
      %add3A_360 = arith.constant 1 : i32
      %add3A_361 = arith.addi %mul3A_314, %add3A_360 : i32
      %dma_wait3A_362 = arith.constant 0 : i32
      %dma_wait3A_363 = arith.constant 0 : i32
      %dma_wait3A_364 = tpu.memref_slice %arg4[%dma_wait3A_362, %dma_wait3A_363] : memref<10240x128xf32, #tpu.memory_space<hbm>> -> memref<128x128xf32, #tpu.memory_space<hbm>>
      %dma_wait3A_365 = arith.constant 0 : i32
      %dma_wait3A_366 = arith.constant 0 : i32
      %dma_wait3A_367 = tpu.memref_slice %arg4[%dma_wait3A_365, %dma_wait3A_366] : memref<10240x128xf32, #tpu.memory_space<hbm>> -> memref<128x128xf32, #tpu.memory_space<hbm>>
      tpu.wait_dma2 semaphore(%arg14 : memref<!tpu.dma_semaphore, #tpu.memory_space<semaphore_mem>>) src(%dma_wait3A_367 : memref<128x128xf32, #tpu.memory_space<hbm>>) dst(%arg11 : memref<128x128xf32, #tpu.memory_space<vmem>>)
      %dma_start3A_368 = arith.constant 1 : i32
      %dma_start3A_369 = arith.constant 0 : i32
      %dma_start3A_370 = tpu.memref_slice %arg7[%dma_start3A_368, %dma_start3A_369] : memref<2x128xi32, #tpu.memory_space<vmem>> -> memref<1x128xi32, #tpu.memory_space<vmem>>
      %dma_start3A_371 = tpu.memref_squeeze %dma_start3A_370 : memref<1x128xi32, #tpu.memory_space<vmem>> -> memref<128xi32, #tpu.memory_space<vmem>>
      %dma_start3A_372 = arith.constant 0 : i32
      %dma_start3A_373 = arith.constant 0 : i32
      %dma_start3A_374 = tpu.memref_slice %arg12[%dma_start3A_372, %dma_start3A_373] : memref<10240x128xf32, #tpu.memory_space<vmem_shared>> -> memref<10240x128xf32, #tpu.memory_space<vmem_shared>>
      tpu.enqueue_indirect_dma source(%arg11 : memref<128x128xf32, #tpu.memory_space<vmem>>) target(%dma_start3A_374 : memref<10240x128xf32, #tpu.memory_space<vmem_shared>>) offsets(%dma_start3A_371 : memref<128xi32, #tpu.memory_space<vmem>>) semaphore(%arg16 : memref<!tpu.dma_semaphore, #tpu.memory_space<semaphore_mem>>) {add = true}
      %dma_wait3A_375 = arith.constant 0 : i32
      %dma_wait3A_376 = arith.constant 0 : i32
      %dma_wait3A_377 = tpu.memref_slice %arg4[%dma_wait3A_375, %dma_wait3A_376] : memref<10240x128xf32, #tpu.memory_space<hbm>> -> memref<128x128xf32, #tpu.memory_space<hbm>>
      %dma_wait3A_378 = arith.constant 0 : i32
      %dma_wait3A_379 = arith.constant 0 : i32
      %dma_wait3A_380 = tpu.memref_slice %arg4[%dma_wait3A_378, %dma_wait3A_379] : memref<10240x128xf32, #tpu.memory_space<hbm>> -> memref<128x128xf32, #tpu.memory_space<hbm>>
      tpu.wait_dma2 semaphore(%arg15 : memref<!tpu.dma_semaphore, #tpu.memory_space<semaphore_mem>>) src(%dma_wait3A_380 : memref<128x128xf32, #tpu.memory_space<hbm>>) dst(%arg10 : memref<128x128xf32, #tpu.memory_space<vmem>>)
      %add3A_381 = arith.constant 3 : i32
      %add3A_382 = arith.addi %add3A_361, %add3A_381 : i32
      %mul3A_383 = arith.constant 32 : i32
      %mul3A_384 = arith.muli %add3A_382, %mul3A_383 : i32
      %add3A_385 = arith.addi %mul3A_384, %add3A : i32
      %min3A_386 = arith.constant 2499 : i32
      %min3A_387 = arith.minsi %add3A_385, %min3A_386 : i32
      %mul3A_388 = arith.constant 128 : i32
      %mul3A_389 = arith.muli %min3A_387, %mul3A_388 : i32
      %dma_start3A_390 = arith.constant 0 : i32
      %dma_start3A_391 = tpu.memref_slice %arg3[%dma_start3A_390, %mul3A_389] : memref<2x320000xi32, #tpu.memory_space<hbm>> -> memref<2x128xi32, #tpu.memory_space<hbm>>
      %dma_start3A_392 = arith.constant 0 : i32
      %dma_start3A_393 = tpu.memref_slice %arg3[%dma_start3A_392, %mul3A_389] : memref<2x320000xi32, #tpu.memory_space<hbm>> -> memref<2x128xi32, #tpu.memory_space<hbm>>
      tpu.enqueue_dma source(%dma_start3A_393 : memref<2x128xi32, #tpu.memory_space<hbm>>) target(%arg6 : memref<2x128xi32, #tpu.memory_space<vmem>>) target_semaphore(%arg17 : memref<!tpu.dma_semaphore, #tpu.memory_space<semaphore_mem>>)
      %dma_wait3A_394 = arith.constant 0 : i32
      %dma_wait3A_395 = arith.constant 0 : i32
      %dma_wait3A_396 = tpu.memref_slice %arg3[%dma_wait3A_394, %dma_wait3A_395] : memref<2x320000xi32, #tpu.memory_space<hbm>> -> memref<2x128xi32, #tpu.memory_space<hbm>>
      %dma_wait3A_397 = arith.constant 0 : i32
      %dma_wait3A_398 = arith.constant 0 : i32
      %dma_wait3A_399 = tpu.memref_slice %arg3[%dma_wait3A_397, %dma_wait3A_398] : memref<2x320000xi32, #tpu.memory_space<hbm>> -> memref<2x128xi32, #tpu.memory_space<hbm>>
      tpu.wait_dma2 semaphore(%arg19 : memref<!tpu.dma_semaphore, #tpu.memory_space<semaphore_mem>>) src(%dma_wait3A_399 : memref<2x128xi32, #tpu.memory_space<hbm>>) dst(%arg8 : memref<2x128xi32, #tpu.memory_space<vmem>>)
      %dma_start3A_400 = arith.constant 0 : i32
      %dma_start3A_401 = arith.constant 0 : i32
      %dma_start3A_402 = tpu.memref_slice %arg8[%dma_start3A_400, %dma_start3A_401] : memref<2x128xi32, #tpu.memory_space<vmem>> -> memref<1x128xi32, #tpu.memory_space<vmem>>
      %dma_start3A_403 = tpu.memref_squeeze %dma_start3A_402 : memref<1x128xi32, #tpu.memory_space<vmem>> -> memref<128xi32, #tpu.memory_space<vmem>>
      %dma_start3A_404 = arith.constant 0 : i32
      %dma_start3A_405 = arith.constant 0 : i32
      %dma_start3A_406 = tpu.memref_slice %arg2[%dma_start3A_404, %dma_start3A_405] : memref<10000x128xf32, #tpu.memory_space<hbm>> -> memref<10000x128xf32, #tpu.memory_space<hbm>>
      tpu.enqueue_indirect_dma source(%dma_start3A_406 : memref<10000x128xf32, #tpu.memory_space<hbm>>) target(%arg10 : memref<128x128xf32, #tpu.memory_space<vmem>>) offsets(%dma_start3A_403 : memref<128xi32, #tpu.memory_space<vmem>>) semaphore(%arg13 : memref<!tpu.dma_semaphore, #tpu.memory_space<semaphore_mem>>)
      %add3A_407 = arith.constant 2 : i32
      %add3A_408 = arith.addi %mul3A_314, %add3A_407 : i32
      %dma_wait3A_409 = arith.constant 0 : i32
      %dma_wait3A_410 = arith.constant 0 : i32
      %dma_wait3A_411 = tpu.memref_slice %arg4[%dma_wait3A_409, %dma_wait3A_410] : memref<10240x128xf32, #tpu.memory_space<hbm>> -> memref<128x128xf32, #tpu.memory_space<hbm>>
      %dma_wait3A_412 = arith.constant 0 : i32
      %dma_wait3A_413 = arith.constant 0 : i32
      %dma_wait3A_414 = tpu.memref_slice %arg4[%dma_wait3A_412, %dma_wait3A_413] : memref<10240x128xf32, #tpu.memory_space<hbm>> -> memref<128x128xf32, #tpu.memory_space<hbm>>
      tpu.wait_dma2 semaphore(%arg13 : memref<!tpu.dma_semaphore, #tpu.memory_space<semaphore_mem>>) src(%dma_wait3A_414 : memref<128x128xf32, #tpu.memory_space<hbm>>) dst(%arg10 : memref<128x128xf32, #tpu.memory_space<vmem>>)
      %dma_start3A_415 = arith.constant 1 : i32
      %dma_start3A_416 = arith.constant 0 : i32
      %dma_start3A_417 = tpu.memref_slice %arg8[%dma_start3A_415, %dma_start3A_416] : memref<2x128xi32, #tpu.memory_space<vmem>> -> memref<1x128xi32, #tpu.memory_space<vmem>>
      %dma_start3A_418 = tpu.memref_squeeze %dma_start3A_417 : memref<1x128xi32, #tpu.memory_space<vmem>> -> memref<128xi32, #tpu.memory_space<vmem>>
      %dma_start3A_419 = arith.constant 0 : i32
      %dma_start3A_420 = arith.constant 0 : i32
      %dma_start3A_421 = tpu.memref_slice %arg12[%dma_start3A_419, %dma_start3A_420] : memref<10240x128xf32, #tpu.memory_space<vmem_shared>> -> memref<10240x128xf32, #tpu.memory_space<vmem_shared>>
      tpu.enqueue_indirect_dma source(%arg10 : memref<128x128xf32, #tpu.memory_space<vmem>>) target(%dma_start3A_421 : memref<10240x128xf32, #tpu.memory_space<vmem_shared>>) offsets(%dma_start3A_418 : memref<128xi32, #tpu.memory_space<vmem>>) semaphore(%arg15 : memref<!tpu.dma_semaphore, #tpu.memory_space<semaphore_mem>>) {add = true}
      %dma_wait3A_422 = arith.constant 0 : i32
      %dma_wait3A_423 = arith.constant 0 : i32
      %dma_wait3A_424 = tpu.memref_slice %arg4[%dma_wait3A_422, %dma_wait3A_423] : memref<10240x128xf32, #tpu.memory_space<hbm>> -> memref<128x128xf32, #tpu.memory_space<hbm>>
      %dma_wait3A_425 = arith.constant 0 : i32
      %dma_wait3A_426 = arith.constant 0 : i32
      %dma_wait3A_427 = tpu.memref_slice %arg4[%dma_wait3A_425, %dma_wait3A_426] : memref<10240x128xf32, #tpu.memory_space<hbm>> -> memref<128x128xf32, #tpu.memory_space<hbm>>
      tpu.wait_dma2 semaphore(%arg16 : memref<!tpu.dma_semaphore, #tpu.memory_space<semaphore_mem>>) src(%dma_wait3A_427 : memref<128x128xf32, #tpu.memory_space<hbm>>) dst(%arg11 : memref<128x128xf32, #tpu.memory_space<vmem>>)
      %add3A_428 = arith.constant 3 : i32
      %add3A_429 = arith.addi %add3A_408, %add3A_428 : i32
      %mul3A_430 = arith.constant 32 : i32
      %mul3A_431 = arith.muli %add3A_429, %mul3A_430 : i32
      %add3A_432 = arith.addi %mul3A_431, %add3A : i32
      %min3A_433 = arith.constant 2499 : i32
      %min3A_434 = arith.minsi %add3A_432, %min3A_433 : i32
      %mul3A_435 = arith.constant 128 : i32
      %mul3A_436 = arith.muli %min3A_434, %mul3A_435 : i32
      %dma_start3A_437 = arith.constant 0 : i32
      %dma_start3A_438 = tpu.memref_slice %arg3[%dma_start3A_437, %mul3A_436] : memref<2x320000xi32, #tpu.memory_space<hbm>> -> memref<2x128xi32, #tpu.memory_space<hbm>>
      %dma_start3A_439 = arith.constant 0 : i32
      %dma_start3A_440 = tpu.memref_slice %arg3[%dma_start3A_439, %mul3A_436] : memref<2x320000xi32, #tpu.memory_space<hbm>> -> memref<2x128xi32, #tpu.memory_space<hbm>>
      tpu.enqueue_dma source(%dma_start3A_440 : memref<2x128xi32, #tpu.memory_space<hbm>>) target(%arg7 : memref<2x128xi32, #tpu.memory_space<vmem>>) target_semaphore(%arg18 : memref<!tpu.dma_semaphore, #tpu.memory_space<semaphore_mem>>)
      %dma_wait3A_441 = arith.constant 0 : i32
      %dma_wait3A_442 = arith.constant 0 : i32
      %dma_wait3A_443 = tpu.memref_slice %arg3[%dma_wait3A_441, %dma_wait3A_442] : memref<2x320000xi32, #tpu.memory_space<hbm>> -> memref<2x128xi32, #tpu.memory_space<hbm>>
      %dma_wait3A_444 = arith.constant 0 : i32
      %dma_wait3A_445 = arith.constant 0 : i32
      %dma_wait3A_446 = tpu.memref_slice %arg3[%dma_wait3A_444, %dma_wait3A_445] : memref<2x320000xi32, #tpu.memory_space<hbm>> -> memref<2x128xi32, #tpu.memory_space<hbm>>
      tpu.wait_dma2 semaphore(%arg20 : memref<!tpu.dma_semaphore, #tpu.memory_space<semaphore_mem>>) src(%dma_wait3A_446 : memref<2x128xi32, #tpu.memory_space<hbm>>) dst(%arg9 : memref<2x128xi32, #tpu.memory_space<vmem>>)
      %dma_start3A_447 = arith.constant 0 : i32
      %dma_start3A_448 = arith.constant 0 : i32
      %dma_start3A_449 = tpu.memref_slice %arg9[%dma_start3A_447, %dma_start3A_448] : memref<2x128xi32, #tpu.memory_space<vmem>> -> memref<1x128xi32, #tpu.memory_space<vmem>>
      %dma_start3A_450 = tpu.memref_squeeze %dma_start3A_449 : memref<1x128xi32, #tpu.memory_space<vmem>> -> memref<128xi32, #tpu.memory_space<vmem>>
      %dma_start3A_451 = arith.constant 0 : i32
      %dma_start3A_452 = arith.constant 0 : i32
      %dma_start3A_453 = tpu.memref_slice %arg2[%dma_start3A_451, %dma_start3A_452] : memref<10000x128xf32, #tpu.memory_space<hbm>> -> memref<10000x128xf32, #tpu.memory_space<hbm>>
      tpu.enqueue_indirect_dma source(%dma_start3A_453 : memref<10000x128xf32, #tpu.memory_space<hbm>>) target(%arg11 : memref<128x128xf32, #tpu.memory_space<vmem>>) offsets(%dma_start3A_450 : memref<128xi32, #tpu.memory_space<vmem>>) semaphore(%arg14 : memref<!tpu.dma_semaphore, #tpu.memory_space<semaphore_mem>>)
      %add3A_454 = arith.constant 3 : i32
      %add3A_455 = arith.addi %mul3A_314, %add3A_454 : i32
      %dma_wait3A_456 = arith.constant 0 : i32
      %dma_wait3A_457 = arith.constant 0 : i32
      %dma_wait3A_458 = tpu.memref_slice %arg4[%dma_wait3A_456, %dma_wait3A_457] : memref<10240x128xf32, #tpu.memory_space<hbm>> -> memref<128x128xf32, #tpu.memory_space<hbm>>
      %dma_wait3A_459 = arith.constant 0 : i32
      %dma_wait3A_460 = arith.constant 0 : i32
      %dma_wait3A_461 = tpu.memref_slice %arg4[%dma_wait3A_459, %dma_wait3A_460] : memref<10240x128xf32, #tpu.memory_space<hbm>> -> memref<128x128xf32, #tpu.memory_space<hbm>>
      tpu.wait_dma2 semaphore(%arg14 : memref<!tpu.dma_semaphore, #tpu.memory_space<semaphore_mem>>) src(%dma_wait3A_461 : memref<128x128xf32, #tpu.memory_space<hbm>>) dst(%arg11 : memref<128x128xf32, #tpu.memory_space<vmem>>)
      %dma_start3A_462 = arith.constant 1 : i32
      %dma_start3A_463 = arith.constant 0 : i32
      %dma_start3A_464 = tpu.memref_slice %arg9[%dma_start3A_462, %dma_start3A_463] : memref<2x128xi32, #tpu.memory_space<vmem>> -> memref<1x128xi32, #tpu.memory_space<vmem>>
      %dma_start3A_465 = tpu.memref_squeeze %dma_start3A_464 : memref<1x128xi32, #tpu.memory_space<vmem>> -> memref<128xi32, #tpu.memory_space<vmem>>
      %dma_start3A_466 = arith.constant 0 : i32
      %dma_start3A_467 = arith.constant 0 : i32
      %dma_start3A_468 = tpu.memref_slice %arg12[%dma_start3A_466, %dma_start3A_467] : memref<10240x128xf32, #tpu.memory_space<vmem_shared>> -> memref<10240x128xf32, #tpu.memory_space<vmem_shared>>
      tpu.enqueue_indirect_dma source(%arg11 : memref<128x128xf32, #tpu.memory_space<vmem>>) target(%dma_start3A_468 : memref<10240x128xf32, #tpu.memory_space<vmem_shared>>) offsets(%dma_start3A_465 : memref<128xi32, #tpu.memory_space<vmem>>) semaphore(%arg16 : memref<!tpu.dma_semaphore, #tpu.memory_space<semaphore_mem>>) {add = true}
      %dma_wait3A_469 = arith.constant 0 : i32
      %dma_wait3A_470 = arith.constant 0 : i32
      %dma_wait3A_471 = tpu.memref_slice %arg4[%dma_wait3A_469, %dma_wait3A_470] : memref<10240x128xf32, #tpu.memory_space<hbm>> -> memref<128x128xf32, #tpu.memory_space<hbm>>
      %dma_wait3A_472 = arith.constant 0 : i32
      %dma_wait3A_473 = arith.constant 0 : i32
      %dma_wait3A_474 = tpu.memref_slice %arg4[%dma_wait3A_472, %dma_wait3A_473] : memref<10240x128xf32, #tpu.memory_space<hbm>> -> memref<128x128xf32, #tpu.memory_space<hbm>>
      tpu.wait_dma2 semaphore(%arg15 : memref<!tpu.dma_semaphore, #tpu.memory_space<semaphore_mem>>) src(%dma_wait3A_474 : memref<128x128xf32, #tpu.memory_space<hbm>>) dst(%arg10 : memref<128x128xf32, #tpu.memory_space<vmem>>)
      %add3A_475 = arith.constant 3 : i32
      %add3A_476 = arith.addi %add3A_455, %add3A_475 : i32
      %mul3A_477 = arith.constant 32 : i32
      %mul3A_478 = arith.muli %add3A_476, %mul3A_477 : i32
      %add3A_479 = arith.addi %mul3A_478, %add3A : i32
      %min3A_480 = arith.constant 2499 : i32
      %min3A_481 = arith.minsi %add3A_479, %min3A_480 : i32
      %mul3A_482 = arith.constant 128 : i32
      %mul3A_483 = arith.muli %min3A_481, %mul3A_482 : i32
      %dma_start3A_484 = arith.constant 0 : i32
      %dma_start3A_485 = tpu.memref_slice %arg3[%dma_start3A_484, %mul3A_483] : memref<2x320000xi32, #tpu.memory_space<hbm>> -> memref<2x128xi32, #tpu.memory_space<hbm>>
      %dma_start3A_486 = arith.constant 0 : i32
      %dma_start3A_487 = tpu.memref_slice %arg3[%dma_start3A_486, %mul3A_483] : memref<2x320000xi32, #tpu.memory_space<hbm>> -> memref<2x128xi32, #tpu.memory_space<hbm>>
      tpu.enqueue_dma source(%dma_start3A_487 : memref<2x128xi32, #tpu.memory_space<hbm>>) target(%arg8 : memref<2x128xi32, #tpu.memory_space<vmem>>) target_semaphore(%arg19 : memref<!tpu.dma_semaphore, #tpu.memory_space<semaphore_mem>>)
      %dma_wait3A_488 = arith.constant 0 : i32
      %dma_wait3A_489 = arith.constant 0 : i32
      %dma_wait3A_490 = tpu.memref_slice %arg3[%dma_wait3A_488, %dma_wait3A_489] : memref<2x320000xi32, #tpu.memory_space<hbm>> -> memref<2x128xi32, #tpu.memory_space<hbm>>
      %dma_wait3A_491 = arith.constant 0 : i32
      %dma_wait3A_492 = arith.constant 0 : i32
      %dma_wait3A_493 = tpu.memref_slice %arg3[%dma_wait3A_491, %dma_wait3A_492] : memref<2x320000xi32, #tpu.memory_space<hbm>> -> memref<2x128xi32, #tpu.memory_space<hbm>>
      tpu.wait_dma2 semaphore(%arg17 : memref<!tpu.dma_semaphore, #tpu.memory_space<semaphore_mem>>) src(%dma_wait3A_493 : memref<2x128xi32, #tpu.memory_space<hbm>>) dst(%arg6 : memref<2x128xi32, #tpu.memory_space<vmem>>)
      %dma_start3A_494 = arith.constant 0 : i32
      %dma_start3A_495 = arith.constant 0 : i32
      %dma_start3A_496 = tpu.memref_slice %arg6[%dma_start3A_494, %dma_start3A_495] : memref<2x128xi32, #tpu.memory_space<vmem>> -> memref<1x128xi32, #tpu.memory_space<vmem>>
      %dma_start3A_497 = tpu.memref_squeeze %dma_start3A_496 : memref<1x128xi32, #tpu.memory_space<vmem>> -> memref<128xi32, #tpu.memory_space<vmem>>
      %dma_start3A_498 = arith.constant 0 : i32
      %dma_start3A_499 = arith.constant 0 : i32
      %dma_start3A_500 = tpu.memref_slice %arg2[%dma_start3A_498, %dma_start3A_499] : memref<10000x128xf32, #tpu.memory_space<hbm>> -> memref<10000x128xf32, #tpu.memory_space<hbm>>
      tpu.enqueue_indirect_dma source(%dma_start3A_500 : memref<10000x128xf32, #tpu.memory_space<hbm>>) target(%arg10 : memref<128x128xf32, #tpu.memory_space<vmem>>) offsets(%dma_start3A_497 : memref<128xi32, #tpu.memory_space<vmem>>) semaphore(%arg13 : memref<!tpu.dma_semaphore, #tpu.memory_space<semaphore_mem>>)
    }
    %scan3A_195 = arith.constant 18 : i32
    %dma_wait3A_196 = arith.constant 0 : i32
    %dma_wait3A_197 = arith.constant 0 : i32
    %dma_wait3A_198 = tpu.memref_slice %arg4[%dma_wait3A_196, %dma_wait3A_197] : memref<10240x128xf32, #tpu.memory_space<hbm>> -> memref<128x128xf32, #tpu.memory_space<hbm>>
    %dma_wait3A_199 = arith.constant 0 : i32
    %dma_wait3A_200 = arith.constant 0 : i32
    %dma_wait3A_201 = tpu.memref_slice %arg4[%dma_wait3A_199, %dma_wait3A_200] : memref<10240x128xf32, #tpu.memory_space<hbm>> -> memref<128x128xf32, #tpu.memory_space<hbm>>
    tpu.wait_dma2 semaphore(%arg13 : memref<!tpu.dma_semaphore, #tpu.memory_space<semaphore_mem>>) src(%dma_wait3A_201 : memref<128x128xf32, #tpu.memory_space<hbm>>) dst(%arg10 : memref<128x128xf32, #tpu.memory_space<vmem>>)
    %dma_start3A_202 = arith.constant 1 : i32
    %dma_start3A_203 = arith.constant 0 : i32
    %dma_start3A_204 = tpu.memref_slice %arg6[%dma_start3A_202, %dma_start3A_203] : memref<2x128xi32, #tpu.memory_space<vmem>> -> memref<1x128xi32, #tpu.memory_space<vmem>>
    %dma_start3A_205 = tpu.memref_squeeze %dma_start3A_204 : memref<1x128xi32, #tpu.memory_space<vmem>> -> memref<128xi32, #tpu.memory_space<vmem>>
    %dma_start3A_206 = arith.constant 0 : i32
    %dma_start3A_207 = arith.constant 0 : i32
    %dma_start3A_208 = tpu.memref_slice %arg12[%dma_start3A_206, %dma_start3A_207] : memref<10240x128xf32, #tpu.memory_space<vmem_shared>> -> memref<10240x128xf32, #tpu.memory_space<vmem_shared>>
    tpu.enqueue_indirect_dma source(%arg10 : memref<128x128xf32, #tpu.memory_space<vmem>>) target(%dma_start3A_208 : memref<10240x128xf32, #tpu.memory_space<vmem_shared>>) offsets(%dma_start3A_205 : memref<128xi32, #tpu.memory_space<vmem>>) semaphore(%arg15 : memref<!tpu.dma_semaphore, #tpu.memory_space<semaphore_mem>>) {add = true}
    %dma_wait3A_209 = arith.constant 0 : i32
    %dma_wait3A_210 = arith.constant 0 : i32
    %dma_wait3A_211 = tpu.memref_slice %arg4[%dma_wait3A_209, %dma_wait3A_210] : memref<10240x128xf32, #tpu.memory_space<hbm>> -> memref<128x128xf32, #tpu.memory_space<hbm>>
    %dma_wait3A_212 = arith.constant 0 : i32
    %dma_wait3A_213 = arith.constant 0 : i32
    %dma_wait3A_214 = tpu.memref_slice %arg4[%dma_wait3A_212, %dma_wait3A_213] : memref<10240x128xf32, #tpu.memory_space<hbm>> -> memref<128x128xf32, #tpu.memory_space<hbm>>
    tpu.wait_dma2 semaphore(%arg16 : memref<!tpu.dma_semaphore, #tpu.memory_space<semaphore_mem>>) src(%dma_wait3A_214 : memref<128x128xf32, #tpu.memory_space<hbm>>) dst(%arg11 : memref<128x128xf32, #tpu.memory_space<vmem>>)
    %add3A_215 = arith.constant 2528 : i32
    %add3A_216 = arith.addi %add3A_215, %add3A : i32
    %min3A_217 = arith.constant 2499 : i32
    %min3A_218 = arith.minsi %add3A_216, %min3A_217 : i32
    %mul3A_219 = arith.constant 128 : i32
    %mul3A_220 = arith.muli %min3A_218, %mul3A_219 : i32
    %dma_start3A_221 = arith.constant 0 : i32
    %dma_start3A_222 = tpu.memref_slice %arg3[%dma_start3A_221, %mul3A_220] : memref<2x320000xi32, #tpu.memory_space<hbm>> -> memref<2x128xi32, #tpu.memory_space<hbm>>
    %dma_start3A_223 = arith.constant 0 : i32
    %dma_start3A_224 = tpu.memref_slice %arg3[%dma_start3A_223, %mul3A_220] : memref<2x320000xi32, #tpu.memory_space<hbm>> -> memref<2x128xi32, #tpu.memory_space<hbm>>
    tpu.enqueue_dma source(%dma_start3A_224 : memref<2x128xi32, #tpu.memory_space<hbm>>) target(%arg9 : memref<2x128xi32, #tpu.memory_space<vmem>>) target_semaphore(%arg20 : memref<!tpu.dma_semaphore, #tpu.memory_space<semaphore_mem>>)
    %dma_wait3A_225 = arith.constant 0 : i32
    %dma_wait3A_226 = arith.constant 0 : i32
    %dma_wait3A_227 = tpu.memref_slice %arg3[%dma_wait3A_225, %dma_wait3A_226] : memref<2x320000xi32, #tpu.memory_space<hbm>> -> memref<2x128xi32, #tpu.memory_space<hbm>>
    %dma_wait3A_228 = arith.constant 0 : i32
    %dma_wait3A_229 = arith.constant 0 : i32
    %dma_wait3A_230 = tpu.memref_slice %arg3[%dma_wait3A_228, %dma_wait3A_229] : memref<2x320000xi32, #tpu.memory_space<hbm>> -> memref<2x128xi32, #tpu.memory_space<hbm>>
    tpu.wait_dma2 semaphore(%arg18 : memref<!tpu.dma_semaphore, #tpu.memory_space<semaphore_mem>>) src(%dma_wait3A_230 : memref<2x128xi32, #tpu.memory_space<hbm>>) dst(%arg7 : memref<2x128xi32, #tpu.memory_space<vmem>>)
    %dma_start3A_231 = arith.constant 0 : i32
    %dma_start3A_232 = arith.constant 0 : i32
    %dma_start3A_233 = tpu.memref_slice %arg7[%dma_start3A_231, %dma_start3A_232] : memref<2x128xi32, #tpu.memory_space<vmem>> -> memref<1x128xi32, #tpu.memory_space<vmem>>
    %dma_start3A_234 = tpu.memref_squeeze %dma_start3A_233 : memref<1x128xi32, #tpu.memory_space<vmem>> -> memref<128xi32, #tpu.memory_space<vmem>>
    %dma_start3A_235 = arith.constant 0 : i32
    %dma_start3A_236 = arith.constant 0 : i32
    %dma_start3A_237 = tpu.memref_slice %arg2[%dma_start3A_235, %dma_start3A_236] : memref<10000x128xf32, #tpu.memory_space<hbm>> -> memref<10000x128xf32, #tpu.memory_space<hbm>>
    tpu.enqueue_indirect_dma source(%dma_start3A_237 : memref<10000x128xf32, #tpu.memory_space<hbm>>) target(%arg11 : memref<128x128xf32, #tpu.memory_space<vmem>>) offsets(%dma_start3A_234 : memref<128xi32, #tpu.memory_space<vmem>>) semaphore(%arg14 : memref<!tpu.dma_semaphore, #tpu.memory_space<semaphore_mem>>)
    %dma_wait3A_238 = arith.constant 0 : i32
    %dma_wait3A_239 = arith.constant 0 : i32
    %dma_wait3A_240 = tpu.memref_slice %arg4[%dma_wait3A_238, %dma_wait3A_239] : memref<10240x128xf32, #tpu.memory_space<hbm>> -> memref<128x128xf32, #tpu.memory_space<hbm>>
    %dma_wait3A_241 = arith.constant 0 : i32
    %dma_wait3A_242 = arith.constant 0 : i32
    %dma_wait3A_243 = tpu.memref_slice %arg4[%dma_wait3A_241, %dma_wait3A_242] : memref<10240x128xf32, #tpu.memory_space<hbm>> -> memref<128x128xf32, #tpu.memory_space<hbm>>
    tpu.wait_dma2 semaphore(%arg14 : memref<!tpu.dma_semaphore, #tpu.memory_space<semaphore_mem>>) src(%dma_wait3A_243 : memref<128x128xf32, #tpu.memory_space<hbm>>) dst(%arg11 : memref<128x128xf32, #tpu.memory_space<vmem>>)
    %dma_start3A_244 = arith.constant 1 : i32
    %dma_start3A_245 = arith.constant 0 : i32
    %dma_start3A_246 = tpu.memref_slice %arg7[%dma_start3A_244, %dma_start3A_245] : memref<2x128xi32, #tpu.memory_space<vmem>> -> memref<1x128xi32, #tpu.memory_space<vmem>>
    %dma_start3A_247 = tpu.memref_squeeze %dma_start3A_246 : memref<1x128xi32, #tpu.memory_space<vmem>> -> memref<128xi32, #tpu.memory_space<vmem>>
    %dma_start3A_248 = arith.constant 0 : i32
    %dma_start3A_249 = arith.constant 0 : i32
    %dma_start3A_250 = tpu.memref_slice %arg12[%dma_start3A_248, %dma_start3A_249] : memref<10240x128xf32, #tpu.memory_space<vmem_shared>> -> memref<10240x128xf32, #tpu.memory_space<vmem_shared>>
    tpu.enqueue_indirect_dma source(%arg11 : memref<128x128xf32, #tpu.memory_space<vmem>>) target(%dma_start3A_250 : memref<10240x128xf32, #tpu.memory_space<vmem_shared>>) offsets(%dma_start3A_247 : memref<128xi32, #tpu.memory_space<vmem>>) semaphore(%arg16 : memref<!tpu.dma_semaphore, #tpu.memory_space<semaphore_mem>>) {add = true}
    %dma_wait3A_251 = arith.constant 0 : i32
    %dma_wait3A_252 = arith.constant 0 : i32
    %dma_wait3A_253 = tpu.memref_slice %arg4[%dma_wait3A_251, %dma_wait3A_252] : memref<10240x128xf32, #tpu.memory_space<hbm>> -> memref<128x128xf32, #tpu.memory_space<hbm>>
    %dma_wait3A_254 = arith.constant 0 : i32
    %dma_wait3A_255 = arith.constant 0 : i32
    %dma_wait3A_256 = tpu.memref_slice %arg4[%dma_wait3A_254, %dma_wait3A_255] : memref<10240x128xf32, #tpu.memory_space<hbm>> -> memref<128x128xf32, #tpu.memory_space<hbm>>
    tpu.wait_dma2 semaphore(%arg15 : memref<!tpu.dma_semaphore, #tpu.memory_space<semaphore_mem>>) src(%dma_wait3A_256 : memref<128x128xf32, #tpu.memory_space<hbm>>) dst(%arg10 : memref<128x128xf32, #tpu.memory_space<vmem>>)
    %add3A_257 = arith.constant 2560 : i32
    %add3A_258 = arith.addi %add3A_257, %add3A : i32
    %min3A_259 = arith.constant 2499 : i32
    %min3A_260 = arith.minsi %add3A_258, %min3A_259 : i32
    %mul3A_261 = arith.constant 128 : i32
    %mul3A_262 = arith.muli %min3A_260, %mul3A_261 : i32
    %dma_start3A_263 = arith.constant 0 : i32
    %dma_start3A_264 = tpu.memref_slice %arg3[%dma_start3A_263, %mul3A_262] : memref<2x320000xi32, #tpu.memory_space<hbm>> -> memref<2x128xi32, #tpu.memory_space<hbm>>
    %dma_start3A_265 = arith.constant 0 : i32
    %dma_start3A_266 = tpu.memref_slice %arg3[%dma_start3A_265, %mul3A_262] : memref<2x320000xi32, #tpu.memory_space<hbm>> -> memref<2x128xi32, #tpu.memory_space<hbm>>
    tpu.enqueue_dma source(%dma_start3A_266 : memref<2x128xi32, #tpu.memory_space<hbm>>) target(%arg6 : memref<2x128xi32, #tpu.memory_space<vmem>>) target_semaphore(%arg17 : memref<!tpu.dma_semaphore, #tpu.memory_space<semaphore_mem>>)
    %dma_wait3A_267 = arith.constant 0 : i32
    %dma_wait3A_268 = arith.constant 0 : i32
    %dma_wait3A_269 = tpu.memref_slice %arg3[%dma_wait3A_267, %dma_wait3A_268] : memref<2x320000xi32, #tpu.memory_space<hbm>> -> memref<2x128xi32, #tpu.memory_space<hbm>>
    %dma_wait3A_270 = arith.constant 0 : i32
    %dma_wait3A_271 = arith.constant 0 : i32
    %dma_wait3A_272 = tpu.memref_slice %arg3[%dma_wait3A_270, %dma_wait3A_271] : memref<2x320000xi32, #tpu.memory_space<hbm>> -> memref<2x128xi32, #tpu.memory_space<hbm>>
    tpu.wait_dma2 semaphore(%arg19 : memref<!tpu.dma_semaphore, #tpu.memory_space<semaphore_mem>>) src(%dma_wait3A_272 : memref<2x128xi32, #tpu.memory_space<hbm>>) dst(%arg8 : memref<2x128xi32, #tpu.memory_space<vmem>>)
    %dma_start3A_273 = arith.constant 0 : i32
    %dma_start3A_274 = arith.constant 0 : i32
    %dma_start3A_275 = tpu.memref_slice %arg8[%dma_start3A_273, %dma_start3A_274] : memref<2x128xi32, #tpu.memory_space<vmem>> -> memref<1x128xi32, #tpu.memory_space<vmem>>
    %dma_start3A_276 = tpu.memref_squeeze %dma_start3A_275 : memref<1x128xi32, #tpu.memory_space<vmem>> -> memref<128xi32, #tpu.memory_space<vmem>>
    %dma_start3A_277 = arith.constant 0 : i32
    %dma_start3A_278 = arith.constant 0 : i32
    %dma_start3A_279 = tpu.memref_slice %arg2[%dma_start3A_277, %dma_start3A_278] : memref<10000x128xf32, #tpu.memory_space<hbm>> -> memref<10000x128xf32, #tpu.memory_space<hbm>>
    tpu.enqueue_indirect_dma source(%dma_start3A_279 : memref<10000x128xf32, #tpu.memory_space<hbm>>) target(%arg10 : memref<128x128xf32, #tpu.memory_space<vmem>>) offsets(%dma_start3A_276 : memref<128xi32, #tpu.memory_space<vmem>>) semaphore(%arg13 : memref<!tpu.dma_semaphore, #tpu.memory_space<semaphore_mem>>)
    %dma_wait3A_280 = arith.constant 0 : i32
    %dma_wait3A_281 = arith.constant 0 : i32
    %dma_wait3A_282 = tpu.memref_slice %arg4[%dma_wait3A_280, %dma_wait3A_281] : memref<10240x128xf32, #tpu.memory_space<hbm>> -> memref<128x128xf32, #tpu.memory_space<hbm>>
    %dma_wait3A_283 = arith.constant 0 : i32
    %dma_wait3A_284 = arith.constant 0 : i32
    %dma_wait3A_285 = tpu.memref_slice %arg4[%dma_wait3A_283, %dma_wait3A_284] : memref<10240x128xf32, #tpu.memory_space<hbm>> -> memref<128x128xf32, #tpu.memory_space<hbm>>
    tpu.wait_dma2 semaphore(%arg13 : memref<!tpu.dma_semaphore, #tpu.memory_space<semaphore_mem>>) src(%dma_wait3A_285 : memref<128x128xf32, #tpu.memory_space<hbm>>) dst(%arg10 : memref<128x128xf32, #tpu.memory_space<vmem>>)
    %lt3A = arith.constant 4 : i32
    %lt3A_286 = arith.cmpi slt, %add3A, %lt3A : i32
    %convert_element_type3A = arith.extui %lt3A_286 : i1 to i32
    %cond3A = arith.constant 0 : i32
    %cond3A_287 = arith.cmpi ne, %convert_element_type3A, %cond3A : i32
    scf.if %cond3A_287 {
      %dma_start3A_312 = arith.constant 1 : i32
      %dma_start3A_313 = arith.constant 0 : i32
      %dma_start3A_314 = tpu.memref_slice %arg8[%dma_start3A_312, %dma_start3A_313] : memref<2x128xi32, #tpu.memory_space<vmem>> -> memref<1x128xi32, #tpu.memory_space<vmem>>
      %dma_start3A_315 = tpu.memref_squeeze %dma_start3A_314 : memref<1x128xi32, #tpu.memory_space<vmem>> -> memref<128xi32, #tpu.memory_space<vmem>>
      %dma_start3A_316 = arith.constant 0 : i32
      %dma_start3A_317 = arith.constant 0 : i32
      %dma_start3A_318 = tpu.memref_slice %arg12[%dma_start3A_316, %dma_start3A_317] : memref<10240x128xf32, #tpu.memory_space<vmem_shared>> -> memref<10240x128xf32, #tpu.memory_space<vmem_shared>>
      tpu.enqueue_indirect_dma source(%arg10 : memref<128x128xf32, #tpu.memory_space<vmem>>) target(%dma_start3A_318 : memref<10240x128xf32, #tpu.memory_space<vmem_shared>>) offsets(%dma_start3A_315 : memref<128xi32, #tpu.memory_space<vmem>>) semaphore(%arg15 : memref<!tpu.dma_semaphore, #tpu.memory_space<semaphore_mem>>) {add = true}
    } else {
    }
    %dma_wait3A_288 = arith.constant 0 : i32
    %dma_wait3A_289 = arith.constant 0 : i32
    %dma_wait3A_290 = tpu.memref_slice %arg4[%dma_wait3A_288, %dma_wait3A_289] : memref<10240x128xf32, #tpu.memory_space<hbm>> -> memref<128x128xf32, #tpu.memory_space<hbm>>
    %dma_wait3A_291 = arith.constant 0 : i32
    %dma_wait3A_292 = arith.constant 0 : i32
    %dma_wait3A_293 = tpu.memref_slice %arg4[%dma_wait3A_291, %dma_wait3A_292] : memref<10240x128xf32, #tpu.memory_space<hbm>> -> memref<128x128xf32, #tpu.memory_space<hbm>>
    tpu.wait_dma2 semaphore(%arg16 : memref<!tpu.dma_semaphore, #tpu.memory_space<semaphore_mem>>) src(%dma_wait3A_293 : memref<128x128xf32, #tpu.memory_space<hbm>>) dst(%arg11 : memref<128x128xf32, #tpu.memory_space<vmem>>)
    %lt3A_294 = arith.constant 4 : i32
    %lt3A_295 = arith.cmpi slt, %add3A, %lt3A_294 : i32
    %convert_element_type3A_296 = arith.extui %lt3A_295 : i1 to i32
    %cond3A_297 = arith.constant 0 : i32
    %cond3A_298 = arith.cmpi ne, %convert_element_type3A_296, %cond3A_297 : i32
    scf.if %cond3A_298 {
      %dma_wait3A_312 = arith.constant 0 : i32
      %dma_wait3A_313 = arith.constant 0 : i32
      %dma_wait3A_314 = tpu.memref_slice %arg4[%dma_wait3A_312, %dma_wait3A_313] : memref<10240x128xf32, #tpu.memory_space<hbm>> -> memref<128x128xf32, #tpu.memory_space<hbm>>
      %dma_wait3A_315 = arith.constant 0 : i32
      %dma_wait3A_316 = arith.constant 0 : i32
      %dma_wait3A_317 = tpu.memref_slice %arg4[%dma_wait3A_315, %dma_wait3A_316] : memref<10240x128xf32, #tpu.memory_space<hbm>> -> memref<128x128xf32, #tpu.memory_space<hbm>>
      tpu.wait_dma2 semaphore(%arg15 : memref<!tpu.dma_semaphore, #tpu.memory_space<semaphore_mem>>) src(%dma_wait3A_317 : memref<128x128xf32, #tpu.memory_space<hbm>>) dst(%arg10 : memref<128x128xf32, #tpu.memory_space<vmem>>)
    } else {
    }
    %dma_wait3A_299 = arith.constant 0 : i32
    %dma_wait3A_300 = arith.constant 0 : i32
    %dma_wait3A_301 = tpu.memref_slice %arg3[%dma_wait3A_299, %dma_wait3A_300] : memref<2x320000xi32, #tpu.memory_space<hbm>> -> memref<2x128xi32, #tpu.memory_space<hbm>>
    %dma_wait3A_302 = arith.constant 0 : i32
    %dma_wait3A_303 = arith.constant 0 : i32
    %dma_wait3A_304 = tpu.memref_slice %arg3[%dma_wait3A_302, %dma_wait3A_303] : memref<2x320000xi32, #tpu.memory_space<hbm>> -> memref<2x128xi32, #tpu.memory_space<hbm>>
    tpu.wait_dma2 semaphore(%arg20 : memref<!tpu.dma_semaphore, #tpu.memory_space<semaphore_mem>>) src(%dma_wait3A_304 : memref<2x128xi32, #tpu.memory_space<hbm>>) dst(%arg9 : memref<2x128xi32, #tpu.memory_space<vmem>>)
    %dma_wait3A_305 = arith.constant 0 : i32
    %dma_wait3A_306 = arith.constant 0 : i32
    %dma_wait3A_307 = tpu.memref_slice %arg3[%dma_wait3A_305, %dma_wait3A_306] : memref<2x320000xi32, #tpu.memory_space<hbm>> -> memref<2x128xi32, #tpu.memory_space<hbm>>
    %dma_wait3A_308 = arith.constant 0 : i32
    %dma_wait3A_309 = arith.constant 0 : i32
    %dma_wait3A_310 = tpu.memref_slice %arg3[%dma_wait3A_308, %dma_wait3A_309] : memref<2x320000xi32, #tpu.memory_space<hbm>> -> memref<2x128xi32, #tpu.memory_space<hbm>>
    tpu.wait_dma2 semaphore(%arg17 : memref<!tpu.dma_semaphore, #tpu.memory_space<semaphore_mem>>) src(%dma_wait3A_310 : memref<2x128xi32, #tpu.memory_space<hbm>>) dst(%arg6 : memref<2x128xi32, #tpu.memory_space<vmem>>)
    %barrier3A_311 = arith.constant 0 : index
    tpu.barrier barrier_id(%barrier3A_311)
    "tpu.region"() ({
      %run_scoped3A = tpu.sem_alloc : memref<!tpu.dma_semaphore, #tpu.memory_space<semaphore_mem>>
      %dma_start3A_312 = arith.constant 0 : i32
      %dma_start3A_313 = tpu.memref_slice %arg5[%arg0, %mul3A_2, %dma_start3A_312] : memref<2x10240x128xf32, #tpu.memory_space<hbm>> -> memref<1x640x128xf32, #tpu.memory_space<hbm>>
      %dma_start3A_314 = tpu.memref_squeeze %dma_start3A_313 : memref<1x640x128xf32, #tpu.memory_space<hbm>> -> memref<640x128xf32, #tpu.memory_space<hbm>>
      %dma_start3A_315 = arith.constant 0 : i32
      %dma_start3A_316 = tpu.memref_slice %arg12[%mul3A_2, %dma_start3A_315] : memref<10240x128xf32, #tpu.memory_space<vmem_shared>> -> memref<640x128xf32, #tpu.memory_space<vmem_shared>>
      tpu.enqueue_dma source(%dma_start3A_316 : memref<640x128xf32, #tpu.memory_space<vmem_shared>>) target(%dma_start3A_314 : memref<640x128xf32, #tpu.memory_space<hbm>>) target_semaphore(%run_scoped3A : memref<!tpu.dma_semaphore, #tpu.memory_space<semaphore_mem>>)
      %dma_wait3A_317 = arith.constant 0 : i32
      %dma_wait3A_318 = tpu.memref_slice %arg5[%arg0, %mul3A_2, %dma_wait3A_317] : memref<2x10240x128xf32, #tpu.memory_space<hbm>> -> memref<1x640x128xf32, #tpu.memory_space<hbm>>
      %dma_wait3A_319 = tpu.memref_squeeze %dma_wait3A_318 : memref<1x640x128xf32, #tpu.memory_space<hbm>> -> memref<640x128xf32, #tpu.memory_space<hbm>>
      %dma_wait3A_320 = arith.constant 0 : i32
      %dma_wait3A_321 = tpu.memref_slice %arg12[%mul3A_2, %dma_wait3A_320] : memref<10240x128xf32, #tpu.memory_space<vmem_shared>> -> memref<640x128xf32, #tpu.memory_space<vmem_shared>>
      tpu.wait_dma2 semaphore(%run_scoped3A : memref<!tpu.dma_semaphore, #tpu.memory_space<semaphore_mem>>) src(%dma_wait3A_321 : memref<640x128xf32, #tpu.memory_space<vmem_shared>>) dst(%dma_wait3A_319 : memref<640x128xf32, #tpu.memory_space<hbm>>)
      tpu.yield
    }) : () -> ()
    return
  }
}

#map = affine_map<(d0, d1) -> (0, 0)>
#map1 = affine_map<(d0, d1) -> (0)>
#map2 = affine_map<(d0, d1) -> (0, 0, 0)>
module attributes {stable_mosaic.version = 14 : i64} {
  func.func @_seg_body(%arg0: i32, %arg1: i32, %arg2: memref<10000x128xf32, #tpu.memory_space<hbm>>, %arg3: memref<2x320000xi32, #tpu.memory_space<hbm>>, %arg4: memref<10240x128xf32, #tpu.memory_space<hbm>>, %arg5: memref<10240xf32, #tpu.memory_space<hbm>>, %arg6: memref<128xf32, #tpu.memory_space<hbm>>, %arg7: memref<2x10240x128xf32, #tpu.memory_space<hbm>>, %arg8: memref<2x10240xf32, #tpu.memory_space<hbm>>, %arg9: memref<2x128xi32, #tpu.memory_space<vmem>>, %arg10: memref<2x128xi32, #tpu.memory_space<vmem>>, %arg11: memref<2x128xi32, #tpu.memory_space<vmem>>, %arg12: memref<2x128xi32, #tpu.memory_space<vmem>>, %arg13: memref<128x128xf32, #tpu.memory_space<vmem>>, %arg14: memref<128x128xf32, #tpu.memory_space<vmem>>, %arg15: memref<128xf32, #tpu.memory_space<vmem>>, %arg16: memref<10240x128xf32, #tpu.memory_space<vmem_shared>>, %arg17: memref<10240xf32, #tpu.memory_space<vmem_shared>>, %arg18: memref<!tpu.dma_semaphore, #tpu.memory_space<semaphore_mem>>, %arg19: memref<!tpu.dma_semaphore, #tpu.memory_space<semaphore_mem>>, %arg20: memref<!tpu.dma_semaphore, #tpu.memory_space<semaphore_mem>>, %arg21: memref<!tpu.dma_semaphore, #tpu.memory_space<semaphore_mem>>, %arg22: memref<!tpu.dma_semaphore, #tpu.memory_space<semaphore_mem>>, %arg23: memref<!tpu.dma_semaphore, #tpu.memory_space<semaphore_mem>>, %arg24: memref<!tpu.dma_semaphore, #tpu.memory_space<semaphore_mem>>, %arg25: memref<!tpu.dma_semaphore, #tpu.memory_space<semaphore_mem>>) attributes {dimension_semantics = [#tpu.dimension_semantics<core_parallel>, #tpu.dimension_semantics<subcore_parallel>], iteration_bounds = array<i64: 2, 16>, scalar_prefetch = 0 : i64, scratch_operands = 17 : i64, tpu.core_type = #tpu.core_type<sc_vector_subcore>, window_params = [{transform_indices = #map}, {transform_indices = #map}, {transform_indices = #map}, {transform_indices = #map1}, {transform_indices = #map1}, {transform_indices = #map2}, {transform_indices = #map}]} {
    %mul3A = arith.constant 2 : i32
    %mul3A_0 = arith.muli %arg1, %mul3A : i32
    %add3A = arith.addi %mul3A_0, %arg0 : i32
    %mul3A_1 = arith.constant 640 : i32
    %mul3A_2 = arith.muli %arg1, %mul3A_1 : i32
    "tpu.region"() ({
      %run_scoped3A = tpu.sem_alloc : memref<!tpu.dma_semaphore, #tpu.memory_space<semaphore_mem>>
      %dma_start3A_350 = arith.constant 0 : i32
      %dma_start3A_351 = tpu.memref_slice %arg16[%mul3A_2, %dma_start3A_350] : memref<10240x128xf32, #tpu.memory_space<vmem_shared>> -> memref<640x128xf32, #tpu.memory_space<vmem_shared>>
      %dma_start3A_352 = arith.constant 0 : i32
      %dma_start3A_353 = tpu.memref_slice %arg4[%mul3A_2, %dma_start3A_352] : memref<10240x128xf32, #tpu.memory_space<hbm>> -> memref<640x128xf32, #tpu.memory_space<hbm>>
      tpu.enqueue_dma source(%dma_start3A_353 : memref<640x128xf32, #tpu.memory_space<hbm>>) target(%dma_start3A_351 : memref<640x128xf32, #tpu.memory_space<vmem_shared>>) target_semaphore(%run_scoped3A : memref<!tpu.dma_semaphore, #tpu.memory_space<semaphore_mem>>)
      %dma_wait3A_354 = arith.constant 0 : i32
      %dma_wait3A_355 = tpu.memref_slice %arg16[%mul3A_2, %dma_wait3A_354] : memref<10240x128xf32, #tpu.memory_space<vmem_shared>> -> memref<640x128xf32, #tpu.memory_space<vmem_shared>>
      %dma_wait3A_356 = arith.constant 0 : i32
      %dma_wait3A_357 = tpu.memref_slice %arg4[%mul3A_2, %dma_wait3A_356] : memref<10240x128xf32, #tpu.memory_space<hbm>> -> memref<640x128xf32, #tpu.memory_space<hbm>>
      tpu.wait_dma2 semaphore(%run_scoped3A : memref<!tpu.dma_semaphore, #tpu.memory_space<semaphore_mem>>) src(%dma_wait3A_357 : memref<640x128xf32, #tpu.memory_space<hbm>>) dst(%dma_wait3A_355 : memref<640x128xf32, #tpu.memory_space<vmem_shared>>)
      tpu.yield
    }) : () -> ()
    %mul3A_3 = arith.constant 640 : i32
    %mul3A_4 = arith.muli %arg1, %mul3A_3 : i32
    "tpu.region"() ({
      %run_scoped3A = tpu.sem_alloc : memref<!tpu.dma_semaphore, #tpu.memory_space<semaphore_mem>>
      %dma_start3A_350 = tpu.memref_slice %arg17[%mul3A_4] : memref<10240xf32, #tpu.memory_space<vmem_shared>> -> memref<640xf32, #tpu.memory_space<vmem_shared>>
      %dma_start3A_351 = tpu.memref_slice %arg5[%mul3A_4] : memref<10240xf32, #tpu.memory_space<hbm>> -> memref<640xf32, #tpu.memory_space<hbm>>
      tpu.enqueue_dma source(%dma_start3A_351 : memref<640xf32, #tpu.memory_space<hbm>>) target(%dma_start3A_350 : memref<640xf32, #tpu.memory_space<vmem_shared>>) target_semaphore(%run_scoped3A : memref<!tpu.dma_semaphore, #tpu.memory_space<semaphore_mem>>)
      %dma_wait3A_352 = tpu.memref_slice %arg17[%mul3A_4] : memref<10240xf32, #tpu.memory_space<vmem_shared>> -> memref<640xf32, #tpu.memory_space<vmem_shared>>
      %dma_wait3A_353 = tpu.memref_slice %arg5[%mul3A_4] : memref<10240xf32, #tpu.memory_space<hbm>> -> memref<640xf32, #tpu.memory_space<hbm>>
      tpu.wait_dma2 semaphore(%run_scoped3A : memref<!tpu.dma_semaphore, #tpu.memory_space<semaphore_mem>>) src(%dma_wait3A_353 : memref<640xf32, #tpu.memory_space<hbm>>) dst(%dma_wait3A_352 : memref<640xf32, #tpu.memory_space<vmem_shared>>)
      tpu.yield
    }) : () -> ()
    "tpu.region"() ({
      %run_scoped3A = tpu.sem_alloc : memref<!tpu.dma_semaphore, #tpu.memory_space<semaphore_mem>>
      tpu.enqueue_dma source(%arg6 : memref<128xf32, #tpu.memory_space<hbm>>) target(%arg15 : memref<128xf32, #tpu.memory_space<vmem>>) target_semaphore(%run_scoped3A : memref<!tpu.dma_semaphore, #tpu.memory_space<semaphore_mem>>)
      tpu.wait_dma2 semaphore(%run_scoped3A : memref<!tpu.dma_semaphore, #tpu.memory_space<semaphore_mem>>) src(%arg6 : memref<128xf32, #tpu.memory_space<hbm>>) dst(%arg15 : memref<128xf32, #tpu.memory_space<vmem>>)
      tpu.yield
    }) : () -> ()
    %mul3A_5 = arith.constant 128 : i32
    %mul3A_6 = arith.muli %add3A, %mul3A_5 : i32
    "tpu.region"() ({
      %run_scoped3A = tpu.sem_alloc : memref<!tpu.dma_semaphore, #tpu.memory_space<semaphore_mem>>
      %dma_start3A_350 = arith.constant 0 : i32
      %dma_start3A_351 = tpu.memref_slice %arg3[%dma_start3A_350, %mul3A_6] : memref<2x320000xi32, #tpu.memory_space<hbm>> -> memref<2x128xi32, #tpu.memory_space<hbm>>
      %dma_start3A_352 = arith.constant 0 : i32
      %dma_start3A_353 = tpu.memref_slice %arg3[%dma_start3A_352, %mul3A_6] : memref<2x320000xi32, #tpu.memory_space<hbm>> -> memref<2x128xi32, #tpu.memory_space<hbm>>
      tpu.enqueue_dma source(%dma_start3A_353 : memref<2x128xi32, #tpu.memory_space<hbm>>) target(%arg9 : memref<2x128xi32, #tpu.memory_space<vmem>>) target_semaphore(%run_scoped3A : memref<!tpu.dma_semaphore, #tpu.memory_space<semaphore_mem>>)
      %dma_wait3A_354 = arith.constant 0 : i32
      %dma_wait3A_355 = tpu.memref_slice %arg3[%dma_wait3A_354, %mul3A_6] : memref<2x320000xi32, #tpu.memory_space<hbm>> -> memref<2x128xi32, #tpu.memory_space<hbm>>
      %dma_wait3A_356 = arith.constant 0 : i32
      %dma_wait3A_357 = tpu.memref_slice %arg3[%dma_wait3A_356, %mul3A_6] : memref<2x320000xi32, #tpu.memory_space<hbm>> -> memref<2x128xi32, #tpu.memory_space<hbm>>
      tpu.wait_dma2 semaphore(%run_scoped3A : memref<!tpu.dma_semaphore, #tpu.memory_space<semaphore_mem>>) src(%dma_wait3A_357 : memref<2x128xi32, #tpu.memory_space<hbm>>) dst(%arg9 : memref<2x128xi32, #tpu.memory_space<vmem>>)
      tpu.yield
    }) : () -> ()
    %add3A_7 = arith.constant 32 : i32
    %add3A_8 = arith.addi %add3A_7, %add3A : i32
    %min3A = arith.constant 2499 : i32
    %min3A_9 = arith.minsi %add3A_8, %min3A : i32
    %mul3A_10 = arith.constant 128 : i32
    %mul3A_11 = arith.muli %min3A_9, %mul3A_10 : i32
    %dma_start3A = arith.constant 0 : i32
    %dma_start3A_12 = tpu.memref_slice %arg3[%dma_start3A, %mul3A_11] : memref<2x320000xi32, #tpu.memory_space<hbm>> -> memref<2x128xi32, #tpu.memory_space<hbm>>
    %dma_start3A_13 = arith.constant 0 : i32
    %dma_start3A_14 = tpu.memref_slice %arg3[%dma_start3A_13, %mul3A_11] : memref<2x320000xi32, #tpu.memory_space<hbm>> -> memref<2x128xi32, #tpu.memory_space<hbm>>
    tpu.enqueue_dma source(%dma_start3A_14 : memref<2x128xi32, #tpu.memory_space<hbm>>) target(%arg10 : memref<2x128xi32, #tpu.memory_space<vmem>>) target_semaphore(%arg23 : memref<!tpu.dma_semaphore, #tpu.memory_space<semaphore_mem>>)
    %add3A_15 = arith.constant 64 : i32
    %add3A_16 = arith.addi %add3A_15, %add3A : i32
    %min3A_17 = arith.constant 2499 : i32
    %min3A_18 = arith.minsi %add3A_16, %min3A_17 : i32
    %mul3A_19 = arith.constant 128 : i32
    %mul3A_20 = arith.muli %min3A_18, %mul3A_19 : i32
    %dma_start3A_21 = arith.constant 0 : i32
    %dma_start3A_22 = tpu.memref_slice %arg3[%dma_start3A_21, %mul3A_20] : memref<2x320000xi32, #tpu.memory_space<hbm>> -> memref<2x128xi32, #tpu.memory_space<hbm>>
    %dma_start3A_23 = arith.constant 0 : i32
    %dma_start3A_24 = tpu.memref_slice %arg3[%dma_start3A_23, %mul3A_20] : memref<2x320000xi32, #tpu.memory_space<hbm>> -> memref<2x128xi32, #tpu.memory_space<hbm>>
    tpu.enqueue_dma source(%dma_start3A_24 : memref<2x128xi32, #tpu.memory_space<hbm>>) target(%arg11 : memref<2x128xi32, #tpu.memory_space<vmem>>) target_semaphore(%arg24 : memref<!tpu.dma_semaphore, #tpu.memory_space<semaphore_mem>>)
    %dma_start3A_25 = arith.constant 0 : i32
    %dma_start3A_26 = arith.constant 0 : i32
    %dma_start3A_27 = tpu.memref_slice %arg9[%dma_start3A_25, %dma_start3A_26] : memref<2x128xi32, #tpu.memory_space<vmem>> -> memref<1x128xi32, #tpu.memory_space<vmem>>
    %dma_start3A_28 = tpu.memref_squeeze %dma_start3A_27 : memref<1x128xi32, #tpu.memory_space<vmem>> -> memref<128xi32, #tpu.memory_space<vmem>>
    %dma_start3A_29 = arith.constant 0 : i32
    %dma_start3A_30 = arith.constant 0 : i32
    %dma_start3A_31 = tpu.memref_slice %arg2[%dma_start3A_29, %dma_start3A_30] : memref<10000x128xf32, #tpu.memory_space<hbm>> -> memref<10000x128xf32, #tpu.memory_space<hbm>>
    tpu.enqueue_indirect_dma source(%dma_start3A_31 : memref<10000x128xf32, #tpu.memory_space<hbm>>) target(%arg13 : memref<128x128xf32, #tpu.memory_space<vmem>>) offsets(%dma_start3A_28 : memref<128xi32, #tpu.memory_space<vmem>>) semaphore(%arg18 : memref<!tpu.dma_semaphore, #tpu.memory_space<semaphore_mem>>)
    %barrier3A = arith.constant 0 : index
    tpu.barrier barrier_id(%barrier3A)
    %dma_wait3A = arith.constant 0 : i32
    %dma_wait3A_32 = arith.constant 0 : i32
    %dma_wait3A_33 = tpu.memref_slice %arg4[%dma_wait3A, %dma_wait3A_32] : memref<10240x128xf32, #tpu.memory_space<hbm>> -> memref<128x128xf32, #tpu.memory_space<hbm>>
    %dma_wait3A_34 = arith.constant 0 : i32
    %dma_wait3A_35 = arith.constant 0 : i32
    %dma_wait3A_36 = tpu.memref_slice %arg4[%dma_wait3A_34, %dma_wait3A_35] : memref<10240x128xf32, #tpu.memory_space<hbm>> -> memref<128x128xf32, #tpu.memory_space<hbm>>
    tpu.wait_dma2 semaphore(%arg18 : memref<!tpu.dma_semaphore, #tpu.memory_space<semaphore_mem>>) src(%dma_wait3A_36 : memref<128x128xf32, #tpu.memory_space<hbm>>) dst(%arg13 : memref<128x128xf32, #tpu.memory_space<vmem>>)
    %dma_start3A_37 = arith.constant 1 : i32
    %dma_start3A_38 = arith.constant 0 : i32
    %dma_start3A_39 = tpu.memref_slice %arg9[%dma_start3A_37, %dma_start3A_38] : memref<2x128xi32, #tpu.memory_space<vmem>> -> memref<1x128xi32, #tpu.memory_space<vmem>>
    %dma_start3A_40 = tpu.memref_squeeze %dma_start3A_39 : memref<1x128xi32, #tpu.memory_space<vmem>> -> memref<128xi32, #tpu.memory_space<vmem>>
    %dma_start3A_41 = arith.constant 0 : i32
    %dma_start3A_42 = arith.constant 0 : i32
    %dma_start3A_43 = tpu.memref_slice %arg16[%dma_start3A_41, %dma_start3A_42] : memref<10240x128xf32, #tpu.memory_space<vmem_shared>> -> memref<10240x128xf32, #tpu.memory_space<vmem_shared>>
    tpu.enqueue_indirect_dma source(%arg13 : memref<128x128xf32, #tpu.memory_space<vmem>>) target(%dma_start3A_43 : memref<10240x128xf32, #tpu.memory_space<vmem_shared>>) offsets(%dma_start3A_40 : memref<128xi32, #tpu.memory_space<vmem>>) semaphore(%arg20 : memref<!tpu.dma_semaphore, #tpu.memory_space<semaphore_mem>>) {add = true}
    %dma_start3A_44 = arith.constant 1 : i32
    %dma_start3A_45 = arith.constant 0 : i32
    %dma_start3A_46 = tpu.memref_slice %arg9[%dma_start3A_44, %dma_start3A_45] : memref<2x128xi32, #tpu.memory_space<vmem>> -> memref<1x128xi32, #tpu.memory_space<vmem>>
    %dma_start3A_47 = tpu.memref_squeeze %dma_start3A_46 : memref<1x128xi32, #tpu.memory_space<vmem>> -> memref<128xi32, #tpu.memory_space<vmem>>
    %dma_start3A_48 = arith.constant 0 : i32
    %dma_start3A_49 = tpu.memref_slice %arg17[%dma_start3A_48] : memref<10240xf32, #tpu.memory_space<vmem_shared>> -> memref<10240xf32, #tpu.memory_space<vmem_shared>>
    tpu.enqueue_indirect_dma source(%arg15 : memref<128xf32, #tpu.memory_space<vmem>>) target(%dma_start3A_49 : memref<10240xf32, #tpu.memory_space<vmem_shared>>) offsets(%dma_start3A_47 : memref<128xi32, #tpu.memory_space<vmem>>) semaphore(%arg20 : memref<!tpu.dma_semaphore, #tpu.memory_space<semaphore_mem>>) {add = true}
    %add3A_50 = arith.constant 96 : i32
    %add3A_51 = arith.addi %add3A_50, %add3A : i32
    %min3A_52 = arith.constant 2499 : i32
    %min3A_53 = arith.minsi %add3A_51, %min3A_52 : i32
    %mul3A_54 = arith.constant 128 : i32
    %mul3A_55 = arith.muli %min3A_53, %mul3A_54 : i32
    %dma_start3A_56 = arith.constant 0 : i32
    %dma_start3A_57 = tpu.memref_slice %arg3[%dma_start3A_56, %mul3A_55] : memref<2x320000xi32, #tpu.memory_space<hbm>> -> memref<2x128xi32, #tpu.memory_space<hbm>>
    %dma_start3A_58 = arith.constant 0 : i32
    %dma_start3A_59 = tpu.memref_slice %arg3[%dma_start3A_58, %mul3A_55] : memref<2x320000xi32, #tpu.memory_space<hbm>> -> memref<2x128xi32, #tpu.memory_space<hbm>>
    tpu.enqueue_dma source(%dma_start3A_59 : memref<2x128xi32, #tpu.memory_space<hbm>>) target(%arg12 : memref<2x128xi32, #tpu.memory_space<vmem>>) target_semaphore(%arg25 : memref<!tpu.dma_semaphore, #tpu.memory_space<semaphore_mem>>)
    %dma_wait3A_60 = arith.constant 0 : i32
    %dma_wait3A_61 = arith.constant 0 : i32
    %dma_wait3A_62 = tpu.memref_slice %arg3[%dma_wait3A_60, %dma_wait3A_61] : memref<2x320000xi32, #tpu.memory_space<hbm>> -> memref<2x128xi32, #tpu.memory_space<hbm>>
    %dma_wait3A_63 = arith.constant 0 : i32
    %dma_wait3A_64 = arith.constant 0 : i32
    %dma_wait3A_65 = tpu.memref_slice %arg3[%dma_wait3A_63, %dma_wait3A_64] : memref<2x320000xi32, #tpu.memory_space<hbm>> -> memref<2x128xi32, #tpu.memory_space<hbm>>
    tpu.wait_dma2 semaphore(%arg23 : memref<!tpu.dma_semaphore, #tpu.memory_space<semaphore_mem>>) src(%dma_wait3A_65 : memref<2x128xi32, #tpu.memory_space<hbm>>) dst(%arg10 : memref<2x128xi32, #tpu.memory_space<vmem>>)
    %dma_start3A_66 = arith.constant 0 : i32
    %dma_start3A_67 = arith.constant 0 : i32
    %dma_start3A_68 = tpu.memref_slice %arg10[%dma_start3A_66, %dma_start3A_67] : memref<2x128xi32, #tpu.memory_space<vmem>> -> memref<1x128xi32, #tpu.memory_space<vmem>>
    %dma_start3A_69 = tpu.memref_squeeze %dma_start3A_68 : memref<1x128xi32, #tpu.memory_space<vmem>> -> memref<128xi32, #tpu.memory_space<vmem>>
    %dma_start3A_70 = arith.constant 0 : i32
    %dma_start3A_71 = arith.constant 0 : i32
    %dma_start3A_72 = tpu.memref_slice %arg2[%dma_start3A_70, %dma_start3A_71] : memref<10000x128xf32, #tpu.memory_space<hbm>> -> memref<10000x128xf32, #tpu.memory_space<hbm>>
    tpu.enqueue_indirect_dma source(%dma_start3A_72 : memref<10000x128xf32, #tpu.memory_space<hbm>>) target(%arg14 : memref<128x128xf32, #tpu.memory_space<vmem>>) offsets(%dma_start3A_69 : memref<128xi32, #tpu.memory_space<vmem>>) semaphore(%arg19 : memref<!tpu.dma_semaphore, #tpu.memory_space<semaphore_mem>>)
    %dma_wait3A_73 = arith.constant 0 : i32
    %dma_wait3A_74 = arith.constant 0 : i32
    %dma_wait3A_75 = tpu.memref_slice %arg4[%dma_wait3A_73, %dma_wait3A_74] : memref<10240x128xf32, #tpu.memory_space<hbm>> -> memref<128x128xf32, #tpu.memory_space<hbm>>
    %dma_wait3A_76 = arith.constant 0 : i32
    %dma_wait3A_77 = arith.constant 0 : i32
    %dma_wait3A_78 = tpu.memref_slice %arg4[%dma_wait3A_76, %dma_wait3A_77] : memref<10240x128xf32, #tpu.memory_space<hbm>> -> memref<128x128xf32, #tpu.memory_space<hbm>>
    tpu.wait_dma2 semaphore(%arg19 : memref<!tpu.dma_semaphore, #tpu.memory_space<semaphore_mem>>) src(%dma_wait3A_78 : memref<128x128xf32, #tpu.memory_space<hbm>>) dst(%arg14 : memref<128x128xf32, #tpu.memory_space<vmem>>)
    %dma_start3A_79 = arith.constant 1 : i32
    %dma_start3A_80 = arith.constant 0 : i32
    %dma_start3A_81 = tpu.memref_slice %arg10[%dma_start3A_79, %dma_start3A_80] : memref<2x128xi32, #tpu.memory_space<vmem>> -> memref<1x128xi32, #tpu.memory_space<vmem>>
    %dma_start3A_82 = tpu.memref_squeeze %dma_start3A_81 : memref<1x128xi32, #tpu.memory_space<vmem>> -> memref<128xi32, #tpu.memory_space<vmem>>
    %dma_start3A_83 = arith.constant 0 : i32
    %dma_start3A_84 = arith.constant 0 : i32
    %dma_start3A_85 = tpu.memref_slice %arg16[%dma_start3A_83, %dma_start3A_84] : memref<10240x128xf32, #tpu.memory_space<vmem_shared>> -> memref<10240x128xf32, #tpu.memory_space<vmem_shared>>
    tpu.enqueue_indirect_dma source(%arg14 : memref<128x128xf32, #tpu.memory_space<vmem>>) target(%dma_start3A_85 : memref<10240x128xf32, #tpu.memory_space<vmem_shared>>) offsets(%dma_start3A_82 : memref<128xi32, #tpu.memory_space<vmem>>) semaphore(%arg21 : memref<!tpu.dma_semaphore, #tpu.memory_space<semaphore_mem>>) {add = true}
    %dma_start3A_86 = arith.constant 1 : i32
    %dma_start3A_87 = arith.constant 0 : i32
    %dma_start3A_88 = tpu.memref_slice %arg10[%dma_start3A_86, %dma_start3A_87] : memref<2x128xi32, #tpu.memory_space<vmem>> -> memref<1x128xi32, #tpu.memory_space<vmem>>
    %dma_start3A_89 = tpu.memref_squeeze %dma_start3A_88 : memref<1x128xi32, #tpu.memory_space<vmem>> -> memref<128xi32, #tpu.memory_space<vmem>>
    %dma_start3A_90 = arith.constant 0 : i32
    %dma_start3A_91 = tpu.memref_slice %arg17[%dma_start3A_90] : memref<10240xf32, #tpu.memory_space<vmem_shared>> -> memref<10240xf32, #tpu.memory_space<vmem_shared>>
    tpu.enqueue_indirect_dma source(%arg15 : memref<128xf32, #tpu.memory_space<vmem>>) target(%dma_start3A_91 : memref<10240xf32, #tpu.memory_space<vmem_shared>>) offsets(%dma_start3A_89 : memref<128xi32, #tpu.memory_space<vmem>>) semaphore(%arg21 : memref<!tpu.dma_semaphore, #tpu.memory_space<semaphore_mem>>) {add = true}
    %dma_wait3A_92 = arith.constant 0 : i32
    %dma_wait3A_93 = arith.constant 0 : i32
    %dma_wait3A_94 = tpu.memref_slice %arg4[%dma_wait3A_92, %dma_wait3A_93] : memref<10240x128xf32, #tpu.memory_space<hbm>> -> memref<128x128xf32, #tpu.memory_space<hbm>>
    %dma_wait3A_95 = arith.constant 0 : i32
    %dma_wait3A_96 = arith.constant 0 : i32
    %dma_wait3A_97 = tpu.memref_slice %arg4[%dma_wait3A_95, %dma_wait3A_96] : memref<10240x128xf32, #tpu.memory_space<hbm>> -> memref<128x128xf32, #tpu.memory_space<hbm>>
    tpu.wait_dma2 semaphore(%arg20 : memref<!tpu.dma_semaphore, #tpu.memory_space<semaphore_mem>>) src(%dma_wait3A_97 : memref<128x128xf32, #tpu.memory_space<hbm>>) dst(%arg13 : memref<128x128xf32, #tpu.memory_space<vmem>>)
    tpu.wait_dma2 semaphore(%arg20 : memref<!tpu.dma_semaphore, #tpu.memory_space<semaphore_mem>>) src(%arg6 : memref<128xf32, #tpu.memory_space<hbm>>) dst(%arg15 : memref<128xf32, #tpu.memory_space<vmem>>)
    %add3A_98 = arith.constant 128 : i32
    %add3A_99 = arith.addi %add3A_98, %add3A : i32
    %min3A_100 = arith.constant 2499 : i32
    %min3A_101 = arith.minsi %add3A_99, %min3A_100 : i32
    %mul3A_102 = arith.constant 128 : i32
    %mul3A_103 = arith.muli %min3A_101, %mul3A_102 : i32
    %dma_start3A_104 = arith.constant 0 : i32
    %dma_start3A_105 = tpu.memref_slice %arg3[%dma_start3A_104, %mul3A_103] : memref<2x320000xi32, #tpu.memory_space<hbm>> -> memref<2x128xi32, #tpu.memory_space<hbm>>
    %dma_start3A_106 = arith.constant 0 : i32
    %dma_start3A_107 = tpu.memref_slice %arg3[%dma_start3A_106, %mul3A_103] : memref<2x320000xi32, #tpu.memory_space<hbm>> -> memref<2x128xi32, #tpu.memory_space<hbm>>
    tpu.enqueue_dma source(%dma_start3A_107 : memref<2x128xi32, #tpu.memory_space<hbm>>) target(%arg9 : memref<2x128xi32, #tpu.memory_space<vmem>>) target_semaphore(%arg22 : memref<!tpu.dma_semaphore, #tpu.memory_space<semaphore_mem>>)
    %dma_wait3A_108 = arith.constant 0 : i32
    %dma_wait3A_109 = arith.constant 0 : i32
    %dma_wait3A_110 = tpu.memref_slice %arg3[%dma_wait3A_108, %dma_wait3A_109] : memref<2x320000xi32, #tpu.memory_space<hbm>> -> memref<2x128xi32, #tpu.memory_space<hbm>>
    %dma_wait3A_111 = arith.constant 0 : i32
    %dma_wait3A_112 = arith.constant 0 : i32
    %dma_wait3A_113 = tpu.memref_slice %arg3[%dma_wait3A_111, %dma_wait3A_112] : memref<2x320000xi32, #tpu.memory_space<hbm>> -> memref<2x128xi32, #tpu.memory_space<hbm>>
    tpu.wait_dma2 semaphore(%arg24 : memref<!tpu.dma_semaphore, #tpu.memory_space<semaphore_mem>>) src(%dma_wait3A_113 : memref<2x128xi32, #tpu.memory_space<hbm>>) dst(%arg11 : memref<2x128xi32, #tpu.memory_space<vmem>>)
    %dma_start3A_114 = arith.constant 0 : i32
    %dma_start3A_115 = arith.constant 0 : i32
    %dma_start3A_116 = tpu.memref_slice %arg11[%dma_start3A_114, %dma_start3A_115] : memref<2x128xi32, #tpu.memory_space<vmem>> -> memref<1x128xi32, #tpu.memory_space<vmem>>
    %dma_start3A_117 = tpu.memref_squeeze %dma_start3A_116 : memref<1x128xi32, #tpu.memory_space<vmem>> -> memref<128xi32, #tpu.memory_space<vmem>>
    %dma_start3A_118 = arith.constant 0 : i32
    %dma_start3A_119 = arith.constant 0 : i32
    %dma_start3A_120 = tpu.memref_slice %arg2[%dma_start3A_118, %dma_start3A_119] : memref<10000x128xf32, #tpu.memory_space<hbm>> -> memref<10000x128xf32, #tpu.memory_space<hbm>>
    tpu.enqueue_indirect_dma source(%dma_start3A_120 : memref<10000x128xf32, #tpu.memory_space<hbm>>) target(%arg13 : memref<128x128xf32, #tpu.memory_space<vmem>>) offsets(%dma_start3A_117 : memref<128xi32, #tpu.memory_space<vmem>>) semaphore(%arg18 : memref<!tpu.dma_semaphore, #tpu.memory_space<semaphore_mem>>)
    %dma_wait3A_121 = arith.constant 0 : i32
    %dma_wait3A_122 = arith.constant 0 : i32
    %dma_wait3A_123 = tpu.memref_slice %arg4[%dma_wait3A_121, %dma_wait3A_122] : memref<10240x128xf32, #tpu.memory_space<hbm>> -> memref<128x128xf32, #tpu.memory_space<hbm>>
    %dma_wait3A_124 = arith.constant 0 : i32
    %dma_wait3A_125 = arith.constant 0 : i32
    %dma_wait3A_126 = tpu.memref_slice %arg4[%dma_wait3A_124, %dma_wait3A_125] : memref<10240x128xf32, #tpu.memory_space<hbm>> -> memref<128x128xf32, #tpu.memory_space<hbm>>
    tpu.wait_dma2 semaphore(%arg18 : memref<!tpu.dma_semaphore, #tpu.memory_space<semaphore_mem>>) src(%dma_wait3A_126 : memref<128x128xf32, #tpu.memory_space<hbm>>) dst(%arg13 : memref<128x128xf32, #tpu.memory_space<vmem>>)
    %dma_start3A_127 = arith.constant 1 : i32
    %dma_start3A_128 = arith.constant 0 : i32
    %dma_start3A_129 = tpu.memref_slice %arg11[%dma_start3A_127, %dma_start3A_128] : memref<2x128xi32, #tpu.memory_space<vmem>> -> memref<1x128xi32, #tpu.memory_space<vmem>>
    %dma_start3A_130 = tpu.memref_squeeze %dma_start3A_129 : memref<1x128xi32, #tpu.memory_space<vmem>> -> memref<128xi32, #tpu.memory_space<vmem>>
    %dma_start3A_131 = arith.constant 0 : i32
    %dma_start3A_132 = arith.constant 0 : i32
    %dma_start3A_133 = tpu.memref_slice %arg16[%dma_start3A_131, %dma_start3A_132] : memref<10240x128xf32, #tpu.memory_space<vmem_shared>> -> memref<10240x128xf32, #tpu.memory_space<vmem_shared>>
    tpu.enqueue_indirect_dma source(%arg13 : memref<128x128xf32, #tpu.memory_space<vmem>>) target(%dma_start3A_133 : memref<10240x128xf32, #tpu.memory_space<vmem_shared>>) offsets(%dma_start3A_130 : memref<128xi32, #tpu.memory_space<vmem>>) semaphore(%arg20 : memref<!tpu.dma_semaphore, #tpu.memory_space<semaphore_mem>>) {add = true}
    %dma_start3A_134 = arith.constant 1 : i32
    %dma_start3A_135 = arith.constant 0 : i32
    %dma_start3A_136 = tpu.memref_slice %arg11[%dma_start3A_134, %dma_start3A_135] : memref<2x128xi32, #tpu.memory_space<vmem>> -> memref<1x128xi32, #tpu.memory_space<vmem>>
    %dma_start3A_137 = tpu.memref_squeeze %dma_start3A_136 : memref<1x128xi32, #tpu.memory_space<vmem>> -> memref<128xi32, #tpu.memory_space<vmem>>
    %dma_start3A_138 = arith.constant 0 : i32
    %dma_start3A_139 = tpu.memref_slice %arg17[%dma_start3A_138] : memref<10240xf32, #tpu.memory_space<vmem_shared>> -> memref<10240xf32, #tpu.memory_space<vmem_shared>>
    tpu.enqueue_indirect_dma source(%arg15 : memref<128xf32, #tpu.memory_space<vmem>>) target(%dma_start3A_139 : memref<10240xf32, #tpu.memory_space<vmem_shared>>) offsets(%dma_start3A_137 : memref<128xi32, #tpu.memory_space<vmem>>) semaphore(%arg20 : memref<!tpu.dma_semaphore, #tpu.memory_space<semaphore_mem>>) {add = true}
    %dma_wait3A_140 = arith.constant 0 : i32
    %dma_wait3A_141 = arith.constant 0 : i32
    %dma_wait3A_142 = tpu.memref_slice %arg4[%dma_wait3A_140, %dma_wait3A_141] : memref<10240x128xf32, #tpu.memory_space<hbm>> -> memref<128x128xf32, #tpu.memory_space<hbm>>
    %dma_wait3A_143 = arith.constant 0 : i32
    %dma_wait3A_144 = arith.constant 0 : i32
    %dma_wait3A_145 = tpu.memref_slice %arg4[%dma_wait3A_143, %dma_wait3A_144] : memref<10240x128xf32, #tpu.memory_space<hbm>> -> memref<128x128xf32, #tpu.memory_space<hbm>>
    tpu.wait_dma2 semaphore(%arg21 : memref<!tpu.dma_semaphore, #tpu.memory_space<semaphore_mem>>) src(%dma_wait3A_145 : memref<128x128xf32, #tpu.memory_space<hbm>>) dst(%arg14 : memref<128x128xf32, #tpu.memory_space<vmem>>)
    tpu.wait_dma2 semaphore(%arg21 : memref<!tpu.dma_semaphore, #tpu.memory_space<semaphore_mem>>) src(%arg6 : memref<128xf32, #tpu.memory_space<hbm>>) dst(%arg15 : memref<128xf32, #tpu.memory_space<vmem>>)
    %add3A_146 = arith.constant 160 : i32
    %add3A_147 = arith.addi %add3A_146, %add3A : i32
    %min3A_148 = arith.constant 2499 : i32
    %min3A_149 = arith.minsi %add3A_147, %min3A_148 : i32
    %mul3A_150 = arith.constant 128 : i32
    %mul3A_151 = arith.muli %min3A_149, %mul3A_150 : i32
    %dma_start3A_152 = arith.constant 0 : i32
    %dma_start3A_153 = tpu.memref_slice %arg3[%dma_start3A_152, %mul3A_151] : memref<2x320000xi32, #tpu.memory_space<hbm>> -> memref<2x128xi32, #tpu.memory_space<hbm>>
    %dma_start3A_154 = arith.constant 0 : i32
    %dma_start3A_155 = tpu.memref_slice %arg3[%dma_start3A_154, %mul3A_151] : memref<2x320000xi32, #tpu.memory_space<hbm>> -> memref<2x128xi32, #tpu.memory_space<hbm>>
    tpu.enqueue_dma source(%dma_start3A_155 : memref<2x128xi32, #tpu.memory_space<hbm>>) target(%arg10 : memref<2x128xi32, #tpu.memory_space<vmem>>) target_semaphore(%arg23 : memref<!tpu.dma_semaphore, #tpu.memory_space<semaphore_mem>>)
    %dma_wait3A_156 = arith.constant 0 : i32
    %dma_wait3A_157 = arith.constant 0 : i32
    %dma_wait3A_158 = tpu.memref_slice %arg3[%dma_wait3A_156, %dma_wait3A_157] : memref<2x320000xi32, #tpu.memory_space<hbm>> -> memref<2x128xi32, #tpu.memory_space<hbm>>
    %dma_wait3A_159 = arith.constant 0 : i32
    %dma_wait3A_160 = arith.constant 0 : i32
    %dma_wait3A_161 = tpu.memref_slice %arg3[%dma_wait3A_159, %dma_wait3A_160] : memref<2x320000xi32, #tpu.memory_space<hbm>> -> memref<2x128xi32, #tpu.memory_space<hbm>>
    tpu.wait_dma2 semaphore(%arg25 : memref<!tpu.dma_semaphore, #tpu.memory_space<semaphore_mem>>) src(%dma_wait3A_161 : memref<2x128xi32, #tpu.memory_space<hbm>>) dst(%arg12 : memref<2x128xi32, #tpu.memory_space<vmem>>)
    %dma_start3A_162 = arith.constant 0 : i32
    %dma_start3A_163 = arith.constant 0 : i32
    %dma_start3A_164 = tpu.memref_slice %arg12[%dma_start3A_162, %dma_start3A_163] : memref<2x128xi32, #tpu.memory_space<vmem>> -> memref<1x128xi32, #tpu.memory_space<vmem>>
    %dma_start3A_165 = tpu.memref_squeeze %dma_start3A_164 : memref<1x128xi32, #tpu.memory_space<vmem>> -> memref<128xi32, #tpu.memory_space<vmem>>
    %dma_start3A_166 = arith.constant 0 : i32
    %dma_start3A_167 = arith.constant 0 : i32
    %dma_start3A_168 = tpu.memref_slice %arg2[%dma_start3A_166, %dma_start3A_167] : memref<10000x128xf32, #tpu.memory_space<hbm>> -> memref<10000x128xf32, #tpu.memory_space<hbm>>
    tpu.enqueue_indirect_dma source(%dma_start3A_168 : memref<10000x128xf32, #tpu.memory_space<hbm>>) target(%arg14 : memref<128x128xf32, #tpu.memory_space<vmem>>) offsets(%dma_start3A_165 : memref<128xi32, #tpu.memory_space<vmem>>) semaphore(%arg19 : memref<!tpu.dma_semaphore, #tpu.memory_space<semaphore_mem>>)
    %dma_wait3A_169 = arith.constant 0 : i32
    %dma_wait3A_170 = arith.constant 0 : i32
    %dma_wait3A_171 = tpu.memref_slice %arg4[%dma_wait3A_169, %dma_wait3A_170] : memref<10240x128xf32, #tpu.memory_space<hbm>> -> memref<128x128xf32, #tpu.memory_space<hbm>>
    %dma_wait3A_172 = arith.constant 0 : i32
    %dma_wait3A_173 = arith.constant 0 : i32
    %dma_wait3A_174 = tpu.memref_slice %arg4[%dma_wait3A_172, %dma_wait3A_173] : memref<10240x128xf32, #tpu.memory_space<hbm>> -> memref<128x128xf32, #tpu.memory_space<hbm>>
    tpu.wait_dma2 semaphore(%arg19 : memref<!tpu.dma_semaphore, #tpu.memory_space<semaphore_mem>>) src(%dma_wait3A_174 : memref<128x128xf32, #tpu.memory_space<hbm>>) dst(%arg14 : memref<128x128xf32, #tpu.memory_space<vmem>>)
    %dma_start3A_175 = arith.constant 1 : i32
    %dma_start3A_176 = arith.constant 0 : i32
    %dma_start3A_177 = tpu.memref_slice %arg12[%dma_start3A_175, %dma_start3A_176] : memref<2x128xi32, #tpu.memory_space<vmem>> -> memref<1x128xi32, #tpu.memory_space<vmem>>
    %dma_start3A_178 = tpu.memref_squeeze %dma_start3A_177 : memref<1x128xi32, #tpu.memory_space<vmem>> -> memref<128xi32, #tpu.memory_space<vmem>>
    %dma_start3A_179 = arith.constant 0 : i32
    %dma_start3A_180 = arith.constant 0 : i32
    %dma_start3A_181 = tpu.memref_slice %arg16[%dma_start3A_179, %dma_start3A_180] : memref<10240x128xf32, #tpu.memory_space<vmem_shared>> -> memref<10240x128xf32, #tpu.memory_space<vmem_shared>>
    tpu.enqueue_indirect_dma source(%arg14 : memref<128x128xf32, #tpu.memory_space<vmem>>) target(%dma_start3A_181 : memref<10240x128xf32, #tpu.memory_space<vmem_shared>>) offsets(%dma_start3A_178 : memref<128xi32, #tpu.memory_space<vmem>>) semaphore(%arg21 : memref<!tpu.dma_semaphore, #tpu.memory_space<semaphore_mem>>) {add = true}
    %dma_start3A_182 = arith.constant 1 : i32
    %dma_start3A_183 = arith.constant 0 : i32
    %dma_start3A_184 = tpu.memref_slice %arg12[%dma_start3A_182, %dma_start3A_183] : memref<2x128xi32, #tpu.memory_space<vmem>> -> memref<1x128xi32, #tpu.memory_space<vmem>>
    %dma_start3A_185 = tpu.memref_squeeze %dma_start3A_184 : memref<1x128xi32, #tpu.memory_space<vmem>> -> memref<128xi32, #tpu.memory_space<vmem>>
    %dma_start3A_186 = arith.constant 0 : i32
    %dma_start3A_187 = tpu.memref_slice %arg17[%dma_start3A_186] : memref<10240xf32, #tpu.memory_space<vmem_shared>> -> memref<10240xf32, #tpu.memory_space<vmem_shared>>
    tpu.enqueue_indirect_dma source(%arg15 : memref<128xf32, #tpu.memory_space<vmem>>) target(%dma_start3A_187 : memref<10240xf32, #tpu.memory_space<vmem_shared>>) offsets(%dma_start3A_185 : memref<128xi32, #tpu.memory_space<vmem>>) semaphore(%arg21 : memref<!tpu.dma_semaphore, #tpu.memory_space<semaphore_mem>>) {add = true}
    %dma_wait3A_188 = arith.constant 0 : i32
    %dma_wait3A_189 = arith.constant 0 : i32
    %dma_wait3A_190 = tpu.memref_slice %arg4[%dma_wait3A_188, %dma_wait3A_189] : memref<10240x128xf32, #tpu.memory_space<hbm>> -> memref<128x128xf32, #tpu.memory_space<hbm>>
    %dma_wait3A_191 = arith.constant 0 : i32
    %dma_wait3A_192 = arith.constant 0 : i32
    %dma_wait3A_193 = tpu.memref_slice %arg4[%dma_wait3A_191, %dma_wait3A_192] : memref<10240x128xf32, #tpu.memory_space<hbm>> -> memref<128x128xf32, #tpu.memory_space<hbm>>
    tpu.wait_dma2 semaphore(%arg20 : memref<!tpu.dma_semaphore, #tpu.memory_space<semaphore_mem>>) src(%dma_wait3A_193 : memref<128x128xf32, #tpu.memory_space<hbm>>) dst(%arg13 : memref<128x128xf32, #tpu.memory_space<vmem>>)
    tpu.wait_dma2 semaphore(%arg20 : memref<!tpu.dma_semaphore, #tpu.memory_space<semaphore_mem>>) src(%arg6 : memref<128xf32, #tpu.memory_space<hbm>>) dst(%arg15 : memref<128xf32, #tpu.memory_space<vmem>>)
    %add3A_194 = arith.constant 192 : i32
    %add3A_195 = arith.addi %add3A_194, %add3A : i32
    %min3A_196 = arith.constant 2499 : i32
    %min3A_197 = arith.minsi %add3A_195, %min3A_196 : i32
    %mul3A_198 = arith.constant 128 : i32
    %mul3A_199 = arith.muli %min3A_197, %mul3A_198 : i32
    %dma_start3A_200 = arith.constant 0 : i32
    %dma_start3A_201 = tpu.memref_slice %arg3[%dma_start3A_200, %mul3A_199] : memref<2x320000xi32, #tpu.memory_space<hbm>> -> memref<2x128xi32, #tpu.memory_space<hbm>>
    %dma_start3A_202 = arith.constant 0 : i32
    %dma_start3A_203 = tpu.memref_slice %arg3[%dma_start3A_202, %mul3A_199] : memref<2x320000xi32, #tpu.memory_space<hbm>> -> memref<2x128xi32, #tpu.memory_space<hbm>>
    tpu.enqueue_dma source(%dma_start3A_203 : memref<2x128xi32, #tpu.memory_space<hbm>>) target(%arg11 : memref<2x128xi32, #tpu.memory_space<vmem>>) target_semaphore(%arg24 : memref<!tpu.dma_semaphore, #tpu.memory_space<semaphore_mem>>)
    %dma_wait3A_204 = arith.constant 0 : i32
    %dma_wait3A_205 = arith.constant 0 : i32
    %dma_wait3A_206 = tpu.memref_slice %arg3[%dma_wait3A_204, %dma_wait3A_205] : memref<2x320000xi32, #tpu.memory_space<hbm>> -> memref<2x128xi32, #tpu.memory_space<hbm>>
    %dma_wait3A_207 = arith.constant 0 : i32
    %dma_wait3A_208 = arith.constant 0 : i32
    %dma_wait3A_209 = tpu.memref_slice %arg3[%dma_wait3A_207, %dma_wait3A_208] : memref<2x320000xi32, #tpu.memory_space<hbm>> -> memref<2x128xi32, #tpu.memory_space<hbm>>
    tpu.wait_dma2 semaphore(%arg22 : memref<!tpu.dma_semaphore, #tpu.memory_space<semaphore_mem>>) src(%dma_wait3A_209 : memref<2x128xi32, #tpu.memory_space<hbm>>) dst(%arg9 : memref<2x128xi32, #tpu.memory_space<vmem>>)
    %dma_start3A_210 = arith.constant 0 : i32
    %dma_start3A_211 = arith.constant 0 : i32
    %dma_start3A_212 = tpu.memref_slice %arg9[%dma_start3A_210, %dma_start3A_211] : memref<2x128xi32, #tpu.memory_space<vmem>> -> memref<1x128xi32, #tpu.memory_space<vmem>>
    %dma_start3A_213 = tpu.memref_squeeze %dma_start3A_212 : memref<1x128xi32, #tpu.memory_space<vmem>> -> memref<128xi32, #tpu.memory_space<vmem>>
    %dma_start3A_214 = arith.constant 0 : i32
    %dma_start3A_215 = arith.constant 0 : i32
    %dma_start3A_216 = tpu.memref_slice %arg2[%dma_start3A_214, %dma_start3A_215] : memref<10000x128xf32, #tpu.memory_space<hbm>> -> memref<10000x128xf32, #tpu.memory_space<hbm>>
    tpu.enqueue_indirect_dma source(%dma_start3A_216 : memref<10000x128xf32, #tpu.memory_space<hbm>>) target(%arg13 : memref<128x128xf32, #tpu.memory_space<vmem>>) offsets(%dma_start3A_213 : memref<128xi32, #tpu.memory_space<vmem>>) semaphore(%arg18 : memref<!tpu.dma_semaphore, #tpu.memory_space<semaphore_mem>>)
    %scan3A = arith.constant 0 : i32
    %scan3A_217 = arith.constant 1 : i32
    %scan3A_218 = arith.constant 18 : i32
    %scan3A_219 = arith.addi %scan3A_217, %scan3A_218 : i32
    %scan3A_220 = arith.constant 1 : i32
    scf.for %scan3A_350 = %scan3A_217 to %scan3A_219 step %scan3A_220  : i32 {
      %mul3A_351 = arith.constant 4 : i32
      %mul3A_352 = arith.muli %mul3A_351, %scan3A_350 : i32
      %dma_wait3A_353 = arith.constant 0 : i32
      %dma_wait3A_354 = arith.constant 0 : i32
      %dma_wait3A_355 = tpu.memref_slice %arg4[%dma_wait3A_353, %dma_wait3A_354] : memref<10240x128xf32, #tpu.memory_space<hbm>> -> memref<128x128xf32, #tpu.memory_space<hbm>>
      %dma_wait3A_356 = arith.constant 0 : i32
      %dma_wait3A_357 = arith.constant 0 : i32
      %dma_wait3A_358 = tpu.memref_slice %arg4[%dma_wait3A_356, %dma_wait3A_357] : memref<10240x128xf32, #tpu.memory_space<hbm>> -> memref<128x128xf32, #tpu.memory_space<hbm>>
      tpu.wait_dma2 semaphore(%arg18 : memref<!tpu.dma_semaphore, #tpu.memory_space<semaphore_mem>>) src(%dma_wait3A_358 : memref<128x128xf32, #tpu.memory_space<hbm>>) dst(%arg13 : memref<128x128xf32, #tpu.memory_space<vmem>>)
      %dma_start3A_359 = arith.constant 1 : i32
      %dma_start3A_360 = arith.constant 0 : i32
      %dma_start3A_361 = tpu.memref_slice %arg9[%dma_start3A_359, %dma_start3A_360] : memref<2x128xi32, #tpu.memory_space<vmem>> -> memref<1x128xi32, #tpu.memory_space<vmem>>
      %dma_start3A_362 = tpu.memref_squeeze %dma_start3A_361 : memref<1x128xi32, #tpu.memory_space<vmem>> -> memref<128xi32, #tpu.memory_space<vmem>>
      %dma_start3A_363 = arith.constant 0 : i32
      %dma_start3A_364 = arith.constant 0 : i32
      %dma_start3A_365 = tpu.memref_slice %arg16[%dma_start3A_363, %dma_start3A_364] : memref<10240x128xf32, #tpu.memory_space<vmem_shared>> -> memref<10240x128xf32, #tpu.memory_space<vmem_shared>>
      tpu.enqueue_indirect_dma source(%arg13 : memref<128x128xf32, #tpu.memory_space<vmem>>) target(%dma_start3A_365 : memref<10240x128xf32, #tpu.memory_space<vmem_shared>>) offsets(%dma_start3A_362 : memref<128xi32, #tpu.memory_space<vmem>>) semaphore(%arg20 : memref<!tpu.dma_semaphore, #tpu.memory_space<semaphore_mem>>) {add = true}
      %dma_start3A_366 = arith.constant 1 : i32
      %dma_start3A_367 = arith.constant 0 : i32
      %dma_start3A_368 = tpu.memref_slice %arg9[%dma_start3A_366, %dma_start3A_367] : memref<2x128xi32, #tpu.memory_space<vmem>> -> memref<1x128xi32, #tpu.memory_space<vmem>>
      %dma_start3A_369 = tpu.memref_squeeze %dma_start3A_368 : memref<1x128xi32, #tpu.memory_space<vmem>> -> memref<128xi32, #tpu.memory_space<vmem>>
      %dma_start3A_370 = arith.constant 0 : i32
      %dma_start3A_371 = tpu.memref_slice %arg17[%dma_start3A_370] : memref<10240xf32, #tpu.memory_space<vmem_shared>> -> memref<10240xf32, #tpu.memory_space<vmem_shared>>
      tpu.enqueue_indirect_dma source(%arg15 : memref<128xf32, #tpu.memory_space<vmem>>) target(%dma_start3A_371 : memref<10240xf32, #tpu.memory_space<vmem_shared>>) offsets(%dma_start3A_369 : memref<128xi32, #tpu.memory_space<vmem>>) semaphore(%arg20 : memref<!tpu.dma_semaphore, #tpu.memory_space<semaphore_mem>>) {add = true}
      %dma_wait3A_372 = arith.constant 0 : i32
      %dma_wait3A_373 = arith.constant 0 : i32
      %dma_wait3A_374 = tpu.memref_slice %arg4[%dma_wait3A_372, %dma_wait3A_373] : memref<10240x128xf32, #tpu.memory_space<hbm>> -> memref<128x128xf32, #tpu.memory_space<hbm>>
      %dma_wait3A_375 = arith.constant 0 : i32
      %dma_wait3A_376 = arith.constant 0 : i32
      %dma_wait3A_377 = tpu.memref_slice %arg4[%dma_wait3A_375, %dma_wait3A_376] : memref<10240x128xf32, #tpu.memory_space<hbm>> -> memref<128x128xf32, #tpu.memory_space<hbm>>
      tpu.wait_dma2 semaphore(%arg21 : memref<!tpu.dma_semaphore, #tpu.memory_space<semaphore_mem>>) src(%dma_wait3A_377 : memref<128x128xf32, #tpu.memory_space<hbm>>) dst(%arg14 : memref<128x128xf32, #tpu.memory_space<vmem>>)
      tpu.wait_dma2 semaphore(%arg21 : memref<!tpu.dma_semaphore, #tpu.memory_space<semaphore_mem>>) src(%arg6 : memref<128xf32, #tpu.memory_space<hbm>>) dst(%arg15 : memref<128xf32, #tpu.memory_space<vmem>>)
      %add3A_378 = arith.constant 3 : i32
      %add3A_379 = arith.addi %mul3A_352, %add3A_378 : i32
      %mul3A_380 = arith.constant 32 : i32
      %mul3A_381 = arith.muli %add3A_379, %mul3A_380 : i32
      %add3A_382 = arith.addi %mul3A_381, %add3A : i32
      %min3A_383 = arith.constant 2499 : i32
      %min3A_384 = arith.minsi %add3A_382, %min3A_383 : i32
      %mul3A_385 = arith.constant 128 : i32
      %mul3A_386 = arith.muli %min3A_384, %mul3A_385 : i32
      %dma_start3A_387 = arith.constant 0 : i32
      %dma_start3A_388 = tpu.memref_slice %arg3[%dma_start3A_387, %mul3A_386] : memref<2x320000xi32, #tpu.memory_space<hbm>> -> memref<2x128xi32, #tpu.memory_space<hbm>>
      %dma_start3A_389 = arith.constant 0 : i32
      %dma_start3A_390 = tpu.memref_slice %arg3[%dma_start3A_389, %mul3A_386] : memref<2x320000xi32, #tpu.memory_space<hbm>> -> memref<2x128xi32, #tpu.memory_space<hbm>>
      tpu.enqueue_dma source(%dma_start3A_390 : memref<2x128xi32, #tpu.memory_space<hbm>>) target(%arg12 : memref<2x128xi32, #tpu.memory_space<vmem>>) target_semaphore(%arg25 : memref<!tpu.dma_semaphore, #tpu.memory_space<semaphore_mem>>)
      %dma_wait3A_391 = arith.constant 0 : i32
      %dma_wait3A_392 = arith.constant 0 : i32
      %dma_wait3A_393 = tpu.memref_slice %arg3[%dma_wait3A_391, %dma_wait3A_392] : memref<2x320000xi32, #tpu.memory_space<hbm>> -> memref<2x128xi32, #tpu.memory_space<hbm>>
      %dma_wait3A_394 = arith.constant 0 : i32
      %dma_wait3A_395 = arith.constant 0 : i32
      %dma_wait3A_396 = tpu.memref_slice %arg3[%dma_wait3A_394, %dma_wait3A_395] : memref<2x320000xi32, #tpu.memory_space<hbm>> -> memref<2x128xi32, #tpu.memory_space<hbm>>
      tpu.wait_dma2 semaphore(%arg23 : memref<!tpu.dma_semaphore, #tpu.memory_space<semaphore_mem>>) src(%dma_wait3A_396 : memref<2x128xi32, #tpu.memory_space<hbm>>) dst(%arg10 : memref<2x128xi32, #tpu.memory_space<vmem>>)
      %dma_start3A_397 = arith.constant 0 : i32
      %dma_start3A_398 = arith.constant 0 : i32
      %dma_start3A_399 = tpu.memref_slice %arg10[%dma_start3A_397, %dma_start3A_398] : memref<2x128xi32, #tpu.memory_space<vmem>> -> memref<1x128xi32, #tpu.memory_space<vmem>>
      %dma_start3A_400 = tpu.memref_squeeze %dma_start3A_399 : memref<1x128xi32, #tpu.memory_space<vmem>> -> memref<128xi32, #tpu.memory_space<vmem>>
      %dma_start3A_401 = arith.constant 0 : i32
      %dma_start3A_402 = arith.constant 0 : i32
      %dma_start3A_403 = tpu.memref_slice %arg2[%dma_start3A_401, %dma_start3A_402] : memref<10000x128xf32, #tpu.memory_space<hbm>> -> memref<10000x128xf32, #tpu.memory_space<hbm>>
      tpu.enqueue_indirect_dma source(%dma_start3A_403 : memref<10000x128xf32, #tpu.memory_space<hbm>>) target(%arg14 : memref<128x128xf32, #tpu.memory_space<vmem>>) offsets(%dma_start3A_400 : memref<128xi32, #tpu.memory_space<vmem>>) semaphore(%arg19 : memref<!tpu.dma_semaphore, #tpu.memory_space<semaphore_mem>>)
      %add3A_404 = arith.constant 1 : i32
      %add3A_405 = arith.addi %mul3A_352, %add3A_404 : i32
      %dma_wait3A_406 = arith.constant 0 : i32
      %dma_wait3A_407 = arith.constant 0 : i32
      %dma_wait3A_408 = tpu.memref_slice %arg4[%dma_wait3A_406, %dma_wait3A_407] : memref<10240x128xf32, #tpu.memory_space<hbm>> -> memref<128x128xf32, #tpu.memory_space<hbm>>
      %dma_wait3A_409 = arith.constant 0 : i32
      %dma_wait3A_410 = arith.constant 0 : i32
      %dma_wait3A_411 = tpu.memref_slice %arg4[%dma_wait3A_409, %dma_wait3A_410] : memref<10240x128xf32, #tpu.memory_space<hbm>> -> memref<128x128xf32, #tpu.memory_space<hbm>>
      tpu.wait_dma2 semaphore(%arg19 : memref<!tpu.dma_semaphore, #tpu.memory_space<semaphore_mem>>) src(%dma_wait3A_411 : memref<128x128xf32, #tpu.memory_space<hbm>>) dst(%arg14 : memref<128x128xf32, #tpu.memory_space<vmem>>)
      %dma_start3A_412 = arith.constant 1 : i32
      %dma_start3A_413 = arith.constant 0 : i32
      %dma_start3A_414 = tpu.memref_slice %arg10[%dma_start3A_412, %dma_start3A_413] : memref<2x128xi32, #tpu.memory_space<vmem>> -> memref<1x128xi32, #tpu.memory_space<vmem>>
      %dma_start3A_415 = tpu.memref_squeeze %dma_start3A_414 : memref<1x128xi32, #tpu.memory_space<vmem>> -> memref<128xi32, #tpu.memory_space<vmem>>
      %dma_start3A_416 = arith.constant 0 : i32
      %dma_start3A_417 = arith.constant 0 : i32
      %dma_start3A_418 = tpu.memref_slice %arg16[%dma_start3A_416, %dma_start3A_417] : memref<10240x128xf32, #tpu.memory_space<vmem_shared>> -> memref<10240x128xf32, #tpu.memory_space<vmem_shared>>
      tpu.enqueue_indirect_dma source(%arg14 : memref<128x128xf32, #tpu.memory_space<vmem>>) target(%dma_start3A_418 : memref<10240x128xf32, #tpu.memory_space<vmem_shared>>) offsets(%dma_start3A_415 : memref<128xi32, #tpu.memory_space<vmem>>) semaphore(%arg21 : memref<!tpu.dma_semaphore, #tpu.memory_space<semaphore_mem>>) {add = true}
      %dma_start3A_419 = arith.constant 1 : i32
      %dma_start3A_420 = arith.constant 0 : i32
      %dma_start3A_421 = tpu.memref_slice %arg10[%dma_start3A_419, %dma_start3A_420] : memref<2x128xi32, #tpu.memory_space<vmem>> -> memref<1x128xi32, #tpu.memory_space<vmem>>
      %dma_start3A_422 = tpu.memref_squeeze %dma_start3A_421 : memref<1x128xi32, #tpu.memory_space<vmem>> -> memref<128xi32, #tpu.memory_space<vmem>>
      %dma_start3A_423 = arith.constant 0 : i32
      %dma_start3A_424 = tpu.memref_slice %arg17[%dma_start3A_423] : memref<10240xf32, #tpu.memory_space<vmem_shared>> -> memref<10240xf32, #tpu.memory_space<vmem_shared>>
      tpu.enqueue_indirect_dma source(%arg15 : memref<128xf32, #tpu.memory_space<vmem>>) target(%dma_start3A_424 : memref<10240xf32, #tpu.memory_space<vmem_shared>>) offsets(%dma_start3A_422 : memref<128xi32, #tpu.memory_space<vmem>>) semaphore(%arg21 : memref<!tpu.dma_semaphore, #tpu.memory_space<semaphore_mem>>) {add = true}
      %dma_wait3A_425 = arith.constant 0 : i32
      %dma_wait3A_426 = arith.constant 0 : i32
      %dma_wait3A_427 = tpu.memref_slice %arg4[%dma_wait3A_425, %dma_wait3A_426] : memref<10240x128xf32, #tpu.memory_space<hbm>> -> memref<128x128xf32, #tpu.memory_space<hbm>>
      %dma_wait3A_428 = arith.constant 0 : i32
      %dma_wait3A_429 = arith.constant 0 : i32
      %dma_wait3A_430 = tpu.memref_slice %arg4[%dma_wait3A_428, %dma_wait3A_429] : memref<10240x128xf32, #tpu.memory_space<hbm>> -> memref<128x128xf32, #tpu.memory_space<hbm>>
      tpu.wait_dma2 semaphore(%arg20 : memref<!tpu.dma_semaphore, #tpu.memory_space<semaphore_mem>>) src(%dma_wait3A_430 : memref<128x128xf32, #tpu.memory_space<hbm>>) dst(%arg13 : memref<128x128xf32, #tpu.memory_space<vmem>>)
      tpu.wait_dma2 semaphore(%arg20 : memref<!tpu.dma_semaphore, #tpu.memory_space<semaphore_mem>>) src(%arg6 : memref<128xf32, #tpu.memory_space<hbm>>) dst(%arg15 : memref<128xf32, #tpu.memory_space<vmem>>)
      %add3A_431 = arith.constant 3 : i32
      %add3A_432 = arith.addi %add3A_405, %add3A_431 : i32
      %mul3A_433 = arith.constant 32 : i32
      %mul3A_434 = arith.muli %add3A_432, %mul3A_433 : i32
      %add3A_435 = arith.addi %mul3A_434, %add3A : i32
      %min3A_436 = arith.constant 2499 : i32
      %min3A_437 = arith.minsi %add3A_435, %min3A_436 : i32
      %mul3A_438 = arith.constant 128 : i32
      %mul3A_439 = arith.muli %min3A_437, %mul3A_438 : i32
      %dma_start3A_440 = arith.constant 0 : i32
      %dma_start3A_441 = tpu.memref_slice %arg3[%dma_start3A_440, %mul3A_439] : memref<2x320000xi32, #tpu.memory_space<hbm>> -> memref<2x128xi32, #tpu.memory_space<hbm>>
      %dma_start3A_442 = arith.constant 0 : i32
      %dma_start3A_443 = tpu.memref_slice %arg3[%dma_start3A_442, %mul3A_439] : memref<2x320000xi32, #tpu.memory_space<hbm>> -> memref<2x128xi32, #tpu.memory_space<hbm>>
      tpu.enqueue_dma source(%dma_start3A_443 : memref<2x128xi32, #tpu.memory_space<hbm>>) target(%arg9 : memref<2x128xi32, #tpu.memory_space<vmem>>) target_semaphore(%arg22 : memref<!tpu.dma_semaphore, #tpu.memory_space<semaphore_mem>>)
      %dma_wait3A_444 = arith.constant 0 : i32
      %dma_wait3A_445 = arith.constant 0 : i32
      %dma_wait3A_446 = tpu.memref_slice %arg3[%dma_wait3A_444, %dma_wait3A_445] : memref<2x320000xi32, #tpu.memory_space<hbm>> -> memref<2x128xi32, #tpu.memory_space<hbm>>
      %dma_wait3A_447 = arith.constant 0 : i32
      %dma_wait3A_448 = arith.constant 0 : i32
      %dma_wait3A_449 = tpu.memref_slice %arg3[%dma_wait3A_447, %dma_wait3A_448] : memref<2x320000xi32, #tpu.memory_space<hbm>> -> memref<2x128xi32, #tpu.memory_space<hbm>>
      tpu.wait_dma2 semaphore(%arg24 : memref<!tpu.dma_semaphore, #tpu.memory_space<semaphore_mem>>) src(%dma_wait3A_449 : memref<2x128xi32, #tpu.memory_space<hbm>>) dst(%arg11 : memref<2x128xi32, #tpu.memory_space<vmem>>)
      %dma_start3A_450 = arith.constant 0 : i32
      %dma_start3A_451 = arith.constant 0 : i32
      %dma_start3A_452 = tpu.memref_slice %arg11[%dma_start3A_450, %dma_start3A_451] : memref<2x128xi32, #tpu.memory_space<vmem>> -> memref<1x128xi32, #tpu.memory_space<vmem>>
      %dma_start3A_453 = tpu.memref_squeeze %dma_start3A_452 : memref<1x128xi32, #tpu.memory_space<vmem>> -> memref<128xi32, #tpu.memory_space<vmem>>
      %dma_start3A_454 = arith.constant 0 : i32
      %dma_start3A_455 = arith.constant 0 : i32
      %dma_start3A_456 = tpu.memref_slice %arg2[%dma_start3A_454, %dma_start3A_455] : memref<10000x128xf32, #tpu.memory_space<hbm>> -> memref<10000x128xf32, #tpu.memory_space<hbm>>
      tpu.enqueue_indirect_dma source(%dma_start3A_456 : memref<10000x128xf32, #tpu.memory_space<hbm>>) target(%arg13 : memref<128x128xf32, #tpu.memory_space<vmem>>) offsets(%dma_start3A_453 : memref<128xi32, #tpu.memory_space<vmem>>) semaphore(%arg18 : memref<!tpu.dma_semaphore, #tpu.memory_space<semaphore_mem>>)
      %add3A_457 = arith.constant 2 : i32
      %add3A_458 = arith.addi %mul3A_352, %add3A_457 : i32
      %dma_wait3A_459 = arith.constant 0 : i32
      %dma_wait3A_460 = arith.constant 0 : i32
      %dma_wait3A_461 = tpu.memref_slice %arg4[%dma_wait3A_459, %dma_wait3A_460] : memref<10240x128xf32, #tpu.memory_space<hbm>> -> memref<128x128xf32, #tpu.memory_space<hbm>>
      %dma_wait3A_462 = arith.constant 0 : i32
      %dma_wait3A_463 = arith.constant 0 : i32
      %dma_wait3A_464 = tpu.memref_slice %arg4[%dma_wait3A_462, %dma_wait3A_463] : memref<10240x128xf32, #tpu.memory_space<hbm>> -> memref<128x128xf32, #tpu.memory_space<hbm>>
      tpu.wait_dma2 semaphore(%arg18 : memref<!tpu.dma_semaphore, #tpu.memory_space<semaphore_mem>>) src(%dma_wait3A_464 : memref<128x128xf32, #tpu.memory_space<hbm>>) dst(%arg13 : memref<128x128xf32, #tpu.memory_space<vmem>>)
      %dma_start3A_465 = arith.constant 1 : i32
      %dma_start3A_466 = arith.constant 0 : i32
      %dma_start3A_467 = tpu.memref_slice %arg11[%dma_start3A_465, %dma_start3A_466] : memref<2x128xi32, #tpu.memory_space<vmem>> -> memref<1x128xi32, #tpu.memory_space<vmem>>
      %dma_start3A_468 = tpu.memref_squeeze %dma_start3A_467 : memref<1x128xi32, #tpu.memory_space<vmem>> -> memref<128xi32, #tpu.memory_space<vmem>>
      %dma_start3A_469 = arith.constant 0 : i32
      %dma_start3A_470 = arith.constant 0 : i32
      %dma_start3A_471 = tpu.memref_slice %arg16[%dma_start3A_469, %dma_start3A_470] : memref<10240x128xf32, #tpu.memory_space<vmem_shared>> -> memref<10240x128xf32, #tpu.memory_space<vmem_shared>>
      tpu.enqueue_indirect_dma source(%arg13 : memref<128x128xf32, #tpu.memory_space<vmem>>) target(%dma_start3A_471 : memref<10240x128xf32, #tpu.memory_space<vmem_shared>>) offsets(%dma_start3A_468 : memref<128xi32, #tpu.memory_space<vmem>>) semaphore(%arg20 : memref<!tpu.dma_semaphore, #tpu.memory_space<semaphore_mem>>) {add = true}
      %dma_start3A_472 = arith.constant 1 : i32
      %dma_start3A_473 = arith.constant 0 : i32
      %dma_start3A_474 = tpu.memref_slice %arg11[%dma_start3A_472, %dma_start3A_473] : memref<2x128xi32, #tpu.memory_space<vmem>> -> memref<1x128xi32, #tpu.memory_space<vmem>>
      %dma_start3A_475 = tpu.memref_squeeze %dma_start3A_474 : memref<1x128xi32, #tpu.memory_space<vmem>> -> memref<128xi32, #tpu.memory_space<vmem>>
      %dma_start3A_476 = arith.constant 0 : i32
      %dma_start3A_477 = tpu.memref_slice %arg17[%dma_start3A_476] : memref<10240xf32, #tpu.memory_space<vmem_shared>> -> memref<10240xf32, #tpu.memory_space<vmem_shared>>
      tpu.enqueue_indirect_dma source(%arg15 : memref<128xf32, #tpu.memory_space<vmem>>) target(%dma_start3A_477 : memref<10240xf32, #tpu.memory_space<vmem_shared>>) offsets(%dma_start3A_475 : memref<128xi32, #tpu.memory_space<vmem>>) semaphore(%arg20 : memref<!tpu.dma_semaphore, #tpu.memory_space<semaphore_mem>>) {add = true}
      %dma_wait3A_478 = arith.constant 0 : i32
      %dma_wait3A_479 = arith.constant 0 : i32
      %dma_wait3A_480 = tpu.memref_slice %arg4[%dma_wait3A_478, %dma_wait3A_479] : memref<10240x128xf32, #tpu.memory_space<hbm>> -> memref<128x128xf32, #tpu.memory_space<hbm>>
      %dma_wait3A_481 = arith.constant 0 : i32
      %dma_wait3A_482 = arith.constant 0 : i32
      %dma_wait3A_483 = tpu.memref_slice %arg4[%dma_wait3A_481, %dma_wait3A_482] : memref<10240x128xf32, #tpu.memory_space<hbm>> -> memref<128x128xf32, #tpu.memory_space<hbm>>
      tpu.wait_dma2 semaphore(%arg21 : memref<!tpu.dma_semaphore, #tpu.memory_space<semaphore_mem>>) src(%dma_wait3A_483 : memref<128x128xf32, #tpu.memory_space<hbm>>) dst(%arg14 : memref<128x128xf32, #tpu.memory_space<vmem>>)
      tpu.wait_dma2 semaphore(%arg21 : memref<!tpu.dma_semaphore, #tpu.memory_space<semaphore_mem>>) src(%arg6 : memref<128xf32, #tpu.memory_space<hbm>>) dst(%arg15 : memref<128xf32, #tpu.memory_space<vmem>>)
      %add3A_484 = arith.constant 3 : i32
      %add3A_485 = arith.addi %add3A_458, %add3A_484 : i32
      %mul3A_486 = arith.constant 32 : i32
      %mul3A_487 = arith.muli %add3A_485, %mul3A_486 : i32
      %add3A_488 = arith.addi %mul3A_487, %add3A : i32
      %min3A_489 = arith.constant 2499 : i32
      %min3A_490 = arith.minsi %add3A_488, %min3A_489 : i32
      %mul3A_491 = arith.constant 128 : i32
      %mul3A_492 = arith.muli %min3A_490, %mul3A_491 : i32
      %dma_start3A_493 = arith.constant 0 : i32
      %dma_start3A_494 = tpu.memref_slice %arg3[%dma_start3A_493, %mul3A_492] : memref<2x320000xi32, #tpu.memory_space<hbm>> -> memref<2x128xi32, #tpu.memory_space<hbm>>
      %dma_start3A_495 = arith.constant 0 : i32
      %dma_start3A_496 = tpu.memref_slice %arg3[%dma_start3A_495, %mul3A_492] : memref<2x320000xi32, #tpu.memory_space<hbm>> -> memref<2x128xi32, #tpu.memory_space<hbm>>
      tpu.enqueue_dma source(%dma_start3A_496 : memref<2x128xi32, #tpu.memory_space<hbm>>) target(%arg10 : memref<2x128xi32, #tpu.memory_space<vmem>>) target_semaphore(%arg23 : memref<!tpu.dma_semaphore, #tpu.memory_space<semaphore_mem>>)
      %dma_wait3A_497 = arith.constant 0 : i32
      %dma_wait3A_498 = arith.constant 0 : i32
      %dma_wait3A_499 = tpu.memref_slice %arg3[%dma_wait3A_497, %dma_wait3A_498] : memref<2x320000xi32, #tpu.memory_space<hbm>> -> memref<2x128xi32, #tpu.memory_space<hbm>>
      %dma_wait3A_500 = arith.constant 0 : i32
      %dma_wait3A_501 = arith.constant 0 : i32
      %dma_wait3A_502 = tpu.memref_slice %arg3[%dma_wait3A_500, %dma_wait3A_501] : memref<2x320000xi32, #tpu.memory_space<hbm>> -> memref<2x128xi32, #tpu.memory_space<hbm>>
      tpu.wait_dma2 semaphore(%arg25 : memref<!tpu.dma_semaphore, #tpu.memory_space<semaphore_mem>>) src(%dma_wait3A_502 : memref<2x128xi32, #tpu.memory_space<hbm>>) dst(%arg12 : memref<2x128xi32, #tpu.memory_space<vmem>>)
      %dma_start3A_503 = arith.constant 0 : i32
      %dma_start3A_504 = arith.constant 0 : i32
      %dma_start3A_505 = tpu.memref_slice %arg12[%dma_start3A_503, %dma_start3A_504] : memref<2x128xi32, #tpu.memory_space<vmem>> -> memref<1x128xi32, #tpu.memory_space<vmem>>
      %dma_start3A_506 = tpu.memref_squeeze %dma_start3A_505 : memref<1x128xi32, #tpu.memory_space<vmem>> -> memref<128xi32, #tpu.memory_space<vmem>>
      %dma_start3A_507 = arith.constant 0 : i32
      %dma_start3A_508 = arith.constant 0 : i32
      %dma_start3A_509 = tpu.memref_slice %arg2[%dma_start3A_507, %dma_start3A_508] : memref<10000x128xf32, #tpu.memory_space<hbm>> -> memref<10000x128xf32, #tpu.memory_space<hbm>>
      tpu.enqueue_indirect_dma source(%dma_start3A_509 : memref<10000x128xf32, #tpu.memory_space<hbm>>) target(%arg14 : memref<128x128xf32, #tpu.memory_space<vmem>>) offsets(%dma_start3A_506 : memref<128xi32, #tpu.memory_space<vmem>>) semaphore(%arg19 : memref<!tpu.dma_semaphore, #tpu.memory_space<semaphore_mem>>)
      %add3A_510 = arith.constant 3 : i32
      %add3A_511 = arith.addi %mul3A_352, %add3A_510 : i32
      %dma_wait3A_512 = arith.constant 0 : i32
      %dma_wait3A_513 = arith.constant 0 : i32
      %dma_wait3A_514 = tpu.memref_slice %arg4[%dma_wait3A_512, %dma_wait3A_513] : memref<10240x128xf32, #tpu.memory_space<hbm>> -> memref<128x128xf32, #tpu.memory_space<hbm>>
      %dma_wait3A_515 = arith.constant 0 : i32
      %dma_wait3A_516 = arith.constant 0 : i32
      %dma_wait3A_517 = tpu.memref_slice %arg4[%dma_wait3A_515, %dma_wait3A_516] : memref<10240x128xf32, #tpu.memory_space<hbm>> -> memref<128x128xf32, #tpu.memory_space<hbm>>
      tpu.wait_dma2 semaphore(%arg19 : memref<!tpu.dma_semaphore, #tpu.memory_space<semaphore_mem>>) src(%dma_wait3A_517 : memref<128x128xf32, #tpu.memory_space<hbm>>) dst(%arg14 : memref<128x128xf32, #tpu.memory_space<vmem>>)
      %dma_start3A_518 = arith.constant 1 : i32
      %dma_start3A_519 = arith.constant 0 : i32
      %dma_start3A_520 = tpu.memref_slice %arg12[%dma_start3A_518, %dma_start3A_519] : memref<2x128xi32, #tpu.memory_space<vmem>> -> memref<1x128xi32, #tpu.memory_space<vmem>>
      %dma_start3A_521 = tpu.memref_squeeze %dma_start3A_520 : memref<1x128xi32, #tpu.memory_space<vmem>> -> memref<128xi32, #tpu.memory_space<vmem>>
      %dma_start3A_522 = arith.constant 0 : i32
      %dma_start3A_523 = arith.constant 0 : i32
      %dma_start3A_524 = tpu.memref_slice %arg16[%dma_start3A_522, %dma_start3A_523] : memref<10240x128xf32, #tpu.memory_space<vmem_shared>> -> memref<10240x128xf32, #tpu.memory_space<vmem_shared>>
      tpu.enqueue_indirect_dma source(%arg14 : memref<128x128xf32, #tpu.memory_space<vmem>>) target(%dma_start3A_524 : memref<10240x128xf32, #tpu.memory_space<vmem_shared>>) offsets(%dma_start3A_521 : memref<128xi32, #tpu.memory_space<vmem>>) semaphore(%arg21 : memref<!tpu.dma_semaphore, #tpu.memory_space<semaphore_mem>>) {add = true}
      %dma_start3A_525 = arith.constant 1 : i32
      %dma_start3A_526 = arith.constant 0 : i32
      %dma_start3A_527 = tpu.memref_slice %arg12[%dma_start3A_525, %dma_start3A_526] : memref<2x128xi32, #tpu.memory_space<vmem>> -> memref<1x128xi32, #tpu.memory_space<vmem>>
      %dma_start3A_528 = tpu.memref_squeeze %dma_start3A_527 : memref<1x128xi32, #tpu.memory_space<vmem>> -> memref<128xi32, #tpu.memory_space<vmem>>
      %dma_start3A_529 = arith.constant 0 : i32
      %dma_start3A_530 = tpu.memref_slice %arg17[%dma_start3A_529] : memref<10240xf32, #tpu.memory_space<vmem_shared>> -> memref<10240xf32, #tpu.memory_space<vmem_shared>>
      tpu.enqueue_indirect_dma source(%arg15 : memref<128xf32, #tpu.memory_space<vmem>>) target(%dma_start3A_530 : memref<10240xf32, #tpu.memory_space<vmem_shared>>) offsets(%dma_start3A_528 : memref<128xi32, #tpu.memory_space<vmem>>) semaphore(%arg21 : memref<!tpu.dma_semaphore, #tpu.memory_space<semaphore_mem>>) {add = true}
      %dma_wait3A_531 = arith.constant 0 : i32
      %dma_wait3A_532 = arith.constant 0 : i32
      %dma_wait3A_533 = tpu.memref_slice %arg4[%dma_wait3A_531, %dma_wait3A_532] : memref<10240x128xf32, #tpu.memory_space<hbm>> -> memref<128x128xf32, #tpu.memory_space<hbm>>
      %dma_wait3A_534 = arith.constant 0 : i32
      %dma_wait3A_535 = arith.constant 0 : i32
      %dma_wait3A_536 = tpu.memref_slice %arg4[%dma_wait3A_534, %dma_wait3A_535] : memref<10240x128xf32, #tpu.memory_space<hbm>> -> memref<128x128xf32, #tpu.memory_space<hbm>>
      tpu.wait_dma2 semaphore(%arg20 : memref<!tpu.dma_semaphore, #tpu.memory_space<semaphore_mem>>) src(%dma_wait3A_536 : memref<128x128xf32, #tpu.memory_space<hbm>>) dst(%arg13 : memref<128x128xf32, #tpu.memory_space<vmem>>)
      tpu.wait_dma2 semaphore(%arg20 : memref<!tpu.dma_semaphore, #tpu.memory_space<semaphore_mem>>) src(%arg6 : memref<128xf32, #tpu.memory_space<hbm>>) dst(%arg15 : memref<128xf32, #tpu.memory_space<vmem>>)
      %add3A_537 = arith.constant 3 : i32
      %add3A_538 = arith.addi %add3A_511, %add3A_537 : i32
      %mul3A_539 = arith.constant 32 : i32
      %mul3A_540 = arith.muli %add3A_538, %mul3A_539 : i32
      %add3A_541 = arith.addi %mul3A_540, %add3A : i32
      %min3A_542 = arith.constant 2499 : i32
      %min3A_543 = arith.minsi %add3A_541, %min3A_542 : i32
      %mul3A_544 = arith.constant 128 : i32
      %mul3A_545 = arith.muli %min3A_543, %mul3A_544 : i32
      %dma_start3A_546 = arith.constant 0 : i32
      %dma_start3A_547 = tpu.memref_slice %arg3[%dma_start3A_546, %mul3A_545] : memref<2x320000xi32, #tpu.memory_space<hbm>> -> memref<2x128xi32, #tpu.memory_space<hbm>>
      %dma_start3A_548 = arith.constant 0 : i32
      %dma_start3A_549 = tpu.memref_slice %arg3[%dma_start3A_548, %mul3A_545] : memref<2x320000xi32, #tpu.memory_space<hbm>> -> memref<2x128xi32, #tpu.memory_space<hbm>>
      tpu.enqueue_dma source(%dma_start3A_549 : memref<2x128xi32, #tpu.memory_space<hbm>>) target(%arg11 : memref<2x128xi32, #tpu.memory_space<vmem>>) target_semaphore(%arg24 : memref<!tpu.dma_semaphore, #tpu.memory_space<semaphore_mem>>)
      %dma_wait3A_550 = arith.constant 0 : i32
      %dma_wait3A_551 = arith.constant 0 : i32
      %dma_wait3A_552 = tpu.memref_slice %arg3[%dma_wait3A_550, %dma_wait3A_551] : memref<2x320000xi32, #tpu.memory_space<hbm>> -> memref<2x128xi32, #tpu.memory_space<hbm>>
      %dma_wait3A_553 = arith.constant 0 : i32
      %dma_wait3A_554 = arith.constant 0 : i32
      %dma_wait3A_555 = tpu.memref_slice %arg3[%dma_wait3A_553, %dma_wait3A_554] : memref<2x320000xi32, #tpu.memory_space<hbm>> -> memref<2x128xi32, #tpu.memory_space<hbm>>
      tpu.wait_dma2 semaphore(%arg22 : memref<!tpu.dma_semaphore, #tpu.memory_space<semaphore_mem>>) src(%dma_wait3A_555 : memref<2x128xi32, #tpu.memory_space<hbm>>) dst(%arg9 : memref<2x128xi32, #tpu.memory_space<vmem>>)
      %dma_start3A_556 = arith.constant 0 : i32
      %dma_start3A_557 = arith.constant 0 : i32
      %dma_start3A_558 = tpu.memref_slice %arg9[%dma_start3A_556, %dma_start3A_557] : memref<2x128xi32, #tpu.memory_space<vmem>> -> memref<1x128xi32, #tpu.memory_space<vmem>>
      %dma_start3A_559 = tpu.memref_squeeze %dma_start3A_558 : memref<1x128xi32, #tpu.memory_space<vmem>> -> memref<128xi32, #tpu.memory_space<vmem>>
      %dma_start3A_560 = arith.constant 0 : i32
      %dma_start3A_561 = arith.constant 0 : i32
      %dma_start3A_562 = tpu.memref_slice %arg2[%dma_start3A_560, %dma_start3A_561] : memref<10000x128xf32, #tpu.memory_space<hbm>> -> memref<10000x128xf32, #tpu.memory_space<hbm>>
      tpu.enqueue_indirect_dma source(%dma_start3A_562 : memref<10000x128xf32, #tpu.memory_space<hbm>>) target(%arg13 : memref<128x128xf32, #tpu.memory_space<vmem>>) offsets(%dma_start3A_559 : memref<128xi32, #tpu.memory_space<vmem>>) semaphore(%arg18 : memref<!tpu.dma_semaphore, #tpu.memory_space<semaphore_mem>>)
    }
    %scan3A_221 = arith.constant 18 : i32
    %dma_wait3A_222 = arith.constant 0 : i32
    %dma_wait3A_223 = arith.constant 0 : i32
    %dma_wait3A_224 = tpu.memref_slice %arg4[%dma_wait3A_222, %dma_wait3A_223] : memref<10240x128xf32, #tpu.memory_space<hbm>> -> memref<128x128xf32, #tpu.memory_space<hbm>>
    %dma_wait3A_225 = arith.constant 0 : i32
    %dma_wait3A_226 = arith.constant 0 : i32
    %dma_wait3A_227 = tpu.memref_slice %arg4[%dma_wait3A_225, %dma_wait3A_226] : memref<10240x128xf32, #tpu.memory_space<hbm>> -> memref<128x128xf32, #tpu.memory_space<hbm>>
    tpu.wait_dma2 semaphore(%arg18 : memref<!tpu.dma_semaphore, #tpu.memory_space<semaphore_mem>>) src(%dma_wait3A_227 : memref<128x128xf32, #tpu.memory_space<hbm>>) dst(%arg13 : memref<128x128xf32, #tpu.memory_space<vmem>>)
    %dma_start3A_228 = arith.constant 1 : i32
    %dma_start3A_229 = arith.constant 0 : i32
    %dma_start3A_230 = tpu.memref_slice %arg9[%dma_start3A_228, %dma_start3A_229] : memref<2x128xi32, #tpu.memory_space<vmem>> -> memref<1x128xi32, #tpu.memory_space<vmem>>
    %dma_start3A_231 = tpu.memref_squeeze %dma_start3A_230 : memref<1x128xi32, #tpu.memory_space<vmem>> -> memref<128xi32, #tpu.memory_space<vmem>>
    %dma_start3A_232 = arith.constant 0 : i32
    %dma_start3A_233 = arith.constant 0 : i32
    %dma_start3A_234 = tpu.memref_slice %arg16[%dma_start3A_232, %dma_start3A_233] : memref<10240x128xf32, #tpu.memory_space<vmem_shared>> -> memref<10240x128xf32, #tpu.memory_space<vmem_shared>>
    tpu.enqueue_indirect_dma source(%arg13 : memref<128x128xf32, #tpu.memory_space<vmem>>) target(%dma_start3A_234 : memref<10240x128xf32, #tpu.memory_space<vmem_shared>>) offsets(%dma_start3A_231 : memref<128xi32, #tpu.memory_space<vmem>>) semaphore(%arg20 : memref<!tpu.dma_semaphore, #tpu.memory_space<semaphore_mem>>) {add = true}
    %dma_start3A_235 = arith.constant 1 : i32
    %dma_start3A_236 = arith.constant 0 : i32
    %dma_start3A_237 = tpu.memref_slice %arg9[%dma_start3A_235, %dma_start3A_236] : memref<2x128xi32, #tpu.memory_space<vmem>> -> memref<1x128xi32, #tpu.memory_space<vmem>>
    %dma_start3A_238 = tpu.memref_squeeze %dma_start3A_237 : memref<1x128xi32, #tpu.memory_space<vmem>> -> memref<128xi32, #tpu.memory_space<vmem>>
    %dma_start3A_239 = arith.constant 0 : i32
    %dma_start3A_240 = tpu.memref_slice %arg17[%dma_start3A_239] : memref<10240xf32, #tpu.memory_space<vmem_shared>> -> memref<10240xf32, #tpu.memory_space<vmem_shared>>
    tpu.enqueue_indirect_dma source(%arg15 : memref<128xf32, #tpu.memory_space<vmem>>) target(%dma_start3A_240 : memref<10240xf32, #tpu.memory_space<vmem_shared>>) offsets(%dma_start3A_238 : memref<128xi32, #tpu.memory_space<vmem>>) semaphore(%arg20 : memref<!tpu.dma_semaphore, #tpu.memory_space<semaphore_mem>>) {add = true}
    %dma_wait3A_241 = arith.constant 0 : i32
    %dma_wait3A_242 = arith.constant 0 : i32
    %dma_wait3A_243 = tpu.memref_slice %arg4[%dma_wait3A_241, %dma_wait3A_242] : memref<10240x128xf32, #tpu.memory_space<hbm>> -> memref<128x128xf32, #tpu.memory_space<hbm>>
    %dma_wait3A_244 = arith.constant 0 : i32
    %dma_wait3A_245 = arith.constant 0 : i32
    %dma_wait3A_246 = tpu.memref_slice %arg4[%dma_wait3A_244, %dma_wait3A_245] : memref<10240x128xf32, #tpu.memory_space<hbm>> -> memref<128x128xf32, #tpu.memory_space<hbm>>
    tpu.wait_dma2 semaphore(%arg21 : memref<!tpu.dma_semaphore, #tpu.memory_space<semaphore_mem>>) src(%dma_wait3A_246 : memref<128x128xf32, #tpu.memory_space<hbm>>) dst(%arg14 : memref<128x128xf32, #tpu.memory_space<vmem>>)
    tpu.wait_dma2 semaphore(%arg21 : memref<!tpu.dma_semaphore, #tpu.memory_space<semaphore_mem>>) src(%arg6 : memref<128xf32, #tpu.memory_space<hbm>>) dst(%arg15 : memref<128xf32, #tpu.memory_space<vmem>>)
    %add3A_247 = arith.constant 2528 : i32
    %add3A_248 = arith.addi %add3A_247, %add3A : i32
    %min3A_249 = arith.constant 2499 : i32
    %min3A_250 = arith.minsi %add3A_248, %min3A_249 : i32
    %mul3A_251 = arith.constant 128 : i32
    %mul3A_252 = arith.muli %min3A_250, %mul3A_251 : i32
    %dma_start3A_253 = arith.constant 0 : i32
    %dma_start3A_254 = tpu.memref_slice %arg3[%dma_start3A_253, %mul3A_252] : memref<2x320000xi32, #tpu.memory_space<hbm>> -> memref<2x128xi32, #tpu.memory_space<hbm>>
    %dma_start3A_255 = arith.constant 0 : i32
    %dma_start3A_256 = tpu.memref_slice %arg3[%dma_start3A_255, %mul3A_252] : memref<2x320000xi32, #tpu.memory_space<hbm>> -> memref<2x128xi32, #tpu.memory_space<hbm>>
    tpu.enqueue_dma source(%dma_start3A_256 : memref<2x128xi32, #tpu.memory_space<hbm>>) target(%arg12 : memref<2x128xi32, #tpu.memory_space<vmem>>) target_semaphore(%arg25 : memref<!tpu.dma_semaphore, #tpu.memory_space<semaphore_mem>>)
    %dma_wait3A_257 = arith.constant 0 : i32
    %dma_wait3A_258 = arith.constant 0 : i32
    %dma_wait3A_259 = tpu.memref_slice %arg3[%dma_wait3A_257, %dma_wait3A_258] : memref<2x320000xi32, #tpu.memory_space<hbm>> -> memref<2x128xi32, #tpu.memory_space<hbm>>
    %dma_wait3A_260 = arith.constant 0 : i32
    %dma_wait3A_261 = arith.constant 0 : i32
    %dma_wait3A_262 = tpu.memref_slice %arg3[%dma_wait3A_260, %dma_wait3A_261] : memref<2x320000xi32, #tpu.memory_space<hbm>> -> memref<2x128xi32, #tpu.memory_space<hbm>>
    tpu.wait_dma2 semaphore(%arg23 : memref<!tpu.dma_semaphore, #tpu.memory_space<semaphore_mem>>) src(%dma_wait3A_262 : memref<2x128xi32, #tpu.memory_space<hbm>>) dst(%arg10 : memref<2x128xi32, #tpu.memory_space<vmem>>)
    %dma_start3A_263 = arith.constant 0 : i32
    %dma_start3A_264 = arith.constant 0 : i32
    %dma_start3A_265 = tpu.memref_slice %arg10[%dma_start3A_263, %dma_start3A_264] : memref<2x128xi32, #tpu.memory_space<vmem>> -> memref<1x128xi32, #tpu.memory_space<vmem>>
    %dma_start3A_266 = tpu.memref_squeeze %dma_start3A_265 : memref<1x128xi32, #tpu.memory_space<vmem>> -> memref<128xi32, #tpu.memory_space<vmem>>
    %dma_start3A_267 = arith.constant 0 : i32
    %dma_start3A_268 = arith.constant 0 : i32
    %dma_start3A_269 = tpu.memref_slice %arg2[%dma_start3A_267, %dma_start3A_268] : memref<10000x128xf32, #tpu.memory_space<hbm>> -> memref<10000x128xf32, #tpu.memory_space<hbm>>
    tpu.enqueue_indirect_dma source(%dma_start3A_269 : memref<10000x128xf32, #tpu.memory_space<hbm>>) target(%arg14 : memref<128x128xf32, #tpu.memory_space<vmem>>) offsets(%dma_start3A_266 : memref<128xi32, #tpu.memory_space<vmem>>) semaphore(%arg19 : memref<!tpu.dma_semaphore, #tpu.memory_space<semaphore_mem>>)
    %dma_wait3A_270 = arith.constant 0 : i32
    %dma_wait3A_271 = arith.constant 0 : i32
    %dma_wait3A_272 = tpu.memref_slice %arg4[%dma_wait3A_270, %dma_wait3A_271] : memref<10240x128xf32, #tpu.memory_space<hbm>> -> memref<128x128xf32, #tpu.memory_space<hbm>>
    %dma_wait3A_273 = arith.constant 0 : i32
    %dma_wait3A_274 = arith.constant 0 : i32
    %dma_wait3A_275 = tpu.memref_slice %arg4[%dma_wait3A_273, %dma_wait3A_274] : memref<10240x128xf32, #tpu.memory_space<hbm>> -> memref<128x128xf32, #tpu.memory_space<hbm>>
    tpu.wait_dma2 semaphore(%arg19 : memref<!tpu.dma_semaphore, #tpu.memory_space<semaphore_mem>>) src(%dma_wait3A_275 : memref<128x128xf32, #tpu.memory_space<hbm>>) dst(%arg14 : memref<128x128xf32, #tpu.memory_space<vmem>>)
    %dma_start3A_276 = arith.constant 1 : i32
    %dma_start3A_277 = arith.constant 0 : i32
    %dma_start3A_278 = tpu.memref_slice %arg10[%dma_start3A_276, %dma_start3A_277] : memref<2x128xi32, #tpu.memory_space<vmem>> -> memref<1x128xi32, #tpu.memory_space<vmem>>
    %dma_start3A_279 = tpu.memref_squeeze %dma_start3A_278 : memref<1x128xi32, #tpu.memory_space<vmem>> -> memref<128xi32, #tpu.memory_space<vmem>>
    %dma_start3A_280 = arith.constant 0 : i32
    %dma_start3A_281 = arith.constant 0 : i32
    %dma_start3A_282 = tpu.memref_slice %arg16[%dma_start3A_280, %dma_start3A_281] : memref<10240x128xf32, #tpu.memory_space<vmem_shared>> -> memref<10240x128xf32, #tpu.memory_space<vmem_shared>>
    tpu.enqueue_indirect_dma source(%arg14 : memref<128x128xf32, #tpu.memory_space<vmem>>) target(%dma_start3A_282 : memref<10240x128xf32, #tpu.memory_space<vmem_shared>>) offsets(%dma_start3A_279 : memref<128xi32, #tpu.memory_space<vmem>>) semaphore(%arg21 : memref<!tpu.dma_semaphore, #tpu.memory_space<semaphore_mem>>) {add = true}
    %dma_start3A_283 = arith.constant 1 : i32
    %dma_start3A_284 = arith.constant 0 : i32
    %dma_start3A_285 = tpu.memref_slice %arg10[%dma_start3A_283, %dma_start3A_284] : memref<2x128xi32, #tpu.memory_space<vmem>> -> memref<1x128xi32, #tpu.memory_space<vmem>>
    %dma_start3A_286 = tpu.memref_squeeze %dma_start3A_285 : memref<1x128xi32, #tpu.memory_space<vmem>> -> memref<128xi32, #tpu.memory_space<vmem>>
    %dma_start3A_287 = arith.constant 0 : i32
    %dma_start3A_288 = tpu.memref_slice %arg17[%dma_start3A_287] : memref<10240xf32, #tpu.memory_space<vmem_shared>> -> memref<10240xf32, #tpu.memory_space<vmem_shared>>
    tpu.enqueue_indirect_dma source(%arg15 : memref<128xf32, #tpu.memory_space<vmem>>) target(%dma_start3A_288 : memref<10240xf32, #tpu.memory_space<vmem_shared>>) offsets(%dma_start3A_286 : memref<128xi32, #tpu.memory_space<vmem>>) semaphore(%arg21 : memref<!tpu.dma_semaphore, #tpu.memory_space<semaphore_mem>>) {add = true}
    %dma_wait3A_289 = arith.constant 0 : i32
    %dma_wait3A_290 = arith.constant 0 : i32
    %dma_wait3A_291 = tpu.memref_slice %arg4[%dma_wait3A_289, %dma_wait3A_290] : memref<10240x128xf32, #tpu.memory_space<hbm>> -> memref<128x128xf32, #tpu.memory_space<hbm>>
    %dma_wait3A_292 = arith.constant 0 : i32
    %dma_wait3A_293 = arith.constant 0 : i32
    %dma_wait3A_294 = tpu.memref_slice %arg4[%dma_wait3A_292, %dma_wait3A_293] : memref<10240x128xf32, #tpu.memory_space<hbm>> -> memref<128x128xf32, #tpu.memory_space<hbm>>
    tpu.wait_dma2 semaphore(%arg20 : memref<!tpu.dma_semaphore, #tpu.memory_space<semaphore_mem>>) src(%dma_wait3A_294 : memref<128x128xf32, #tpu.memory_space<hbm>>) dst(%arg13 : memref<128x128xf32, #tpu.memory_space<vmem>>)
    tpu.wait_dma2 semaphore(%arg20 : memref<!tpu.dma_semaphore, #tpu.memory_space<semaphore_mem>>) src(%arg6 : memref<128xf32, #tpu.memory_space<hbm>>) dst(%arg15 : memref<128xf32, #tpu.memory_space<vmem>>)
    %add3A_295 = arith.constant 2560 : i32
    %add3A_296 = arith.addi %add3A_295, %add3A : i32
    %min3A_297 = arith.constant 2499 : i32
    %min3A_298 = arith.minsi %add3A_296, %min3A_297 : i32
    %mul3A_299 = arith.constant 128 : i32
    %mul3A_300 = arith.muli %min3A_298, %mul3A_299 : i32
    %dma_start3A_301 = arith.constant 0 : i32
    %dma_start3A_302 = tpu.memref_slice %arg3[%dma_start3A_301, %mul3A_300] : memref<2x320000xi32, #tpu.memory_space<hbm>> -> memref<2x128xi32, #tpu.memory_space<hbm>>
    %dma_start3A_303 = arith.constant 0 : i32
    %dma_start3A_304 = tpu.memref_slice %arg3[%dma_start3A_303, %mul3A_300] : memref<2x320000xi32, #tpu.memory_space<hbm>> -> memref<2x128xi32, #tpu.memory_space<hbm>>
    tpu.enqueue_dma source(%dma_start3A_304 : memref<2x128xi32, #tpu.memory_space<hbm>>) target(%arg9 : memref<2x128xi32, #tpu.memory_space<vmem>>) target_semaphore(%arg22 : memref<!tpu.dma_semaphore, #tpu.memory_space<semaphore_mem>>)
    %dma_wait3A_305 = arith.constant 0 : i32
    %dma_wait3A_306 = arith.constant 0 : i32
    %dma_wait3A_307 = tpu.memref_slice %arg3[%dma_wait3A_305, %dma_wait3A_306] : memref<2x320000xi32, #tpu.memory_space<hbm>> -> memref<2x128xi32, #tpu.memory_space<hbm>>
    %dma_wait3A_308 = arith.constant 0 : i32
    %dma_wait3A_309 = arith.constant 0 : i32
    %dma_wait3A_310 = tpu.memref_slice %arg3[%dma_wait3A_308, %dma_wait3A_309] : memref<2x320000xi32, #tpu.memory_space<hbm>> -> memref<2x128xi32, #tpu.memory_space<hbm>>
    tpu.wait_dma2 semaphore(%arg24 : memref<!tpu.dma_semaphore, #tpu.memory_space<semaphore_mem>>) src(%dma_wait3A_310 : memref<2x128xi32, #tpu.memory_space<hbm>>) dst(%arg11 : memref<2x128xi32, #tpu.memory_space<vmem>>)
    %dma_start3A_311 = arith.constant 0 : i32
    %dma_start3A_312 = arith.constant 0 : i32
    %dma_start3A_313 = tpu.memref_slice %arg11[%dma_start3A_311, %dma_start3A_312] : memref<2x128xi32, #tpu.memory_space<vmem>> -> memref<1x128xi32, #tpu.memory_space<vmem>>
    %dma_start3A_314 = tpu.memref_squeeze %dma_start3A_313 : memref<1x128xi32, #tpu.memory_space<vmem>> -> memref<128xi32, #tpu.memory_space<vmem>>
    %dma_start3A_315 = arith.constant 0 : i32
    %dma_start3A_316 = arith.constant 0 : i32
    %dma_start3A_317 = tpu.memref_slice %arg2[%dma_start3A_315, %dma_start3A_316] : memref<10000x128xf32, #tpu.memory_space<hbm>> -> memref<10000x128xf32, #tpu.memory_space<hbm>>
    tpu.enqueue_indirect_dma source(%dma_start3A_317 : memref<10000x128xf32, #tpu.memory_space<hbm>>) target(%arg13 : memref<128x128xf32, #tpu.memory_space<vmem>>) offsets(%dma_start3A_314 : memref<128xi32, #tpu.memory_space<vmem>>) semaphore(%arg18 : memref<!tpu.dma_semaphore, #tpu.memory_space<semaphore_mem>>)
    %dma_wait3A_318 = arith.constant 0 : i32
    %dma_wait3A_319 = arith.constant 0 : i32
    %dma_wait3A_320 = tpu.memref_slice %arg4[%dma_wait3A_318, %dma_wait3A_319] : memref<10240x128xf32, #tpu.memory_space<hbm>> -> memref<128x128xf32, #tpu.memory_space<hbm>>
    %dma_wait3A_321 = arith.constant 0 : i32
    %dma_wait3A_322 = arith.constant 0 : i32
    %dma_wait3A_323 = tpu.memref_slice %arg4[%dma_wait3A_321, %dma_wait3A_322] : memref<10240x128xf32, #tpu.memory_space<hbm>> -> memref<128x128xf32, #tpu.memory_space<hbm>>
    tpu.wait_dma2 semaphore(%arg18 : memref<!tpu.dma_semaphore, #tpu.memory_space<semaphore_mem>>) src(%dma_wait3A_323 : memref<128x128xf32, #tpu.memory_space<hbm>>) dst(%arg13 : memref<128x128xf32, #tpu.memory_space<vmem>>)
    %lt3A = arith.constant 4 : i32
    %lt3A_324 = arith.cmpi slt, %add3A, %lt3A : i32
    %convert_element_type3A = arith.extui %lt3A_324 : i1 to i32
    %cond3A = arith.constant 0 : i32
    %cond3A_325 = arith.cmpi ne, %convert_element_type3A, %cond3A : i32
    scf.if %cond3A_325 {
      %dma_start3A_350 = arith.constant 1 : i32
      %dma_start3A_351 = arith.constant 0 : i32
      %dma_start3A_352 = tpu.memref_slice %arg11[%dma_start3A_350, %dma_start3A_351] : memref<2x128xi32, #tpu.memory_space<vmem>> -> memref<1x128xi32, #tpu.memory_space<vmem>>
      %dma_start3A_353 = tpu.memref_squeeze %dma_start3A_352 : memref<1x128xi32, #tpu.memory_space<vmem>> -> memref<128xi32, #tpu.memory_space<vmem>>
      %dma_start3A_354 = arith.constant 0 : i32
      %dma_start3A_355 = arith.constant 0 : i32
      %dma_start3A_356 = tpu.memref_slice %arg16[%dma_start3A_354, %dma_start3A_355] : memref<10240x128xf32, #tpu.memory_space<vmem_shared>> -> memref<10240x128xf32, #tpu.memory_space<vmem_shared>>
      tpu.enqueue_indirect_dma source(%arg13 : memref<128x128xf32, #tpu.memory_space<vmem>>) target(%dma_start3A_356 : memref<10240x128xf32, #tpu.memory_space<vmem_shared>>) offsets(%dma_start3A_353 : memref<128xi32, #tpu.memory_space<vmem>>) semaphore(%arg20 : memref<!tpu.dma_semaphore, #tpu.memory_space<semaphore_mem>>) {add = true}
      %dma_start3A_357 = arith.constant 1 : i32
      %dma_start3A_358 = arith.constant 0 : i32
      %dma_start3A_359 = tpu.memref_slice %arg11[%dma_start3A_357, %dma_start3A_358] : memref<2x128xi32, #tpu.memory_space<vmem>> -> memref<1x128xi32, #tpu.memory_space<vmem>>
      %dma_start3A_360 = tpu.memref_squeeze %dma_start3A_359 : memref<1x128xi32, #tpu.memory_space<vmem>> -> memref<128xi32, #tpu.memory_space<vmem>>
      %dma_start3A_361 = arith.constant 0 : i32
      %dma_start3A_362 = tpu.memref_slice %arg17[%dma_start3A_361] : memref<10240xf32, #tpu.memory_space<vmem_shared>> -> memref<10240xf32, #tpu.memory_space<vmem_shared>>
      tpu.enqueue_indirect_dma source(%arg15 : memref<128xf32, #tpu.memory_space<vmem>>) target(%dma_start3A_362 : memref<10240xf32, #tpu.memory_space<vmem_shared>>) offsets(%dma_start3A_360 : memref<128xi32, #tpu.memory_space<vmem>>) semaphore(%arg20 : memref<!tpu.dma_semaphore, #tpu.memory_space<semaphore_mem>>) {add = true}
    } else {
    }
    %dma_wait3A_326 = arith.constant 0 : i32
    %dma_wait3A_327 = arith.constant 0 : i32
    %dma_wait3A_328 = tpu.memref_slice %arg4[%dma_wait3A_326, %dma_wait3A_327] : memref<10240x128xf32, #tpu.memory_space<hbm>> -> memref<128x128xf32, #tpu.memory_space<hbm>>
    %dma_wait3A_329 = arith.constant 0 : i32
    %dma_wait3A_330 = arith.constant 0 : i32
    %dma_wait3A_331 = tpu.memref_slice %arg4[%dma_wait3A_329, %dma_wait3A_330] : memref<10240x128xf32, #tpu.memory_space<hbm>> -> memref<128x128xf32, #tpu.memory_space<hbm>>
    tpu.wait_dma2 semaphore(%arg21 : memref<!tpu.dma_semaphore, #tpu.memory_space<semaphore_mem>>) src(%dma_wait3A_331 : memref<128x128xf32, #tpu.memory_space<hbm>>) dst(%arg14 : memref<128x128xf32, #tpu.memory_space<vmem>>)
    tpu.wait_dma2 semaphore(%arg21 : memref<!tpu.dma_semaphore, #tpu.memory_space<semaphore_mem>>) src(%arg6 : memref<128xf32, #tpu.memory_space<hbm>>) dst(%arg15 : memref<128xf32, #tpu.memory_space<vmem>>)
    %lt3A_332 = arith.constant 4 : i32
    %lt3A_333 = arith.cmpi slt, %add3A, %lt3A_332 : i32
    %convert_element_type3A_334 = arith.extui %lt3A_333 : i1 to i32
    %cond3A_335 = arith.constant 0 : i32
    %cond3A_336 = arith.cmpi ne, %convert_element_type3A_334, %cond3A_335 : i32
    scf.if %cond3A_336 {
      %dma_wait3A_350 = arith.constant 0 : i32
      %dma_wait3A_351 = arith.constant 0 : i32
      %dma_wait3A_352 = tpu.memref_slice %arg4[%dma_wait3A_350, %dma_wait3A_351] : memref<10240x128xf32, #tpu.memory_space<hbm>> -> memref<128x128xf32, #tpu.memory_space<hbm>>
      %dma_wait3A_353 = arith.constant 0 : i32
      %dma_wait3A_354 = arith.constant 0 : i32
      %dma_wait3A_355 = tpu.memref_slice %arg4[%dma_wait3A_353, %dma_wait3A_354] : memref<10240x128xf32, #tpu.memory_space<hbm>> -> memref<128x128xf32, #tpu.memory_space<hbm>>
      tpu.wait_dma2 semaphore(%arg20 : memref<!tpu.dma_semaphore, #tpu.memory_space<semaphore_mem>>) src(%dma_wait3A_355 : memref<128x128xf32, #tpu.memory_space<hbm>>) dst(%arg13 : memref<128x128xf32, #tpu.memory_space<vmem>>)
      tpu.wait_dma2 semaphore(%arg20 : memref<!tpu.dma_semaphore, #tpu.memory_space<semaphore_mem>>) src(%arg6 : memref<128xf32, #tpu.memory_space<hbm>>) dst(%arg15 : memref<128xf32, #tpu.memory_space<vmem>>)
    } else {
    }
    %dma_wait3A_337 = arith.constant 0 : i32
    %dma_wait3A_338 = arith.constant 0 : i32
    %dma_wait3A_339 = tpu.memref_slice %arg3[%dma_wait3A_337, %dma_wait3A_338] : memref<2x320000xi32, #tpu.memory_space<hbm>> -> memref<2x128xi32, #tpu.memory_space<hbm>>
    %dma_wait3A_340 = arith.constant 0 : i32
    %dma_wait3A_341 = arith.constant 0 : i32
    %dma_wait3A_342 = tpu.memref_slice %arg3[%dma_wait3A_340, %dma_wait3A_341] : memref<2x320000xi32, #tpu.memory_space<hbm>> -> memref<2x128xi32, #tpu.memory_space<hbm>>
    tpu.wait_dma2 semaphore(%arg25 : memref<!tpu.dma_semaphore, #tpu.memory_space<semaphore_mem>>) src(%dma_wait3A_342 : memref<2x128xi32, #tpu.memory_space<hbm>>) dst(%arg12 : memref<2x128xi32, #tpu.memory_space<vmem>>)
    %dma_wait3A_343 = arith.constant 0 : i32
    %dma_wait3A_344 = arith.constant 0 : i32
    %dma_wait3A_345 = tpu.memref_slice %arg3[%dma_wait3A_343, %dma_wait3A_344] : memref<2x320000xi32, #tpu.memory_space<hbm>> -> memref<2x128xi32, #tpu.memory_space<hbm>>
    %dma_wait3A_346 = arith.constant 0 : i32
    %dma_wait3A_347 = arith.constant 0 : i32
    %dma_wait3A_348 = tpu.memref_slice %arg3[%dma_wait3A_346, %dma_wait3A_347] : memref<2x320000xi32, #tpu.memory_space<hbm>> -> memref<2x128xi32, #tpu.memory_space<hbm>>
    tpu.wait_dma2 semaphore(%arg22 : memref<!tpu.dma_semaphore, #tpu.memory_space<semaphore_mem>>) src(%dma_wait3A_348 : memref<2x128xi32, #tpu.memory_space<hbm>>) dst(%arg9 : memref<2x128xi32, #tpu.memory_space<vmem>>)
    %barrier3A_349 = arith.constant 0 : index
    tpu.barrier barrier_id(%barrier3A_349)
    "tpu.region"() ({
      %run_scoped3A = tpu.sem_alloc : memref<!tpu.dma_semaphore, #tpu.memory_space<semaphore_mem>>
      %dma_start3A_350 = arith.constant 0 : i32
      %dma_start3A_351 = tpu.memref_slice %arg7[%arg0, %mul3A_2, %dma_start3A_350] : memref<2x10240x128xf32, #tpu.memory_space<hbm>> -> memref<1x640x128xf32, #tpu.memory_space<hbm>>
      %dma_start3A_352 = tpu.memref_squeeze %dma_start3A_351 : memref<1x640x128xf32, #tpu.memory_space<hbm>> -> memref<640x128xf32, #tpu.memory_space<hbm>>
      %dma_start3A_353 = arith.constant 0 : i32
      %dma_start3A_354 = tpu.memref_slice %arg16[%mul3A_2, %dma_start3A_353] : memref<10240x128xf32, #tpu.memory_space<vmem_shared>> -> memref<640x128xf32, #tpu.memory_space<vmem_shared>>
      tpu.enqueue_dma source(%dma_start3A_354 : memref<640x128xf32, #tpu.memory_space<vmem_shared>>) target(%dma_start3A_352 : memref<640x128xf32, #tpu.memory_space<hbm>>) target_semaphore(%run_scoped3A : memref<!tpu.dma_semaphore, #tpu.memory_space<semaphore_mem>>)
      %dma_wait3A_355 = arith.constant 0 : i32
      %dma_wait3A_356 = tpu.memref_slice %arg7[%arg0, %mul3A_2, %dma_wait3A_355] : memref<2x10240x128xf32, #tpu.memory_space<hbm>> -> memref<1x640x128xf32, #tpu.memory_space<hbm>>
      %dma_wait3A_357 = tpu.memref_squeeze %dma_wait3A_356 : memref<1x640x128xf32, #tpu.memory_space<hbm>> -> memref<640x128xf32, #tpu.memory_space<hbm>>
      %dma_wait3A_358 = arith.constant 0 : i32
      %dma_wait3A_359 = tpu.memref_slice %arg16[%mul3A_2, %dma_wait3A_358] : memref<10240x128xf32, #tpu.memory_space<vmem_shared>> -> memref<640x128xf32, #tpu.memory_space<vmem_shared>>
      tpu.wait_dma2 semaphore(%run_scoped3A : memref<!tpu.dma_semaphore, #tpu.memory_space<semaphore_mem>>) src(%dma_wait3A_359 : memref<640x128xf32, #tpu.memory_space<vmem_shared>>) dst(%dma_wait3A_357 : memref<640x128xf32, #tpu.memory_space<hbm>>)
      tpu.yield
    }) : () -> ()
    "tpu.region"() ({
      %run_scoped3A = tpu.sem_alloc : memref<!tpu.dma_semaphore, #tpu.memory_space<semaphore_mem>>
      %dma_start3A_350 = tpu.memref_slice %arg8[%arg0, %mul3A_4] : memref<2x10240xf32, #tpu.memory_space<hbm>> -> memref<1x640xf32, #tpu.memory_space<hbm>>
      %dma_start3A_351 = tpu.memref_squeeze %dma_start3A_350 : memref<1x640xf32, #tpu.memory_space<hbm>> -> memref<640xf32, #tpu.memory_space<hbm>>
      %dma_start3A_352 = tpu.memref_slice %arg17[%mul3A_4] : memref<10240xf32, #tpu.memory_space<vmem_shared>> -> memref<640xf32, #tpu.memory_space<vmem_shared>>
      tpu.enqueue_dma source(%dma_start3A_352 : memref<640xf32, #tpu.memory_space<vmem_shared>>) target(%dma_start3A_351 : memref<640xf32, #tpu.memory_space<hbm>>) target_semaphore(%run_scoped3A : memref<!tpu.dma_semaphore, #tpu.memory_space<semaphore_mem>>)
      %dma_wait3A_353 = tpu.memref_slice %arg8[%arg0, %mul3A_4] : memref<2x10240xf32, #tpu.memory_space<hbm>> -> memref<1x640xf32, #tpu.memory_space<hbm>>
      %dma_wait3A_354 = tpu.memref_squeeze %dma_wait3A_353 : memref<1x640xf32, #tpu.memory_space<hbm>> -> memref<640xf32, #tpu.memory_space<hbm>>
      %dma_wait3A_355 = tpu.memref_slice %arg17[%mul3A_4] : memref<10240xf32, #tpu.memory_space<vmem_shared>> -> memref<640xf32, #tpu.memory_space<vmem_shared>>
      tpu.wait_dma2 semaphore(%run_scoped3A : memref<!tpu.dma_semaphore, #tpu.memory_space<semaphore_mem>>) src(%dma_wait3A_355 : memref<640xf32, #tpu.memory_space<vmem_shared>>) dst(%dma_wait3A_354 : memref<640xf32, #tpu.memory_space<hbm>>)
      tpu.yield
    }) : () -> ()
    return
  }
}

#map = affine_map<(d0, d1) -> (0, 0)>
#map1 = affine_map<(d0, d1) -> (0, 0, 0)>
module attributes {stable_mosaic.version = 14 : i64} {
  func.func @_seg_body(%arg0: i32, %arg1: i32, %arg2: memref<10000x128xf32, #tpu.memory_space<hbm>>, %arg3: memref<2x320000xi32, #tpu.memory_space<hbm>>, %arg4: memref<10240x128xf32, #tpu.memory_space<hbm>>, %arg5: memref<2x10240x128xf32, #tpu.memory_space<hbm>>, %arg6: memref<2x128xi32, #tpu.memory_space<vmem>>, %arg7: memref<2x128xi32, #tpu.memory_space<vmem>>, %arg8: memref<2x128xi32, #tpu.memory_space<vmem>>, %arg9: memref<2x128xi32, #tpu.memory_space<vmem>>, %arg10: memref<128x128xf32, #tpu.memory_space<vmem>>, %arg11: memref<128x128xf32, #tpu.memory_space<vmem>>, %arg12: memref<10240x128xf32, #tpu.memory_space<vmem_shared>>, %arg13: memref<!tpu.dma_semaphore, #tpu.memory_space<semaphore_mem>>, %arg14: memref<!tpu.dma_semaphore, #tpu.memory_space<semaphore_mem>>, %arg15: memref<!tpu.dma_semaphore, #tpu.memory_space<semaphore_mem>>, %arg16: memref<!tpu.dma_semaphore, #tpu.memory_space<semaphore_mem>>, %arg17: memref<!tpu.dma_semaphore, #tpu.memory_space<semaphore_mem>>, %arg18: memref<!tpu.dma_semaphore, #tpu.memory_space<semaphore_mem>>, %arg19: memref<!tpu.dma_semaphore, #tpu.memory_space<semaphore_mem>>, %arg20: memref<!tpu.dma_semaphore, #tpu.memory_space<semaphore_mem>>) attributes {dimension_semantics = [#tpu.dimension_semantics<core_parallel>, #tpu.dimension_semantics<subcore_parallel>], iteration_bounds = array<i64: 2, 16>, scalar_prefetch = 0 : i64, scratch_operands = 15 : i64, tpu.core_type = #tpu.core_type<sc_vector_subcore>, window_params = [{transform_indices = #map}, {transform_indices = #map}, {transform_indices = #map}, {transform_indices = #map1}]} {
    %mul3A = arith.constant 2 : i32
    %mul3A_0 = arith.muli %arg1, %mul3A : i32
    %add3A = arith.addi %mul3A_0, %arg0 : i32
    %mul3A_1 = arith.constant 640 : i32
    %mul3A_2 = arith.muli %arg1, %mul3A_1 : i32
    "tpu.region"() ({
      %run_scoped3A = tpu.sem_alloc : memref<!tpu.dma_semaphore, #tpu.memory_space<semaphore_mem>>
      %dma_start3A_312 = arith.constant 0 : i32
      %dma_start3A_313 = tpu.memref_slice %arg12[%mul3A_2, %dma_start3A_312] : memref<10240x128xf32, #tpu.memory_space<vmem_shared>> -> memref<640x128xf32, #tpu.memory_space<vmem_shared>>
      %dma_start3A_314 = arith.constant 0 : i32
      %dma_start3A_315 = tpu.memref_slice %arg4[%mul3A_2, %dma_start3A_314] : memref<10240x128xf32, #tpu.memory_space<hbm>> -> memref<640x128xf32, #tpu.memory_space<hbm>>
      tpu.enqueue_dma source(%dma_start3A_315 : memref<640x128xf32, #tpu.memory_space<hbm>>) target(%dma_start3A_313 : memref<640x128xf32, #tpu.memory_space<vmem_shared>>) target_semaphore(%run_scoped3A : memref<!tpu.dma_semaphore, #tpu.memory_space<semaphore_mem>>)
      %dma_wait3A_316 = arith.constant 0 : i32
      %dma_wait3A_317 = tpu.memref_slice %arg12[%mul3A_2, %dma_wait3A_316] : memref<10240x128xf32, #tpu.memory_space<vmem_shared>> -> memref<640x128xf32, #tpu.memory_space<vmem_shared>>
      %dma_wait3A_318 = arith.constant 0 : i32
      %dma_wait3A_319 = tpu.memref_slice %arg4[%mul3A_2, %dma_wait3A_318] : memref<10240x128xf32, #tpu.memory_space<hbm>> -> memref<640x128xf32, #tpu.memory_space<hbm>>
      tpu.wait_dma2 semaphore(%run_scoped3A : memref<!tpu.dma_semaphore, #tpu.memory_space<semaphore_mem>>) src(%dma_wait3A_319 : memref<640x128xf32, #tpu.memory_space<hbm>>) dst(%dma_wait3A_317 : memref<640x128xf32, #tpu.memory_space<vmem_shared>>)
      tpu.yield
    }) : () -> ()
    %mul3A_3 = arith.constant 128 : i32
    %mul3A_4 = arith.muli %add3A, %mul3A_3 : i32
    "tpu.region"() ({
      %run_scoped3A = tpu.sem_alloc : memref<!tpu.dma_semaphore, #tpu.memory_space<semaphore_mem>>
      %dma_start3A_312 = arith.constant 0 : i32
      %dma_start3A_313 = tpu.memref_slice %arg3[%dma_start3A_312, %mul3A_4] : memref<2x320000xi32, #tpu.memory_space<hbm>> -> memref<2x128xi32, #tpu.memory_space<hbm>>
      %dma_start3A_314 = arith.constant 0 : i32
      %dma_start3A_315 = tpu.memref_slice %arg3[%dma_start3A_314, %mul3A_4] : memref<2x320000xi32, #tpu.memory_space<hbm>> -> memref<2x128xi32, #tpu.memory_space<hbm>>
      tpu.enqueue_dma source(%dma_start3A_315 : memref<2x128xi32, #tpu.memory_space<hbm>>) target(%arg6 : memref<2x128xi32, #tpu.memory_space<vmem>>) target_semaphore(%run_scoped3A : memref<!tpu.dma_semaphore, #tpu.memory_space<semaphore_mem>>)
      %dma_wait3A_316 = arith.constant 0 : i32
      %dma_wait3A_317 = tpu.memref_slice %arg3[%dma_wait3A_316, %mul3A_4] : memref<2x320000xi32, #tpu.memory_space<hbm>> -> memref<2x128xi32, #tpu.memory_space<hbm>>
      %dma_wait3A_318 = arith.constant 0 : i32
      %dma_wait3A_319 = tpu.memref_slice %arg3[%dma_wait3A_318, %mul3A_4] : memref<2x320000xi32, #tpu.memory_space<hbm>> -> memref<2x128xi32, #tpu.memory_space<hbm>>
      tpu.wait_dma2 semaphore(%run_scoped3A : memref<!tpu.dma_semaphore, #tpu.memory_space<semaphore_mem>>) src(%dma_wait3A_319 : memref<2x128xi32, #tpu.memory_space<hbm>>) dst(%arg6 : memref<2x128xi32, #tpu.memory_space<vmem>>)
      tpu.yield
    }) : () -> ()
    %add3A_5 = arith.constant 32 : i32
    %add3A_6 = arith.addi %add3A_5, %add3A : i32
    %min3A = arith.constant 2499 : i32
    %min3A_7 = arith.minsi %add3A_6, %min3A : i32
    %mul3A_8 = arith.constant 128 : i32
    %mul3A_9 = arith.muli %min3A_7, %mul3A_8 : i32
    %dma_start3A = arith.constant 0 : i32
    %dma_start3A_10 = tpu.memref_slice %arg3[%dma_start3A, %mul3A_9] : memref<2x320000xi32, #tpu.memory_space<hbm>> -> memref<2x128xi32, #tpu.memory_space<hbm>>
    %dma_start3A_11 = arith.constant 0 : i32
    %dma_start3A_12 = tpu.memref_slice %arg3[%dma_start3A_11, %mul3A_9] : memref<2x320000xi32, #tpu.memory_space<hbm>> -> memref<2x128xi32, #tpu.memory_space<hbm>>
    tpu.enqueue_dma source(%dma_start3A_12 : memref<2x128xi32, #tpu.memory_space<hbm>>) target(%arg7 : memref<2x128xi32, #tpu.memory_space<vmem>>) target_semaphore(%arg18 : memref<!tpu.dma_semaphore, #tpu.memory_space<semaphore_mem>>)
    %add3A_13 = arith.constant 64 : i32
    %add3A_14 = arith.addi %add3A_13, %add3A : i32
    %min3A_15 = arith.constant 2499 : i32
    %min3A_16 = arith.minsi %add3A_14, %min3A_15 : i32
    %mul3A_17 = arith.constant 128 : i32
    %mul3A_18 = arith.muli %min3A_16, %mul3A_17 : i32
    %dma_start3A_19 = arith.constant 0 : i32
    %dma_start3A_20 = tpu.memref_slice %arg3[%dma_start3A_19, %mul3A_18] : memref<2x320000xi32, #tpu.memory_space<hbm>> -> memref<2x128xi32, #tpu.memory_space<hbm>>
    %dma_start3A_21 = arith.constant 0 : i32
    %dma_start3A_22 = tpu.memref_slice %arg3[%dma_start3A_21, %mul3A_18] : memref<2x320000xi32, #tpu.memory_space<hbm>> -> memref<2x128xi32, #tpu.memory_space<hbm>>
    tpu.enqueue_dma source(%dma_start3A_22 : memref<2x128xi32, #tpu.memory_space<hbm>>) target(%arg8 : memref<2x128xi32, #tpu.memory_space<vmem>>) target_semaphore(%arg19 : memref<!tpu.dma_semaphore, #tpu.memory_space<semaphore_mem>>)
    %dma_start3A_23 = arith.constant 0 : i32
    %dma_start3A_24 = arith.constant 0 : i32
    %dma_start3A_25 = tpu.memref_slice %arg6[%dma_start3A_23, %dma_start3A_24] : memref<2x128xi32, #tpu.memory_space<vmem>> -> memref<1x128xi32, #tpu.memory_space<vmem>>
    %dma_start3A_26 = tpu.memref_squeeze %dma_start3A_25 : memref<1x128xi32, #tpu.memory_space<vmem>> -> memref<128xi32, #tpu.memory_space<vmem>>
    %dma_start3A_27 = arith.constant 0 : i32
    %dma_start3A_28 = arith.constant 0 : i32
    %dma_start3A_29 = tpu.memref_slice %arg2[%dma_start3A_27, %dma_start3A_28] : memref<10000x128xf32, #tpu.memory_space<hbm>> -> memref<10000x128xf32, #tpu.memory_space<hbm>>
    tpu.enqueue_indirect_dma source(%dma_start3A_29 : memref<10000x128xf32, #tpu.memory_space<hbm>>) target(%arg10 : memref<128x128xf32, #tpu.memory_space<vmem>>) offsets(%dma_start3A_26 : memref<128xi32, #tpu.memory_space<vmem>>) semaphore(%arg13 : memref<!tpu.dma_semaphore, #tpu.memory_space<semaphore_mem>>)
    %barrier3A = arith.constant 0 : index
    tpu.barrier barrier_id(%barrier3A)
    %dma_wait3A = arith.constant 0 : i32
    %dma_wait3A_30 = arith.constant 0 : i32
    %dma_wait3A_31 = tpu.memref_slice %arg4[%dma_wait3A, %dma_wait3A_30] : memref<10240x128xf32, #tpu.memory_space<hbm>> -> memref<128x128xf32, #tpu.memory_space<hbm>>
    %dma_wait3A_32 = arith.constant 0 : i32
    %dma_wait3A_33 = arith.constant 0 : i32
    %dma_wait3A_34 = tpu.memref_slice %arg4[%dma_wait3A_32, %dma_wait3A_33] : memref<10240x128xf32, #tpu.memory_space<hbm>> -> memref<128x128xf32, #tpu.memory_space<hbm>>
    tpu.wait_dma2 semaphore(%arg13 : memref<!tpu.dma_semaphore, #tpu.memory_space<semaphore_mem>>) src(%dma_wait3A_34 : memref<128x128xf32, #tpu.memory_space<hbm>>) dst(%arg10 : memref<128x128xf32, #tpu.memory_space<vmem>>)
    %dma_start3A_35 = arith.constant 1 : i32
    %dma_start3A_36 = arith.constant 0 : i32
    %dma_start3A_37 = tpu.memref_slice %arg6[%dma_start3A_35, %dma_start3A_36] : memref<2x128xi32, #tpu.memory_space<vmem>> -> memref<1x128xi32, #tpu.memory_space<vmem>>
    %dma_start3A_38 = tpu.memref_squeeze %dma_start3A_37 : memref<1x128xi32, #tpu.memory_space<vmem>> -> memref<128xi32, #tpu.memory_space<vmem>>
    %dma_start3A_39 = arith.constant 0 : i32
    %dma_start3A_40 = arith.constant 0 : i32
    %dma_start3A_41 = tpu.memref_slice %arg12[%dma_start3A_39, %dma_start3A_40] : memref<10240x128xf32, #tpu.memory_space<vmem_shared>> -> memref<10240x128xf32, #tpu.memory_space<vmem_shared>>
    tpu.enqueue_indirect_dma source(%arg10 : memref<128x128xf32, #tpu.memory_space<vmem>>) target(%dma_start3A_41 : memref<10240x128xf32, #tpu.memory_space<vmem_shared>>) offsets(%dma_start3A_38 : memref<128xi32, #tpu.memory_space<vmem>>) semaphore(%arg15 : memref<!tpu.dma_semaphore, #tpu.memory_space<semaphore_mem>>) {add = true}
    %add3A_42 = arith.constant 96 : i32
    %add3A_43 = arith.addi %add3A_42, %add3A : i32
    %min3A_44 = arith.constant 2499 : i32
    %min3A_45 = arith.minsi %add3A_43, %min3A_44 : i32
    %mul3A_46 = arith.constant 128 : i32
    %mul3A_47 = arith.muli %min3A_45, %mul3A_46 : i32
    %dma_start3A_48 = arith.constant 0 : i32
    %dma_start3A_49 = tpu.memref_slice %arg3[%dma_start3A_48, %mul3A_47] : memref<2x320000xi32, #tpu.memory_space<hbm>> -> memref<2x128xi32, #tpu.memory_space<hbm>>
    %dma_start3A_50 = arith.constant 0 : i32
    %dma_start3A_51 = tpu.memref_slice %arg3[%dma_start3A_50, %mul3A_47] : memref<2x320000xi32, #tpu.memory_space<hbm>> -> memref<2x128xi32, #tpu.memory_space<hbm>>
    tpu.enqueue_dma source(%dma_start3A_51 : memref<2x128xi32, #tpu.memory_space<hbm>>) target(%arg9 : memref<2x128xi32, #tpu.memory_space<vmem>>) target_semaphore(%arg20 : memref<!tpu.dma_semaphore, #tpu.memory_space<semaphore_mem>>)
    %dma_wait3A_52 = arith.constant 0 : i32
    %dma_wait3A_53 = arith.constant 0 : i32
    %dma_wait3A_54 = tpu.memref_slice %arg3[%dma_wait3A_52, %dma_wait3A_53] : memref<2x320000xi32, #tpu.memory_space<hbm>> -> memref<2x128xi32, #tpu.memory_space<hbm>>
    %dma_wait3A_55 = arith.constant 0 : i32
    %dma_wait3A_56 = arith.constant 0 : i32
    %dma_wait3A_57 = tpu.memref_slice %arg3[%dma_wait3A_55, %dma_wait3A_56] : memref<2x320000xi32, #tpu.memory_space<hbm>> -> memref<2x128xi32, #tpu.memory_space<hbm>>
    tpu.wait_dma2 semaphore(%arg18 : memref<!tpu.dma_semaphore, #tpu.memory_space<semaphore_mem>>) src(%dma_wait3A_57 : memref<2x128xi32, #tpu.memory_space<hbm>>) dst(%arg7 : memref<2x128xi32, #tpu.memory_space<vmem>>)
    %dma_start3A_58 = arith.constant 0 : i32
    %dma_start3A_59 = arith.constant 0 : i32
    %dma_start3A_60 = tpu.memref_slice %arg7[%dma_start3A_58, %dma_start3A_59] : memref<2x128xi32, #tpu.memory_space<vmem>> -> memref<1x128xi32, #tpu.memory_space<vmem>>
    %dma_start3A_61 = tpu.memref_squeeze %dma_start3A_60 : memref<1x128xi32, #tpu.memory_space<vmem>> -> memref<128xi32, #tpu.memory_space<vmem>>
    %dma_start3A_62 = arith.constant 0 : i32
    %dma_start3A_63 = arith.constant 0 : i32
    %dma_start3A_64 = tpu.memref_slice %arg2[%dma_start3A_62, %dma_start3A_63] : memref<10000x128xf32, #tpu.memory_space<hbm>> -> memref<10000x128xf32, #tpu.memory_space<hbm>>
    tpu.enqueue_indirect_dma source(%dma_start3A_64 : memref<10000x128xf32, #tpu.memory_space<hbm>>) target(%arg11 : memref<128x128xf32, #tpu.memory_space<vmem>>) offsets(%dma_start3A_61 : memref<128xi32, #tpu.memory_space<vmem>>) semaphore(%arg14 : memref<!tpu.dma_semaphore, #tpu.memory_space<semaphore_mem>>)
    %dma_wait3A_65 = arith.constant 0 : i32
    %dma_wait3A_66 = arith.constant 0 : i32
    %dma_wait3A_67 = tpu.memref_slice %arg4[%dma_wait3A_65, %dma_wait3A_66] : memref<10240x128xf32, #tpu.memory_space<hbm>> -> memref<128x128xf32, #tpu.memory_space<hbm>>
    %dma_wait3A_68 = arith.constant 0 : i32
    %dma_wait3A_69 = arith.constant 0 : i32
    %dma_wait3A_70 = tpu.memref_slice %arg4[%dma_wait3A_68, %dma_wait3A_69] : memref<10240x128xf32, #tpu.memory_space<hbm>> -> memref<128x128xf32, #tpu.memory_space<hbm>>
    tpu.wait_dma2 semaphore(%arg14 : memref<!tpu.dma_semaphore, #tpu.memory_space<semaphore_mem>>) src(%dma_wait3A_70 : memref<128x128xf32, #tpu.memory_space<hbm>>) dst(%arg11 : memref<128x128xf32, #tpu.memory_space<vmem>>)
    %dma_start3A_71 = arith.constant 1 : i32
    %dma_start3A_72 = arith.constant 0 : i32
    %dma_start3A_73 = tpu.memref_slice %arg7[%dma_start3A_71, %dma_start3A_72] : memref<2x128xi32, #tpu.memory_space<vmem>> -> memref<1x128xi32, #tpu.memory_space<vmem>>
    %dma_start3A_74 = tpu.memref_squeeze %dma_start3A_73 : memref<1x128xi32, #tpu.memory_space<vmem>> -> memref<128xi32, #tpu.memory_space<vmem>>
    %dma_start3A_75 = arith.constant 0 : i32
    %dma_start3A_76 = arith.constant 0 : i32
    %dma_start3A_77 = tpu.memref_slice %arg12[%dma_start3A_75, %dma_start3A_76] : memref<10240x128xf32, #tpu.memory_space<vmem_shared>> -> memref<10240x128xf32, #tpu.memory_space<vmem_shared>>
    tpu.enqueue_indirect_dma source(%arg11 : memref<128x128xf32, #tpu.memory_space<vmem>>) target(%dma_start3A_77 : memref<10240x128xf32, #tpu.memory_space<vmem_shared>>) offsets(%dma_start3A_74 : memref<128xi32, #tpu.memory_space<vmem>>) semaphore(%arg16 : memref<!tpu.dma_semaphore, #tpu.memory_space<semaphore_mem>>) {add = true}
    %dma_wait3A_78 = arith.constant 0 : i32
    %dma_wait3A_79 = arith.constant 0 : i32
    %dma_wait3A_80 = tpu.memref_slice %arg4[%dma_wait3A_78, %dma_wait3A_79] : memref<10240x128xf32, #tpu.memory_space<hbm>> -> memref<128x128xf32, #tpu.memory_space<hbm>>
    %dma_wait3A_81 = arith.constant 0 : i32
    %dma_wait3A_82 = arith.constant 0 : i32
    %dma_wait3A_83 = tpu.memref_slice %arg4[%dma_wait3A_81, %dma_wait3A_82] : memref<10240x128xf32, #tpu.memory_space<hbm>> -> memref<128x128xf32, #tpu.memory_space<hbm>>
    tpu.wait_dma2 semaphore(%arg15 : memref<!tpu.dma_semaphore, #tpu.memory_space<semaphore_mem>>) src(%dma_wait3A_83 : memref<128x128xf32, #tpu.memory_space<hbm>>) dst(%arg10 : memref<128x128xf32, #tpu.memory_space<vmem>>)
    %add3A_84 = arith.constant 128 : i32
    %add3A_85 = arith.addi %add3A_84, %add3A : i32
    %min3A_86 = arith.constant 2499 : i32
    %min3A_87 = arith.minsi %add3A_85, %min3A_86 : i32
    %mul3A_88 = arith.constant 128 : i32
    %mul3A_89 = arith.muli %min3A_87, %mul3A_88 : i32
    %dma_start3A_90 = arith.constant 0 : i32
    %dma_start3A_91 = tpu.memref_slice %arg3[%dma_start3A_90, %mul3A_89] : memref<2x320000xi32, #tpu.memory_space<hbm>> -> memref<2x128xi32, #tpu.memory_space<hbm>>
    %dma_start3A_92 = arith.constant 0 : i32
    %dma_start3A_93 = tpu.memref_slice %arg3[%dma_start3A_92, %mul3A_89] : memref<2x320000xi32, #tpu.memory_space<hbm>> -> memref<2x128xi32, #tpu.memory_space<hbm>>
    tpu.enqueue_dma source(%dma_start3A_93 : memref<2x128xi32, #tpu.memory_space<hbm>>) target(%arg6 : memref<2x128xi32, #tpu.memory_space<vmem>>) target_semaphore(%arg17 : memref<!tpu.dma_semaphore, #tpu.memory_space<semaphore_mem>>)
    %dma_wait3A_94 = arith.constant 0 : i32
    %dma_wait3A_95 = arith.constant 0 : i32
    %dma_wait3A_96 = tpu.memref_slice %arg3[%dma_wait3A_94, %dma_wait3A_95] : memref<2x320000xi32, #tpu.memory_space<hbm>> -> memref<2x128xi32, #tpu.memory_space<hbm>>
    %dma_wait3A_97 = arith.constant 0 : i32
    %dma_wait3A_98 = arith.constant 0 : i32
    %dma_wait3A_99 = tpu.memref_slice %arg3[%dma_wait3A_97, %dma_wait3A_98] : memref<2x320000xi32, #tpu.memory_space<hbm>> -> memref<2x128xi32, #tpu.memory_space<hbm>>
    tpu.wait_dma2 semaphore(%arg19 : memref<!tpu.dma_semaphore, #tpu.memory_space<semaphore_mem>>) src(%dma_wait3A_99 : memref<2x128xi32, #tpu.memory_space<hbm>>) dst(%arg8 : memref<2x128xi32, #tpu.memory_space<vmem>>)
    %dma_start3A_100 = arith.constant 0 : i32
    %dma_start3A_101 = arith.constant 0 : i32
    %dma_start3A_102 = tpu.memref_slice %arg8[%dma_start3A_100, %dma_start3A_101] : memref<2x128xi32, #tpu.memory_space<vmem>> -> memref<1x128xi32, #tpu.memory_space<vmem>>
    %dma_start3A_103 = tpu.memref_squeeze %dma_start3A_102 : memref<1x128xi32, #tpu.memory_space<vmem>> -> memref<128xi32, #tpu.memory_space<vmem>>
    %dma_start3A_104 = arith.constant 0 : i32
    %dma_start3A_105 = arith.constant 0 : i32
    %dma_start3A_106 = tpu.memref_slice %arg2[%dma_start3A_104, %dma_start3A_105] : memref<10000x128xf32, #tpu.memory_space<hbm>> -> memref<10000x128xf32, #tpu.memory_space<hbm>>
    tpu.enqueue_indirect_dma source(%dma_start3A_106 : memref<10000x128xf32, #tpu.memory_space<hbm>>) target(%arg10 : memref<128x128xf32, #tpu.memory_space<vmem>>) offsets(%dma_start3A_103 : memref<128xi32, #tpu.memory_space<vmem>>) semaphore(%arg13 : memref<!tpu.dma_semaphore, #tpu.memory_space<semaphore_mem>>)
    %dma_wait3A_107 = arith.constant 0 : i32
    %dma_wait3A_108 = arith.constant 0 : i32
    %dma_wait3A_109 = tpu.memref_slice %arg4[%dma_wait3A_107, %dma_wait3A_108] : memref<10240x128xf32, #tpu.memory_space<hbm>> -> memref<128x128xf32, #tpu.memory_space<hbm>>
    %dma_wait3A_110 = arith.constant 0 : i32
    %dma_wait3A_111 = arith.constant 0 : i32
    %dma_wait3A_112 = tpu.memref_slice %arg4[%dma_wait3A_110, %dma_wait3A_111] : memref<10240x128xf32, #tpu.memory_space<hbm>> -> memref<128x128xf32, #tpu.memory_space<hbm>>
    tpu.wait_dma2 semaphore(%arg13 : memref<!tpu.dma_semaphore, #tpu.memory_space<semaphore_mem>>) src(%dma_wait3A_112 : memref<128x128xf32, #tpu.memory_space<hbm>>) dst(%arg10 : memref<128x128xf32, #tpu.memory_space<vmem>>)
    %dma_start3A_113 = arith.constant 1 : i32
    %dma_start3A_114 = arith.constant 0 : i32
    %dma_start3A_115 = tpu.memref_slice %arg8[%dma_start3A_113, %dma_start3A_114] : memref<2x128xi32, #tpu.memory_space<vmem>> -> memref<1x128xi32, #tpu.memory_space<vmem>>
    %dma_start3A_116 = tpu.memref_squeeze %dma_start3A_115 : memref<1x128xi32, #tpu.memory_space<vmem>> -> memref<128xi32, #tpu.memory_space<vmem>>
    %dma_start3A_117 = arith.constant 0 : i32
    %dma_start3A_118 = arith.constant 0 : i32
    %dma_start3A_119 = tpu.memref_slice %arg12[%dma_start3A_117, %dma_start3A_118] : memref<10240x128xf32, #tpu.memory_space<vmem_shared>> -> memref<10240x128xf32, #tpu.memory_space<vmem_shared>>
    tpu.enqueue_indirect_dma source(%arg10 : memref<128x128xf32, #tpu.memory_space<vmem>>) target(%dma_start3A_119 : memref<10240x128xf32, #tpu.memory_space<vmem_shared>>) offsets(%dma_start3A_116 : memref<128xi32, #tpu.memory_space<vmem>>) semaphore(%arg15 : memref<!tpu.dma_semaphore, #tpu.memory_space<semaphore_mem>>) {add = true}
    %dma_wait3A_120 = arith.constant 0 : i32
    %dma_wait3A_121 = arith.constant 0 : i32
    %dma_wait3A_122 = tpu.memref_slice %arg4[%dma_wait3A_120, %dma_wait3A_121] : memref<10240x128xf32, #tpu.memory_space<hbm>> -> memref<128x128xf32, #tpu.memory_space<hbm>>
    %dma_wait3A_123 = arith.constant 0 : i32
    %dma_wait3A_124 = arith.constant 0 : i32
    %dma_wait3A_125 = tpu.memref_slice %arg4[%dma_wait3A_123, %dma_wait3A_124] : memref<10240x128xf32, #tpu.memory_space<hbm>> -> memref<128x128xf32, #tpu.memory_space<hbm>>
    tpu.wait_dma2 semaphore(%arg16 : memref<!tpu.dma_semaphore, #tpu.memory_space<semaphore_mem>>) src(%dma_wait3A_125 : memref<128x128xf32, #tpu.memory_space<hbm>>) dst(%arg11 : memref<128x128xf32, #tpu.memory_space<vmem>>)
    %add3A_126 = arith.constant 160 : i32
    %add3A_127 = arith.addi %add3A_126, %add3A : i32
    %min3A_128 = arith.constant 2499 : i32
    %min3A_129 = arith.minsi %add3A_127, %min3A_128 : i32
    %mul3A_130 = arith.constant 128 : i32
    %mul3A_131 = arith.muli %min3A_129, %mul3A_130 : i32
    %dma_start3A_132 = arith.constant 0 : i32
    %dma_start3A_133 = tpu.memref_slice %arg3[%dma_start3A_132, %mul3A_131] : memref<2x320000xi32, #tpu.memory_space<hbm>> -> memref<2x128xi32, #tpu.memory_space<hbm>>
    %dma_start3A_134 = arith.constant 0 : i32
    %dma_start3A_135 = tpu.memref_slice %arg3[%dma_start3A_134, %mul3A_131] : memref<2x320000xi32, #tpu.memory_space<hbm>> -> memref<2x128xi32, #tpu.memory_space<hbm>>
    tpu.enqueue_dma source(%dma_start3A_135 : memref<2x128xi32, #tpu.memory_space<hbm>>) target(%arg7 : memref<2x128xi32, #tpu.memory_space<vmem>>) target_semaphore(%arg18 : memref<!tpu.dma_semaphore, #tpu.memory_space<semaphore_mem>>)
    %dma_wait3A_136 = arith.constant 0 : i32
    %dma_wait3A_137 = arith.constant 0 : i32
    %dma_wait3A_138 = tpu.memref_slice %arg3[%dma_wait3A_136, %dma_wait3A_137] : memref<2x320000xi32, #tpu.memory_space<hbm>> -> memref<2x128xi32, #tpu.memory_space<hbm>>
    %dma_wait3A_139 = arith.constant 0 : i32
    %dma_wait3A_140 = arith.constant 0 : i32
    %dma_wait3A_141 = tpu.memref_slice %arg3[%dma_wait3A_139, %dma_wait3A_140] : memref<2x320000xi32, #tpu.memory_space<hbm>> -> memref<2x128xi32, #tpu.memory_space<hbm>>
    tpu.wait_dma2 semaphore(%arg20 : memref<!tpu.dma_semaphore, #tpu.memory_space<semaphore_mem>>) src(%dma_wait3A_141 : memref<2x128xi32, #tpu.memory_space<hbm>>) dst(%arg9 : memref<2x128xi32, #tpu.memory_space<vmem>>)
    %dma_start3A_142 = arith.constant 0 : i32
    %dma_start3A_143 = arith.constant 0 : i32
    %dma_start3A_144 = tpu.memref_slice %arg9[%dma_start3A_142, %dma_start3A_143] : memref<2x128xi32, #tpu.memory_space<vmem>> -> memref<1x128xi32, #tpu.memory_space<vmem>>
    %dma_start3A_145 = tpu.memref_squeeze %dma_start3A_144 : memref<1x128xi32, #tpu.memory_space<vmem>> -> memref<128xi32, #tpu.memory_space<vmem>>
    %dma_start3A_146 = arith.constant 0 : i32
    %dma_start3A_147 = arith.constant 0 : i32
    %dma_start3A_148 = tpu.memref_slice %arg2[%dma_start3A_146, %dma_start3A_147] : memref<10000x128xf32, #tpu.memory_space<hbm>> -> memref<10000x128xf32, #tpu.memory_space<hbm>>
    tpu.enqueue_indirect_dma source(%dma_start3A_148 : memref<10000x128xf32, #tpu.memory_space<hbm>>) target(%arg11 : memref<128x128xf32, #tpu.memory_space<vmem>>) offsets(%dma_start3A_145 : memref<128xi32, #tpu.memory_space<vmem>>) semaphore(%arg14 : memref<!tpu.dma_semaphore, #tpu.memory_space<semaphore_mem>>)
    %dma_wait3A_149 = arith.constant 0 : i32
    %dma_wait3A_150 = arith.constant 0 : i32
    %dma_wait3A_151 = tpu.memref_slice %arg4[%dma_wait3A_149, %dma_wait3A_150] : memref<10240x128xf32, #tpu.memory_space<hbm>> -> memref<128x128xf32, #tpu.memory_space<hbm>>
    %dma_wait3A_152 = arith.constant 0 : i32
    %dma_wait3A_153 = arith.constant 0 : i32
    %dma_wait3A_154 = tpu.memref_slice %arg4[%dma_wait3A_152, %dma_wait3A_153] : memref<10240x128xf32, #tpu.memory_space<hbm>> -> memref<128x128xf32, #tpu.memory_space<hbm>>
    tpu.wait_dma2 semaphore(%arg14 : memref<!tpu.dma_semaphore, #tpu.memory_space<semaphore_mem>>) src(%dma_wait3A_154 : memref<128x128xf32, #tpu.memory_space<hbm>>) dst(%arg11 : memref<128x128xf32, #tpu.memory_space<vmem>>)
    %dma_start3A_155 = arith.constant 1 : i32
    %dma_start3A_156 = arith.constant 0 : i32
    %dma_start3A_157 = tpu.memref_slice %arg9[%dma_start3A_155, %dma_start3A_156] : memref<2x128xi32, #tpu.memory_space<vmem>> -> memref<1x128xi32, #tpu.memory_space<vmem>>
    %dma_start3A_158 = tpu.memref_squeeze %dma_start3A_157 : memref<1x128xi32, #tpu.memory_space<vmem>> -> memref<128xi32, #tpu.memory_space<vmem>>
    %dma_start3A_159 = arith.constant 0 : i32
    %dma_start3A_160 = arith.constant 0 : i32
    %dma_start3A_161 = tpu.memref_slice %arg12[%dma_start3A_159, %dma_start3A_160] : memref<10240x128xf32, #tpu.memory_space<vmem_shared>> -> memref<10240x128xf32, #tpu.memory_space<vmem_shared>>
    tpu.enqueue_indirect_dma source(%arg11 : memref<128x128xf32, #tpu.memory_space<vmem>>) target(%dma_start3A_161 : memref<10240x128xf32, #tpu.memory_space<vmem_shared>>) offsets(%dma_start3A_158 : memref<128xi32, #tpu.memory_space<vmem>>) semaphore(%arg16 : memref<!tpu.dma_semaphore, #tpu.memory_space<semaphore_mem>>) {add = true}
    %dma_wait3A_162 = arith.constant 0 : i32
    %dma_wait3A_163 = arith.constant 0 : i32
    %dma_wait3A_164 = tpu.memref_slice %arg4[%dma_wait3A_162, %dma_wait3A_163] : memref<10240x128xf32, #tpu.memory_space<hbm>> -> memref<128x128xf32, #tpu.memory_space<hbm>>
    %dma_wait3A_165 = arith.constant 0 : i32
    %dma_wait3A_166 = arith.constant 0 : i32
    %dma_wait3A_167 = tpu.memref_slice %arg4[%dma_wait3A_165, %dma_wait3A_166] : memref<10240x128xf32, #tpu.memory_space<hbm>> -> memref<128x128xf32, #tpu.memory_space<hbm>>
    tpu.wait_dma2 semaphore(%arg15 : memref<!tpu.dma_semaphore, #tpu.memory_space<semaphore_mem>>) src(%dma_wait3A_167 : memref<128x128xf32, #tpu.memory_space<hbm>>) dst(%arg10 : memref<128x128xf32, #tpu.memory_space<vmem>>)
    %add3A_168 = arith.constant 192 : i32
    %add3A_169 = arith.addi %add3A_168, %add3A : i32
    %min3A_170 = arith.constant 2499 : i32
    %min3A_171 = arith.minsi %add3A_169, %min3A_170 : i32
    %mul3A_172 = arith.constant 128 : i32
    %mul3A_173 = arith.muli %min3A_171, %mul3A_172 : i32
    %dma_start3A_174 = arith.constant 0 : i32
    %dma_start3A_175 = tpu.memref_slice %arg3[%dma_start3A_174, %mul3A_173] : memref<2x320000xi32, #tpu.memory_space<hbm>> -> memref<2x128xi32, #tpu.memory_space<hbm>>
    %dma_start3A_176 = arith.constant 0 : i32
    %dma_start3A_177 = tpu.memref_slice %arg3[%dma_start3A_176, %mul3A_173] : memref<2x320000xi32, #tpu.memory_space<hbm>> -> memref<2x128xi32, #tpu.memory_space<hbm>>
    tpu.enqueue_dma source(%dma_start3A_177 : memref<2x128xi32, #tpu.memory_space<hbm>>) target(%arg8 : memref<2x128xi32, #tpu.memory_space<vmem>>) target_semaphore(%arg19 : memref<!tpu.dma_semaphore, #tpu.memory_space<semaphore_mem>>)
    %dma_wait3A_178 = arith.constant 0 : i32
    %dma_wait3A_179 = arith.constant 0 : i32
    %dma_wait3A_180 = tpu.memref_slice %arg3[%dma_wait3A_178, %dma_wait3A_179] : memref<2x320000xi32, #tpu.memory_space<hbm>> -> memref<2x128xi32, #tpu.memory_space<hbm>>
    %dma_wait3A_181 = arith.constant 0 : i32
    %dma_wait3A_182 = arith.constant 0 : i32
    %dma_wait3A_183 = tpu.memref_slice %arg3[%dma_wait3A_181, %dma_wait3A_182] : memref<2x320000xi32, #tpu.memory_space<hbm>> -> memref<2x128xi32, #tpu.memory_space<hbm>>
    tpu.wait_dma2 semaphore(%arg17 : memref<!tpu.dma_semaphore, #tpu.memory_space<semaphore_mem>>) src(%dma_wait3A_183 : memref<2x128xi32, #tpu.memory_space<hbm>>) dst(%arg6 : memref<2x128xi32, #tpu.memory_space<vmem>>)
    %dma_start3A_184 = arith.constant 0 : i32
    %dma_start3A_185 = arith.constant 0 : i32
    %dma_start3A_186 = tpu.memref_slice %arg6[%dma_start3A_184, %dma_start3A_185] : memref<2x128xi32, #tpu.memory_space<vmem>> -> memref<1x128xi32, #tpu.memory_space<vmem>>
    %dma_start3A_187 = tpu.memref_squeeze %dma_start3A_186 : memref<1x128xi32, #tpu.memory_space<vmem>> -> memref<128xi32, #tpu.memory_space<vmem>>
    %dma_start3A_188 = arith.constant 0 : i32
    %dma_start3A_189 = arith.constant 0 : i32
    %dma_start3A_190 = tpu.memref_slice %arg2[%dma_start3A_188, %dma_start3A_189] : memref<10000x128xf32, #tpu.memory_space<hbm>> -> memref<10000x128xf32, #tpu.memory_space<hbm>>
    tpu.enqueue_indirect_dma source(%dma_start3A_190 : memref<10000x128xf32, #tpu.memory_space<hbm>>) target(%arg10 : memref<128x128xf32, #tpu.memory_space<vmem>>) offsets(%dma_start3A_187 : memref<128xi32, #tpu.memory_space<vmem>>) semaphore(%arg13 : memref<!tpu.dma_semaphore, #tpu.memory_space<semaphore_mem>>)
    %scan3A = arith.constant 0 : i32
    %scan3A_191 = arith.constant 1 : i32
    %scan3A_192 = arith.constant 18 : i32
    %scan3A_193 = arith.addi %scan3A_191, %scan3A_192 : i32
    %scan3A_194 = arith.constant 1 : i32
    scf.for %scan3A_312 = %scan3A_191 to %scan3A_193 step %scan3A_194  : i32 {
      %mul3A_313 = arith.constant 4 : i32
      %mul3A_314 = arith.muli %mul3A_313, %scan3A_312 : i32
      %dma_wait3A_315 = arith.constant 0 : i32
      %dma_wait3A_316 = arith.constant 0 : i32
      %dma_wait3A_317 = tpu.memref_slice %arg4[%dma_wait3A_315, %dma_wait3A_316] : memref<10240x128xf32, #tpu.memory_space<hbm>> -> memref<128x128xf32, #tpu.memory_space<hbm>>
      %dma_wait3A_318 = arith.constant 0 : i32
      %dma_wait3A_319 = arith.constant 0 : i32
      %dma_wait3A_320 = tpu.memref_slice %arg4[%dma_wait3A_318, %dma_wait3A_319] : memref<10240x128xf32, #tpu.memory_space<hbm>> -> memref<128x128xf32, #tpu.memory_space<hbm>>
      tpu.wait_dma2 semaphore(%arg13 : memref<!tpu.dma_semaphore, #tpu.memory_space<semaphore_mem>>) src(%dma_wait3A_320 : memref<128x128xf32, #tpu.memory_space<hbm>>) dst(%arg10 : memref<128x128xf32, #tpu.memory_space<vmem>>)
      %dma_start3A_321 = arith.constant 1 : i32
      %dma_start3A_322 = arith.constant 0 : i32
      %dma_start3A_323 = tpu.memref_slice %arg6[%dma_start3A_321, %dma_start3A_322] : memref<2x128xi32, #tpu.memory_space<vmem>> -> memref<1x128xi32, #tpu.memory_space<vmem>>
      %dma_start3A_324 = tpu.memref_squeeze %dma_start3A_323 : memref<1x128xi32, #tpu.memory_space<vmem>> -> memref<128xi32, #tpu.memory_space<vmem>>
      %dma_start3A_325 = arith.constant 0 : i32
      %dma_start3A_326 = arith.constant 0 : i32
      %dma_start3A_327 = tpu.memref_slice %arg12[%dma_start3A_325, %dma_start3A_326] : memref<10240x128xf32, #tpu.memory_space<vmem_shared>> -> memref<10240x128xf32, #tpu.memory_space<vmem_shared>>
      tpu.enqueue_indirect_dma source(%arg10 : memref<128x128xf32, #tpu.memory_space<vmem>>) target(%dma_start3A_327 : memref<10240x128xf32, #tpu.memory_space<vmem_shared>>) offsets(%dma_start3A_324 : memref<128xi32, #tpu.memory_space<vmem>>) semaphore(%arg15 : memref<!tpu.dma_semaphore, #tpu.memory_space<semaphore_mem>>) {add = true}
      %dma_wait3A_328 = arith.constant 0 : i32
      %dma_wait3A_329 = arith.constant 0 : i32
      %dma_wait3A_330 = tpu.memref_slice %arg4[%dma_wait3A_328, %dma_wait3A_329] : memref<10240x128xf32, #tpu.memory_space<hbm>> -> memref<128x128xf32, #tpu.memory_space<hbm>>
      %dma_wait3A_331 = arith.constant 0 : i32
      %dma_wait3A_332 = arith.constant 0 : i32
      %dma_wait3A_333 = tpu.memref_slice %arg4[%dma_wait3A_331, %dma_wait3A_332] : memref<10240x128xf32, #tpu.memory_space<hbm>> -> memref<128x128xf32, #tpu.memory_space<hbm>>
      tpu.wait_dma2 semaphore(%arg16 : memref<!tpu.dma_semaphore, #tpu.memory_space<semaphore_mem>>) src(%dma_wait3A_333 : memref<128x128xf32, #tpu.memory_space<hbm>>) dst(%arg11 : memref<128x128xf32, #tpu.memory_space<vmem>>)
      %add3A_334 = arith.constant 3 : i32
      %add3A_335 = arith.addi %mul3A_314, %add3A_334 : i32
      %mul3A_336 = arith.constant 32 : i32
      %mul3A_337 = arith.muli %add3A_335, %mul3A_336 : i32
      %add3A_338 = arith.addi %mul3A_337, %add3A : i32
      %min3A_339 = arith.constant 2499 : i32
      %min3A_340 = arith.minsi %add3A_338, %min3A_339 : i32
      %mul3A_341 = arith.constant 128 : i32
      %mul3A_342 = arith.muli %min3A_340, %mul3A_341 : i32
      %dma_start3A_343 = arith.constant 0 : i32
      %dma_start3A_344 = tpu.memref_slice %arg3[%dma_start3A_343, %mul3A_342] : memref<2x320000xi32, #tpu.memory_space<hbm>> -> memref<2x128xi32, #tpu.memory_space<hbm>>
      %dma_start3A_345 = arith.constant 0 : i32
      %dma_start3A_346 = tpu.memref_slice %arg3[%dma_start3A_345, %mul3A_342] : memref<2x320000xi32, #tpu.memory_space<hbm>> -> memref<2x128xi32, #tpu.memory_space<hbm>>
      tpu.enqueue_dma source(%dma_start3A_346 : memref<2x128xi32, #tpu.memory_space<hbm>>) target(%arg9 : memref<2x128xi32, #tpu.memory_space<vmem>>) target_semaphore(%arg20 : memref<!tpu.dma_semaphore, #tpu.memory_space<semaphore_mem>>)
      %dma_wait3A_347 = arith.constant 0 : i32
      %dma_wait3A_348 = arith.constant 0 : i32
      %dma_wait3A_349 = tpu.memref_slice %arg3[%dma_wait3A_347, %dma_wait3A_348] : memref<2x320000xi32, #tpu.memory_space<hbm>> -> memref<2x128xi32, #tpu.memory_space<hbm>>
      %dma_wait3A_350 = arith.constant 0 : i32
      %dma_wait3A_351 = arith.constant 0 : i32
      %dma_wait3A_352 = tpu.memref_slice %arg3[%dma_wait3A_350, %dma_wait3A_351] : memref<2x320000xi32, #tpu.memory_space<hbm>> -> memref<2x128xi32, #tpu.memory_space<hbm>>
      tpu.wait_dma2 semaphore(%arg18 : memref<!tpu.dma_semaphore, #tpu.memory_space<semaphore_mem>>) src(%dma_wait3A_352 : memref<2x128xi32, #tpu.memory_space<hbm>>) dst(%arg7 : memref<2x128xi32, #tpu.memory_space<vmem>>)
      %dma_start3A_353 = arith.constant 0 : i32
      %dma_start3A_354 = arith.constant 0 : i32
      %dma_start3A_355 = tpu.memref_slice %arg7[%dma_start3A_353, %dma_start3A_354] : memref<2x128xi32, #tpu.memory_space<vmem>> -> memref<1x128xi32, #tpu.memory_space<vmem>>
      %dma_start3A_356 = tpu.memref_squeeze %dma_start3A_355 : memref<1x128xi32, #tpu.memory_space<vmem>> -> memref<128xi32, #tpu.memory_space<vmem>>
      %dma_start3A_357 = arith.constant 0 : i32
      %dma_start3A_358 = arith.constant 0 : i32
      %dma_start3A_359 = tpu.memref_slice %arg2[%dma_start3A_357, %dma_start3A_358] : memref<10000x128xf32, #tpu.memory_space<hbm>> -> memref<10000x128xf32, #tpu.memory_space<hbm>>
      tpu.enqueue_indirect_dma source(%dma_start3A_359 : memref<10000x128xf32, #tpu.memory_space<hbm>>) target(%arg11 : memref<128x128xf32, #tpu.memory_space<vmem>>) offsets(%dma_start3A_356 : memref<128xi32, #tpu.memory_space<vmem>>) semaphore(%arg14 : memref<!tpu.dma_semaphore, #tpu.memory_space<semaphore_mem>>)
      %add3A_360 = arith.constant 1 : i32
      %add3A_361 = arith.addi %mul3A_314, %add3A_360 : i32
      %dma_wait3A_362 = arith.constant 0 : i32
      %dma_wait3A_363 = arith.constant 0 : i32
      %dma_wait3A_364 = tpu.memref_slice %arg4[%dma_wait3A_362, %dma_wait3A_363] : memref<10240x128xf32, #tpu.memory_space<hbm>> -> memref<128x128xf32, #tpu.memory_space<hbm>>
      %dma_wait3A_365 = arith.constant 0 : i32
      %dma_wait3A_366 = arith.constant 0 : i32
      %dma_wait3A_367 = tpu.memref_slice %arg4[%dma_wait3A_365, %dma_wait3A_366] : memref<10240x128xf32, #tpu.memory_space<hbm>> -> memref<128x128xf32, #tpu.memory_space<hbm>>
      tpu.wait_dma2 semaphore(%arg14 : memref<!tpu.dma_semaphore, #tpu.memory_space<semaphore_mem>>) src(%dma_wait3A_367 : memref<128x128xf32, #tpu.memory_space<hbm>>) dst(%arg11 : memref<128x128xf32, #tpu.memory_space<vmem>>)
      %dma_start3A_368 = arith.constant 1 : i32
      %dma_start3A_369 = arith.constant 0 : i32
      %dma_start3A_370 = tpu.memref_slice %arg7[%dma_start3A_368, %dma_start3A_369] : memref<2x128xi32, #tpu.memory_space<vmem>> -> memref<1x128xi32, #tpu.memory_space<vmem>>
      %dma_start3A_371 = tpu.memref_squeeze %dma_start3A_370 : memref<1x128xi32, #tpu.memory_space<vmem>> -> memref<128xi32, #tpu.memory_space<vmem>>
      %dma_start3A_372 = arith.constant 0 : i32
      %dma_start3A_373 = arith.constant 0 : i32
      %dma_start3A_374 = tpu.memref_slice %arg12[%dma_start3A_372, %dma_start3A_373] : memref<10240x128xf32, #tpu.memory_space<vmem_shared>> -> memref<10240x128xf32, #tpu.memory_space<vmem_shared>>
      tpu.enqueue_indirect_dma source(%arg11 : memref<128x128xf32, #tpu.memory_space<vmem>>) target(%dma_start3A_374 : memref<10240x128xf32, #tpu.memory_space<vmem_shared>>) offsets(%dma_start3A_371 : memref<128xi32, #tpu.memory_space<vmem>>) semaphore(%arg16 : memref<!tpu.dma_semaphore, #tpu.memory_space<semaphore_mem>>) {add = true}
      %dma_wait3A_375 = arith.constant 0 : i32
      %dma_wait3A_376 = arith.constant 0 : i32
      %dma_wait3A_377 = tpu.memref_slice %arg4[%dma_wait3A_375, %dma_wait3A_376] : memref<10240x128xf32, #tpu.memory_space<hbm>> -> memref<128x128xf32, #tpu.memory_space<hbm>>
      %dma_wait3A_378 = arith.constant 0 : i32
      %dma_wait3A_379 = arith.constant 0 : i32
      %dma_wait3A_380 = tpu.memref_slice %arg4[%dma_wait3A_378, %dma_wait3A_379] : memref<10240x128xf32, #tpu.memory_space<hbm>> -> memref<128x128xf32, #tpu.memory_space<hbm>>
      tpu.wait_dma2 semaphore(%arg15 : memref<!tpu.dma_semaphore, #tpu.memory_space<semaphore_mem>>) src(%dma_wait3A_380 : memref<128x128xf32, #tpu.memory_space<hbm>>) dst(%arg10 : memref<128x128xf32, #tpu.memory_space<vmem>>)
      %add3A_381 = arith.constant 3 : i32
      %add3A_382 = arith.addi %add3A_361, %add3A_381 : i32
      %mul3A_383 = arith.constant 32 : i32
      %mul3A_384 = arith.muli %add3A_382, %mul3A_383 : i32
      %add3A_385 = arith.addi %mul3A_384, %add3A : i32
      %min3A_386 = arith.constant 2499 : i32
      %min3A_387 = arith.minsi %add3A_385, %min3A_386 : i32
      %mul3A_388 = arith.constant 128 : i32
      %mul3A_389 = arith.muli %min3A_387, %mul3A_388 : i32
      %dma_start3A_390 = arith.constant 0 : i32
      %dma_start3A_391 = tpu.memref_slice %arg3[%dma_start3A_390, %mul3A_389] : memref<2x320000xi32, #tpu.memory_space<hbm>> -> memref<2x128xi32, #tpu.memory_space<hbm>>
      %dma_start3A_392 = arith.constant 0 : i32
      %dma_start3A_393 = tpu.memref_slice %arg3[%dma_start3A_392, %mul3A_389] : memref<2x320000xi32, #tpu.memory_space<hbm>> -> memref<2x128xi32, #tpu.memory_space<hbm>>
      tpu.enqueue_dma source(%dma_start3A_393 : memref<2x128xi32, #tpu.memory_space<hbm>>) target(%arg6 : memref<2x128xi32, #tpu.memory_space<vmem>>) target_semaphore(%arg17 : memref<!tpu.dma_semaphore, #tpu.memory_space<semaphore_mem>>)
      %dma_wait3A_394 = arith.constant 0 : i32
      %dma_wait3A_395 = arith.constant 0 : i32
      %dma_wait3A_396 = tpu.memref_slice %arg3[%dma_wait3A_394, %dma_wait3A_395] : memref<2x320000xi32, #tpu.memory_space<hbm>> -> memref<2x128xi32, #tpu.memory_space<hbm>>
      %dma_wait3A_397 = arith.constant 0 : i32
      %dma_wait3A_398 = arith.constant 0 : i32
      %dma_wait3A_399 = tpu.memref_slice %arg3[%dma_wait3A_397, %dma_wait3A_398] : memref<2x320000xi32, #tpu.memory_space<hbm>> -> memref<2x128xi32, #tpu.memory_space<hbm>>
      tpu.wait_dma2 semaphore(%arg19 : memref<!tpu.dma_semaphore, #tpu.memory_space<semaphore_mem>>) src(%dma_wait3A_399 : memref<2x128xi32, #tpu.memory_space<hbm>>) dst(%arg8 : memref<2x128xi32, #tpu.memory_space<vmem>>)
      %dma_start3A_400 = arith.constant 0 : i32
      %dma_start3A_401 = arith.constant 0 : i32
      %dma_start3A_402 = tpu.memref_slice %arg8[%dma_start3A_400, %dma_start3A_401] : memref<2x128xi32, #tpu.memory_space<vmem>> -> memref<1x128xi32, #tpu.memory_space<vmem>>
      %dma_start3A_403 = tpu.memref_squeeze %dma_start3A_402 : memref<1x128xi32, #tpu.memory_space<vmem>> -> memref<128xi32, #tpu.memory_space<vmem>>
      %dma_start3A_404 = arith.constant 0 : i32
      %dma_start3A_405 = arith.constant 0 : i32
      %dma_start3A_406 = tpu.memref_slice %arg2[%dma_start3A_404, %dma_start3A_405] : memref<10000x128xf32, #tpu.memory_space<hbm>> -> memref<10000x128xf32, #tpu.memory_space<hbm>>
      tpu.enqueue_indirect_dma source(%dma_start3A_406 : memref<10000x128xf32, #tpu.memory_space<hbm>>) target(%arg10 : memref<128x128xf32, #tpu.memory_space<vmem>>) offsets(%dma_start3A_403 : memref<128xi32, #tpu.memory_space<vmem>>) semaphore(%arg13 : memref<!tpu.dma_semaphore, #tpu.memory_space<semaphore_mem>>)
      %add3A_407 = arith.constant 2 : i32
      %add3A_408 = arith.addi %mul3A_314, %add3A_407 : i32
      %dma_wait3A_409 = arith.constant 0 : i32
      %dma_wait3A_410 = arith.constant 0 : i32
      %dma_wait3A_411 = tpu.memref_slice %arg4[%dma_wait3A_409, %dma_wait3A_410] : memref<10240x128xf32, #tpu.memory_space<hbm>> -> memref<128x128xf32, #tpu.memory_space<hbm>>
      %dma_wait3A_412 = arith.constant 0 : i32
      %dma_wait3A_413 = arith.constant 0 : i32
      %dma_wait3A_414 = tpu.memref_slice %arg4[%dma_wait3A_412, %dma_wait3A_413] : memref<10240x128xf32, #tpu.memory_space<hbm>> -> memref<128x128xf32, #tpu.memory_space<hbm>>
      tpu.wait_dma2 semaphore(%arg13 : memref<!tpu.dma_semaphore, #tpu.memory_space<semaphore_mem>>) src(%dma_wait3A_414 : memref<128x128xf32, #tpu.memory_space<hbm>>) dst(%arg10 : memref<128x128xf32, #tpu.memory_space<vmem>>)
      %dma_start3A_415 = arith.constant 1 : i32
      %dma_start3A_416 = arith.constant 0 : i32
      %dma_start3A_417 = tpu.memref_slice %arg8[%dma_start3A_415, %dma_start3A_416] : memref<2x128xi32, #tpu.memory_space<vmem>> -> memref<1x128xi32, #tpu.memory_space<vmem>>
      %dma_start3A_418 = tpu.memref_squeeze %dma_start3A_417 : memref<1x128xi32, #tpu.memory_space<vmem>> -> memref<128xi32, #tpu.memory_space<vmem>>
      %dma_start3A_419 = arith.constant 0 : i32
      %dma_start3A_420 = arith.constant 0 : i32
      %dma_start3A_421 = tpu.memref_slice %arg12[%dma_start3A_419, %dma_start3A_420] : memref<10240x128xf32, #tpu.memory_space<vmem_shared>> -> memref<10240x128xf32, #tpu.memory_space<vmem_shared>>
      tpu.enqueue_indirect_dma source(%arg10 : memref<128x128xf32, #tpu.memory_space<vmem>>) target(%dma_start3A_421 : memref<10240x128xf32, #tpu.memory_space<vmem_shared>>) offsets(%dma_start3A_418 : memref<128xi32, #tpu.memory_space<vmem>>) semaphore(%arg15 : memref<!tpu.dma_semaphore, #tpu.memory_space<semaphore_mem>>) {add = true}
      %dma_wait3A_422 = arith.constant 0 : i32
      %dma_wait3A_423 = arith.constant 0 : i32
      %dma_wait3A_424 = tpu.memref_slice %arg4[%dma_wait3A_422, %dma_wait3A_423] : memref<10240x128xf32, #tpu.memory_space<hbm>> -> memref<128x128xf32, #tpu.memory_space<hbm>>
      %dma_wait3A_425 = arith.constant 0 : i32
      %dma_wait3A_426 = arith.constant 0 : i32
      %dma_wait3A_427 = tpu.memref_slice %arg4[%dma_wait3A_425, %dma_wait3A_426] : memref<10240x128xf32, #tpu.memory_space<hbm>> -> memref<128x128xf32, #tpu.memory_space<hbm>>
      tpu.wait_dma2 semaphore(%arg16 : memref<!tpu.dma_semaphore, #tpu.memory_space<semaphore_mem>>) src(%dma_wait3A_427 : memref<128x128xf32, #tpu.memory_space<hbm>>) dst(%arg11 : memref<128x128xf32, #tpu.memory_space<vmem>>)
      %add3A_428 = arith.constant 3 : i32
      %add3A_429 = arith.addi %add3A_408, %add3A_428 : i32
      %mul3A_430 = arith.constant 32 : i32
      %mul3A_431 = arith.muli %add3A_429, %mul3A_430 : i32
      %add3A_432 = arith.addi %mul3A_431, %add3A : i32
      %min3A_433 = arith.constant 2499 : i32
      %min3A_434 = arith.minsi %add3A_432, %min3A_433 : i32
      %mul3A_435 = arith.constant 128 : i32
      %mul3A_436 = arith.muli %min3A_434, %mul3A_435 : i32
      %dma_start3A_437 = arith.constant 0 : i32
      %dma_start3A_438 = tpu.memref_slice %arg3[%dma_start3A_437, %mul3A_436] : memref<2x320000xi32, #tpu.memory_space<hbm>> -> memref<2x128xi32, #tpu.memory_space<hbm>>
      %dma_start3A_439 = arith.constant 0 : i32
      %dma_start3A_440 = tpu.memref_slice %arg3[%dma_start3A_439, %mul3A_436] : memref<2x320000xi32, #tpu.memory_space<hbm>> -> memref<2x128xi32, #tpu.memory_space<hbm>>
      tpu.enqueue_dma source(%dma_start3A_440 : memref<2x128xi32, #tpu.memory_space<hbm>>) target(%arg7 : memref<2x128xi32, #tpu.memory_space<vmem>>) target_semaphore(%arg18 : memref<!tpu.dma_semaphore, #tpu.memory_space<semaphore_mem>>)
      %dma_wait3A_441 = arith.constant 0 : i32
      %dma_wait3A_442 = arith.constant 0 : i32
      %dma_wait3A_443 = tpu.memref_slice %arg3[%dma_wait3A_441, %dma_wait3A_442] : memref<2x320000xi32, #tpu.memory_space<hbm>> -> memref<2x128xi32, #tpu.memory_space<hbm>>
      %dma_wait3A_444 = arith.constant 0 : i32
      %dma_wait3A_445 = arith.constant 0 : i32
      %dma_wait3A_446 = tpu.memref_slice %arg3[%dma_wait3A_444, %dma_wait3A_445] : memref<2x320000xi32, #tpu.memory_space<hbm>> -> memref<2x128xi32, #tpu.memory_space<hbm>>
      tpu.wait_dma2 semaphore(%arg20 : memref<!tpu.dma_semaphore, #tpu.memory_space<semaphore_mem>>) src(%dma_wait3A_446 : memref<2x128xi32, #tpu.memory_space<hbm>>) dst(%arg9 : memref<2x128xi32, #tpu.memory_space<vmem>>)
      %dma_start3A_447 = arith.constant 0 : i32
      %dma_start3A_448 = arith.constant 0 : i32
      %dma_start3A_449 = tpu.memref_slice %arg9[%dma_start3A_447, %dma_start3A_448] : memref<2x128xi32, #tpu.memory_space<vmem>> -> memref<1x128xi32, #tpu.memory_space<vmem>>
      %dma_start3A_450 = tpu.memref_squeeze %dma_start3A_449 : memref<1x128xi32, #tpu.memory_space<vmem>> -> memref<128xi32, #tpu.memory_space<vmem>>
      %dma_start3A_451 = arith.constant 0 : i32
      %dma_start3A_452 = arith.constant 0 : i32
      %dma_start3A_453 = tpu.memref_slice %arg2[%dma_start3A_451, %dma_start3A_452] : memref<10000x128xf32, #tpu.memory_space<hbm>> -> memref<10000x128xf32, #tpu.memory_space<hbm>>
      tpu.enqueue_indirect_dma source(%dma_start3A_453 : memref<10000x128xf32, #tpu.memory_space<hbm>>) target(%arg11 : memref<128x128xf32, #tpu.memory_space<vmem>>) offsets(%dma_start3A_450 : memref<128xi32, #tpu.memory_space<vmem>>) semaphore(%arg14 : memref<!tpu.dma_semaphore, #tpu.memory_space<semaphore_mem>>)
      %add3A_454 = arith.constant 3 : i32
      %add3A_455 = arith.addi %mul3A_314, %add3A_454 : i32
      %dma_wait3A_456 = arith.constant 0 : i32
      %dma_wait3A_457 = arith.constant 0 : i32
      %dma_wait3A_458 = tpu.memref_slice %arg4[%dma_wait3A_456, %dma_wait3A_457] : memref<10240x128xf32, #tpu.memory_space<hbm>> -> memref<128x128xf32, #tpu.memory_space<hbm>>
      %dma_wait3A_459 = arith.constant 0 : i32
      %dma_wait3A_460 = arith.constant 0 : i32
      %dma_wait3A_461 = tpu.memref_slice %arg4[%dma_wait3A_459, %dma_wait3A_460] : memref<10240x128xf32, #tpu.memory_space<hbm>> -> memref<128x128xf32, #tpu.memory_space<hbm>>
      tpu.wait_dma2 semaphore(%arg14 : memref<!tpu.dma_semaphore, #tpu.memory_space<semaphore_mem>>) src(%dma_wait3A_461 : memref<128x128xf32, #tpu.memory_space<hbm>>) dst(%arg11 : memref<128x128xf32, #tpu.memory_space<vmem>>)
      %dma_start3A_462 = arith.constant 1 : i32
      %dma_start3A_463 = arith.constant 0 : i32
      %dma_start3A_464 = tpu.memref_slice %arg9[%dma_start3A_462, %dma_start3A_463] : memref<2x128xi32, #tpu.memory_space<vmem>> -> memref<1x128xi32, #tpu.memory_space<vmem>>
      %dma_start3A_465 = tpu.memref_squeeze %dma_start3A_464 : memref<1x128xi32, #tpu.memory_space<vmem>> -> memref<128xi32, #tpu.memory_space<vmem>>
      %dma_start3A_466 = arith.constant 0 : i32
      %dma_start3A_467 = arith.constant 0 : i32
      %dma_start3A_468 = tpu.memref_slice %arg12[%dma_start3A_466, %dma_start3A_467] : memref<10240x128xf32, #tpu.memory_space<vmem_shared>> -> memref<10240x128xf32, #tpu.memory_space<vmem_shared>>
      tpu.enqueue_indirect_dma source(%arg11 : memref<128x128xf32, #tpu.memory_space<vmem>>) target(%dma_start3A_468 : memref<10240x128xf32, #tpu.memory_space<vmem_shared>>) offsets(%dma_start3A_465 : memref<128xi32, #tpu.memory_space<vmem>>) semaphore(%arg16 : memref<!tpu.dma_semaphore, #tpu.memory_space<semaphore_mem>>) {add = true}
      %dma_wait3A_469 = arith.constant 0 : i32
      %dma_wait3A_470 = arith.constant 0 : i32
      %dma_wait3A_471 = tpu.memref_slice %arg4[%dma_wait3A_469, %dma_wait3A_470] : memref<10240x128xf32, #tpu.memory_space<hbm>> -> memref<128x128xf32, #tpu.memory_space<hbm>>
      %dma_wait3A_472 = arith.constant 0 : i32
      %dma_wait3A_473 = arith.constant 0 : i32
      %dma_wait3A_474 = tpu.memref_slice %arg4[%dma_wait3A_472, %dma_wait3A_473] : memref<10240x128xf32, #tpu.memory_space<hbm>> -> memref<128x128xf32, #tpu.memory_space<hbm>>
      tpu.wait_dma2 semaphore(%arg15 : memref<!tpu.dma_semaphore, #tpu.memory_space<semaphore_mem>>) src(%dma_wait3A_474 : memref<128x128xf32, #tpu.memory_space<hbm>>) dst(%arg10 : memref<128x128xf32, #tpu.memory_space<vmem>>)
      %add3A_475 = arith.constant 3 : i32
      %add3A_476 = arith.addi %add3A_455, %add3A_475 : i32
      %mul3A_477 = arith.constant 32 : i32
      %mul3A_478 = arith.muli %add3A_476, %mul3A_477 : i32
      %add3A_479 = arith.addi %mul3A_478, %add3A : i32
      %min3A_480 = arith.constant 2499 : i32
      %min3A_481 = arith.minsi %add3A_479, %min3A_480 : i32
      %mul3A_482 = arith.constant 128 : i32
      %mul3A_483 = arith.muli %min3A_481, %mul3A_482 : i32
      %dma_start3A_484 = arith.constant 0 : i32
      %dma_start3A_485 = tpu.memref_slice %arg3[%dma_start3A_484, %mul3A_483] : memref<2x320000xi32, #tpu.memory_space<hbm>> -> memref<2x128xi32, #tpu.memory_space<hbm>>
      %dma_start3A_486 = arith.constant 0 : i32
      %dma_start3A_487 = tpu.memref_slice %arg3[%dma_start3A_486, %mul3A_483] : memref<2x320000xi32, #tpu.memory_space<hbm>> -> memref<2x128xi32, #tpu.memory_space<hbm>>
      tpu.enqueue_dma source(%dma_start3A_487 : memref<2x128xi32, #tpu.memory_space<hbm>>) target(%arg8 : memref<2x128xi32, #tpu.memory_space<vmem>>) target_semaphore(%arg19 : memref<!tpu.dma_semaphore, #tpu.memory_space<semaphore_mem>>)
      %dma_wait3A_488 = arith.constant 0 : i32
      %dma_wait3A_489 = arith.constant 0 : i32
      %dma_wait3A_490 = tpu.memref_slice %arg3[%dma_wait3A_488, %dma_wait3A_489] : memref<2x320000xi32, #tpu.memory_space<hbm>> -> memref<2x128xi32, #tpu.memory_space<hbm>>
      %dma_wait3A_491 = arith.constant 0 : i32
      %dma_wait3A_492 = arith.constant 0 : i32
      %dma_wait3A_493 = tpu.memref_slice %arg3[%dma_wait3A_491, %dma_wait3A_492] : memref<2x320000xi32, #tpu.memory_space<hbm>> -> memref<2x128xi32, #tpu.memory_space<hbm>>
      tpu.wait_dma2 semaphore(%arg17 : memref<!tpu.dma_semaphore, #tpu.memory_space<semaphore_mem>>) src(%dma_wait3A_493 : memref<2x128xi32, #tpu.memory_space<hbm>>) dst(%arg6 : memref<2x128xi32, #tpu.memory_space<vmem>>)
      %dma_start3A_494 = arith.constant 0 : i32
      %dma_start3A_495 = arith.constant 0 : i32
      %dma_start3A_496 = tpu.memref_slice %arg6[%dma_start3A_494, %dma_start3A_495] : memref<2x128xi32, #tpu.memory_space<vmem>> -> memref<1x128xi32, #tpu.memory_space<vmem>>
      %dma_start3A_497 = tpu.memref_squeeze %dma_start3A_496 : memref<1x128xi32, #tpu.memory_space<vmem>> -> memref<128xi32, #tpu.memory_space<vmem>>
      %dma_start3A_498 = arith.constant 0 : i32
      %dma_start3A_499 = arith.constant 0 : i32
      %dma_start3A_500 = tpu.memref_slice %arg2[%dma_start3A_498, %dma_start3A_499] : memref<10000x128xf32, #tpu.memory_space<hbm>> -> memref<10000x128xf32, #tpu.memory_space<hbm>>
      tpu.enqueue_indirect_dma source(%dma_start3A_500 : memref<10000x128xf32, #tpu.memory_space<hbm>>) target(%arg10 : memref<128x128xf32, #tpu.memory_space<vmem>>) offsets(%dma_start3A_497 : memref<128xi32, #tpu.memory_space<vmem>>) semaphore(%arg13 : memref<!tpu.dma_semaphore, #tpu.memory_space<semaphore_mem>>)
    }
    %scan3A_195 = arith.constant 18 : i32
    %dma_wait3A_196 = arith.constant 0 : i32
    %dma_wait3A_197 = arith.constant 0 : i32
    %dma_wait3A_198 = tpu.memref_slice %arg4[%dma_wait3A_196, %dma_wait3A_197] : memref<10240x128xf32, #tpu.memory_space<hbm>> -> memref<128x128xf32, #tpu.memory_space<hbm>>
    %dma_wait3A_199 = arith.constant 0 : i32
    %dma_wait3A_200 = arith.constant 0 : i32
    %dma_wait3A_201 = tpu.memref_slice %arg4[%dma_wait3A_199, %dma_wait3A_200] : memref<10240x128xf32, #tpu.memory_space<hbm>> -> memref<128x128xf32, #tpu.memory_space<hbm>>
    tpu.wait_dma2 semaphore(%arg13 : memref<!tpu.dma_semaphore, #tpu.memory_space<semaphore_mem>>) src(%dma_wait3A_201 : memref<128x128xf32, #tpu.memory_space<hbm>>) dst(%arg10 : memref<128x128xf32, #tpu.memory_space<vmem>>)
    %dma_start3A_202 = arith.constant 1 : i32
    %dma_start3A_203 = arith.constant 0 : i32
    %dma_start3A_204 = tpu.memref_slice %arg6[%dma_start3A_202, %dma_start3A_203] : memref<2x128xi32, #tpu.memory_space<vmem>> -> memref<1x128xi32, #tpu.memory_space<vmem>>
    %dma_start3A_205 = tpu.memref_squeeze %dma_start3A_204 : memref<1x128xi32, #tpu.memory_space<vmem>> -> memref<128xi32, #tpu.memory_space<vmem>>
    %dma_start3A_206 = arith.constant 0 : i32
    %dma_start3A_207 = arith.constant 0 : i32
    %dma_start3A_208 = tpu.memref_slice %arg12[%dma_start3A_206, %dma_start3A_207] : memref<10240x128xf32, #tpu.memory_space<vmem_shared>> -> memref<10240x128xf32, #tpu.memory_space<vmem_shared>>
    tpu.enqueue_indirect_dma source(%arg10 : memref<128x128xf32, #tpu.memory_space<vmem>>) target(%dma_start3A_208 : memref<10240x128xf32, #tpu.memory_space<vmem_shared>>) offsets(%dma_start3A_205 : memref<128xi32, #tpu.memory_space<vmem>>) semaphore(%arg15 : memref<!tpu.dma_semaphore, #tpu.memory_space<semaphore_mem>>) {add = true}
    %dma_wait3A_209 = arith.constant 0 : i32
    %dma_wait3A_210 = arith.constant 0 : i32
    %dma_wait3A_211 = tpu.memref_slice %arg4[%dma_wait3A_209, %dma_wait3A_210] : memref<10240x128xf32, #tpu.memory_space<hbm>> -> memref<128x128xf32, #tpu.memory_space<hbm>>
    %dma_wait3A_212 = arith.constant 0 : i32
    %dma_wait3A_213 = arith.constant 0 : i32
    %dma_wait3A_214 = tpu.memref_slice %arg4[%dma_wait3A_212, %dma_wait3A_213] : memref<10240x128xf32, #tpu.memory_space<hbm>> -> memref<128x128xf32, #tpu.memory_space<hbm>>
    tpu.wait_dma2 semaphore(%arg16 : memref<!tpu.dma_semaphore, #tpu.memory_space<semaphore_mem>>) src(%dma_wait3A_214 : memref<128x128xf32, #tpu.memory_space<hbm>>) dst(%arg11 : memref<128x128xf32, #tpu.memory_space<vmem>>)
    %add3A_215 = arith.constant 2528 : i32
    %add3A_216 = arith.addi %add3A_215, %add3A : i32
    %min3A_217 = arith.constant 2499 : i32
    %min3A_218 = arith.minsi %add3A_216, %min3A_217 : i32
    %mul3A_219 = arith.constant 128 : i32
    %mul3A_220 = arith.muli %min3A_218, %mul3A_219 : i32
    %dma_start3A_221 = arith.constant 0 : i32
    %dma_start3A_222 = tpu.memref_slice %arg3[%dma_start3A_221, %mul3A_220] : memref<2x320000xi32, #tpu.memory_space<hbm>> -> memref<2x128xi32, #tpu.memory_space<hbm>>
    %dma_start3A_223 = arith.constant 0 : i32
    %dma_start3A_224 = tpu.memref_slice %arg3[%dma_start3A_223, %mul3A_220] : memref<2x320000xi32, #tpu.memory_space<hbm>> -> memref<2x128xi32, #tpu.memory_space<hbm>>
    tpu.enqueue_dma source(%dma_start3A_224 : memref<2x128xi32, #tpu.memory_space<hbm>>) target(%arg9 : memref<2x128xi32, #tpu.memory_space<vmem>>) target_semaphore(%arg20 : memref<!tpu.dma_semaphore, #tpu.memory_space<semaphore_mem>>)
    %dma_wait3A_225 = arith.constant 0 : i32
    %dma_wait3A_226 = arith.constant 0 : i32
    %dma_wait3A_227 = tpu.memref_slice %arg3[%dma_wait3A_225, %dma_wait3A_226] : memref<2x320000xi32, #tpu.memory_space<hbm>> -> memref<2x128xi32, #tpu.memory_space<hbm>>
    %dma_wait3A_228 = arith.constant 0 : i32
    %dma_wait3A_229 = arith.constant 0 : i32
    %dma_wait3A_230 = tpu.memref_slice %arg3[%dma_wait3A_228, %dma_wait3A_229] : memref<2x320000xi32, #tpu.memory_space<hbm>> -> memref<2x128xi32, #tpu.memory_space<hbm>>
    tpu.wait_dma2 semaphore(%arg18 : memref<!tpu.dma_semaphore, #tpu.memory_space<semaphore_mem>>) src(%dma_wait3A_230 : memref<2x128xi32, #tpu.memory_space<hbm>>) dst(%arg7 : memref<2x128xi32, #tpu.memory_space<vmem>>)
    %dma_start3A_231 = arith.constant 0 : i32
    %dma_start3A_232 = arith.constant 0 : i32
    %dma_start3A_233 = tpu.memref_slice %arg7[%dma_start3A_231, %dma_start3A_232] : memref<2x128xi32, #tpu.memory_space<vmem>> -> memref<1x128xi32, #tpu.memory_space<vmem>>
    %dma_start3A_234 = tpu.memref_squeeze %dma_start3A_233 : memref<1x128xi32, #tpu.memory_space<vmem>> -> memref<128xi32, #tpu.memory_space<vmem>>
    %dma_start3A_235 = arith.constant 0 : i32
    %dma_start3A_236 = arith.constant 0 : i32
    %dma_start3A_237 = tpu.memref_slice %arg2[%dma_start3A_235, %dma_start3A_236] : memref<10000x128xf32, #tpu.memory_space<hbm>> -> memref<10000x128xf32, #tpu.memory_space<hbm>>
    tpu.enqueue_indirect_dma source(%dma_start3A_237 : memref<10000x128xf32, #tpu.memory_space<hbm>>) target(%arg11 : memref<128x128xf32, #tpu.memory_space<vmem>>) offsets(%dma_start3A_234 : memref<128xi32, #tpu.memory_space<vmem>>) semaphore(%arg14 : memref<!tpu.dma_semaphore, #tpu.memory_space<semaphore_mem>>)
    %dma_wait3A_238 = arith.constant 0 : i32
    %dma_wait3A_239 = arith.constant 0 : i32
    %dma_wait3A_240 = tpu.memref_slice %arg4[%dma_wait3A_238, %dma_wait3A_239] : memref<10240x128xf32, #tpu.memory_space<hbm>> -> memref<128x128xf32, #tpu.memory_space<hbm>>
    %dma_wait3A_241 = arith.constant 0 : i32
    %dma_wait3A_242 = arith.constant 0 : i32
    %dma_wait3A_243 = tpu.memref_slice %arg4[%dma_wait3A_241, %dma_wait3A_242] : memref<10240x128xf32, #tpu.memory_space<hbm>> -> memref<128x128xf32, #tpu.memory_space<hbm>>
    tpu.wait_dma2 semaphore(%arg14 : memref<!tpu.dma_semaphore, #tpu.memory_space<semaphore_mem>>) src(%dma_wait3A_243 : memref<128x128xf32, #tpu.memory_space<hbm>>) dst(%arg11 : memref<128x128xf32, #tpu.memory_space<vmem>>)
    %dma_start3A_244 = arith.constant 1 : i32
    %dma_start3A_245 = arith.constant 0 : i32
    %dma_start3A_246 = tpu.memref_slice %arg7[%dma_start3A_244, %dma_start3A_245] : memref<2x128xi32, #tpu.memory_space<vmem>> -> memref<1x128xi32, #tpu.memory_space<vmem>>
    %dma_start3A_247 = tpu.memref_squeeze %dma_start3A_246 : memref<1x128xi32, #tpu.memory_space<vmem>> -> memref<128xi32, #tpu.memory_space<vmem>>
    %dma_start3A_248 = arith.constant 0 : i32
    %dma_start3A_249 = arith.constant 0 : i32
    %dma_start3A_250 = tpu.memref_slice %arg12[%dma_start3A_248, %dma_start3A_249] : memref<10240x128xf32, #tpu.memory_space<vmem_shared>> -> memref<10240x128xf32, #tpu.memory_space<vmem_shared>>
    tpu.enqueue_indirect_dma source(%arg11 : memref<128x128xf32, #tpu.memory_space<vmem>>) target(%dma_start3A_250 : memref<10240x128xf32, #tpu.memory_space<vmem_shared>>) offsets(%dma_start3A_247 : memref<128xi32, #tpu.memory_space<vmem>>) semaphore(%arg16 : memref<!tpu.dma_semaphore, #tpu.memory_space<semaphore_mem>>) {add = true}
    %dma_wait3A_251 = arith.constant 0 : i32
    %dma_wait3A_252 = arith.constant 0 : i32
    %dma_wait3A_253 = tpu.memref_slice %arg4[%dma_wait3A_251, %dma_wait3A_252] : memref<10240x128xf32, #tpu.memory_space<hbm>> -> memref<128x128xf32, #tpu.memory_space<hbm>>
    %dma_wait3A_254 = arith.constant 0 : i32
    %dma_wait3A_255 = arith.constant 0 : i32
    %dma_wait3A_256 = tpu.memref_slice %arg4[%dma_wait3A_254, %dma_wait3A_255] : memref<10240x128xf32, #tpu.memory_space<hbm>> -> memref<128x128xf32, #tpu.memory_space<hbm>>
    tpu.wait_dma2 semaphore(%arg15 : memref<!tpu.dma_semaphore, #tpu.memory_space<semaphore_mem>>) src(%dma_wait3A_256 : memref<128x128xf32, #tpu.memory_space<hbm>>) dst(%arg10 : memref<128x128xf32, #tpu.memory_space<vmem>>)
    %add3A_257 = arith.constant 2560 : i32
    %add3A_258 = arith.addi %add3A_257, %add3A : i32
    %min3A_259 = arith.constant 2499 : i32
    %min3A_260 = arith.minsi %add3A_258, %min3A_259 : i32
    %mul3A_261 = arith.constant 128 : i32
    %mul3A_262 = arith.muli %min3A_260, %mul3A_261 : i32
    %dma_start3A_263 = arith.constant 0 : i32
    %dma_start3A_264 = tpu.memref_slice %arg3[%dma_start3A_263, %mul3A_262] : memref<2x320000xi32, #tpu.memory_space<hbm>> -> memref<2x128xi32, #tpu.memory_space<hbm>>
    %dma_start3A_265 = arith.constant 0 : i32
    %dma_start3A_266 = tpu.memref_slice %arg3[%dma_start3A_265, %mul3A_262] : memref<2x320000xi32, #tpu.memory_space<hbm>> -> memref<2x128xi32, #tpu.memory_space<hbm>>
    tpu.enqueue_dma source(%dma_start3A_266 : memref<2x128xi32, #tpu.memory_space<hbm>>) target(%arg6 : memref<2x128xi32, #tpu.memory_space<vmem>>) target_semaphore(%arg17 : memref<!tpu.dma_semaphore, #tpu.memory_space<semaphore_mem>>)
    %dma_wait3A_267 = arith.constant 0 : i32
    %dma_wait3A_268 = arith.constant 0 : i32
    %dma_wait3A_269 = tpu.memref_slice %arg3[%dma_wait3A_267, %dma_wait3A_268] : memref<2x320000xi32, #tpu.memory_space<hbm>> -> memref<2x128xi32, #tpu.memory_space<hbm>>
    %dma_wait3A_270 = arith.constant 0 : i32
    %dma_wait3A_271 = arith.constant 0 : i32
    %dma_wait3A_272 = tpu.memref_slice %arg3[%dma_wait3A_270, %dma_wait3A_271] : memref<2x320000xi32, #tpu.memory_space<hbm>> -> memref<2x128xi32, #tpu.memory_space<hbm>>
    tpu.wait_dma2 semaphore(%arg19 : memref<!tpu.dma_semaphore, #tpu.memory_space<semaphore_mem>>) src(%dma_wait3A_272 : memref<2x128xi32, #tpu.memory_space<hbm>>) dst(%arg8 : memref<2x128xi32, #tpu.memory_space<vmem>>)
    %dma_start3A_273 = arith.constant 0 : i32
    %dma_start3A_274 = arith.constant 0 : i32
    %dma_start3A_275 = tpu.memref_slice %arg8[%dma_start3A_273, %dma_start3A_274] : memref<2x128xi32, #tpu.memory_space<vmem>> -> memref<1x128xi32, #tpu.memory_space<vmem>>
    %dma_start3A_276 = tpu.memref_squeeze %dma_start3A_275 : memref<1x128xi32, #tpu.memory_space<vmem>> -> memref<128xi32, #tpu.memory_space<vmem>>
    %dma_start3A_277 = arith.constant 0 : i32
    %dma_start3A_278 = arith.constant 0 : i32
    %dma_start3A_279 = tpu.memref_slice %arg2[%dma_start3A_277, %dma_start3A_278] : memref<10000x128xf32, #tpu.memory_space<hbm>> -> memref<10000x128xf32, #tpu.memory_space<hbm>>
    tpu.enqueue_indirect_dma source(%dma_start3A_279 : memref<10000x128xf32, #tpu.memory_space<hbm>>) target(%arg10 : memref<128x128xf32, #tpu.memory_space<vmem>>) offsets(%dma_start3A_276 : memref<128xi32, #tpu.memory_space<vmem>>) semaphore(%arg13 : memref<!tpu.dma_semaphore, #tpu.memory_space<semaphore_mem>>)
    %dma_wait3A_280 = arith.constant 0 : i32
    %dma_wait3A_281 = arith.constant 0 : i32
    %dma_wait3A_282 = tpu.memref_slice %arg4[%dma_wait3A_280, %dma_wait3A_281] : memref<10240x128xf32, #tpu.memory_space<hbm>> -> memref<128x128xf32, #tpu.memory_space<hbm>>
    %dma_wait3A_283 = arith.constant 0 : i32
    %dma_wait3A_284 = arith.constant 0 : i32
    %dma_wait3A_285 = tpu.memref_slice %arg4[%dma_wait3A_283, %dma_wait3A_284] : memref<10240x128xf32, #tpu.memory_space<hbm>> -> memref<128x128xf32, #tpu.memory_space<hbm>>
    tpu.wait_dma2 semaphore(%arg13 : memref<!tpu.dma_semaphore, #tpu.memory_space<semaphore_mem>>) src(%dma_wait3A_285 : memref<128x128xf32, #tpu.memory_space<hbm>>) dst(%arg10 : memref<128x128xf32, #tpu.memory_space<vmem>>)
    %lt3A = arith.constant 4 : i32
    %lt3A_286 = arith.cmpi slt, %add3A, %lt3A : i32
    %convert_element_type3A = arith.extui %lt3A_286 : i1 to i32
    %cond3A = arith.constant 0 : i32
    %cond3A_287 = arith.cmpi ne, %convert_element_type3A, %cond3A : i32
    scf.if %cond3A_287 {
      %dma_start3A_312 = arith.constant 1 : i32
      %dma_start3A_313 = arith.constant 0 : i32
      %dma_start3A_314 = tpu.memref_slice %arg8[%dma_start3A_312, %dma_start3A_313] : memref<2x128xi32, #tpu.memory_space<vmem>> -> memref<1x128xi32, #tpu.memory_space<vmem>>
      %dma_start3A_315 = tpu.memref_squeeze %dma_start3A_314 : memref<1x128xi32, #tpu.memory_space<vmem>> -> memref<128xi32, #tpu.memory_space<vmem>>
      %dma_start3A_316 = arith.constant 0 : i32
      %dma_start3A_317 = arith.constant 0 : i32
      %dma_start3A_318 = tpu.memref_slice %arg12[%dma_start3A_316, %dma_start3A_317] : memref<10240x128xf32, #tpu.memory_space<vmem_shared>> -> memref<10240x128xf32, #tpu.memory_space<vmem_shared>>
      tpu.enqueue_indirect_dma source(%arg10 : memref<128x128xf32, #tpu.memory_space<vmem>>) target(%dma_start3A_318 : memref<10240x128xf32, #tpu.memory_space<vmem_shared>>) offsets(%dma_start3A_315 : memref<128xi32, #tpu.memory_space<vmem>>) semaphore(%arg15 : memref<!tpu.dma_semaphore, #tpu.memory_space<semaphore_mem>>) {add = true}
    } else {
    }
    %dma_wait3A_288 = arith.constant 0 : i32
    %dma_wait3A_289 = arith.constant 0 : i32
    %dma_wait3A_290 = tpu.memref_slice %arg4[%dma_wait3A_288, %dma_wait3A_289] : memref<10240x128xf32, #tpu.memory_space<hbm>> -> memref<128x128xf32, #tpu.memory_space<hbm>>
    %dma_wait3A_291 = arith.constant 0 : i32
    %dma_wait3A_292 = arith.constant 0 : i32
    %dma_wait3A_293 = tpu.memref_slice %arg4[%dma_wait3A_291, %dma_wait3A_292] : memref<10240x128xf32, #tpu.memory_space<hbm>> -> memref<128x128xf32, #tpu.memory_space<hbm>>
    tpu.wait_dma2 semaphore(%arg16 : memref<!tpu.dma_semaphore, #tpu.memory_space<semaphore_mem>>) src(%dma_wait3A_293 : memref<128x128xf32, #tpu.memory_space<hbm>>) dst(%arg11 : memref<128x128xf32, #tpu.memory_space<vmem>>)
    %lt3A_294 = arith.constant 4 : i32
    %lt3A_295 = arith.cmpi slt, %add3A, %lt3A_294 : i32
    %convert_element_type3A_296 = arith.extui %lt3A_295 : i1 to i32
    %cond3A_297 = arith.constant 0 : i32
    %cond3A_298 = arith.cmpi ne, %convert_element_type3A_296, %cond3A_297 : i32
    scf.if %cond3A_298 {
      %dma_wait3A_312 = arith.constant 0 : i32
      %dma_wait3A_313 = arith.constant 0 : i32
      %dma_wait3A_314 = tpu.memref_slice %arg4[%dma_wait3A_312, %dma_wait3A_313] : memref<10240x128xf32, #tpu.memory_space<hbm>> -> memref<128x128xf32, #tpu.memory_space<hbm>>
      %dma_wait3A_315 = arith.constant 0 : i32
      %dma_wait3A_316 = arith.constant 0 : i32
      %dma_wait3A_317 = tpu.memref_slice %arg4[%dma_wait3A_315, %dma_wait3A_316] : memref<10240x128xf32, #tpu.memory_space<hbm>> -> memref<128x128xf32, #tpu.memory_space<hbm>>
      tpu.wait_dma2 semaphore(%arg15 : memref<!tpu.dma_semaphore, #tpu.memory_space<semaphore_mem>>) src(%dma_wait3A_317 : memref<128x128xf32, #tpu.memory_space<hbm>>) dst(%arg10 : memref<128x128xf32, #tpu.memory_space<vmem>>)
    } else {
    }
    %dma_wait3A_299 = arith.constant 0 : i32
    %dma_wait3A_300 = arith.constant 0 : i32
    %dma_wait3A_301 = tpu.memref_slice %arg3[%dma_wait3A_299, %dma_wait3A_300] : memref<2x320000xi32, #tpu.memory_space<hbm>> -> memref<2x128xi32, #tpu.memory_space<hbm>>
    %dma_wait3A_302 = arith.constant 0 : i32
    %dma_wait3A_303 = arith.constant 0 : i32
    %dma_wait3A_304 = tpu.memref_slice %arg3[%dma_wait3A_302, %dma_wait3A_303] : memref<2x320000xi32, #tpu.memory_space<hbm>> -> memref<2x128xi32, #tpu.memory_space<hbm>>
    tpu.wait_dma2 semaphore(%arg20 : memref<!tpu.dma_semaphore, #tpu.memory_space<semaphore_mem>>) src(%dma_wait3A_304 : memref<2x128xi32, #tpu.memory_space<hbm>>) dst(%arg9 : memref<2x128xi32, #tpu.memory_space<vmem>>)
    %dma_wait3A_305 = arith.constant 0 : i32
    %dma_wait3A_306 = arith.constant 0 : i32
    %dma_wait3A_307 = tpu.memref_slice %arg3[%dma_wait3A_305, %dma_wait3A_306] : memref<2x320000xi32, #tpu.memory_space<hbm>> -> memref<2x128xi32, #tpu.memory_space<hbm>>
    %dma_wait3A_308 = arith.constant 0 : i32
    %dma_wait3A_309 = arith.constant 0 : i32
    %dma_wait3A_310 = tpu.memref_slice %arg3[%dma_wait3A_308, %dma_wait3A_309] : memref<2x320000xi32, #tpu.memory_space<hbm>> -> memref<2x128xi32, #tpu.memory_space<hbm>>
    tpu.wait_dma2 semaphore(%arg17 : memref<!tpu.dma_semaphore, #tpu.memory_space<semaphore_mem>>) src(%dma_wait3A_310 : memref<2x128xi32, #tpu.memory_space<hbm>>) dst(%arg6 : memref<2x128xi32, #tpu.memory_space<vmem>>)
    %barrier3A_311 = arith.constant 0 : index
    tpu.barrier barrier_id(%barrier3A_311)
    "tpu.region"() ({
      %run_scoped3A = tpu.sem_alloc : memref<!tpu.dma_semaphore, #tpu.memory_space<semaphore_mem>>
      %dma_start3A_312 = arith.constant 0 : i32
      %dma_start3A_313 = tpu.memref_slice %arg5[%arg0, %mul3A_2, %dma_start3A_312] : memref<2x10240x128xf32, #tpu.memory_space<hbm>> -> memref<1x640x128xf32, #tpu.memory_space<hbm>>
      %dma_start3A_314 = tpu.memref_squeeze %dma_start3A_313 : memref<1x640x128xf32, #tpu.memory_space<hbm>> -> memref<640x128xf32, #tpu.memory_space<hbm>>
      %dma_start3A_315 = arith.constant 0 : i32
      %dma_start3A_316 = tpu.memref_slice %arg12[%mul3A_2, %dma_start3A_315] : memref<10240x128xf32, #tpu.memory_space<vmem_shared>> -> memref<640x128xf32, #tpu.memory_space<vmem_shared>>
      tpu.enqueue_dma source(%dma_start3A_316 : memref<640x128xf32, #tpu.memory_space<vmem_shared>>) target(%dma_start3A_314 : memref<640x128xf32, #tpu.memory_space<hbm>>) target_semaphore(%run_scoped3A : memref<!tpu.dma_semaphore, #tpu.memory_space<semaphore_mem>>)
      %dma_wait3A_317 = arith.constant 0 : i32
      %dma_wait3A_318 = tpu.memref_slice %arg5[%arg0, %mul3A_2, %dma_wait3A_317] : memref<2x10240x128xf32, #tpu.memory_space<hbm>> -> memref<1x640x128xf32, #tpu.memory_space<hbm>>
      %dma_wait3A_319 = tpu.memref_squeeze %dma_wait3A_318 : memref<1x640x128xf32, #tpu.memory_space<hbm>> -> memref<640x128xf32, #tpu.memory_space<hbm>>
      %dma_wait3A_320 = arith.constant 0 : i32
      %dma_wait3A_321 = tpu.memref_slice %arg12[%mul3A_2, %dma_wait3A_320] : memref<10240x128xf32, #tpu.memory_space<vmem_shared>> -> memref<640x128xf32, #tpu.memory_space<vmem_shared>>
      tpu.wait_dma2 semaphore(%run_scoped3A : memref<!tpu.dma_semaphore, #tpu.memory_space<semaphore_mem>>) src(%dma_wait3A_321 : memref<640x128xf32, #tpu.memory_space<vmem_shared>>) dst(%dma_wait3A_319 : memref<640x128xf32, #tpu.memory_space<hbm>>)
      tpu.yield
    }) : () -> ()
    return
  }
}

module attributes {stable_mosaic.version = 14 : i64} {
  func.func @_layer_body(%arg0: i32, %arg1: memref<2000x128xf32, #tpu.memory_space<vmem>>, %arg2: memref<2x2000x128xf32, #tpu.memory_space<vmem>>, %arg3: memref<2x2000x1xf32, #tpu.memory_space<vmem>>, %arg4: memref<128x128xf32, #tpu.memory_space<vmem>>, %arg5: memref<128x128xf32, #tpu.memory_space<vmem>>, %arg6: memref<1x128xf32, #tpu.memory_space<vmem>>, %arg7: memref<2000x128xf32, #tpu.memory_space<vmem>>) attributes {dimension_semantics = [#tpu.dimension_semantics<arbitrary>], iteration_bounds = array<i64: 5>, scalar_prefetch = 0 : i64, scratch_operands = 0 : i64, tpu.core_type = #tpu.core_type<tc>, window_params = [{transform_indices = @transform_0, window_bounds = array<i64: 2000, 128>}, {transform_indices = @transform_1, window_bounds = array<i64: 2, 2000, 128>}, {transform_indices = @transform_2, window_bounds = array<i64: 2, 2000, 1>}, {pipeline_mode = #tpu.pipeline_mode<synchronous>, transform_indices = @transform_3, window_bounds = array<i64: 128, 128>}, {pipeline_mode = #tpu.pipeline_mode<synchronous>, transform_indices = @transform_4, window_bounds = array<i64: 128, 128>}, {pipeline_mode = #tpu.pipeline_mode<synchronous>, transform_indices = @transform_5, window_bounds = array<i64: 1, 128>}, {transform_indices = @transform_6, window_bounds = array<i64: 2000, 128>}]} {
    %get3A = arith.constant 0 : index
    %get3A_0 = arith.constant 0 : index
    %get3A_1 = arith.constant 0 : index
    %get3A_2 = vector.load %arg2[%get3A, %get3A_0, %get3A_1] : memref<2x2000x128xf32, #tpu.memory_space<vmem>>, vector<1x2000x128xf32>
    %get3A_3 = vector.shape_cast %get3A_2 : vector<1x2000x128xf32> to vector<2000x128xf32>
    %get3A_4 = arith.constant 1 : index
    %get3A_5 = arith.constant 0 : index
    %get3A_6 = arith.constant 0 : index
    %get3A_7 = vector.load %arg2[%get3A_4, %get3A_5, %get3A_6] : memref<2x2000x128xf32, #tpu.memory_space<vmem>>, vector<1x2000x128xf32>
    %get3A_8 = vector.shape_cast %get3A_7 : vector<1x2000x128xf32> to vector<2000x128xf32>
    %add3A = arith.addf %get3A_3, %get3A_8 : vector<2000x128xf32>
    %get3A_9 = arith.constant 0 : index
    %get3A_10 = arith.constant 0 : index
    %get3A_11 = arith.constant 0 : index
    %get3A_12 = vector.load %arg3[%get3A_9, %get3A_10, %get3A_11] : memref<2x2000x1xf32, #tpu.memory_space<vmem>>, vector<1x2000x1xf32>
    %get3A_13 = vector.shape_cast %get3A_12 : vector<1x2000x1xf32> to vector<2000x1xf32>
    %get3A_14 = arith.constant 1 : index
    %get3A_15 = arith.constant 0 : index
    %get3A_16 = arith.constant 0 : index
    %get3A_17 = vector.load %arg3[%get3A_14, %get3A_15, %get3A_16] : memref<2x2000x1xf32, #tpu.memory_space<vmem>>, vector<1x2000x1xf32>
    %get3A_18 = vector.shape_cast %get3A_17 : vector<1x2000x1xf32> to vector<2000x1xf32>
    %add3A_19 = arith.addf %get3A_13, %get3A_18 : vector<2000x1xf32>
    %max3A = arith.constant 1.000000e+00 : f32
    %max3A_20 = vector.broadcast %max3A : f32 to vector<2000x1xf32>
    %max3A_21 = arith.maximumf %add3A_19, %max3A_20 : vector<2000x1xf32>
    %div3A = arith.constant 1.000000e+00 : f32
    %div3A_22 = vector.broadcast %div3A : f32 to vector<2000x1xf32>
    %div3A_23 = arith.divf %div3A_22, %max3A_21 : vector<2000x1xf32>
    %get3A_24 = arith.constant 0 : index
    %get3A_25 = arith.constant 0 : index
    %get3A_26 = vector.load %arg1[%get3A_24, %get3A_25] : memref<2000x128xf32, #tpu.memory_space<vmem>>, vector<2000x128xf32>
    %get3A_27 = arith.constant 0 : index
    %get3A_28 = arith.constant 0 : index
    %get3A_29 = vector.load %arg4[%get3A_27, %get3A_28] : memref<128x128xf32, #tpu.memory_space<vmem>>, vector<128x128xf32>
    %dot_general3A = arith.constant dense<0.000000e+00> : vector<2000x128xf32>
    %dot_general3A_30 = tpu.matmul %get3A_26, %get3A_29, %dot_general3A {dimension_numbers = #tpu.dot_dimension_numbers<[1], [0], [0], [1], [0, 0, 1, 1], [], []>, transpose_lhs_hint = false} : vector<2000x128xf32>, vector<128x128xf32>, vector<2000x128xf32> -> vector<2000x128xf32>
    %mul3A = vector.broadcast %div3A_23 : vector<2000x1xf32> to vector<2000x128xf32>
    %mul3A_31 = arith.mulf %add3A, %mul3A : vector<2000x128xf32>
    %get3A_32 = arith.constant 0 : index
    %get3A_33 = arith.constant 0 : index
    %get3A_34 = vector.load %arg5[%get3A_32, %get3A_33] : memref<128x128xf32, #tpu.memory_space<vmem>>, vector<128x128xf32>
    %dot_general3A_35 = arith.constant dense<0.000000e+00> : vector<2000x128xf32>
    %dot_general3A_36 = tpu.matmul %mul3A_31, %get3A_34, %dot_general3A_35 {dimension_numbers = #tpu.dot_dimension_numbers<[1], [0], [0], [1], [0, 0, 1, 1], [], []>, transpose_lhs_hint = false} : vector<2000x128xf32>, vector<128x128xf32>, vector<2000x128xf32> -> vector<2000x128xf32>
    %add3A_37 = arith.addf %dot_general3A_30, %dot_general3A_36 : vector<2000x128xf32>
    %get3A_38 = arith.constant 0 : index
    %get3A_39 = arith.constant 0 : index
    %get3A_40 = vector.load %arg6[%get3A_38, %get3A_39] : memref<1x128xf32, #tpu.memory_space<vmem>>, vector<1x128xf32>
    %add3A_41 = vector.broadcast %get3A_40 : vector<1x128xf32> to vector<2000x128xf32>
    %add3A_42 = arith.addf %add3A_37, %add3A_41 : vector<2000x128xf32>
    %max3A_43 = arith.constant 0.000000e+00 : f32
    %max3A_44 = vector.broadcast %max3A_43 : f32 to vector<2000x128xf32>
    %max3A_45 = arith.maximumf %add3A_42, %max3A_44 : vector<2000x128xf32>
    %swap3A = arith.constant 0 : index
    %swap3A_46 = arith.constant 0 : index
    %swap3A_47 = vector.load %arg7[%swap3A, %swap3A_46] : memref<2000x128xf32, #tpu.memory_space<vmem>>, vector<2000x128xf32>
    tpu.vector_store %arg7[%swap3A, %swap3A_46], %max3A_45 {strides = array<i32>} : memref<2000x128xf32, #tpu.memory_space<vmem>>, vector<2000x128xf32>,
    return
  }
  func.func @transform_0(%arg0: i32) -> (i32, i32) {
    %c0_i32 = arith.constant 0 : i32
    %c0_i32_0 = arith.constant 0 : i32
    return %arg0, %c0_i32 : i32, i32
  }
  func.func @transform_1(%arg0: i32) -> (i32, i32, i32) {
    %c0_i32 = arith.constant 0 : i32
    %c0_i32_0 = arith.constant 0 : i32
    %c0_i32_1 = arith.constant 0 : i32
    return %c0_i32, %arg0, %c0_i32_0 : i32, i32, i32
  }
  func.func @transform_2(%arg0: i32) -> (i32, i32, i32) {
    %c0_i32 = arith.constant 0 : i32
    %c0_i32_0 = arith.constant 0 : i32
    %c0_i32_1 = arith.constant 0 : i32
    return %c0_i32, %arg0, %c0_i32_0 : i32, i32, i32
  }
  func.func @transform_3(%arg0: i32) -> (i32, i32) {
    %c0_i32 = arith.constant 0 : i32
    %c0_i32_0 = arith.constant 0 : i32
    %c0_i32_1 = arith.constant 0 : i32
    return %c0_i32, %c0_i32_0 : i32, i32
  }
  func.func @transform_4(%arg0: i32) -> (i32, i32) {
    %c0_i32 = arith.constant 0 : i32
    %c0_i32_0 = arith.constant 0 : i32
    %c0_i32_1 = arith.constant 0 : i32
    return %c0_i32, %c0_i32_0 : i32, i32
  }
  func.func @transform_5(%arg0: i32) -> (i32, i32) {
    %c0_i32 = arith.constant 0 : i32
    %c0_i32_0 = arith.constant 0 : i32
    %c0_i32_1 = arith.constant 0 : i32
    return %c0_i32, %c0_i32_0 : i32, i32
  }
  func.func @transform_6(%arg0: i32) -> (i32, i32) {
    %c0_i32 = arith.constant 0 : i32
    %c0_i32_0 = arith.constant 0 : i32
    return %arg0, %c0_i32 : i32, i32
  }
}

module attributes {stable_mosaic.version = 14 : i64} {
  func.func @_head_body(%arg0: i32, %arg1: memref<2000x128xf32, #tpu.memory_space<vmem>>, %arg2: memref<2x2000x128xf32, #tpu.memory_space<vmem>>, %arg3: memref<2x2000x1xf32, #tpu.memory_space<vmem>>, %arg4: memref<128x128xf32, #tpu.memory_space<vmem>>, %arg5: memref<128x128xf32, #tpu.memory_space<vmem>>, %arg6: memref<1x128xf32, #tpu.memory_space<vmem>>, %arg7: memref<1x128xf32, #tpu.memory_space<vmem>>, %arg8: memref<128x128xf32, #tpu.memory_space<vmem>>, %arg9: memref<1x128xf32, #tpu.memory_space<vmem>>, %arg10: memref<128x128xf32, #tpu.memory_space<vmem>>, %arg11: memref<1x128xf32, #tpu.memory_space<vmem>>, %arg12: memref<128x64xf32, #tpu.memory_space<vmem>>, %arg13: memref<1x64xf32, #tpu.memory_space<vmem>>, %arg14: memref<64x1xf32, #tpu.memory_space<vmem>>, %arg15: memref<1x1xf32, #tpu.memory_space<vmem>>, %arg16: memref<2000x1xf32, #tpu.memory_space<vmem>>) attributes {dimension_semantics = [#tpu.dimension_semantics<arbitrary>], iteration_bounds = array<i64: 5>, scalar_prefetch = 0 : i64, scratch_operands = 0 : i64, tpu.core_type = #tpu.core_type<tc>, window_params = [{transform_indices = @transform_0, window_bounds = array<i64: 2000, 128>}, {transform_indices = @transform_1, window_bounds = array<i64: 2, 2000, 128>}, {transform_indices = @transform_2, window_bounds = array<i64: 2, 2000, 1>}, {pipeline_mode = #tpu.pipeline_mode<synchronous>, transform_indices = @transform_3, window_bounds = array<i64: 128, 128>}, {pipeline_mode = #tpu.pipeline_mode<synchronous>, transform_indices = @transform_4, window_bounds = array<i64: 128, 128>}, {pipeline_mode = #tpu.pipeline_mode<synchronous>, transform_indices = @transform_5, window_bounds = array<i64: 1, 128>}, {pipeline_mode = #tpu.pipeline_mode<synchronous>, transform_indices = @transform_6, window_bounds = array<i64: 1, 128>}, {pipeline_mode = #tpu.pipeline_mode<synchronous>, transform_indices = @transform_7, window_bounds = array<i64: 128, 128>}, {pipeline_mode = #tpu.pipeline_mode<synchronous>, transform_indices = @transform_8, window_bounds = array<i64: 1, 128>}, {pipeline_mode = #tpu.pipeline_mode<synchronous>, transform_indices = @transform_9, window_bounds = array<i64: 128, 128>}, {pipeline_mode = #tpu.pipeline_mode<synchronous>, transform_indices = @transform_10, window_bounds = array<i64: 1, 128>}, {pipeline_mode = #tpu.pipeline_mode<synchronous>, transform_indices = @transform_11, window_bounds = array<i64: 128, 64>}, {pipeline_mode = #tpu.pipeline_mode<synchronous>, transform_indices = @transform_12, window_bounds = array<i64: 1, 64>}, {pipeline_mode = #tpu.pipeline_mode<synchronous>, transform_indices = @transform_13, window_bounds = array<i64: 64, 1>}, {pipeline_mode = #tpu.pipeline_mode<synchronous>, transform_indices = @transform_14, window_bounds = array<i64: 1, 1>}, {transform_indices = @transform_15, window_bounds = array<i64: 2000, 1>}]} {
    %get3A = arith.constant 0 : index
    %get3A_0 = arith.constant 0 : index
    %get3A_1 = arith.constant 0 : index
    %get3A_2 = vector.load %arg2[%get3A, %get3A_0, %get3A_1] : memref<2x2000x128xf32, #tpu.memory_space<vmem>>, vector<1x2000x128xf32>
    %get3A_3 = vector.shape_cast %get3A_2 : vector<1x2000x128xf32> to vector<2000x128xf32>
    %get3A_4 = arith.constant 1 : index
    %get3A_5 = arith.constant 0 : index
    %get3A_6 = arith.constant 0 : index
    %get3A_7 = vector.load %arg2[%get3A_4, %get3A_5, %get3A_6] : memref<2x2000x128xf32, #tpu.memory_space<vmem>>, vector<1x2000x128xf32>
    %get3A_8 = vector.shape_cast %get3A_7 : vector<1x2000x128xf32> to vector<2000x128xf32>
    %add3A = arith.addf %get3A_3, %get3A_8 : vector<2000x128xf32>
    %get3A_9 = arith.constant 0 : index
    %get3A_10 = arith.constant 0 : index
    %get3A_11 = arith.constant 0 : index
    %get3A_12 = vector.load %arg3[%get3A_9, %get3A_10, %get3A_11] : memref<2x2000x1xf32, #tpu.memory_space<vmem>>, vector<1x2000x1xf32>
    %get3A_13 = vector.shape_cast %get3A_12 : vector<1x2000x1xf32> to vector<2000x1xf32>
    %get3A_14 = arith.constant 1 : index
    %get3A_15 = arith.constant 0 : index
    %get3A_16 = arith.constant 0 : index
    %get3A_17 = vector.load %arg3[%get3A_14, %get3A_15, %get3A_16] : memref<2x2000x1xf32, #tpu.memory_space<vmem>>, vector<1x2000x1xf32>
    %get3A_18 = vector.shape_cast %get3A_17 : vector<1x2000x1xf32> to vector<2000x1xf32>
    %add3A_19 = arith.addf %get3A_13, %get3A_18 : vector<2000x1xf32>
    %max3A = arith.constant 1.000000e+00 : f32
    %max3A_20 = vector.broadcast %max3A : f32 to vector<2000x1xf32>
    %max3A_21 = arith.maximumf %add3A_19, %max3A_20 : vector<2000x1xf32>
    %div3A = arith.constant 1.000000e+00 : f32
    %div3A_22 = vector.broadcast %div3A : f32 to vector<2000x1xf32>
    %div3A_23 = arith.divf %div3A_22, %max3A_21 : vector<2000x1xf32>
    %get3A_24 = arith.constant 0 : index
    %get3A_25 = arith.constant 0 : index
    %get3A_26 = vector.load %arg1[%get3A_24, %get3A_25] : memref<2000x128xf32, #tpu.memory_space<vmem>>, vector<2000x128xf32>
    %get3A_27 = arith.constant 0 : index
    %get3A_28 = arith.constant 0 : index
    %get3A_29 = vector.load %arg4[%get3A_27, %get3A_28] : memref<128x128xf32, #tpu.memory_space<vmem>>, vector<128x128xf32>
    %dot_general3A = arith.constant dense<0.000000e+00> : vector<2000x128xf32>
    %dot_general3A_30 = tpu.matmul %get3A_26, %get3A_29, %dot_general3A {dimension_numbers = #tpu.dot_dimension_numbers<[1], [0], [0], [1], [0, 0, 1, 1], [], []>, transpose_lhs_hint = false} : vector<2000x128xf32>, vector<128x128xf32>, vector<2000x128xf32> -> vector<2000x128xf32>
    %mul3A = vector.broadcast %div3A_23 : vector<2000x1xf32> to vector<2000x128xf32>
    %mul3A_31 = arith.mulf %add3A, %mul3A : vector<2000x128xf32>
    %get3A_32 = arith.constant 0 : index
    %get3A_33 = arith.constant 0 : index
    %get3A_34 = vector.load %arg5[%get3A_32, %get3A_33] : memref<128x128xf32, #tpu.memory_space<vmem>>, vector<128x128xf32>
    %dot_general3A_35 = arith.constant dense<0.000000e+00> : vector<2000x128xf32>
    %dot_general3A_36 = tpu.matmul %mul3A_31, %get3A_34, %dot_general3A_35 {dimension_numbers = #tpu.dot_dimension_numbers<[1], [0], [0], [1], [0, 0, 1, 1], [], []>, transpose_lhs_hint = false} : vector<2000x128xf32>, vector<128x128xf32>, vector<2000x128xf32> -> vector<2000x128xf32>
    %add3A_37 = arith.addf %dot_general3A_30, %dot_general3A_36 : vector<2000x128xf32>
    %get3A_38 = arith.constant 0 : index
    %get3A_39 = arith.constant 0 : index
    %get3A_40 = vector.load %arg6[%get3A_38, %get3A_39] : memref<1x128xf32, #tpu.memory_space<vmem>>, vector<1x128xf32>
    %add3A_41 = vector.broadcast %get3A_40 : vector<1x128xf32> to vector<2000x128xf32>
    %add3A_42 = arith.addf %add3A_37, %add3A_41 : vector<2000x128xf32>
    %get3A_43 = arith.constant 0 : index
    %get3A_44 = arith.constant 0 : index
    %get3A_45 = vector.load %arg7[%get3A_43, %get3A_44] : memref<1x128xf32, #tpu.memory_space<vmem>>, vector<1x128xf32>
    %get3A_46 = arith.constant 0 : index
    %get3A_47 = arith.constant 0 : index
    %get3A_48 = vector.load %arg8[%get3A_46, %get3A_47] : memref<128x128xf32, #tpu.memory_space<vmem>>, vector<128x128xf32>
    %dot_general3A_49 = arith.constant dense<0.000000e+00> : vector<1x128xf32>
    %dot_general3A_50 = tpu.matmul %get3A_45, %get3A_48, %dot_general3A_49 {dimension_numbers = #tpu.dot_dimension_numbers<[1], [0], [0], [1], [0, 0, 1, 1], [], []>, transpose_lhs_hint = false} : vector<1x128xf32>, vector<128x128xf32>, vector<1x128xf32> -> vector<1x128xf32>
    %get3A_51 = arith.constant 0 : index
    %get3A_52 = arith.constant 0 : index
    %get3A_53 = vector.load %arg9[%get3A_51, %get3A_52] : memref<1x128xf32, #tpu.memory_space<vmem>>, vector<1x128xf32>
    %add3A_54 = arith.addf %dot_general3A_50, %get3A_53 : vector<1x128xf32>
    %max3A_55 = arith.constant 0.000000e+00 : f32
    %max3A_56 = vector.broadcast %max3A_55 : f32 to vector<1x128xf32>
    %max3A_57 = arith.maximumf %add3A_54, %max3A_56 : vector<1x128xf32>
    %get3A_58 = arith.constant 0 : index
    %get3A_59 = arith.constant 0 : index
    %get3A_60 = vector.load %arg10[%get3A_58, %get3A_59] : memref<128x128xf32, #tpu.memory_space<vmem>>, vector<128x128xf32>
    %dot_general3A_61 = arith.constant dense<0.000000e+00> : vector<1x128xf32>
    %dot_general3A_62 = tpu.matmul %max3A_57, %get3A_60, %dot_general3A_61 {dimension_numbers = #tpu.dot_dimension_numbers<[1], [0], [0], [1], [0, 0, 1, 1], [], []>, transpose_lhs_hint = false} : vector<1x128xf32>, vector<128x128xf32>, vector<1x128xf32> -> vector<1x128xf32>
    %get3A_63 = arith.constant 0 : index
    %get3A_64 = arith.constant 0 : index
    %get3A_65 = vector.load %arg11[%get3A_63, %get3A_64] : memref<1x128xf32, #tpu.memory_space<vmem>>, vector<1x128xf32>
    %add3A_66 = arith.addf %dot_general3A_62, %get3A_65 : vector<1x128xf32>
    %add3A_67 = vector.broadcast %add3A_66 : vector<1x128xf32> to vector<2000x128xf32>
    %add3A_68 = arith.addf %add3A_42, %add3A_67 : vector<2000x128xf32>
    %get3A_69 = arith.constant 0 : index
    %get3A_70 = arith.constant 0 : index
    %get3A_71 = vector.load %arg12[%get3A_69, %get3A_70] : memref<128x64xf32, #tpu.memory_space<vmem>>, vector<128x64xf32>
    %dot_general3A_72 = arith.constant dense<0.000000e+00> : vector<2000x64xf32>
    %dot_general3A_73 = tpu.matmul %add3A_68, %get3A_71, %dot_general3A_72 {dimension_numbers = #tpu.dot_dimension_numbers<[1], [0], [0], [1], [0, 0, 1, 1], [], []>, transpose_lhs_hint = false} : vector<2000x128xf32>, vector<128x64xf32>, vector<2000x64xf32> -> vector<2000x64xf32>
    %get3A_74 = arith.constant 0 : index
    %get3A_75 = arith.constant 0 : index
    %get3A_76 = vector.load %arg13[%get3A_74, %get3A_75] : memref<1x64xf32, #tpu.memory_space<vmem>>, vector<1x64xf32>
    %add3A_77 = vector.broadcast %get3A_76 : vector<1x64xf32> to vector<2000x64xf32>
    %add3A_78 = arith.addf %dot_general3A_73, %add3A_77 : vector<2000x64xf32>
    %max3A_79 = arith.constant 0.000000e+00 : f32
    %max3A_80 = vector.broadcast %max3A_79 : f32 to vector<2000x64xf32>
    %max3A_81 = arith.maximumf %add3A_78, %max3A_80 : vector<2000x64xf32>
    %get3A_82 = arith.constant 0 : index
    %get3A_83 = arith.constant 0 : index
    %get3A_84 = vector.load %arg14[%get3A_82, %get3A_83] : memref<64x1xf32, #tpu.memory_space<vmem>>, vector<64x1xf32>
    %dot_general3A_85 = arith.constant dense<0.000000e+00> : vector<2000x1xf32>
    %dot_general3A_86 = tpu.matmul %max3A_81, %get3A_84, %dot_general3A_85 {dimension_numbers = #tpu.dot_dimension_numbers<[1], [0], [0], [1], [0, 0, 1, 1], [], []>, transpose_lhs_hint = false} : vector<2000x64xf32>, vector<64x1xf32>, vector<2000x1xf32> -> vector<2000x1xf32>
    %get3A_87 = arith.constant 0 : index
    %get3A_88 = arith.constant 0 : index
    %get3A_89 = vector.load %arg15[%get3A_87, %get3A_88] : memref<1x1xf32, #tpu.memory_space<vmem>>, vector<1x1xf32>
    %add3A_90 = vector.broadcast %get3A_89 : vector<1x1xf32> to vector<2000x1xf32>
    %add3A_91 = arith.addf %dot_general3A_86, %add3A_90 : vector<2000x1xf32>
    %swap3A = arith.constant 0 : index
    %swap3A_92 = arith.constant 0 : index
    %swap3A_93 = vector.load %arg16[%swap3A, %swap3A_92] : memref<2000x1xf32, #tpu.memory_space<vmem>>, vector<2000x1xf32>
    tpu.vector_store %arg16[%swap3A, %swap3A_92], %add3A_91 {strides = array<i32>} : memref<2000x1xf32, #tpu.memory_space<vmem>>, vector<2000x1xf32>,
    return
  }
  func.func @transform_0(%arg0: i32) -> (i32, i32) {
    %c0_i32 = arith.constant 0 : i32
    %c0_i32_0 = arith.constant 0 : i32
    return %arg0, %c0_i32 : i32, i32
  }
  func.func @transform_1(%arg0: i32) -> (i32, i32, i32) {
    %c0_i32 = arith.constant 0 : i32
    %c0_i32_0 = arith.constant 0 : i32
    %c0_i32_1 = arith.constant 0 : i32
    return %c0_i32, %arg0, %c0_i32_0 : i32, i32, i32
  }
  func.func @transform_2(%arg0: i32) -> (i32, i32, i32) {
    %c0_i32 = arith.constant 0 : i32
    %c0_i32_0 = arith.constant 0 : i32
    %c0_i32_1 = arith.constant 0 : i32
    return %c0_i32, %arg0, %c0_i32_0 : i32, i32, i32
  }
  func.func @transform_3(%arg0: i32) -> (i32, i32) {
    %c0_i32 = arith.constant 0 : i32
    %c0_i32_0 = arith.constant 0 : i32
    %c0_i32_1 = arith.constant 0 : i32
    return %c0_i32, %c0_i32_0 : i32, i32
  }
  func.func @transform_4(%arg0: i32) -> (i32, i32) {
    %c0_i32 = arith.constant 0 : i32
    %c0_i32_0 = arith.constant 0 : i32
    %c0_i32_1 = arith.constant 0 : i32
    return %c0_i32, %c0_i32_0 : i32, i32
  }
  func.func @transform_5(%arg0: i32) -> (i32, i32) {
    %c0_i32 = arith.constant 0 : i32
    %c0_i32_0 = arith.constant 0 : i32
    %c0_i32_1 = arith.constant 0 : i32
    return %c0_i32, %c0_i32_0 : i32, i32
  }
  func.func @transform_6(%arg0: i32) -> (i32, i32) {
    %c0_i32 = arith.constant 0 : i32
    %c0_i32_0 = arith.constant 0 : i32
    %c0_i32_1 = arith.constant 0 : i32
    return %c0_i32, %c0_i32_0 : i32, i32
  }
  func.func @transform_7(%arg0: i32) -> (i32, i32) {
    %c0_i32 = arith.constant 0 : i32
    %c0_i32_0 = arith.constant 0 : i32
    %c0_i32_1 = arith.constant 0 : i32
    return %c0_i32, %c0_i32_0 : i32, i32
  }
  func.func @transform_8(%arg0: i32) -> (i32, i32) {
    %c0_i32 = arith.constant 0 : i32
    %c0_i32_0 = arith.constant 0 : i32
    %c0_i32_1 = arith.constant 0 : i32
    return %c0_i32, %c0_i32_0 : i32, i32
  }
  func.func @transform_9(%arg0: i32) -> (i32, i32) {
    %c0_i32 = arith.constant 0 : i32
    %c0_i32_0 = arith.constant 0 : i32
    %c0_i32_1 = arith.constant 0 : i32
    return %c0_i32, %c0_i32_0 : i32, i32
  }
  func.func @transform_10(%arg0: i32) -> (i32, i32) {
    %c0_i32 = arith.constant 0 : i32
    %c0_i32_0 = arith.constant 0 : i32
    %c0_i32_1 = arith.constant 0 : i32
    return %c0_i32, %c0_i32_0 : i32, i32
  }
  func.func @transform_11(%arg0: i32) -> (i32, i32) {
    %c0_i32 = arith.constant 0 : i32
    %c0_i32_0 = arith.constant 0 : i32
    %c0_i32_1 = arith.constant 0 : i32
    return %c0_i32, %c0_i32_0 : i32, i32
  }
  func.func @transform_12(%arg0: i32) -> (i32, i32) {
    %c0_i32 = arith.constant 0 : i32
    %c0_i32_0 = arith.constant 0 : i32
    %c0_i32_1 = arith.constant 0 : i32
    return %c0_i32, %c0_i32_0 : i32, i32
  }
  func.func @transform_13(%arg0: i32) -> (i32, i32) {
    %c0_i32 = arith.constant 0 : i32
    %c0_i32_0 = arith.constant 0 : i32
    %c0_i32_1 = arith.constant 0 : i32
    return %c0_i32, %c0_i32_0 : i32, i32
  }
  func.func @transform_14(%arg0: i32) -> (i32, i32) {
    %c0_i32 = arith.constant 0 : i32
    %c0_i32_0 = arith.constant 0 : i32
    %c0_i32_1 = arith.constant 0 : i32
    return %c0_i32, %c0_i32_0 : i32, i32
  }
  func.func @transform_15(%arg0: i32) -> (i32, i32) {
    %c0_i32 = arith.constant 0 : i32
    %c0_i32_0 = arith.constant 0 : i32
    return %arg0, %c0_i32 : i32, i32
  }
}

</mosaic_0001>

<sc_bundles>
// kernel: kernel.11.cloned.1.call-start
scs
__scs_entry_jumppad:
0x0: {  	(pc) =	sbr.rel $0x88, $3  }
0x1: {  	(tag) =	ssettag $0x0;
	lr =	simm.s32 $0x1  }
0x2: {  	[smem:$0x3F8D] =	sst lr;
	_ =	strace $0xD0000000  }
0x3: {  	_ = 	snop  }
0x4: {  	_ = 	snop  }
0x5: {  	_ = 	snop  }
0x6: {  	_ = 	snop  }
0x7: {  	_ = 	snop  }
__scs_overlays_trampoline_lowered:
0x8: {  	[smem:$0x3F9C] =	sst s0  }
0x9: {  	[smem:$0x3F9D] =	sst s1  }
0xa: {  	[smem:$0x3F9E] =	sst s2  }
0xb: {  	[smem:$0x3F9F] =	sst s3  }
0xc: {  	[smem:$0x3FA0] =	sst s4  }
0xd: {  	[smem:$0x3FA1] =	sst s5  }
0xe: {  	[smem:$0x3FA2] =	sst s6  }
0xf: {  	[smem:$0x3FA3] =	sst s7  }
0x10: {  	[smem:$0x3FA4] =	sst s8  }
0x11: {  	[smem:$0x3FA5] =	sst s9;
	s0 =	simm.s32 @!p0 $0x0  }
0x12: {  	s1 =	sld [smem:$0x3F8B];
	s0 =	simm.s32 @p0 $0x1  }
0x13: {  	[smem:$0x3FA6] =	sst s0;
	s0 =	simm.s32 @!p1 $0x0  }
0x14: {  	s2 =	sld [smem:$0x3F8A];
	s0 =	simm.s32 @p1 $0x1  }
0x15: {  	[smem:$0x3FA7] =	sst s0;
	s0 =	simm.s32 @!p2 $0x0  }
0x16: {  	s3 =	sld [smem:$0x3FDB];
	s0 =	simm.s32 @p2 $0x1  }
0x17: {  	s4 =	simm.s32 $0x1BF5;
	[smem:$0x3FA9] =	sst s0  }
0x18: {  	s0 =	sld [smem:$0x3F8C];
	_ =	swait.ge [sflag:s4], $0x0  }
0x19: {  	s7 =	sld [smem:$0x3F8D]  }
0x1a: {  	s8 =	sadd.s32 $0xFFFFE003, lr  }
0x1b: {  	s9 =	sadd.s32 $0xFFFFFEF7, lr;
	s5 =	simm.s32 $0xFFFFFFFF;
	p2 =	slt.u32 s8, $0xFFFFF086  }
0x1c: {  	p1 =	slt.u32 s9, $0xF7A;
	s5 =	simm.s32 @!p2 $0x0  }
0x1d: {  	s5 =	simm.s32 @p1 $0x1;
	p0 =	seq.s32 s7, s2  }
0x1e: {  	s7 =	smul.u32 @!p0 $0xF7A, s2;
	p2 =	seq.s32 @!p0 s5, $0x0  }
0x1f: {  	s9 =	smul.u32 $0xF7A, s1;
	s8 =	simm.s32 @!p0 $0x1BF5;
	p2 =	por !p2, p0  }
0x20: {  	[sflag:s8] =	ssyncset.s32 @!p0 $0xFFFFF086;
	s6 =	sadd.s32 @!p0 s3, s7;
	s7 =	simm.s32 @!p0 $0x108  }
0x21: {  	s3 =	sadd.s32 s3, s9;
	s6 =	sadd.s32 @!p0 $0x88, s6;
	s7 =	simm.s32 @p2 $0x1082  }
0x22: {  	[simem:s7], [sflag:s8] =	dma.local @!p0 [hbm:s6], $0xF7A  }
0x23: {  	s9 =	sor.u32 $0xD0000000, s2;
	s6 =	simm.s32 $0x108;
	_ =	swait.ge @!p0 [sflag:s8], $0x0  }
0x24: {  	s3 =	sadd.s32 $0x88, s3;
	s6 =	simm.s32 @!p1 $0x1082;
	[sflag:s4] =	ssyncset.s32 $0xFFFFF086  }
0x25: {  	[simem:s6], [sflag:s4] =	dma.local [hbm:s3], $0xF7A  }
0x26: {  	[smem:$0x3F8D] =	sst s1;
	(tag) =	ssettag s2;
	_ =	strace s9  }
0x27: {  	s1 =	sld [smem:$0x3F9D]  }
0x28: {  	s2 =	sld [smem:$0x3F9E]  }
0x29: {  	s4 =	sld [smem:$0x3FA0]  }
0x2a: {  	p0 =	seq.s32 s5, $0x0;
	s5 =	sld [smem:$0x3FA1]  }
0x2b: {  	s6 =	sld [smem:$0x3FA2]  }
0x2c: {  	s7 =	sld [smem:$0x3FA3]  }
0x2d: {  	s3 =	simm.s32 $0x108;
	s8 =	sld [smem:$0x3FA4]  }
0x2e: {  	s3 =	simm.s32 @!p0 $0x1082;
	s9 =	sld [smem:$0x3FA5]  }
0x2f: {  	lr =	sadd.s32 s0, s3;
	s0 =	sld [smem:$0x3F9C]  }
0x30: {  	s3 =	sld [smem:$0x3F9F]  }
0x31: {  	[smem:$0x3FA8] =	sst s10  }
0x32: {  	s10 =	sld [smem:$0x3FA6];
	_ =	sdelay $0x3  }
0x33: {  	p0 =	seq.s32 s10, $0x1;
	s10 =	sld [smem:$0x3FA8];
	_ =	sdelay $0x3  }
0x34: {  	[smem:$0x3FA8] =	sst s10  }
0x35: {  	s10 =	sld [smem:$0x3FA7];
	_ =	sdelay $0x3  }
0x36: {  	p1 =	seq.s32 s10, $0x1;
	s10 =	sld [smem:$0x3FA8];
	_ =	sdelay $0x3  }
0x37: {  	[smem:$0x3FA8] =	sst s10  }
0x38: {  	s10 =	sld [smem:$0x3FA9]  }
0x39: {  	_ = 	snop;
	(pc) =	sbr.ind lr, $3  }
0x3a: {  	_ = 	snop  }
0x3b: {  	_ = 	snop  }
0x3c: {  	p2 =	seq.s32 s10, $0x1;
	s10 =	sld [smem:$0x3FA8]  }
0x3d: {  	_ =	shalt  }
0x3e: {  	_ =	shalt  }
0x3f: {  	_ =	shalt  }
0x40: {  	_ =	shalt  }
0x41: {  	_ =	shalt  }
0x42: {  	_ =	shalt  }
0x43: {  	_ =	shalt  }
0x44: {  	_ =	shalt  }
0x45: {  	_ =	shalt  }
0x46: {  	_ =	shalt  }
0x47: {  	_ =	shalt  }
0x48: {  	_ =	shalt  }
0x49: {  	_ =	shalt  }
0x4a: {  	_ =	shalt  }
0x4b: {  	_ =	shalt  }
0x4c: {  	_ =	shalt  }
0x4d: {  	_ =	shalt  }
0x4e: {  	_ =	shalt  }
0x4f: {  	_ =	shalt  }
0x50: {  	_ =	shalt  }
0x51: {  	_ =	shalt  }
0x52: {  	_ =	shalt  }
0x53: {  	_ =	shalt  }
0x54: {  	_ =	shalt  }
0x55: {  	_ =	shalt  }
0x56: {  	_ =	shalt  }
0x57: {  	_ =	shalt  }
0x58: {  	_ =	shalt  }
0x59: {  	_ =	shalt  }
0x5a: {  	_ =	shalt  }
0x5b: {  	_ =	shalt  }
0x5c: {  	_ =	shalt  }
0x5d: {  	_ =	shalt  }
0x5e: {  	_ =	shalt  }
0x5f: {  	_ =	shalt  }
0x60: {  	_ =	shalt  }
0x61: {  	_ =	shalt  }
0x62: {  	_ =	shalt  }
0x63: {  	_ =	shalt  }
0x64: {  	_ =	shalt  }
0x65: {  	_ =	shalt  }
0x66: {  	_ =	shalt  }
0x67: {  	_ =	shalt  }
0x68: {  	_ =	shalt  }
0x69: {  	_ =	shalt  }
0x6a: {  	_ =	shalt  }
0x6b: {  	_ =	shalt  }
0x6c: {  	_ =	shalt  }
0x6d: {  	_ =	shalt  }
0x6e: {  	_ =	shalt  }
0x6f: {  	_ =	shalt  }
0x70: {  	_ =	shalt  }
0x71: {  	_ =	shalt  }
0x72: {  	_ =	shalt  }
0x73: {  	_ =	shalt  }
0x74: {  	_ =	shalt  }
0x75: {  	_ =	shalt  }
0x76: {  	_ =	shalt  }
0x77: {  	_ =	shalt  }
0x78: {  	_ =	shalt  }
0x79: {  	_ =	shalt  }
0x7a: {  	_ =	shalt  }
0x7b: {  	_ =	shalt  }
0x7c: {  	_ =	shalt  }
0x7d: {  	_ =	shalt  }
0x7e: {  	_ =	shalt  }
0x7f: {  	_ =	shalt  }
0x80: {  	_ =	shalt  }
0x81: {  	_ =	shalt  }
0x82: {  	_ =	shalt  }
0x83: {  	_ =	shalt  }
0x84: {  	_ =	shalt  }
0x85: {  	_ =	shalt  }
0x86: {  	_ =	shalt  }
0x87: {  	_ =	shalt  }
.Lfunc_end0:
.L_simem_size_0:
called_computation.1_lowered:
.L_overlay_start_0:
0x88: {  	s2 =	sld [smem:$0x3FD9]  }
0x89: {  	s3 =	sld [smem:$0x3FFE];
	_ =	sdelay $0x1  }
0x8a: {  	s1 =	srdreg.scid  }
0x8b: {  	s0 =	sand.u32 $0x1, s1  }
0x8c: {  	s17 =	sshll.u32 s0, $0xA;
	s2 =	sadd.s32 s3, s2  }
0x8d: {  	s2 =	sadd.s32 s2, s17  }
0x8e: {  	[smem:$0x3FB4] =	sst s2  }
0x8f: {  	_ = 	snop  }
0x90: {  	s2 =	sld [smem:$0x3FC8];
	(tm) =	ssettm $0x1  }
0x91: {  	s18 =	sld [smem:$0x3FFB];
	_ =	sdelay $0x3  }
0x92: {  	_ =	strace s18  }
0x93: {  	s3 =	sld [smem:$0x3FFC];
	_ =	sdelay $0x3  }
0x94: {  	_ =	strace s3  }
0x95: {  	s3 =	sld [smem:$0x3FFD];
	_ =	sdelay $0x3  }
0x96: {  	_ =	strace s3  }
0x97: {  	_ =	strace $0x8FFFFFFF  }
0x98: {  	s19 =	sld [smem:$0x3FDB];
	_ =	sdelay $0x1  }
0x99: {  	s4 =	simm.s32 $_scs_section_size  }
0x9a: {  	s5 =	simm.s32 $_size__tile_overlayer_lowered;
	s6 =	simm.s32 $_tile_overlayer_lowered  }
0x9b: {  	s22 =	simm.s32 $0x1BFF;
	s21 =	sshll.u32 s6, $0x1;
	s3 =	sadd.s32 s4, s19  }
0x9c: {  	s7 =	simm.s32 $0x0;
	s20 =	sshll.u32 s5, $0x1;
	s5 =	sadd.s32 s21, s3  }
0x9d: {  	[timem:s7], [sflag:s22] =	dma.local [hbm:s5], s20  }
0x9e: {  	_ =	swait.ge [sflag:s22], s20  }
0x9f: {  	s4 =	ssub.s32 $0x0, s20;
	[sflag:s22] =	ssyncset.done $0x0  }
0xa0: {  	[sflag:s22] =	ssyncadd.s32 s4;
	_ =	sdelay $0x1  }
0xa1: {  	s23 =	simm.s32 $0x1B8B  }
0xa2: {  	_ =	swait.ge [sflag:s23], $0x1  }
0xa3: {  	[sflag:s23] =	ssyncset.done $0x0  }
0xa4: {  	s25 =	simm.s32 $0x1B8E;
	s24 =	sld [smem:$0x3FFE];
	[sflag:s23] =	ssyncadd.s32 $0xFFFFFFFF  }
0xa5: {  	s26 =	simm.s32 $execute0_lowered;
	[smem:$0x3FD2] =	sst s25  }
0xa6: {  	s5 =	sshll.u32 s26, $0x1;
	_ =	strace $0x80000049;
	[dreg:$0x1] =	wrdreg $0xFFFFFFFF  }
0xa7: {  	s28 =	simm.s32 $_size_execute0_lowered;
	s3 =	sadd.s32 s3, s5;
	[dreg:$0x0] =	wrdreg $0x0  }
0xa8: {  	s5 =	sshll.u32 s28, $0x1;
	[dreg:$0x2] =	wrdreg s3  }
0xa9: {  	[dreg:$0x3] =	wrdreg s5  }
0xaa: {  	[dreg:$0x4] =	wrdreg $0xC0  }
0xab: {  	_ =	task [dreg:s7], $0x5FFFF  }
0xac: {  	[dreg:$0x1] =	wrdreg $0xFFFFFFFF  }
0xad: {  	[dreg:$0x0] =	wrdreg $0x60  }
0xae: {  	[dreg:$0x2] =	wrdreg s24  }
0xaf: {  	[dreg:$0x3] =	wrdreg s2  }
0xb0: {  	[dreg:$0x4] =	wrdreg $0x84000  }
0xb1: {  	[dreg:$0x5] =	wrdreg $0x9  }
0xb2: {  	_ =	task.clear_ibuf [dreg:s7], $0x6FFFF;
	_ =	strace $0x90000049  }
0xb3: {  	s29 =	simm.s32 $0x9;
	_ =	strace $0x8000004B  }
0xb4: {  	_ =	swait.ge [sflag:s29], $0x1  }
0xb5: {  	[sflag:s29] =	ssyncadd.s32 $0xFFFFFFFF  }
0xb6: {  	_ =	strace $0x9000004B  }
0xb7: {  	_ =	sfence  }
0xb8: {  	s30 =	sld [smem:$0x0];
	_ =	sdelay $0x2  }
0xb9: {  	s31 =	sshll.u32 s1, $0xD;
	s1 =	sshrl.u32 s1, $0x2  }
0xba: {  	s3 =	sand.u32 $0x4000, s31;
	s1 =	sadd.s32 s1, s30  }
0xbb: {  	s0 =	sor.u32 s3, s0;
	s1 =	sshll.u32 s1, $0x11  }
0xbc: {  	s0 =	sor.u32 s1, s0  }
0xbd: {  	s0 =	sadd.s32 $0x8F2B, s0  }
0xbe: {  	[sflag:s0] =	ssyncadd.remote.s32 $0x1  }
0xbf: {  	_ =	sfence.sel $0xFFFF  }
0xc0: {  	[dreg:$0x0] =	wrdreg $0xFFFFFFFF;
	(pc) =	sbr.abs _section_cstart, $3  }
0xc1: {  	[dreg:$0x1] =	wrdreg $0xFFFFFFFF  }
0xc2: {  	_ =	task.clear_ibuf [dreg:s7], $0x2FFFF;
	_ =	strace $0x9FFFFFFF  }
0xc3: {  	(tm) =	ssettm $0x7FFFFFFF  }
tec
execute0_lowered:
.L_overlay_start_1:
0x0: {  	(tag) =	ssettag $0x1  }
0x1: {  	s0 =	rddreg [dreg:$0x0]  }
0x2: {  	s2 =	rddreg [dreg:$0x1];
	s13 =	stileid.u32  }
0x3: {  	s1 =	srdreg.scid;
	s3 =	rddreg [dreg:$0x2]  }
0x4: {  	s4 =	simm.s32 $0x0;
	s28 =	simm.s32 $0x6;
	s29 =	simm.s32 $0x4400  }
0x5: {  	s30 =	simm.s32 $0x2;
	s31 =	simm.s32 $0x180;
	s5 =	smul.u32 $0x14000, s13  }
0x6: {  	s1 =	sand.u32 $0x1, s1;
	[smem:$0x7FF] =	sst s4;
	s9 =	sshll.u32 s13, $0x1  }
0x7: {  	s10 =	smul.u32 $0x50000, s13;
	s12 =	sshll.u32 s13, $0x6;
	p0 =	sgt.u32 s13, $0x1  }
0x8: {  	s13 =	simm.s32 $0x0;
	s6 =	smul.u32 $0x140000, s1;
	_ =	strace $0x8000004A  }
0x9: {  	s8 =	ssub.s32 $0x2, s1;
	s9 =	sor.u32 s1, s9;
	s1 =	sshll.u32 s1, $0x5  }
0xa: {  	s7 =	sshrl.u32 s5, $0x3;
	s14 =	sshrl.u32 s8, $0x1;
	s15 =	sshrl.u32 s10, $0x2  }
0xb: {  	s16 =	sshll.u32 s9, $0x5;
	s6 =	sadd.s32 s5, s6;
	s5 =	sadd.s32 $0x2C400, s0  }
0xc: {  	s7 =	sadd.s32 s7, s0;
	s11 =	ssub.s32 s8, s14;
	s17 =	sadd.s32 s2, s16  }
0xd: {  	s10 =	sadd.s32 s15, s3;
	s7 =	sadd.s32 $0x4400, s7;
	[dreg:$0x6] =	wrdreg s17  }
0xe: {  	s8 =	sor.u32 $0x1C09, s12;
	s18 =	sadd.s32 $0x400, s17;
	[dreg:$0x7] =	wrdreg s7  }
0xf: {  	s15 =	sadd.s32 $0x13860, s2;
	s19 =	sadd.s32 $0x800, s17;
	[dreg:$0x8] =	wrdreg s18  }
0x10: {  	s12 =	sadd.s32 s12, s2;
	s20 =	sadd.s32 $0xC00, s17;
	[dreg:$0x9] =	wrdreg s19  }
0x11: {  	s6 =	sshrl.u32 s6, $0x3;
	s21 =	sadd.s32 $0x1000, s17;
	[dreg:$0xa] =	wrdreg s20  }
0x12: {  	s22 =	sadd.s32 $0x1400, s17;
	s23 =	sadd.s32 $0x1800, s17;
	[dreg:$0xb] =	wrdreg s21  }
0x13: {  	s24 =	sadd.s32 $0x1C00, s17;
	s25 =	sadd.s32 s1, s12;
	[dreg:$0xc] =	wrdreg s22  }
0x14: {  	s26 =	smax.u32 s11, $0x1;
	s1 =	simm.s32 $0x3;
	[dreg:$0xd] =	wrdreg s23  }
0x15: {  	s11 =	simm.s32 $0x380;
	s12 =	simm.s32 $0x5;
	[dreg:$0x4] =	wrdreg s24  }
0x16: {  	s0 =	sadd.s32 s6, s0;
	[dreg:$0xf] =	wrdreg s26;
	s18 =	sor.u32 $0x140, s9  }
0x17: {  	[dreg:$0x5] =	wrdreg s25;
	s19 =	sshrl.u32 s10, $0x3;
	s20 =	simm.s32 $0x9  }
0x18: {  	s21 =	simm.s32 $0x100;
	s22 =	simm.s32 $0x200;
	s23 =	simm.s32 $0x80  }
0x19: {  	s24 =	simm.s32 $0x400;
	s25 =	simm.s32 $0x1;
	s26 =	simm.s32 $0x300  }
0x1a: {  	s7 =	simm.s32 $0x280;
	s9 =	simm.s32 $0x4;
	s0 =	sadd.s32 $0xCD400, s0  }
0x1b: {  	s10 =	simm.s32 $0x8;
	[dreg:$0xe] =	wrdreg s0;
	s0 =	simm.s32 $0x7  }
.LBB2_1:
0x1c: {  	s6 =	rddreg [dreg:$0x7]  }
0x1d: {  	[spmem:s19], [sflag:s8] =	dma.local [hbm:s6], $0x2800  }
0x1e: {  	_ =	swait.ge [sflag:s20], $0x2800  }
0x1f: {  	[sflag:s20] =	ssyncset.done $0x0  }
0x20: {  	s16 =	rddreg [dreg:$0x6];
	[sflag:s20] =	ssyncadd.s32 $0xFFFFD800  }
0x21: {  	[tilespmem:s4], [sflag:$0x9] =	stream.linear.gather [hbm4b:s16+s4], $0x100, $0x38;
	[tilespmem:$0x1C400] =	vst v63  }
0x22: {  	_ =	swait.ge [sflag:s20], $0x100  }
0x23: {  	[sflag:s20] =	ssyncset.done $0x0  }
0x24: {  	s17 =	rddreg [dreg:$0x8];
	[sflag:s20] =	ssyncadd.s32 $0xFFFFFF00  }
0x25: {  	[tilespmem:s21], [sflag:$0x6] =	stream.linear.gather [hbm4b:s17+s4], $0x100, $0x38;
	[tilespmem:$0x1C400] =	vst v63  }
0x26: {  	s14 =	rddreg [dreg:$0x9]  }
0x27: {  	[tilespmem:s22], [sflag:$0x7] =	stream.linear.gather [hbm4b:s14+s4], $0x100, $0x38;
	[tilespmem:$0x1C400] =	vst v63  }
0x28: {  	_ = 	snop  }
0x29: {  	[tilespmem:s24], [sflag:$0x1] =	stream.indirect.gather [hbm4b:s5+s23], $0x80, s4, s23, $0xb8;
	[tilespmem:$0x1C400] =	vst v63  }
0x2a: {  	[bflag:$0x0] =	sbarrier.arrive $0xFFFF  }
0x2b: {  	_ =	swait.ge [sflag:s25], $0x4000  }
0x2c: {  	[sflag:s25] =	ssyncset.done $0x0  }
0x2d: {  	[sflag:s25] =	ssyncadd.s32 $0xFFFFC000  }
0x2e: {  	[spmem:s3] =	stream.indirect.scatter.add.f32 [tilespmem:s24], [sflag:$0x3], $0x80, s23, s23, $0xb8;
	[tilespmem:$0x1C400] =	vst v63  }
0x2f: {  	s16 =	rddreg [dreg:$0xa]  }
0x30: {  	[tilespmem:s26], [sflag:$0x8] =	stream.linear.gather [hbm4b:s16+s4], $0x100, $0x38;
	[tilespmem:$0x1C400] =	vst v63  }
0x31: {  	_ =	swait.ge [sflag:s28], $0x100  }
0x32: {  	[sflag:s28] =	ssyncset.done $0x0  }
0x33: {  	[sflag:s28] =	ssyncadd.s32 $0xFFFFFF00  }
0x34: {  	[tilespmem:s29], [sflag:$0x2] =	stream.indirect.gather [hbm4b:s5+s23], $0x80, s21, s23, $0xb8;
	[tilespmem:$0x1C400] =	vst v63  }
0x35: {  	_ =	swait.ge [sflag:s30], $0x4000  }
0x36: {  	[sflag:s30] =	ssyncset.done $0x0  }
0x37: {  	[sflag:s30] =	ssyncadd.s32 $0xFFFFC000  }
0x38: {  	[spmem:s3] =	stream.indirect.scatter.add.f32 [tilespmem:s29], [sflag:$0x4], $0x80, s31, s23, $0xb8;
	[tilespmem:$0x1C400] =	vst v63  }
0x39: {  	_ =	swait.ge [sflag:s1], $0x4000  }
0x3a: {  	[sflag:s1] =	ssyncset.done $0x0  }
0x3b: {  	s17 =	rddreg [dreg:$0xb];
	[sflag:s1] =	ssyncadd.s32 $0xFFFFC000  }
0x3c: {  	[tilespmem:s4], [sflag:$0x5] =	stream.linear.gather [hbm4b:s17+s4], $0x100, $0x38;
	[tilespmem:$0x1C400] =	vst v63  }
0x3d: {  	_ =	swait.ge [sflag:s0], $0x100  }
0x3e: {  	[sflag:s0] =	ssyncset.done $0x0  }
0x3f: {  	[sflag:s0] =	ssyncadd.s32 $0xFFFFFF00  }
0x40: {  	[tilespmem:s24], [sflag:$0x1] =	stream.indirect.gather [hbm4b:s5+s23], $0x80, s22, s23, $0xb8;
	[tilespmem:$0x1C400] =	vst v63  }
0x41: {  	_ =	swait.ge [sflag:s25], $0x4000  }
0x42: {  	[sflag:s25] =	ssyncset.done $0x0  }
0x43: {  	[sflag:s25] =	ssyncadd.s32 $0xFFFFC000  }
0x44: {  	[spmem:s3] =	stream.indirect.scatter.add.f32 [tilespmem:s24], [sflag:$0x3], $0x80, s7, s23, $0xb8;
	[tilespmem:$0x1C400] =	vst v63  }
0x45: {  	_ =	swait.ge [sflag:s9], $0x4000  }
0x46: {  	[sflag:s9] =	ssyncset.done $0x0  }
0x47: {  	s14 =	rddreg [dreg:$0xc];
	[sflag:s9] =	ssyncadd.s32 $0xFFFFC000  }
0x48: {  	[tilespmem:s21], [sflag:$0x6] =	stream.linear.gather [hbm4b:s14+s4], $0x100, $0x38;
	[tilespmem:$0x1C400] =	vst v63  }
0x49: {  	_ =	swait.ge [sflag:s10], $0x100  }
0x4a: {  	[sflag:s10] =	ssyncset.done $0x0  }
0x4b: {  	[sflag:s10] =	ssyncadd.s32 $0xFFFFFF00  }
0x4c: {  	[tilespmem:s29], [sflag:$0x2] =	stream.indirect.gather [hbm4b:s5+s23], $0x80, s26, s23, $0xb8;
	[tilespmem:$0x1C400] =	vst v63  }
0x4d: {  	_ =	swait.ge [sflag:s30], $0x4000  }
0x4e: {  	[sflag:s30] =	ssyncset.done $0x0  }
0x4f: {  	[sflag:s30] =	ssyncadd.s32 $0xFFFFC000  }
0x50: {  	[spmem:s3] =	stream.indirect.scatter.add.f32 [tilespmem:s29], [sflag:$0x4], $0x80, s11, s23, $0xb8;
	[tilespmem:$0x1C400] =	vst v63  }
0x51: {  	_ =	swait.ge [sflag:s1], $0x4000  }
0x52: {  	[sflag:s1] =	ssyncset.done $0x0  }
0x53: {  	s16 =	rddreg [dreg:$0xd];
	[sflag:s1] =	ssyncadd.s32 $0xFFFFC000  }
0x54: {  	[tilespmem:s22], [sflag:$0x7] =	stream.linear.gather [hbm4b:s16+s4], $0x100, $0x38;
	[tilespmem:$0x1C400] =	vst v63  }
0x55: {  	_ =	swait.ge [sflag:s12], $0x100  }
0x56: {  	[sflag:s12] =	ssyncset.done $0x0  }
0x57: {  	[sflag:s12] =	ssyncadd.s32 $0xFFFFFF00  }
0x58: {  	[tilespmem:s24], [sflag:$0x1] =	stream.indirect.gather [hbm4b:s5+s23], $0x80, s4, s23, $0xb8;
	[tilespmem:$0x1C400] =	vst v63  }
0x59: {  	_ =	swait.ge [sflag:s25], $0x4000  }
0x5a: {  	[sflag:s25] =	ssyncset.done $0x0  }
0x5b: {  	[sflag:s25] =	ssyncadd.s32 $0xFFFFC000  }
0x5c: {  	[spmem:s3] =	stream.indirect.scatter.add.f32 [tilespmem:s24], [sflag:$0x3], $0x80, s23, s23, $0xb8;
	[tilespmem:$0x1C400] =	vst v63  }
0x5d: {  	_ =	swait.ge [sflag:s9], $0x4000  }
0x5e: {  	s14 =	rddreg [dreg:$0x4];
	[sflag:s9] =	ssyncset.done $0x0  }
0x5f: {  	[sflag:s9] =	ssyncadd.s32 $0xFFFFC000;
	s14 =	sadd.s32 $0x0, s14  }
0x60: {  	[tilespmem:s26], [sflag:$0x8] =	stream.linear.gather [hbm4b:s14+s4], $0x100, $0x38;
	[tilespmem:$0x1C400] =	vst v63  }
0x61: {  	_ =	swait.ge [sflag:s28], $0x100  }
0x62: {  	[sflag:s28] =	ssyncset.done $0x0  }
0x63: {  	[sflag:s28] =	ssyncadd.s32 $0xFFFFFF00  }
0x64: {  	[tilespmem:s29], [sflag:$0x2] =	stream.indirect.gather [hbm4b:s5+s23], $0x80, s21, s23, $0xb8;
	[tilespmem:$0x1C400] =	vst v63  }
0x65: {  	_ =	swait.ge [sflag:s30], $0x4000  }
0x66: {  	[sflag:s30] =	ssyncset.done $0x0  }
0x67: {  	[sflag:s30] =	ssyncadd.s32 $0xFFFFC000  }
0x68: {  	[spmem:s3] =	stream.indirect.scatter.add.f32 [tilespmem:s29], [sflag:$0x4], $0x80, s31, s23, $0xb8;
	[tilespmem:$0x1C400] =	vst v63  }
0x69: {  	_ =	swait.ge [sflag:s1], $0x4000  }
0x6a: {  	s17 =	rddreg [dreg:$0x5]  }
0x6b: {  	[sflag:s1] =	ssyncset.done $0x0;
	s14 =	sadd.s32 $0x0, s17  }
0x6c: {  	[sflag:s1] =	ssyncadd.s32 $0xFFFFC000;
	s16 =	sadd.s32 $0x2000, s14  }
0x6d: {  	[tilespmem:s4], [sflag:$0x5] =	stream.linear.gather [hbm4b:s16+s4], $0x100, $0x38;
	[tilespmem:$0x1C400] =	vst v63  }
0x6e: {  	_ =	swait.ge [sflag:s0], $0x100  }
0x6f: {  	[sflag:s0] =	ssyncset.done $0x0  }
0x70: {  	[sflag:s0] =	ssyncadd.s32 $0xFFFFFF00  }
0x71: {  	[tilespmem:s24], [sflag:$0x1] =	stream.indirect.gather [hbm4b:s5+s23], $0x80, s22, s23, $0xb8;
	[tilespmem:$0x1C400] =	vst v63  }
0x72: {  	_ =	swait.ge [sflag:s25], $0x4000  }
0x73: {  	[sflag:s25] =	ssyncset.done $0x0  }
0x74: {  	[sflag:s25] =	ssyncadd.s32 $0xFFFFC000  }
0x75: {  	[spmem:s3] =	stream.indirect.scatter.add.f32 [tilespmem:s24], [sflag:$0x3], $0x80, s7, s23, $0xb8;
	[tilespmem:$0x1C400] =	vst v63  }
0x76: {  	_ =	swait.ge [sflag:s9], $0x4000  }
0x77: {  	[sflag:s9] =	ssyncset.done $0x0  }
0x78: {  	s14 =	sadd.s32 $0x2400, s14;
	[sflag:s9] =	ssyncadd.s32 $0xFFFFC000  }
0x79: {  	[tilespmem:s21], [sflag:$0x6] =	stream.linear.gather [hbm4b:s14+s4], $0x100, $0x38;
	[tilespmem:$0x1C400] =	vst v63  }
0x7a: {  	_ =	swait.ge [sflag:s10], $0x100  }
0x7b: {  	[sflag:s10] =	ssyncset.done $0x0  }
0x7c: {  	[sflag:s10] =	ssyncadd.s32 $0xFFFFFF00  }
0x7d: {  	[tilespmem:s29], [sflag:$0x2] =	stream.indirect.gather [hbm4b:s5+s23], $0x80, s26, s23, $0xb8;
	[tilespmem:$0x1C400] =	vst v63  }
0x7e: {  	_ =	swait.ge [sflag:s30], $0x4000  }
0x7f: {  	[sflag:s30] =	ssyncset.done $0x0  }
0x80: {  	p1 =	slt.s32 s18, $0x9C3;
	s14 =	smov.u32 s18;
	[sflag:s30] =	ssyncadd.s32 $0xFFFFC000  }
0x81: {  	[spmem:s3] =	stream.indirect.scatter.add.f32 [tilespmem:s29], [sflag:$0x4], $0x80, s11, s23, $0xb8;
	[tilespmem:$0x1C400] =	vst v63  }
0x82: {  	s14 =	simm.s32 @!p1 $0x9C3;
	_ =	swait.ge [sflag:s1], $0x4000  }
0x83: {  	s14 =	sshll.u32 s14, $0x5;
	[sflag:s1] =	ssyncset.done $0x0  }
0x84: {  	s14 =	sadd.s32 s2, s14;
	[sflag:s1] =	ssyncadd.s32 $0xFFFFC000  }
0x85: {  	[tilespmem:s22], [sflag:$0x7] =	stream.linear.gather [hbm4b:s14+s4], $0x100, $0x38;
	[tilespmem:$0x1C400] =	vst v63  }
0x86: {  	_ =	swait.ge [sflag:s12], $0x100  }
0x87: {  	[sflag:s12] =	ssyncset.done $0x0  }
0x88: {  	s16 =	sadd.s32 $0x80, s18;
	s14 =	simm.s32 $0x1000;
	[sflag:s12] =	ssyncadd.s32 $0xFFFFFF00  }
.LBB2_2:
0x89: {  	[tilespmem:s24], [sflag:$0x1] =	stream.indirect.gather [hbm4b:s5+s23], $0x80, s4, s23, $0xb8;
	[tilespmem:$0x1C400] =	vst v63  }
0x8a: {  	_ =	swait.ge [sflag:s25], $0x4000  }
0x8b: {  	[sflag:s25] =	ssyncset.done $0x0  }
0x8c: {  	[sflag:s25] =	ssyncadd.s32 $0xFFFFC000  }
0x8d: {  	[spmem:s3] =	stream.indirect.scatter.add.f32 [tilespmem:s24], [sflag:$0x3], $0x80, s23, s23, $0xb8;
	[tilespmem:$0x1C400] =	vst v63  }
0x8e: {  	_ =	swait.ge [sflag:s9], $0x4000  }
0x8f: {  	s17 =	smov.u32 s14;
	s6 =	rddreg [dreg:$0x4];
	[sflag:s9] =	ssyncset.done $0x0  }
0x90: {  	[sflag:s9] =	ssyncadd.s32 $0xFFFFC000;
	s6 =	sadd.s32 s17, s6  }
0x91: {  	[tilespmem:s26], [sflag:$0x8] =	stream.linear.gather [hbm4b:s6+s4], $0x100, $0x38;
	[tilespmem:$0x1C400] =	vst v63  }
0x92: {  	_ =	swait.ge [sflag:s28], $0x100  }
0x93: {  	[sflag:s28] =	ssyncset.done $0x0  }
0x94: {  	[sflag:s28] =	ssyncadd.s32 $0xFFFFFF00  }
0x95: {  	[tilespmem:s29], [sflag:$0x2] =	stream.indirect.gather [hbm4b:s5+s23], $0x80, s21, s23, $0xb8;
	[tilespmem:$0x1C400] =	vst v63  }
0x96: {  	_ =	swait.ge [sflag:s30], $0x4000  }
0x97: {  	[sflag:s30] =	ssyncset.done $0x0  }
0x98: {  	[sflag:s30] =	ssyncadd.s32 $0xFFFFC000  }
0x99: {  	[spmem:s3] =	stream.indirect.scatter.add.f32 [tilespmem:s29], [sflag:$0x4], $0x80, s31, s23, $0xb8;
	[tilespmem:$0x1C400] =	vst v63  }
0x9a: {  	_ =	swait.ge [sflag:s1], $0x4000  }
0x9b: {  	s6 =	rddreg [dreg:$0x5]  }
0x9c: {  	[sflag:s1] =	ssyncset.done $0x0;
	s6 =	sadd.s32 s17, s6  }
0x9d: {  	[sflag:s1] =	ssyncadd.s32 $0xFFFFC000;
	s17 =	sadd.s32 $0x2000, s6  }
0x9e: {  	[tilespmem:s4], [sflag:$0x5] =	stream.linear.gather [hbm4b:s17+s4], $0x100, $0x38;
	[tilespmem:$0x1C400] =	vst v63  }
0x9f: {  	_ =	swait.ge [sflag:s0], $0x100  }
0xa0: {  	[sflag:s0] =	ssyncset.done $0x0  }
0xa1: {  	[sflag:s0] =	ssyncadd.s32 $0xFFFFFF00  }
0xa2: {  	[tilespmem:s24], [sflag:$0x1] =	stream.indirect.gather [hbm4b:s5+s23], $0x80, s22, s23, $0xb8;
	[tilespmem:$0x1C400] =	vst v63  }
0xa3: {  	_ =	swait.ge [sflag:s25], $0x4000  }
0xa4: {  	[sflag:s25] =	ssyncset.done $0x0  }
0xa5: {  	[sflag:s25] =	ssyncadd.s32 $0xFFFFC000  }
0xa6: {  	[spmem:s3] =	stream.indirect.scatter.add.f32 [tilespmem:s24], [sflag:$0x3], $0x80, s7, s23, $0xb8;
	[tilespmem:$0x1C400] =	vst v63  }
0xa7: {  	_ =	swait.ge [sflag:s9], $0x4000  }
0xa8: {  	[sflag:s9] =	ssyncset.done $0x0  }
0xa9: {  	s6 =	sadd.s32 $0x2400, s6;
	[sflag:s9] =	ssyncadd.s32 $0xFFFFC000  }
0xaa: {  	[tilespmem:s21], [sflag:$0x6] =	stream.linear.gather [hbm4b:s6+s4], $0x100, $0x38;
	[tilespmem:$0x1C400] =	vst v63  }
0xab: {  	_ =	swait.ge [sflag:s10], $0x100  }
0xac: {  	[sflag:s10] =	ssyncset.done $0x0  }
0xad: {  	[sflag:s10] =	ssyncadd.s32 $0xFFFFFF00  }
0xae: {  	[tilespmem:s29], [sflag:$0x2] =	stream.indirect.gather [hbm4b:s5+s23], $0x80, s26, s23, $0xb8;
	[tilespmem:$0x1C400] =	vst v63  }
0xaf: {  	_ =	swait.ge [sflag:s30], $0x4000  }
0xb0: {  	[sflag:s30] =	ssyncset.done $0x0  }
0xb1: {  	p2 =	slt.s32 s16, $0x9C3;
	s6 =	smov.u32 s16;
	[sflag:s30] =	ssyncadd.s32 $0xFFFFC000  }
0xb2: {  	[spmem:s3] =	stream.indirect.scatter.add.f32 [tilespmem:s29], [sflag:$0x4], $0x80, s11, s23, $0xb8;
	[tilespmem:$0x1C400] =	vst v63  }
0xb3: {  	s6 =	simm.s32 @!p2 $0x9C3;
	_ =	swait.ge [sflag:s1], $0x4000  }
0xb4: {  	p1 =	sne.s32 s14, $0x11000;
	s6 =	sshll.u32 s6, $0x5;
	[sflag:s1] =	ssyncset.done $0x0  }
.Ltmp0:
0xb5: {  	s6 =	sadd.s32 s2, s6;
	[sflag:s1] =	ssyncadd.s32 $0xFFFFC000;
	(pc) =	sbr.rel @p1 .LBB2_2-.Ltmp0, $4  }
0xb6: {  	[tilespmem:s22], [sflag:$0x7] =	stream.linear.gather [hbm4b:s6+s4], $0x100, $0x38;
	[tilespmem:$0x1C400] =	vst v63  }
0xb7: {  	_ =	swait.ge [sflag:s12], $0x100  }
0xb8: {  	[sflag:s12] =	ssyncset.done $0x0  }
0xb9: {  	s14 =	sadd.s32 $0x1000, s14;
	s16 =	sadd.s32 $0x80, s16;
	[sflag:s12] =	ssyncadd.s32 $0xFFFFFF00  }
0xba: {  	[tilespmem:s24], [sflag:$0x1] =	stream.indirect.gather [hbm4b:s5+s23], $0x80, s4, s23, $0xb8;
	[tilespmem:$0x1C400] =	vst v63  }
0xbb: {  	_ =	swait.ge [sflag:s25], $0x4000  }
0xbc: {  	[sflag:s25] =	ssyncset.done $0x0  }
0xbd: {  	[sflag:s25] =	ssyncadd.s32 $0xFFFFC000  }
0xbe: {  	[spmem:s3] =	stream.indirect.scatter.add.f32 [tilespmem:s24], [sflag:$0x3], $0x80, s23, s23, $0xb8;
	[tilespmem:$0x1C400] =	vst v63  }
0xbf: {  	_ =	swait.ge [sflag:s9], $0x4000  }
0xc0: {  	[sflag:s9] =	ssyncset.done $0x0  }
0xc1: {  	[sflag:s9] =	ssyncadd.s32 $0xFFFFC000  }
0xc2: {  	[tilespmem:s26], [sflag:$0x8] =	stream.linear.gather [hbm4b:s15+s4], $0x100, $0x38;
	[tilespmem:$0x1C400] =	vst v63  }
0xc3: {  	_ =	swait.ge [sflag:s28], $0x100  }
0xc4: {  	[sflag:s28] =	ssyncset.done $0x0  }
0xc5: {  	[sflag:s28] =	ssyncadd.s32 $0xFFFFFF00  }
0xc6: {  	[tilespmem:s29], [sflag:$0x2] =	stream.indirect.gather [hbm4b:s5+s23], $0x80, s21, s23, $0xb8;
	[tilespmem:$0x1C400] =	vst v63  }
0xc7: {  	_ =	swait.ge [sflag:s30], $0x4000  }
0xc8: {  	[sflag:s30] =	ssyncset.done $0x0  }
0xc9: {  	[sflag:s30] =	ssyncadd.s32 $0xFFFFC000  }
0xca: {  	[spmem:s3] =	stream.indirect.scatter.add.f32 [tilespmem:s29], [sflag:$0x4], $0x80, s31, s23, $0xb8;
	[tilespmem:$0x1C400] =	vst v63  }
0xcb: {  	_ =	swait.ge [sflag:s1], $0x4000  }
0xcc: {  	[sflag:s1] =	ssyncset.done $0x0  }
0xcd: {  	[sflag:s1] =	ssyncadd.s32 $0xFFFFC000  }
0xce: {  	[tilespmem:s4], [sflag:$0x5] =	stream.linear.gather [hbm4b:s15+s4], $0x100, $0x38;
	[tilespmem:$0x1C400] =	vst v63  }
0xcf: {  	_ =	swait.ge [sflag:s0], $0x100  }
0xd0: {  	[sflag:s0] =	ssyncset.done $0x0  }
0xd1: {  	[sflag:s0] =	ssyncadd.s32 $0xFFFFFF00  }
0xd2: {  	[tilespmem:s24], [sflag:$0x1] =	stream.indirect.gather [hbm4b:s5+s23], $0x80, s22, s23, $0xb8;
	[tilespmem:$0x1C400] =	vst v63  }
0xd3: {  	_ =	swait.ge [sflag:s25], $0x4000  }
0xd4: {  	s6 =	simm.s32 @!p0 $0x80;
	[sflag:s25] =	ssyncset.done $0x0  }
0xd5: {  	s14 =	simm.s32 @!p0 $0x280;
	s16 =	simm.s32 @!p0 $0x400;
	[sflag:s25] =	ssyncadd.s32 $0xFFFFC000  }
0xd6: {  	[spmem:s3] =	stream.indirect.scatter.add.f32 @!p0 [tilespmem:s16], [sflag:$0x3], $0x80, s14, s6, $0xb8;
	[tilespmem:$0x1C400] =	vst v63  }
0xd7: {  	s6 =	simm.s32 @!p0 $0x4  }
0xd8: {  	_ =	swait.ge @!p0 [sflag:s6], $0x4000  }
0xd9: {  	s14 =	simm.s32 @!p0 $0x3;
	[sflag:s6] =	ssyncset.done @!p0 $0x0  }
0xda: {  	s14 =	simm.s32 @p0 $0x4;
	[sflag:s6] =	ssyncadd.s32 @!p0 $0xFFFFC000  }
0xdb: {  	_ =	swait.ge [sflag:s14], $0x4000  }
0xdc: {  	[sflag:s14] =	ssyncset.done $0x0  }
0xdd: {  	[sflag:s14] =	ssyncadd.s32 $0xFFFFC000  }
0xde: {  	_ =	swait.ge [sflag:s10], $0x100  }
0xdf: {  	[sflag:s10] =	ssyncset.done $0x0  }
0xe0: {  	[sflag:s10] =	ssyncadd.s32 $0xFFFFFF00  }
0xe1: {  	_ =	swait.ge [sflag:s12], $0x100  }
0xe2: {  	[sflag:s12] =	ssyncset.done $0x0  }
0xe3: {  	[sflag:s12] =	ssyncadd.s32 $0xFFFFFF00  }
0xe4: {  	[bflag:$0x0] =	sbarrier.arrive $0xFFFF  }
0xe5: {  	s16 =	rddreg [dreg:$0xe]  }
0xe6: {  	[hbm:s16], [sflag:s8] =	dma.local [spmem:s19], $0x2800  }
0xe7: {  	_ =	swait.ge [sflag:s20], $0x2800  }
0xe8: {  	s13 =	sadd.s32 $0x1, s13;
	s17 =	rddreg [dreg:$0xf]  }
0xe9: {  	p1 =	sne.s32 s13, s17  }
.Ltmp1:
0xea: {  	_ = 	snop;
	(pc) =	sbr.rel @p1 .LBB2_1-.Ltmp1, $3  }
0xeb: {  	_ =	sdelay $0x1  }
0xec: {  	[sflag:s20] =	ssyncset.done $0x0  }
0xed: {  	[sflag:s20] =	ssyncadd.s32 $0xFFFFD800  }
0xee: {  	_ =	sfence.sel $0x180000  }
0xef: {  	[bflag:$0x0] =	sbarrier.arrive $0xFFFF  }
0xf0: {  	_ =	strace $0x9000004A  }
0xf1: {  	s0 =	stileid.u32;
	[bflag:$0x2] =	sbarrier.arrive $0xFFFF  }
0xf2: {  	p0 =	sne.s32 s0, $0x0;
	s0 =	rddreg [dreg:$0x3]  }
0xf3: {  	s0 =	sadd.s32 @!p0 $0x100000, s0  }
0xf4: {  	[sflag:s0] =	ssyncadd.tile.s32 @!p0 $0x1;
	_ =	shalt  }
.Lfunc_end2:
_tile_overlayer_lowered:
.L_overlay_start_2:
0xf5: {  	(tag) =	ssettag $0x2  }
0xf6: {  	s0 =	rddreg [dreg:$0x0];
	s2 =	stileid.u32  }
0xf7: {  	s1 =	rddreg [dreg:$0x1];
	p0 =	sne.s32 s2, $0x0  }
0xf8: {  	s3 =	rddreg [dreg:$0x2];
	[bflag:$0x3] =	sbarrier.arrive $0xFFFF;
	s2 =	simm.s32 @!p0 $0x1C09  }
0xf9: {  	[timem:s3], [sflag:s2] =	dma.local @!p0 [hbm:s0], s1  }
0xfa: {  	s0 =	simm.s32 @!p0 $0x9  }
0xfb: {  	_ =	swait.ge @!p0 [sflag:s0], s1  }
0xfc: {  	s1 =	ssub.s32 @!p0 $0x0, s1;
	[sflag:s0] =	ssyncset.done @!p0 $0x0  }
0xfd: {  	[sflag:s0] =	ssyncadd.s32 @!p0 s1  }
0xfe: {  	[bflag:$0x3] =	sbarrier.arrive $0xFFFF  }
0xff: {  	_ =	shalt  }

// kernel: kernel.14.cloned.1.call-start
scs
__scs_entry_jumppad:
0x0: {  	(pc) =	sbr.rel $0x88, $3  }
0x1: {  	(tag) =	ssettag $0x0;
	lr =	simm.s32 $0x1  }
0x2: {  	[smem:$0x3F8D] =	sst lr;
	_ =	strace $0xD0000000  }
0x3: {  	_ = 	snop  }
0x4: {  	_ = 	snop  }
0x5: {  	_ = 	snop  }
0x6: {  	_ = 	snop  }
0x7: {  	_ = 	snop  }
__scs_overlays_trampoline_lowered:
0x8: {  	[smem:$0x3F9C] =	sst s0  }
0x9: {  	[smem:$0x3F9D] =	sst s1  }
0xa: {  	[smem:$0x3F9E] =	sst s2  }
0xb: {  	[smem:$0x3F9F] =	sst s3  }
0xc: {  	[smem:$0x3FA0] =	sst s4  }
0xd: {  	[smem:$0x3FA1] =	sst s5  }
0xe: {  	[smem:$0x3FA2] =	sst s6  }
0xf: {  	[smem:$0x3FA3] =	sst s7  }
0x10: {  	[smem:$0x3FA4] =	sst s8  }
0x11: {  	[smem:$0x3FA5] =	sst s9;
	s0 =	simm.s32 @!p0 $0x0  }
0x12: {  	s1 =	sld [smem:$0x3F8B];
	s0 =	simm.s32 @p0 $0x1  }
0x13: {  	[smem:$0x3FA6] =	sst s0;
	s0 =	simm.s32 @!p1 $0x0  }
0x14: {  	s2 =	sld [smem:$0x3F8A];
	s0 =	simm.s32 @p1 $0x1  }
0x15: {  	[smem:$0x3FA7] =	sst s0;
	s0 =	simm.s32 @!p2 $0x0  }
0x16: {  	s3 =	sld [smem:$0x3FDB];
	s0 =	simm.s32 @p2 $0x1  }
0x17: {  	s4 =	simm.s32 $0x1BF5;
	[smem:$0x3FA9] =	sst s0  }
0x18: {  	s0 =	sld [smem:$0x3F8C];
	_ =	swait.ge [sflag:s4], $0x0  }
0x19: {  	s7 =	sld [smem:$0x3F8D]  }
0x1a: {  	s8 =	sadd.s32 $0xFFFFE003, lr  }
0x1b: {  	s9 =	sadd.s32 $0xFFFFFEF7, lr;
	s5 =	simm.s32 $0xFFFFFFFF;
	p2 =	slt.u32 s8, $0xFFFFF086  }
0x1c: {  	p1 =	slt.u32 s9, $0xF7A;
	s5 =	simm.s32 @!p2 $0x0  }
0x1d: {  	s5 =	simm.s32 @p1 $0x1;
	p0 =	seq.s32 s7, s2  }
0x1e: {  	s7 =	smul.u32 @!p0 $0xF7A, s2;
	p2 =	seq.s32 @!p0 s5, $0x0  }
0x1f: {  	s9 =	smul.u32 $0xF7A, s1;
	s8 =	simm.s32 @!p0 $0x1BF5;
	p2 =	por !p2, p0  }
0x20: {  	[sflag:s8] =	ssyncset.s32 @!p0 $0xFFFFF086;
	s6 =	sadd.s32 @!p0 s3, s7;
	s7 =	simm.s32 @!p0 $0x108  }
0x21: {  	s3 =	sadd.s32 s3, s9;
	s6 =	sadd.s32 @!p0 $0x88, s6;
	s7 =	simm.s32 @p2 $0x1082  }
0x22: {  	[simem:s7], [sflag:s8] =	dma.local @!p0 [hbm:s6], $0xF7A  }
0x23: {  	s9 =	sor.u32 $0xD0000000, s2;
	s6 =	simm.s32 $0x108;
	_ =	swait.ge @!p0 [sflag:s8], $0x0  }
0x24: {  	s3 =	sadd.s32 $0x88, s3;
	s6 =	simm.s32 @!p1 $0x1082;
	[sflag:s4] =	ssyncset.s32 $0xFFFFF086  }
0x25: {  	[simem:s6], [sflag:s4] =	dma.local [hbm:s3], $0xF7A  }
0x26: {  	[smem:$0x3F8D] =	sst s1;
	(tag) =	ssettag s2;
	_ =	strace s9  }
0x27: {  	s1 =	sld [smem:$0x3F9D]  }
0x28: {  	s2 =	sld [smem:$0x3F9E]  }
0x29: {  	s4 =	sld [smem:$0x3FA0]  }
0x2a: {  	p0 =	seq.s32 s5, $0x0;
	s5 =	sld [smem:$0x3FA1]  }
0x2b: {  	s6 =	sld [smem:$0x3FA2]  }
0x2c: {  	s7 =	sld [smem:$0x3FA3]  }
0x2d: {  	s3 =	simm.s32 $0x108;
	s8 =	sld [smem:$0x3FA4]  }
0x2e: {  	s3 =	simm.s32 @!p0 $0x1082;
	s9 =	sld [smem:$0x3FA5]  }
0x2f: {  	lr =	sadd.s32 s0, s3;
	s0 =	sld [smem:$0x3F9C]  }
0x30: {  	s3 =	sld [smem:$0x3F9F]  }
0x31: {  	[smem:$0x3FA8] =	sst s10  }
0x32: {  	s10 =	sld [smem:$0x3FA6];
	_ =	sdelay $0x3  }
0x33: {  	p0 =	seq.s32 s10, $0x1;
	s10 =	sld [smem:$0x3FA8];
	_ =	sdelay $0x3  }
0x34: {  	[smem:$0x3FA8] =	sst s10  }
0x35: {  	s10 =	sld [smem:$0x3FA7];
	_ =	sdelay $0x3  }
0x36: {  	p1 =	seq.s32 s10, $0x1;
	s10 =	sld [smem:$0x3FA8];
	_ =	sdelay $0x3  }
0x37: {  	[smem:$0x3FA8] =	sst s10  }
0x38: {  	s10 =	sld [smem:$0x3FA9]  }
0x39: {  	_ = 	snop;
	(pc) =	sbr.ind lr, $3  }
0x3a: {  	_ = 	snop  }
0x3b: {  	_ = 	snop  }
0x3c: {  	p2 =	seq.s32 s10, $0x1;
	s10 =	sld [smem:$0x3FA8]  }
0x3d: {  	_ =	shalt  }
0x3e: {  	_ =	shalt  }
0x3f: {  	_ =	shalt  }
0x40: {  	_ =	shalt  }
0x41: {  	_ =	shalt  }
0x42: {  	_ =	shalt  }
0x43: {  	_ =	shalt  }
0x44: {  	_ =	shalt  }
0x45: {  	_ =	shalt  }
0x46: {  	_ =	shalt  }
0x47: {  	_ =	shalt  }
0x48: {  	_ =	shalt  }
0x49: {  	_ =	shalt  }
0x4a: {  	_ =	shalt  }
0x4b: {  	_ =	shalt  }
0x4c: {  	_ =	shalt  }
0x4d: {  	_ =	shalt  }
0x4e: {  	_ =	shalt  }
0x4f: {  	_ =	shalt  }
0x50: {  	_ =	shalt  }
0x51: {  	_ =	shalt  }
0x52: {  	_ =	shalt  }
0x53: {  	_ =	shalt  }
0x54: {  	_ =	shalt  }
0x55: {  	_ =	shalt  }
0x56: {  	_ =	shalt  }
0x57: {  	_ =	shalt  }
0x58: {  	_ =	shalt  }
0x59: {  	_ =	shalt  }
0x5a: {  	_ =	shalt  }
0x5b: {  	_ =	shalt  }
0x5c: {  	_ =	shalt  }
0x5d: {  	_ =	shalt  }
0x5e: {  	_ =	shalt  }
0x5f: {  	_ =	shalt  }
0x60: {  	_ =	shalt  }
0x61: {  	_ =	shalt  }
0x62: {  	_ =	shalt  }
0x63: {  	_ =	shalt  }
0x64: {  	_ =	shalt  }
0x65: {  	_ =	shalt  }
0x66: {  	_ =	shalt  }
0x67: {  	_ =	shalt  }
0x68: {  	_ =	shalt  }
0x69: {  	_ =	shalt  }
0x6a: {  	_ =	shalt  }
0x6b: {  	_ =	shalt  }
0x6c: {  	_ =	shalt  }
0x6d: {  	_ =	shalt  }
0x6e: {  	_ =	shalt  }
0x6f: {  	_ =	shalt  }
0x70: {  	_ =	shalt  }
0x71: {  	_ =	shalt  }
0x72: {  	_ =	shalt  }
0x73: {  	_ =	shalt  }
0x74: {  	_ =	shalt  }
0x75: {  	_ =	shalt  }
0x76: {  	_ =	shalt  }
0x77: {  	_ =	shalt  }
0x78: {  	_ =	shalt  }
0x79: {  	_ =	shalt  }
0x7a: {  	_ =	shalt  }
0x7b: {  	_ =	shalt  }
0x7c: {  	_ =	shalt  }
0x7d: {  	_ =	shalt  }
0x7e: {  	_ =	shalt  }
0x7f: {  	_ =	shalt  }
0x80: {  	_ =	shalt  }
0x81: {  	_ =	shalt  }
0x82: {  	_ =	shalt  }
0x83: {  	_ =	shalt  }
0x84: {  	_ =	shalt  }
0x85: {  	_ =	shalt  }
0x86: {  	_ =	shalt  }
0x87: {  	_ =	shalt  }
.Lfunc_end0:
.L_simem_size_0:
called_computation.2_lowered:
.L_overlay_start_0:
0x88: {  	s2 =	sld [smem:$0x3FD9]  }
0x89: {  	s3 =	sld [smem:$0x3FFE];
	_ =	sdelay $0x1  }
0x8a: {  	s1 =	srdreg.scid  }
0x8b: {  	s0 =	sand.u32 $0x1, s1  }
0x8c: {  	s17 =	sshll.u32 s0, $0xA;
	s2 =	sadd.s32 s3, s2  }
0x8d: {  	s2 =	sadd.s32 s2, s17  }
0x8e: {  	[smem:$0x3FB4] =	sst s2  }
0x8f: {  	_ = 	snop  }
0x90: {  	s2 =	sld [smem:$0x3FC8];
	(tm) =	ssettm $0x1  }
0x91: {  	s18 =	sld [smem:$0x3FFB];
	_ =	sdelay $0x3  }
0x92: {  	_ =	strace s18  }
0x93: {  	s3 =	sld [smem:$0x3FFC];
	_ =	sdelay $0x3  }
0x94: {  	_ =	strace s3  }
0x95: {  	s3 =	sld [smem:$0x3FFD];
	_ =	sdelay $0x3  }
0x96: {  	_ =	strace s3  }
0x97: {  	_ =	strace $0x8FFFFFFF  }
0x98: {  	s19 =	sld [smem:$0x3FDB];
	_ =	sdelay $0x1  }
0x99: {  	s4 =	simm.s32 $_scs_section_size  }
0x9a: {  	s5 =	simm.s32 $_size__tile_overlayer_lowered;
	s6 =	simm.s32 $_tile_overlayer_lowered  }
0x9b: {  	s22 =	simm.s32 $0x1BFF;
	s21 =	sshll.u32 s6, $0x1;
	s3 =	sadd.s32 s4, s19  }
0x9c: {  	s7 =	simm.s32 $0x0;
	s20 =	sshll.u32 s5, $0x1;
	s5 =	sadd.s32 s21, s3  }
0x9d: {  	[timem:s7], [sflag:s22] =	dma.local [hbm:s5], s20  }
0x9e: {  	_ =	swait.ge [sflag:s22], s20  }
0x9f: {  	s4 =	ssub.s32 $0x0, s20;
	[sflag:s22] =	ssyncset.done $0x0  }
0xa0: {  	[sflag:s22] =	ssyncadd.s32 s4;
	_ =	sdelay $0x1  }
0xa1: {  	s23 =	simm.s32 $0x1B8B  }
0xa2: {  	_ =	swait.ge [sflag:s23], $0x1  }
0xa3: {  	[sflag:s23] =	ssyncset.done $0x0  }
0xa4: {  	s25 =	simm.s32 $0x1B8E;
	s24 =	sld [smem:$0x3FFE];
	[sflag:s23] =	ssyncadd.s32 $0xFFFFFFFF  }
0xa5: {  	s26 =	simm.s32 $execute0_lowered;
	[smem:$0x3FD2] =	sst s25  }
0xa6: {  	s5 =	sshll.u32 s26, $0x1;
	_ =	strace $0x8000004C;
	[dreg:$0x1] =	wrdreg $0xFFFFFFFF  }
0xa7: {  	s28 =	simm.s32 $_size_execute0_lowered;
	s3 =	sadd.s32 s3, s5;
	[dreg:$0x0] =	wrdreg $0x0  }
0xa8: {  	s5 =	sshll.u32 s28, $0x1;
	[dreg:$0x2] =	wrdreg s3  }
0xa9: {  	[dreg:$0x3] =	wrdreg s5  }
0xaa: {  	[dreg:$0x4] =	wrdreg $0xC0  }
0xab: {  	_ =	task [dreg:s7], $0x5FFFF  }
0xac: {  	[dreg:$0x1] =	wrdreg $0xFFFFFFFF  }
0xad: {  	[dreg:$0x0] =	wrdreg $0x60  }
0xae: {  	[dreg:$0x2] =	wrdreg s24  }
0xaf: {  	[dreg:$0x3] =	wrdreg s2  }
0xb0: {  	[dreg:$0x4] =	wrdreg $0x84000  }
0xb1: {  	[dreg:$0x5] =	wrdreg $0x9  }
0xb2: {  	_ =	task.clear_ibuf [dreg:s7], $0x6FFFF;
	_ =	strace $0x9000004C  }
0xb3: {  	s29 =	simm.s32 $0x9;
	_ =	strace $0x8000004E  }
0xb4: {  	_ =	swait.ge [sflag:s29], $0x1  }
0xb5: {  	[sflag:s29] =	ssyncadd.s32 $0xFFFFFFFF  }
0xb6: {  	_ =	strace $0x9000004E  }
0xb7: {  	_ =	sfence  }
0xb8: {  	s30 =	sld [smem:$0x0];
	_ =	sdelay $0x2  }
0xb9: {  	s31 =	sshll.u32 s1, $0xD;
	s1 =	sshrl.u32 s1, $0x2  }
0xba: {  	s3 =	sand.u32 $0x4000, s31;
	s1 =	sadd.s32 s1, s30  }
0xbb: {  	s0 =	sor.u32 s3, s0;
	s1 =	sshll.u32 s1, $0x11  }
0xbc: {  	s0 =	sor.u32 s1, s0  }
0xbd: {  	s0 =	sadd.s32 $0x8F2B, s0  }
0xbe: {  	[sflag:s0] =	ssyncadd.remote.s32 $0x1  }
0xbf: {  	_ =	sfence.sel $0xFFFF  }
0xc0: {  	[dreg:$0x0] =	wrdreg $0xFFFFFFFF;
	(pc) =	sbr.abs _section_cstart, $3  }
0xc1: {  	[dreg:$0x1] =	wrdreg $0xFFFFFFFF  }
0xc2: {  	_ =	task.clear_ibuf [dreg:s7], $0x2FFFF;
	_ =	strace $0x9FFFFFFF  }
0xc3: {  	(tm) =	ssettm $0x7FFFFFFF  }
tec
execute0_lowered:
.L_overlay_start_1:
0x0: {  	(tag) =	ssettag $0x1  }
0x1: {  	s0 =	rddreg [dreg:$0x0]  }
0x2: {  	s2 =	rddreg [dreg:$0x1];
	s13 =	stileid.u32  }
0x3: {  	s1 =	srdreg.scid;
	s3 =	rddreg [dreg:$0x2]  }
0x4: {  	s4 =	simm.s32 $0x0;
	s28 =	simm.s32 $0x6;
	s29 =	simm.s32 $0x4400  }
0x5: {  	s30 =	simm.s32 $0x2;
	s31 =	simm.s32 $0x180;
	s5 =	smul.u32 $0x14000, s13  }
0x6: {  	s1 =	sand.u32 $0x1, s1;
	[smem:$0x7FF] =	sst s4;
	s9 =	sshll.u32 s13, $0x1  }
0x7: {  	s10 =	smul.u32 $0x50000, s13;
	s12 =	sshll.u32 s13, $0x6;
	p0 =	sgt.u32 s13, $0x1  }
0x8: {  	s13 =	simm.s32 $0x0;
	s6 =	smul.u32 $0x140000, s1;
	_ =	strace $0x8000004D  }
0x9: {  	s8 =	ssub.s32 $0x2, s1;
	s9 =	sor.u32 s1, s9;
	s1 =	sshll.u32 s1, $0x5  }
0xa: {  	s7 =	sshrl.u32 s5, $0x3;
	s14 =	sshrl.u32 s8, $0x1;
	s15 =	sshrl.u32 s10, $0x2  }
0xb: {  	s16 =	sshll.u32 s9, $0x5;
	s6 =	sadd.s32 s5, s6;
	s5 =	sadd.s32 $0x2C400, s0  }
0xc: {  	s7 =	sadd.s32 s7, s0;
	s11 =	ssub.s32 s8, s14;
	s17 =	sadd.s32 s2, s16  }
0xd: {  	s10 =	sadd.s32 s15, s3;
	s7 =	sadd.s32 $0x4400, s7;
	[dreg:$0x6] =	wrdreg s17  }
0xe: {  	s8 =	sor.u32 $0x1C09, s12;
	s18 =	sadd.s32 $0x400, s17;
	[dreg:$0x7] =	wrdreg s7  }
0xf: {  	s15 =	sadd.s32 $0x13860, s2;
	s19 =	sadd.s32 $0x800, s17;
	[dreg:$0x8] =	wrdreg s18  }
0x10: {  	s12 =	sadd.s32 s12, s2;
	s20 =	sadd.s32 $0xC00, s17;
	[dreg:$0x9] =	wrdreg s19  }
0x11: {  	s6 =	sshrl.u32 s6, $0x3;
	s21 =	sadd.s32 $0x1000, s17;
	[dreg:$0xa] =	wrdreg s20  }
0x12: {  	s22 =	sadd.s32 $0x1400, s17;
	s23 =	sadd.s32 $0x1800, s17;
	[dreg:$0xb] =	wrdreg s21  }
0x13: {  	s24 =	sadd.s32 $0x1C00, s17;
	s25 =	sadd.s32 s1, s12;
	[dreg:$0xc] =	wrdreg s22  }
0x14: {  	s26 =	smax.u32 s11, $0x1;
	s1 =	simm.s32 $0x3;
	[dreg:$0xd] =	wrdreg s23  }
0x15: {  	s11 =	simm.s32 $0x380;
	s12 =	simm.s32 $0x5;
	[dreg:$0x4] =	wrdreg s24  }
0x16: {  	s0 =	sadd.s32 s6, s0;
	[dreg:$0xf] =	wrdreg s26;
	s18 =	sor.u32 $0x140, s9  }
0x17: {  	[dreg:$0x5] =	wrdreg s25;
	s19 =	sshrl.u32 s10, $0x3;
	s20 =	simm.s32 $0x9  }
0x18: {  	s21 =	simm.s32 $0x100;
	s22 =	simm.s32 $0x200;
	s23 =	simm.s32 $0x80  }
0x19: {  	s24 =	simm.s32 $0x400;
	s25 =	simm.s32 $0x1;
	s26 =	simm.s32 $0x300  }
0x1a: {  	s7 =	simm.s32 $0x280;
	s9 =	simm.s32 $0x4;
	s0 =	sadd.s32 $0xCD400, s0  }
0x1b: {  	s10 =	simm.s32 $0x8;
	[dreg:$0xe] =	wrdreg s0;
	s0 =	simm.s32 $0x7  }
.LBB2_1:
0x1c: {  	s6 =	rddreg [dreg:$0x7]  }
0x1d: {  	[spmem:s19], [sflag:s8] =	dma.local [hbm:s6], $0x2800  }
0x1e: {  	_ =	swait.ge [sflag:s20], $0x2800  }
0x1f: {  	[sflag:s20] =	ssyncset.done $0x0  }
0x20: {  	s16 =	rddreg [dreg:$0x6];
	[sflag:s20] =	ssyncadd.s32 $0xFFFFD800  }
0x21: {  	[tilespmem:s4], [sflag:$0x9] =	stream.linear.gather [hbm4b:s16+s4], $0x100, $0x38;
	[tilespmem:$0x1C400] =	vst v63  }
0x22: {  	_ =	swait.ge [sflag:s20], $0x100  }
0x23: {  	[sflag:s20] =	ssyncset.done $0x0  }
0x24: {  	s17 =	rddreg [dreg:$0x8];
	[sflag:s20] =	ssyncadd.s32 $0xFFFFFF00  }
0x25: {  	[tilespmem:s21], [sflag:$0x6] =	stream.linear.gather [hbm4b:s17+s4], $0x100, $0x38;
	[tilespmem:$0x1C400] =	vst v63  }
0x26: {  	s14 =	rddreg [dreg:$0x9]  }
0x27: {  	[tilespmem:s22], [sflag:$0x7] =	stream.linear.gather [hbm4b:s14+s4], $0x100, $0x38;
	[tilespmem:$0x1C400] =	vst v63  }
0x28: {  	_ = 	snop  }
0x29: {  	[tilespmem:s24], [sflag:$0x1] =	stream.indirect.gather [hbm4b:s5+s23], $0x80, s4, s23, $0xb8;
	[tilespmem:$0x1C400] =	vst v63  }
0x2a: {  	[bflag:$0x0] =	sbarrier.arrive $0xFFFF  }
0x2b: {  	_ =	swait.ge [sflag:s25], $0x4000  }
0x2c: {  	[sflag:s25] =	ssyncset.done $0x0  }
0x2d: {  	[sflag:s25] =	ssyncadd.s32 $0xFFFFC000  }
0x2e: {  	[spmem:s3] =	stream.indirect.scatter.add.f32 [tilespmem:s24], [sflag:$0x3], $0x80, s23, s23, $0xb8;
	[tilespmem:$0x1C400] =	vst v63  }
0x2f: {  	s16 =	rddreg [dreg:$0xa]  }
0x30: {  	[tilespmem:s26], [sflag:$0x8] =	stream.linear.gather [hbm4b:s16+s4], $0x100, $0x38;
	[tilespmem:$0x1C400] =	vst v63  }
0x31: {  	_ =	swait.ge [sflag:s28], $0x100  }
0x32: {  	[sflag:s28] =	ssyncset.done $0x0  }
0x33: {  	[sflag:s28] =	ssyncadd.s32 $0xFFFFFF00  }
0x34: {  	[tilespmem:s29], [sflag:$0x2] =	stream.indirect.gather [hbm4b:s5+s23], $0x80, s21, s23, $0xb8;
	[tilespmem:$0x1C400] =	vst v63  }
0x35: {  	_ =	swait.ge [sflag:s30], $0x4000  }
0x36: {  	[sflag:s30] =	ssyncset.done $0x0  }
0x37: {  	[sflag:s30] =	ssyncadd.s32 $0xFFFFC000  }
0x38: {  	[spmem:s3] =	stream.indirect.scatter.add.f32 [tilespmem:s29], [sflag:$0x4], $0x80, s31, s23, $0xb8;
	[tilespmem:$0x1C400] =	vst v63  }
0x39: {  	_ =	swait.ge [sflag:s1], $0x4000  }
0x3a: {  	[sflag:s1] =	ssyncset.done $0x0  }
0x3b: {  	s17 =	rddreg [dreg:$0xb];
	[sflag:s1] =	ssyncadd.s32 $0xFFFFC000  }
0x3c: {  	[tilespmem:s4], [sflag:$0x5] =	stream.linear.gather [hbm4b:s17+s4], $0x100, $0x38;
	[tilespmem:$0x1C400] =	vst v63  }
0x3d: {  	_ =	swait.ge [sflag:s0], $0x100  }
0x3e: {  	[sflag:s0] =	ssyncset.done $0x0  }
0x3f: {  	[sflag:s0] =	ssyncadd.s32 $0xFFFFFF00  }
0x40: {  	[tilespmem:s24], [sflag:$0x1] =	stream.indirect.gather [hbm4b:s5+s23], $0x80, s22, s23, $0xb8;
	[tilespmem:$0x1C400] =	vst v63  }
0x41: {  	_ =	swait.ge [sflag:s25], $0x4000  }
0x42: {  	[sflag:s25] =	ssyncset.done $0x0  }
0x43: {  	[sflag:s25] =	ssyncadd.s32 $0xFFFFC000  }
0x44: {  	[spmem:s3] =	stream.indirect.scatter.add.f32 [tilespmem:s24], [sflag:$0x3], $0x80, s7, s23, $0xb8;
	[tilespmem:$0x1C400] =	vst v63  }
0x45: {  	_ =	swait.ge [sflag:s9], $0x4000  }
0x46: {  	[sflag:s9] =	ssyncset.done $0x0  }
0x47: {  	s14 =	rddreg [dreg:$0xc];
	[sflag:s9] =	ssyncadd.s32 $0xFFFFC000  }
0x48: {  	[tilespmem:s21], [sflag:$0x6] =	stream.linear.gather [hbm4b:s14+s4], $0x100, $0x38;
	[tilespmem:$0x1C400] =	vst v63  }
0x49: {  	_ =	swait.ge [sflag:s10], $0x100  }
0x4a: {  	[sflag:s10] =	ssyncset.done $0x0  }
0x4b: {  	[sflag:s10] =	ssyncadd.s32 $0xFFFFFF00  }
0x4c: {  	[tilespmem:s29], [sflag:$0x2] =	stream.indirect.gather [hbm4b:s5+s23], $0x80, s26, s23, $0xb8;
	[tilespmem:$0x1C400] =	vst v63  }
0x4d: {  	_ =	swait.ge [sflag:s30], $0x4000  }
0x4e: {  	[sflag:s30] =	ssyncset.done $0x0  }
0x4f: {  	[sflag:s30] =	ssyncadd.s32 $0xFFFFC000  }
0x50: {  	[spmem:s3] =	stream.indirect.scatter.add.f32 [tilespmem:s29], [sflag:$0x4], $0x80, s11, s23, $0xb8;
	[tilespmem:$0x1C400] =	vst v63  }
0x51: {  	_ =	swait.ge [sflag:s1], $0x4000  }
0x52: {  	[sflag:s1] =	ssyncset.done $0x0  }
0x53: {  	s16 =	rddreg [dreg:$0xd];
	[sflag:s1] =	ssyncadd.s32 $0xFFFFC000  }
0x54: {  	[tilespmem:s22], [sflag:$0x7] =	stream.linear.gather [hbm4b:s16+s4], $0x100, $0x38;
	[tilespmem:$0x1C400] =	vst v63  }
0x55: {  	_ =	swait.ge [sflag:s12], $0x100  }
0x56: {  	[sflag:s12] =	ssyncset.done $0x0  }
0x57: {  	[sflag:s12] =	ssyncadd.s32 $0xFFFFFF00  }
0x58: {  	[tilespmem:s24], [sflag:$0x1] =	stream.indirect.gather [hbm4b:s5+s23], $0x80, s4, s23, $0xb8;
	[tilespmem:$0x1C400] =	vst v63  }
0x59: {  	_ =	swait.ge [sflag:s25], $0x4000  }
0x5a: {  	[sflag:s25] =	ssyncset.done $0x0  }
0x5b: {  	[sflag:s25] =	ssyncadd.s32 $0xFFFFC000  }
0x5c: {  	[spmem:s3] =	stream.indirect.scatter.add.f32 [tilespmem:s24], [sflag:$0x3], $0x80, s23, s23, $0xb8;
	[tilespmem:$0x1C400] =	vst v63  }
0x5d: {  	_ =	swait.ge [sflag:s9], $0x4000  }
0x5e: {  	s14 =	rddreg [dreg:$0x4];
	[sflag:s9] =	ssyncset.done $0x0  }
0x5f: {  	[sflag:s9] =	ssyncadd.s32 $0xFFFFC000;
	s14 =	sadd.s32 $0x0, s14  }
0x60: {  	[tilespmem:s26], [sflag:$0x8] =	stream.linear.gather [hbm4b:s14+s4], $0x100, $0x38;
	[tilespmem:$0x1C400] =	vst v63  }
0x61: {  	_ =	swait.ge [sflag:s28], $0x100  }
0x62: {  	[sflag:s28] =	ssyncset.done $0x0  }
0x63: {  	[sflag:s28] =	ssyncadd.s32 $0xFFFFFF00  }
0x64: {  	[tilespmem:s29], [sflag:$0x2] =	stream.indirect.gather [hbm4b:s5+s23], $0x80, s21, s23, $0xb8;
	[tilespmem:$0x1C400] =	vst v63  }
0x65: {  	_ =	swait.ge [sflag:s30], $0x4000  }
0x66: {  	[sflag:s30] =	ssyncset.done $0x0  }
0x67: {  	[sflag:s30] =	ssyncadd.s32 $0xFFFFC000  }
0x68: {  	[spmem:s3] =	stream.indirect.scatter.add.f32 [tilespmem:s29], [sflag:$0x4], $0x80, s31, s23, $0xb8;
	[tilespmem:$0x1C400] =	vst v63  }
0x69: {  	_ =	swait.ge [sflag:s1], $0x4000  }
0x6a: {  	s17 =	rddreg [dreg:$0x5]  }
0x6b: {  	[sflag:s1] =	ssyncset.done $0x0;
	s14 =	sadd.s32 $0x0, s17  }
0x6c: {  	[sflag:s1] =	ssyncadd.s32 $0xFFFFC000;
	s16 =	sadd.s32 $0x2000, s14  }
0x6d: {  	[tilespmem:s4], [sflag:$0x5] =	stream.linear.gather [hbm4b:s16+s4], $0x100, $0x38;
	[tilespmem:$0x1C400] =	vst v63  }
0x6e: {  	_ =	swait.ge [sflag:s0], $0x100  }
0x6f: {  	[sflag:s0] =	ssyncset.done $0x0  }
0x70: {  	[sflag:s0] =	ssyncadd.s32 $0xFFFFFF00  }
0x71: {  	[tilespmem:s24], [sflag:$0x1] =	stream.indirect.gather [hbm4b:s5+s23], $0x80, s22, s23, $0xb8;
	[tilespmem:$0x1C400] =	vst v63  }
0x72: {  	_ =	swait.ge [sflag:s25], $0x4000  }
0x73: {  	[sflag:s25] =	ssyncset.done $0x0  }
0x74: {  	[sflag:s25] =	ssyncadd.s32 $0xFFFFC000  }
0x75: {  	[spmem:s3] =	stream.indirect.scatter.add.f32 [tilespmem:s24], [sflag:$0x3], $0x80, s7, s23, $0xb8;
	[tilespmem:$0x1C400] =	vst v63  }
0x76: {  	_ =	swait.ge [sflag:s9], $0x4000  }
0x77: {  	[sflag:s9] =	ssyncset.done $0x0  }
0x78: {  	s14 =	sadd.s32 $0x2400, s14;
	[sflag:s9] =	ssyncadd.s32 $0xFFFFC000  }
0x79: {  	[tilespmem:s21], [sflag:$0x6] =	stream.linear.gather [hbm4b:s14+s4], $0x100, $0x38;
	[tilespmem:$0x1C400] =	vst v63  }
0x7a: {  	_ =	swait.ge [sflag:s10], $0x100  }
0x7b: {  	[sflag:s10] =	ssyncset.done $0x0  }
0x7c: {  	[sflag:s10] =	ssyncadd.s32 $0xFFFFFF00  }
0x7d: {  	[tilespmem:s29], [sflag:$0x2] =	stream.indirect.gather [hbm4b:s5+s23], $0x80, s26, s23, $0xb8;
	[tilespmem:$0x1C400] =	vst v63  }
0x7e: {  	_ =	swait.ge [sflag:s30], $0x4000  }
0x7f: {  	[sflag:s30] =	ssyncset.done $0x0  }
0x80: {  	p1 =	slt.s32 s18, $0x9C3;
	s14 =	smov.u32 s18;
	[sflag:s30] =	ssyncadd.s32 $0xFFFFC000  }
0x81: {  	[spmem:s3] =	stream.indirect.scatter.add.f32 [tilespmem:s29], [sflag:$0x4], $0x80, s11, s23, $0xb8;
	[tilespmem:$0x1C400] =	vst v63  }
0x82: {  	s14 =	simm.s32 @!p1 $0x9C3;
	_ =	swait.ge [sflag:s1], $0x4000  }
0x83: {  	s14 =	sshll.u32 s14, $0x5;
	[sflag:s1] =	ssyncset.done $0x0  }
0x84: {  	s14 =	sadd.s32 s2, s14;
	[sflag:s1] =	ssyncadd.s32 $0xFFFFC000  }
0x85: {  	[tilespmem:s22], [sflag:$0x7] =	stream.linear.gather [hbm4b:s14+s4], $0x100, $0x38;
	[tilespmem:$0x1C400] =	vst v63  }
0x86: {  	_ =	swait.ge [sflag:s12], $0x100  }
0x87: {  	[sflag:s12] =	ssyncset.done $0x0  }
0x88: {  	s16 =	sadd.s32 $0x80, s18;
	s14 =	simm.s32 $0x1000;
	[sflag:s12] =	ssyncadd.s32 $0xFFFFFF00  }
.LBB2_2:
0x89: {  	[tilespmem:s24], [sflag:$0x1] =	stream.indirect.gather [hbm4b:s5+s23], $0x80, s4, s23, $0xb8;
	[tilespmem:$0x1C400] =	vst v63  }
0x8a: {  	_ =	swait.ge [sflag:s25], $0x4000  }
0x8b: {  	[sflag:s25] =	ssyncset.done $0x0  }
0x8c: {  	[sflag:s25] =	ssyncadd.s32 $0xFFFFC000  }
0x8d: {  	[spmem:s3] =	stream.indirect.scatter.add.f32 [tilespmem:s24], [sflag:$0x3], $0x80, s23, s23, $0xb8;
	[tilespmem:$0x1C400] =	vst v63  }
0x8e: {  	_ =	swait.ge [sflag:s9], $0x4000  }
0x8f: {  	s17 =	smov.u32 s14;
	s6 =	rddreg [dreg:$0x4];
	[sflag:s9] =	ssyncset.done $0x0  }
0x90: {  	[sflag:s9] =	ssyncadd.s32 $0xFFFFC000;
	s6 =	sadd.s32 s17, s6  }
0x91: {  	[tilespmem:s26], [sflag:$0x8] =	stream.linear.gather [hbm4b:s6+s4], $0x100, $0x38;
	[tilespmem:$0x1C400] =	vst v63  }
0x92: {  	_ =	swait.ge [sflag:s28], $0x100  }
0x93: {  	[sflag:s28] =	ssyncset.done $0x0  }
0x94: {  	[sflag:s28] =	ssyncadd.s32 $0xFFFFFF00  }
0x95: {  	[tilespmem:s29], [sflag:$0x2] =	stream.indirect.gather [hbm4b:s5+s23], $0x80, s21, s23, $0xb8;
	[tilespmem:$0x1C400] =	vst v63  }
0x96: {  	_ =	swait.ge [sflag:s30], $0x4000  }
0x97: {  	[sflag:s30] =	ssyncset.done $0x0  }
0x98: {  	[sflag:s30] =	ssyncadd.s32 $0xFFFFC000  }
0x99: {  	[spmem:s3] =	stream.indirect.scatter.add.f32 [tilespmem:s29], [sflag:$0x4], $0x80, s31, s23, $0xb8;
	[tilespmem:$0x1C400] =	vst v63  }
0x9a: {  	_ =	swait.ge [sflag:s1], $0x4000  }
0x9b: {  	s6 =	rddreg [dreg:$0x5]  }
0x9c: {  	[sflag:s1] =	ssyncset.done $0x0;
	s6 =	sadd.s32 s17, s6  }
0x9d: {  	[sflag:s1] =	ssyncadd.s32 $0xFFFFC000;
	s17 =	sadd.s32 $0x2000, s6  }
0x9e: {  	[tilespmem:s4], [sflag:$0x5] =	stream.linear.gather [hbm4b:s17+s4], $0x100, $0x38;
	[tilespmem:$0x1C400] =	vst v63  }
0x9f: {  	_ =	swait.ge [sflag:s0], $0x100  }
0xa0: {  	[sflag:s0] =	ssyncset.done $0x0  }
0xa1: {  	[sflag:s0] =	ssyncadd.s32 $0xFFFFFF00  }
0xa2: {  	[tilespmem:s24], [sflag:$0x1] =	stream.indirect.gather [hbm4b:s5+s23], $0x80, s22, s23, $0xb8;
	[tilespmem:$0x1C400] =	vst v63  }
0xa3: {  	_ =	swait.ge [sflag:s25], $0x4000  }
0xa4: {  	[sflag:s25] =	ssyncset.done $0x0  }
0xa5: {  	[sflag:s25] =	ssyncadd.s32 $0xFFFFC000  }
0xa6: {  	[spmem:s3] =	stream.indirect.scatter.add.f32 [tilespmem:s24], [sflag:$0x3], $0x80, s7, s23, $0xb8;
	[tilespmem:$0x1C400] =	vst v63  }
0xa7: {  	_ =	swait.ge [sflag:s9], $0x4000  }
0xa8: {  	[sflag:s9] =	ssyncset.done $0x0  }
0xa9: {  	s6 =	sadd.s32 $0x2400, s6;
	[sflag:s9] =	ssyncadd.s32 $0xFFFFC000  }
0xaa: {  	[tilespmem:s21], [sflag:$0x6] =	stream.linear.gather [hbm4b:s6+s4], $0x100, $0x38;
	[tilespmem:$0x1C400] =	vst v63  }
0xab: {  	_ =	swait.ge [sflag:s10], $0x100  }
0xac: {  	[sflag:s10] =	ssyncset.done $0x0  }
0xad: {  	[sflag:s10] =	ssyncadd.s32 $0xFFFFFF00  }
0xae: {  	[tilespmem:s29], [sflag:$0x2] =	stream.indirect.gather [hbm4b:s5+s23], $0x80, s26, s23, $0xb8;
	[tilespmem:$0x1C400] =	vst v63  }
0xaf: {  	_ =	swait.ge [sflag:s30], $0x4000  }
0xb0: {  	[sflag:s30] =	ssyncset.done $0x0  }
0xb1: {  	p2 =	slt.s32 s16, $0x9C3;
	s6 =	smov.u32 s16;
	[sflag:s30] =	ssyncadd.s32 $0xFFFFC000  }
0xb2: {  	[spmem:s3] =	stream.indirect.scatter.add.f32 [tilespmem:s29], [sflag:$0x4], $0x80, s11, s23, $0xb8;
	[tilespmem:$0x1C400] =	vst v63  }
0xb3: {  	s6 =	simm.s32 @!p2 $0x9C3;
	_ =	swait.ge [sflag:s1], $0x4000  }
0xb4: {  	p1 =	sne.s32 s14, $0x11000;
	s6 =	sshll.u32 s6, $0x5;
	[sflag:s1] =	ssyncset.done $0x0  }
.Ltmp0:
0xb5: {  	s6 =	sadd.s32 s2, s6;
	[sflag:s1] =	ssyncadd.s32 $0xFFFFC000;
	(pc) =	sbr.rel @p1 .LBB2_2-.Ltmp0, $4  }
0xb6: {  	[tilespmem:s22], [sflag:$0x7] =	stream.linear.gather [hbm4b:s6+s4], $0x100, $0x38;
	[tilespmem:$0x1C400] =	vst v63  }
0xb7: {  	_ =	swait.ge [sflag:s12], $0x100  }
0xb8: {  	[sflag:s12] =	ssyncset.done $0x0  }
0xb9: {  	s14 =	sadd.s32 $0x1000, s14;
	s16 =	sadd.s32 $0x80, s16;
	[sflag:s12] =	ssyncadd.s32 $0xFFFFFF00  }
0xba: {  	[tilespmem:s24], [sflag:$0x1] =	stream.indirect.gather [hbm4b:s5+s23], $0x80, s4, s23, $0xb8;
	[tilespmem:$0x1C400] =	vst v63  }
0xbb: {  	_ =	swait.ge [sflag:s25], $0x4000  }
0xbc: {  	[sflag:s25] =	ssyncset.done $0x0  }
0xbd: {  	[sflag:s25] =	ssyncadd.s32 $0xFFFFC000  }
0xbe: {  	[spmem:s3] =	stream.indirect.scatter.add.f32 [tilespmem:s24], [sflag:$0x3], $0x80, s23, s23, $0xb8;
	[tilespmem:$0x1C400] =	vst v63  }
0xbf: {  	_ =	swait.ge [sflag:s9], $0x4000  }
0xc0: {  	[sflag:s9] =	ssyncset.done $0x0  }
0xc1: {  	[sflag:s9] =	ssyncadd.s32 $0xFFFFC000  }
0xc2: {  	[tilespmem:s26], [sflag:$0x8] =	stream.linear.gather [hbm4b:s15+s4], $0x100, $0x38;
	[tilespmem:$0x1C400] =	vst v63  }
0xc3: {  	_ =	swait.ge [sflag:s28], $0x100  }
0xc4: {  	[sflag:s28] =	ssyncset.done $0x0  }
0xc5: {  	[sflag:s28] =	ssyncadd.s32 $0xFFFFFF00  }
0xc6: {  	[tilespmem:s29], [sflag:$0x2] =	stream.indirect.gather [hbm4b:s5+s23], $0x80, s21, s23, $0xb8;
	[tilespmem:$0x1C400] =	vst v63  }
0xc7: {  	_ =	swait.ge [sflag:s30], $0x4000  }
0xc8: {  	[sflag:s30] =	ssyncset.done $0x0  }
0xc9: {  	[sflag:s30] =	ssyncadd.s32 $0xFFFFC000  }
0xca: {  	[spmem:s3] =	stream.indirect.scatter.add.f32 [tilespmem:s29], [sflag:$0x4], $0x80, s31, s23, $0xb8;
	[tilespmem:$0x1C400] =	vst v63  }
0xcb: {  	_ =	swait.ge [sflag:s1], $0x4000  }
0xcc: {  	[sflag:s1] =	ssyncset.done $0x0  }
0xcd: {  	[sflag:s1] =	ssyncadd.s32 $0xFFFFC000  }
0xce: {  	[tilespmem:s4], [sflag:$0x5] =	stream.linear.gather [hbm4b:s15+s4], $0x100, $0x38;
	[tilespmem:$0x1C400] =	vst v63  }
0xcf: {  	_ =	swait.ge [sflag:s0], $0x100  }
0xd0: {  	[sflag:s0] =	ssyncset.done $0x0  }
0xd1: {  	[sflag:s0] =	ssyncadd.s32 $0xFFFFFF00  }
0xd2: {  	[tilespmem:s24], [sflag:$0x1] =	stream.indirect.gather [hbm4b:s5+s23], $0x80, s22, s23, $0xb8;
	[tilespmem:$0x1C400] =	vst v63  }
0xd3: {  	_ =	swait.ge [sflag:s25], $0x4000  }
0xd4: {  	s6 =	simm.s32 @!p0 $0x80;
	[sflag:s25] =	ssyncset.done $0x0  }
0xd5: {  	s14 =	simm.s32 @!p0 $0x280;
	s16 =	simm.s32 @!p0 $0x400;
	[sflag:s25] =	ssyncadd.s32 $0xFFFFC000  }
0xd6: {  	[spmem:s3] =	stream.indirect.scatter.add.f32 @!p0 [tilespmem:s16], [sflag:$0x3], $0x80, s14, s6, $0xb8;
	[tilespmem:$0x1C400] =	vst v63  }
0xd7: {  	s6 =	simm.s32 @!p0 $0x4  }
0xd8: {  	_ =	swait.ge @!p0 [sflag:s6], $0x4000  }
0xd9: {  	s14 =	simm.s32 @!p0 $0x3;
	[sflag:s6] =	ssyncset.done @!p0 $0x0  }
0xda: {  	s14 =	simm.s32 @p0 $0x4;
	[sflag:s6] =	ssyncadd.s32 @!p0 $0xFFFFC000  }
0xdb: {  	_ =	swait.ge [sflag:s14], $0x4000  }
0xdc: {  	[sflag:s14] =	ssyncset.done $0x0  }
0xdd: {  	[sflag:s14] =	ssyncadd.s32 $0xFFFFC000  }
0xde: {  	_ =	swait.ge [sflag:s10], $0x100  }
0xdf: {  	[sflag:s10] =	ssyncset.done $0x0  }
0xe0: {  	[sflag:s10] =	ssyncadd.s32 $0xFFFFFF00  }
0xe1: {  	_ =	swait.ge [sflag:s12], $0x100  }
0xe2: {  	[sflag:s12] =	ssyncset.done $0x0  }
0xe3: {  	[sflag:s12] =	ssyncadd.s32 $0xFFFFFF00  }
0xe4: {  	[bflag:$0x0] =	sbarrier.arrive $0xFFFF  }
0xe5: {  	s16 =	rddreg [dreg:$0xe]  }
0xe6: {  	[hbm:s16], [sflag:s8] =	dma.local [spmem:s19], $0x2800  }
0xe7: {  	_ =	swait.ge [sflag:s20], $0x2800  }
0xe8: {  	s13 =	sadd.s32 $0x1, s13;
	s17 =	rddreg [dreg:$0xf]  }
0xe9: {  	p1 =	sne.s32 s13, s17  }
.Ltmp1:
0xea: {  	_ = 	snop;
	(pc) =	sbr.rel @p1 .LBB2_1-.Ltmp1, $3  }
0xeb: {  	_ =	sdelay $0x1  }
0xec: {  	[sflag:s20] =	ssyncset.done $0x0  }
0xed: {  	[sflag:s20] =	ssyncadd.s32 $0xFFFFD800  }
0xee: {  	_ =	sfence.sel $0x180000  }
0xef: {  	[bflag:$0x0] =	sbarrier.arrive $0xFFFF  }
0xf0: {  	_ =	strace $0x9000004D  }
0xf1: {  	s0 =	stileid.u32;
	[bflag:$0x2] =	sbarrier.arrive $0xFFFF  }
0xf2: {  	p0 =	sne.s32 s0, $0x0;
	s0 =	rddreg [dreg:$0x3]  }
0xf3: {  	s0 =	sadd.s32 @!p0 $0x100000, s0  }
0xf4: {  	[sflag:s0] =	ssyncadd.tile.s32 @!p0 $0x1;
	_ =	shalt  }
.Lfunc_end2:
_tile_overlayer_lowered:
.L_overlay_start_2:
0xf5: {  	(tag) =	ssettag $0x2  }
0xf6: {  	s0 =	rddreg [dreg:$0x0];
	s2 =	stileid.u32  }
0xf7: {  	s1 =	rddreg [dreg:$0x1];
	p0 =	sne.s32 s2, $0x0  }
0xf8: {  	s3 =	rddreg [dreg:$0x2];
	[bflag:$0x3] =	sbarrier.arrive $0xFFFF;
	s2 =	simm.s32 @!p0 $0x1C09  }
0xf9: {  	[timem:s3], [sflag:s2] =	dma.local @!p0 [hbm:s0], s1  }
0xfa: {  	s0 =	simm.s32 @!p0 $0x9  }
0xfb: {  	_ =	swait.ge @!p0 [sflag:s0], s1  }
0xfc: {  	s1 =	ssub.s32 @!p0 $0x0, s1;
	[sflag:s0] =	ssyncset.done @!p0 $0x0  }
0xfd: {  	[sflag:s0] =	ssyncadd.s32 @!p0 s1  }
0xfe: {  	[bflag:$0x3] =	sbarrier.arrive $0xFFFF  }
0xff: {  	_ =	shalt  }

// kernel: kernel.8.cloned.1.call-start
scs
__scs_entry_jumppad:
0x0: {  	(pc) =	sbr.rel $0x88, $3  }
0x1: {  	(tag) =	ssettag $0x0;
	lr =	simm.s32 $0x1  }
0x2: {  	[smem:$0x3F8D] =	sst lr;
	_ =	strace $0xD0000000  }
0x3: {  	_ = 	snop  }
0x4: {  	_ = 	snop  }
0x5: {  	_ = 	snop  }
0x6: {  	_ = 	snop  }
0x7: {  	_ = 	snop  }
__scs_overlays_trampoline_lowered:
0x8: {  	[smem:$0x3F9C] =	sst s0  }
0x9: {  	[smem:$0x3F9D] =	sst s1  }
0xa: {  	[smem:$0x3F9E] =	sst s2  }
0xb: {  	[smem:$0x3F9F] =	sst s3  }
0xc: {  	[smem:$0x3FA0] =	sst s4  }
0xd: {  	[smem:$0x3FA1] =	sst s5  }
0xe: {  	[smem:$0x3FA2] =	sst s6  }
0xf: {  	[smem:$0x3FA3] =	sst s7  }
0x10: {  	[smem:$0x3FA4] =	sst s8  }
0x11: {  	[smem:$0x3FA5] =	sst s9;
	s0 =	simm.s32 @!p0 $0x0  }
0x12: {  	s1 =	sld [smem:$0x3F8B];
	s0 =	simm.s32 @p0 $0x1  }
0x13: {  	[smem:$0x3FA6] =	sst s0;
	s0 =	simm.s32 @!p1 $0x0  }
0x14: {  	s2 =	sld [smem:$0x3F8A];
	s0 =	simm.s32 @p1 $0x1  }
0x15: {  	[smem:$0x3FA7] =	sst s0;
	s0 =	simm.s32 @!p2 $0x0  }
0x16: {  	s3 =	sld [smem:$0x3FDB];
	s0 =	simm.s32 @p2 $0x1  }
0x17: {  	s4 =	simm.s32 $0x1BF5;
	[smem:$0x3FA9] =	sst s0  }
0x18: {  	s0 =	sld [smem:$0x3F8C];
	_ =	swait.ge [sflag:s4], $0x0  }
0x19: {  	s7 =	sld [smem:$0x3F8D]  }
0x1a: {  	s8 =	sadd.s32 $0xFFFFE003, lr  }
0x1b: {  	s9 =	sadd.s32 $0xFFFFFEF7, lr;
	s5 =	simm.s32 $0xFFFFFFFF;
	p2 =	slt.u32 s8, $0xFFFFF086  }
0x1c: {  	p1 =	slt.u32 s9, $0xF7A;
	s5 =	simm.s32 @!p2 $0x0  }
0x1d: {  	s5 =	simm.s32 @p1 $0x1;
	p0 =	seq.s32 s7, s2  }
0x1e: {  	s7 =	smul.u32 @!p0 $0xF7A, s2;
	p2 =	seq.s32 @!p0 s5, $0x0  }
0x1f: {  	s9 =	smul.u32 $0xF7A, s1;
	s8 =	simm.s32 @!p0 $0x1BF5;
	p2 =	por !p2, p0  }
0x20: {  	[sflag:s8] =	ssyncset.s32 @!p0 $0xFFFFF086;
	s6 =	sadd.s32 @!p0 s3, s7;
	s7 =	simm.s32 @!p0 $0x108  }
0x21: {  	s3 =	sadd.s32 s3, s9;
	s6 =	sadd.s32 @!p0 $0x88, s6;
	s7 =	simm.s32 @p2 $0x1082  }
0x22: {  	[simem:s7], [sflag:s8] =	dma.local @!p0 [hbm:s6], $0xF7A  }
0x23: {  	s9 =	sor.u32 $0xD0000000, s2;
	s6 =	simm.s32 $0x108;
	_ =	swait.ge @!p0 [sflag:s8], $0x0  }
0x24: {  	s3 =	sadd.s32 $0x88, s3;
	s6 =	simm.s32 @!p1 $0x1082;
	[sflag:s4] =	ssyncset.s32 $0xFFFFF086  }
0x25: {  	[simem:s6], [sflag:s4] =	dma.local [hbm:s3], $0xF7A  }
0x26: {  	[smem:$0x3F8D] =	sst s1;
	(tag) =	ssettag s2;
	_ =	strace s9  }
0x27: {  	s1 =	sld [smem:$0x3F9D]  }
0x28: {  	s2 =	sld [smem:$0x3F9E]  }
0x29: {  	s4 =	sld [smem:$0x3FA0]  }
0x2a: {  	p0 =	seq.s32 s5, $0x0;
	s5 =	sld [smem:$0x3FA1]  }
0x2b: {  	s6 =	sld [smem:$0x3FA2]  }
0x2c: {  	s7 =	sld [smem:$0x3FA3]  }
0x2d: {  	s3 =	simm.s32 $0x108;
	s8 =	sld [smem:$0x3FA4]  }
0x2e: {  	s3 =	simm.s32 @!p0 $0x1082;
	s9 =	sld [smem:$0x3FA5]  }
0x2f: {  	lr =	sadd.s32 s0, s3;
	s0 =	sld [smem:$0x3F9C]  }
0x30: {  	s3 =	sld [smem:$0x3F9F]  }
0x31: {  	[smem:$0x3FA8] =	sst s10  }
0x32: {  	s10 =	sld [smem:$0x3FA6];
	_ =	sdelay $0x3  }
0x33: {  	p0 =	seq.s32 s10, $0x1;
	s10 =	sld [smem:$0x3FA8];
	_ =	sdelay $0x3  }
0x34: {  	[smem:$0x3FA8] =	sst s10  }
0x35: {  	s10 =	sld [smem:$0x3FA7];
	_ =	sdelay $0x3  }
0x36: {  	p1 =	seq.s32 s10, $0x1;
	s10 =	sld [smem:$0x3FA8];
	_ =	sdelay $0x3  }
0x37: {  	[smem:$0x3FA8] =	sst s10  }
0x38: {  	s10 =	sld [smem:$0x3FA9]  }
0x39: {  	_ = 	snop;
	(pc) =	sbr.ind lr, $3  }
0x3a: {  	_ = 	snop  }
0x3b: {  	_ = 	snop  }
0x3c: {  	p2 =	seq.s32 s10, $0x1;
	s10 =	sld [smem:$0x3FA8]  }
0x3d: {  	_ =	shalt  }
0x3e: {  	_ =	shalt  }
0x3f: {  	_ =	shalt  }
0x40: {  	_ =	shalt  }
0x41: {  	_ =	shalt  }
0x42: {  	_ =	shalt  }
0x43: {  	_ =	shalt  }
0x44: {  	_ =	shalt  }
0x45: {  	_ =	shalt  }
0x46: {  	_ =	shalt  }
0x47: {  	_ =	shalt  }
0x48: {  	_ =	shalt  }
0x49: {  	_ =	shalt  }
0x4a: {  	_ =	shalt  }
0x4b: {  	_ =	shalt  }
0x4c: {  	_ =	shalt  }
0x4d: {  	_ =	shalt  }
0x4e: {  	_ =	shalt  }
0x4f: {  	_ =	shalt  }
0x50: {  	_ =	shalt  }
0x51: {  	_ =	shalt  }
0x52: {  	_ =	shalt  }
0x53: {  	_ =	shalt  }
0x54: {  	_ =	shalt  }
0x55: {  	_ =	shalt  }
0x56: {  	_ =	shalt  }
0x57: {  	_ =	shalt  }
0x58: {  	_ =	shalt  }
0x59: {  	_ =	shalt  }
0x5a: {  	_ =	shalt  }
0x5b: {  	_ =	shalt  }
0x5c: {  	_ =	shalt  }
0x5d: {  	_ =	shalt  }
0x5e: {  	_ =	shalt  }
0x5f: {  	_ =	shalt  }
0x60: {  	_ =	shalt  }
0x61: {  	_ =	shalt  }
0x62: {  	_ =	shalt  }
0x63: {  	_ =	shalt  }
0x64: {  	_ =	shalt  }
0x65: {  	_ =	shalt  }
0x66: {  	_ =	shalt  }
0x67: {  	_ =	shalt  }
0x68: {  	_ =	shalt  }
0x69: {  	_ =	shalt  }
0x6a: {  	_ =	shalt  }
0x6b: {  	_ =	shalt  }
0x6c: {  	_ =	shalt  }
0x6d: {  	_ =	shalt  }
0x6e: {  	_ =	shalt  }
0x6f: {  	_ =	shalt  }
0x70: {  	_ =	shalt  }
0x71: {  	_ =	shalt  }
0x72: {  	_ =	shalt  }
0x73: {  	_ =	shalt  }
0x74: {  	_ =	shalt  }
0x75: {  	_ =	shalt  }
0x76: {  	_ =	shalt  }
0x77: {  	_ =	shalt  }
0x78: {  	_ =	shalt  }
0x79: {  	_ =	shalt  }
0x7a: {  	_ =	shalt  }
0x7b: {  	_ =	shalt  }
0x7c: {  	_ =	shalt  }
0x7d: {  	_ =	shalt  }
0x7e: {  	_ =	shalt  }
0x7f: {  	_ =	shalt  }
0x80: {  	_ =	shalt  }
0x81: {  	_ =	shalt  }
0x82: {  	_ =	shalt  }
0x83: {  	_ =	shalt  }
0x84: {  	_ =	shalt  }
0x85: {  	_ =	shalt  }
0x86: {  	_ =	shalt  }
0x87: {  	_ =	shalt  }
.Lfunc_end0:
.L_simem_size_0:
called_computation_lowered:
.L_overlay_start_0:
0x88: {  	s2 =	sld [smem:$0x3FD9]  }
0x89: {  	s3 =	sld [smem:$0x3FFE];
	_ =	sdelay $0x1  }
0x8a: {  	s1 =	srdreg.scid  }
0x8b: {  	s0 =	sand.u32 $0x1, s1  }
0x8c: {  	s17 =	sshll.u32 s0, $0xA;
	s2 =	sadd.s32 s3, s2  }
0x8d: {  	s2 =	sadd.s32 s2, s17  }
0x8e: {  	[smem:$0x3FB4] =	sst s2  }
0x8f: {  	_ = 	snop  }
0x90: {  	s2 =	sld [smem:$0x3FC9]  }
0x91: {  	s18 =	sld [smem:$0x3FC8]  }
0x92: {  	s4 =	sld [smem:$0x3FD0];
	(tm) =	ssettm $0x1  }
0x93: {  	s5 =	sld [smem:$0x3FFB];
	_ =	sdelay $0x3  }
0x94: {  	_ =	strace s5  }
0x95: {  	s5 =	sld [smem:$0x3FFC];
	_ =	sdelay $0x3  }
0x96: {  	_ =	strace s5  }
0x97: {  	s5 =	sld [smem:$0x3FFD];
	_ =	sdelay $0x3  }
0x98: {  	_ =	strace s5  }
0x99: {  	_ =	strace $0x8FFFFFFF  }
0x9a: {  	s19 =	sld [smem:$0x3FDB];
	_ =	sdelay $0x1  }
0x9b: {  	s6 =	simm.s32 $_scs_section_size  }
0x9c: {  	s7 =	simm.s32 $_size__tile_overlayer_lowered;
	s8 =	simm.s32 $_tile_overlayer_lowered  }
0x9d: {  	s22 =	simm.s32 $0x1BFF;
	s21 =	sshll.u32 s8, $0x1;
	s5 =	sadd.s32 s6, s19  }
0x9e: {  	s9 =	simm.s32 $0x0;
	s20 =	sshll.u32 s7, $0x1;
	s7 =	sadd.s32 s21, s5  }
0x9f: {  	[timem:s9], [sflag:s22] =	dma.local [hbm:s7], s20  }
0xa0: {  	_ =	swait.ge [sflag:s22], s20  }
0xa1: {  	s6 =	ssub.s32 $0x0, s20;
	[sflag:s22] =	ssyncset.done $0x0  }
0xa2: {  	[sflag:s22] =	ssyncadd.s32 s6;
	_ =	sdelay $0x1  }
0xa3: {  	s23 =	simm.s32 $0x1B8B  }
0xa4: {  	_ =	swait.ge [sflag:s23], $0x1  }
0xa5: {  	[sflag:s23] =	ssyncset.done $0x0  }
0xa6: {  	s25 =	simm.s32 $0x1B8E;
	s24 =	sld [smem:$0x3FFE];
	[sflag:s23] =	ssyncadd.s32 $0xFFFFFFFF  }
0xa7: {  	s26 =	simm.s32 $execute0_lowered;
	[smem:$0x3FD2] =	sst s25  }
0xa8: {  	s7 =	sshll.u32 s26, $0x1;
	_ =	strace $0x80000046;
	[dreg:$0x1] =	wrdreg $0xFFFFFFFF  }
0xa9: {  	s28 =	simm.s32 $_size_execute0_lowered;
	s5 =	sadd.s32 s5, s7;
	[dreg:$0x0] =	wrdreg $0x0  }
0xaa: {  	s7 =	sshll.u32 s28, $0x1;
	[dreg:$0x2] =	wrdreg s5  }
0xab: {  	[dreg:$0x3] =	wrdreg s7  }
0xac: {  	[dreg:$0x4] =	wrdreg $0xC0  }
0xad: {  	_ =	task [dreg:s9], $0x5FFFF  }
0xae: {  	[dreg:$0x1] =	wrdreg $0xFFFFFFFF  }
0xaf: {  	[dreg:$0x0] =	wrdreg $0x60  }
0xb0: {  	[dreg:$0x2] =	wrdreg s2  }
0xb1: {  	[dreg:$0x3] =	wrdreg s18  }
0xb2: {  	[dreg:$0x4] =	wrdreg s24  }
0xb3: {  	[dreg:$0x5] =	wrdreg s4  }
0xb4: {  	[dreg:$0x6] =	wrdreg $0x84800  }
0xb5: {  	[dreg:$0x7] =	wrdreg $0x1C4800  }
0xb6: {  	[dreg:$0x8] =	wrdreg $0x9  }
0xb7: {  	_ =	task.clear_ibuf [dreg:s9], $0x9FFFF;
	_ =	strace $0x90000046  }
0xb8: {  	s29 =	simm.s32 $0x9;
	_ =	strace $0x80000048  }
0xb9: {  	_ =	swait.ge [sflag:s29], $0x1  }
0xba: {  	[sflag:s29] =	ssyncadd.s32 $0xFFFFFFFF  }
0xbb: {  	_ =	strace $0x90000048  }
0xbc: {  	_ =	sfence  }
0xbd: {  	s30 =	sld [smem:$0x0];
	_ =	sdelay $0x2  }
0xbe: {  	s31 =	sshll.u32 s1, $0xD;
	s1 =	sshrl.u32 s1, $0x2  }
0xbf: {  	s3 =	sand.u32 $0x4000, s31;
	s1 =	sadd.s32 s1, s30  }
0xc0: {  	s0 =	sor.u32 s3, s0;
	s1 =	sshll.u32 s1, $0x11  }
0xc1: {  	s0 =	sor.u32 s1, s0  }
0xc2: {  	s0 =	sadd.s32 $0x8F2B, s0  }
0xc3: {  	[sflag:s0] =	ssyncadd.remote.s32 $0x1  }
0xc4: {  	_ =	sfence.sel $0xFFFF  }
0xc5: {  	[dreg:$0x0] =	wrdreg $0xFFFFFFFF;
	(pc) =	sbr.abs _section_cstart, $3  }
0xc6: {  	[dreg:$0x1] =	wrdreg $0xFFFFFFFF  }
0xc7: {  	_ =	task.clear_ibuf [dreg:s9], $0x2FFFF;
	_ =	strace $0x9FFFFFFF  }
0xc8: {  	(tm) =	ssettm $0x7FFFFFFF  }
0xc9: {  	_ =	shalt  }
tec
execute0_lowered:
.L_overlay_start_1:
0x0: {  	(tag) =	ssettag $0x1  }
0x1: {  	s1 =	rddreg [dreg:$0x0]  }
0x2: {  	s2 =	rddreg [dreg:$0x1]  }
0x3: {  	s0 =	rddreg [dreg:$0x2]  }
0x4: {  	s5 =	rddreg [dreg:$0x4]  }
0x5: {  	s6 =	rddreg [dreg:$0x5]  }
0x6: {  	s16 =	stileid.u32;
	s3 =	srdreg.scid;
	s7 =	simm.s32 $0x0  }
0x7: {  	s28 =	simm.s32 $0x100;
	s29 =	simm.s32 $0x200;
	s4 =	smul.u32 $0x14000, s16  }
0x8: {  	s30 =	simm.s32 $0x80;
	s31 =	simm.s32 $0x400;
	s11 =	smul.u32 $0x280, s16  }
0x9: {  	s3 =	sand.u32 $0x1, s3;
	[smem:$0x7FF] =	sst s7;
	s20 =	smul.u32 $0x500, s16  }
0xa: {  	s22 =	smul.u32 $0x50000, s16;
	s14 =	sshll.u32 s16, $0x1;
	s25 =	sshll.u32 s16, $0x6  }
0xb: {  	p0 =	sgt.u32 s16, $0x1;
	s16 =	simm.s32 $0x4;
	s8 =	smul.u32 $0x140000, s3  }
0xc: {  	_ =	strace $0x80000047;
	s12 =	sshll.u32 s3, $0x7;
	s21 =	ssub.s32 $0x2, s3  }
0xd: {  	s14 =	sor.u32 s3, s14;
	s3 =	sshll.u32 s3, $0x5;
	s9 =	sshrl.u32 s4, $0x3  }
0xe: {  	s10 =	sshrl.u32 s11, $0x3;
	s23 =	sshrl.u32 s21, $0x1;
	s24 =	sshrl.u32 s22, $0x2  }
0xf: {  	s15 =	sshll.u32 s14, $0x5;
	s26 =	sadd.s32 s11, s6;
	s9 =	sadd.s32 s9, s0  }
0x10: {  	s13 =	sadd.s32 s10, s0;
	s10 =	sadd.s32 s24, s5;
	[dreg:$0xc] =	wrdreg s26  }
0x11: {  	s4 =	sadd.s32 s4, s8;
	s15 =	sadd.s32 s2, s15;
	[dreg:$0x9] =	wrdreg s10  }
0x12: {  	s8 =	sor.u32 s12, s20;
	s24 =	sadd.s32 $0x13860, s2;
	[dreg:$0xb] =	wrdreg s15  }
0x13: {  	s26 =	sor.u32 $0x140, s14;
	s12 =	simm.s32 $0x180;
	[dreg:$0x14] =	wrdreg s24  }
0x14: {  	s14 =	simm.s32 $0x7;
	s9 =	sadd.s32 $0x4400, s9;
	[dreg:$0x18] =	wrdreg s26  }
0x15: {  	s4 =	sshrl.u32 s4, $0x3;
	s11 =	sadd.s32 $0x2C400, s13;
	[dreg:$0xa] =	wrdreg s9  }
0x16: {  	s8 =	sshrl.u32 s8, $0x3;
	s13 =	sadd.s32 $0x400, s15;
	[dreg:$0xd] =	wrdreg s11  }
0x17: {  	s10 =	sor.u32 $0x1C09, s25;
	s17 =	sadd.s32 $0x800, s15;
	[dreg:$0xe] =	wrdreg s13  }
0x18: {  	s18 =	sadd.s32 $0xC00, s15;
	s19 =	sadd.s32 $0x1C00, s15;
	[dreg:$0xf] =	wrdreg s17  }
0x19: {  	s20 =	sadd.s32 $0x1000, s15;
	s22 =	sadd.s32 $0x1800, s15;
	[dreg:$0x10] =	wrdreg s18  }
0x1a: {  	s26 =	simm.s32 $0x8400;
	s4 =	sadd.s32 s4, s0;
	[dreg:$0x11] =	wrdreg s20  }
0x1b: {  	s0 =	sadd.s32 s8, s0;
	s8 =	ssub.s32 s21, s23;
	[dreg:$0x7] =	wrdreg s19  }
0x1c: {  	s21 =	sadd.s32 $0x1400, s15;
	[dreg:$0x13] =	wrdreg s22;
	s23 =	sadd.s32 s25, s2  }
0x1d: {  	s9 =	simm.s32 $0x2;
	s13 =	simm.s32 $0x3;
	s15 =	simm.s32 $0x280  }
0x1e: {  	s17 =	simm.s32 $0x8;
	[dreg:$0x12] =	wrdreg s21;
	s4 =	sadd.s32 $0x2D400, s4  }
0x1f: {  	s18 =	simm.s32 $0x380;
	s0 =	sadd.s32 $0x2CA00, s0;
	[dreg:$0x15] =	wrdreg s4  }
0x20: {  	s19 =	simm.s32 $0x5;
	s25 =	smax.u32 s8, $0x1;
	[dreg:$0x16] =	wrdreg s0  }
0x21: {  	s3 =	sadd.s32 s3, s23;
	s8 =	simm.s32 $0x4400;
	[dreg:$0x17] =	wrdreg s25  }
0x22: {  	s21 =	simm.s32 $0x0;
	[dreg:$0x8] =	wrdreg s3;
	s25 =	simm.s32 $0x9  }
0x23: {  	s0 =	simm.s32 $0x1;
	s3 =	simm.s32 $0x300;
	s4 =	simm.s32 $0x6  }
.LBB2_1:
0x24: {  	s11 =	rddreg [dreg:$0x9]  }
0x25: {  	s22 =	rddreg [dreg:$0xa];
	s20 =	sshrl.u32 s11, $0x3  }
0x26: {  	[dreg:$0x19] =	wrdreg s20  }
0x27: {  	[spmem:s20], [sflag:s10] =	dma.local [hbm:s22], $0x2800  }
0x28: {  	_ =	swait.ge [sflag:s25], $0x2800  }
0x29: {  	[sflag:s25] =	ssyncset.done $0x0;
	s23 =	rddreg [dreg:$0xc]  }
0x2a: {  	s24 =	rddreg [dreg:$0xd];
	[sflag:s25] =	ssyncadd.s32 $0xFFFFD800;
	s23 =	sshrl.u32 s23, $0x3  }
0x2b: {  	[spmem:s23], [sflag:s10] =	dma.local [hbm:s24], $0x50  }
0x2c: {  	_ =	swait.ge [sflag:s25], $0x50  }
0x2d: {  	[sflag:s25] =	ssyncset.done $0x0  }
0x2e: {  	[sflag:s25] =	ssyncadd.s32 $0xFFFFFFB0  }
0x2f: {  	s20 =	rddreg [dreg:$0x3]  }
0x30: {  	[tilespmem:s26], [sflag:$0x9] =	stream.linear.gather [hbm4b:s20+s7], $0x80, $0x38;
	[tilespmem:$0x1C700] =	vst v63  }
0x31: {  	_ =	swait.ge [sflag:s25], $0x80  }
0x32: {  	[sflag:s25] =	ssyncset.done $0x0  }
0x33: {  	s22 =	rddreg [dreg:$0xb];
	[sflag:s25] =	ssyncadd.s32 $0xFFFFFF80  }
0x34: {  	[tilespmem:s7], [sflag:$0x9] =	stream.linear.gather [hbm4b:s22+s7], $0x100, $0x38;
	[tilespmem:$0x1C700] =	vst v63  }
0x35: {  	_ =	swait.ge [sflag:s25], $0x100  }
0x36: {  	[sflag:s25] =	ssyncset.done $0x0  }
0x37: {  	s24 =	rddreg [dreg:$0xe];
	[sflag:s25] =	ssyncadd.s32 $0xFFFFFF00  }
0x38: {  	[tilespmem:s28], [sflag:$0x6] =	stream.linear.gather [hbm4b:s24+s7], $0x100, $0x38;
	[tilespmem:$0x1C700] =	vst v63  }
0x39: {  	s20 =	rddreg [dreg:$0xf]  }
0x3a: {  	[tilespmem:s29], [sflag:$0x7] =	stream.linear.gather [hbm4b:s20+s7], $0x100, $0x38;
	[tilespmem:$0x1C700] =	vst v63  }
0x3b: {  	_ = 	snop  }
0x3c: {  	[tilespmem:s31], [sflag:$0x1] =	stream.indirect.gather [hbm4b:s1+s30], $0x80, s7, s30, $0xb8;
	[tilespmem:$0x1C700] =	vst v63  }
0x3d: {  	[bflag:$0x0] =	sbarrier.arrive $0xFFFF  }
0x3e: {  	_ =	swait.ge [sflag:s0], $0x4000  }
0x3f: {  	[sflag:s0] =	ssyncset.done $0x0  }
0x40: {  	[sflag:s0] =	ssyncadd.s32 $0xFFFFC000  }
0x41: {  	[spmem:s5] =	stream.indirect.scatter.add.f32 [tilespmem:s31], [sflag:$0x3], $0x80, s30, s30, $0xb8;
	[tilespmem:$0x1C700] =	vst v63  }
0x42: {  	_ = 	snop  }
0x43: {  	[spmem:s6] =	stream.indirect.scatter.add.f32 [tilespmem:s26], [sflag:$0x3], $0x1, s30, s30, $0xb8;
	[tilespmem:$0x1C700] =	vst v63  }
0x44: {  	s22 =	rddreg [dreg:$0x10]  }
0x45: {  	[tilespmem:s3], [sflag:$0x8] =	stream.linear.gather [hbm4b:s22+s7], $0x100, $0x38;
	[tilespmem:$0x1C700] =	vst v63  }
0x46: {  	_ =	swait.ge [sflag:s4], $0x100  }
0x47: {  	[sflag:s4] =	ssyncset.done $0x0  }
0x48: {  	[sflag:s4] =	ssyncadd.s32 $0xFFFFFF00  }
0x49: {  	[tilespmem:s8], [sflag:$0x2] =	stream.indirect.gather [hbm4b:s1+s30], $0x80, s28, s30, $0xb8;
	[tilespmem:$0x1C700] =	vst v63  }
0x4a: {  	_ =	swait.ge [sflag:s9], $0x4000  }
0x4b: {  	[sflag:s9] =	ssyncset.done $0x0  }
0x4c: {  	[sflag:s9] =	ssyncadd.s32 $0xFFFFC000  }
0x4d: {  	[spmem:s5] =	stream.indirect.scatter.add.f32 [tilespmem:s8], [sflag:$0x4], $0x80, s12, s30, $0xb8;
	[tilespmem:$0x1C700] =	vst v63  }
0x4e: {  	_ = 	snop  }
0x4f: {  	[spmem:s6] =	stream.indirect.scatter.add.f32 [tilespmem:s26], [sflag:$0x4], $0x1, s12, s30, $0xb8;
	[tilespmem:$0x1C700] =	vst v63  }
0x50: {  	_ =	swait.ge [sflag:s13], $0x4000  }
0x51: {  	[sflag:s13] =	ssyncset.done $0x0  }
0x52: {  	[sflag:s13] =	ssyncadd.s32 $0xFFFFC000  }
0x53: {  	_ =	swait.ge [sflag:s13], $0x80  }
0x54: {  	[sflag:s13] =	ssyncset.done $0x0  }
0x55: {  	s24 =	rddreg [dreg:$0x11];
	[sflag:s13] =	ssyncadd.s32 $0xFFFFFF80  }
0x56: {  	[tilespmem:s7], [sflag:$0x5] =	stream.linear.gather [hbm4b:s24+s7], $0x100, $0x38;
	[tilespmem:$0x1C700] =	vst v63  }
0x57: {  	_ =	swait.ge [sflag:s14], $0x100  }
0x58: {  	[sflag:s14] =	ssyncset.done $0x0  }
0x59: {  	[sflag:s14] =	ssyncadd.s32 $0xFFFFFF00  }
0x5a: {  	[tilespmem:s31], [sflag:$0x1] =	stream.indirect.gather [hbm4b:s1+s30], $0x80, s29, s30, $0xb8;
	[tilespmem:$0x1C700] =	vst v63  }
0x5b: {  	_ =	swait.ge [sflag:s0], $0x4000  }
0x5c: {  	[sflag:s0] =	ssyncset.done $0x0  }
0x5d: {  	[sflag:s0] =	ssyncadd.s32 $0xFFFFC000  }
0x5e: {  	[spmem:s5] =	stream.indirect.scatter.add.f32 [tilespmem:s31], [sflag:$0x3], $0x80, s15, s30, $0xb8;
	[tilespmem:$0x1C700] =	vst v63  }
0x5f: {  	_ = 	snop  }
0x60: {  	[spmem:s6] =	stream.indirect.scatter.add.f32 [tilespmem:s26], [sflag:$0x3], $0x1, s15, s30, $0xb8;
	[tilespmem:$0x1C700] =	vst v63  }
0x61: {  	_ =	swait.ge [sflag:s16], $0x4000  }
0x62: {  	[sflag:s16] =	ssyncset.done $0x0  }
0x63: {  	[sflag:s16] =	ssyncadd.s32 $0xFFFFC000  }
0x64: {  	_ =	swait.ge [sflag:s16], $0x80  }
0x65: {  	[sflag:s16] =	ssyncset.done $0x0  }
0x66: {  	s20 =	rddreg [dreg:$0x12];
	[sflag:s16] =	ssyncadd.s32 $0xFFFFFF80  }
0x67: {  	[tilespmem:s28], [sflag:$0x6] =	stream.linear.gather [hbm4b:s20+s7], $0x100, $0x38;
	[tilespmem:$0x1C700] =	vst v63  }
0x68: {  	_ =	swait.ge [sflag:s17], $0x100  }
0x69: {  	[sflag:s17] =	ssyncset.done $0x0  }
0x6a: {  	[sflag:s17] =	ssyncadd.s32 $0xFFFFFF00  }
0x6b: {  	[tilespmem:s8], [sflag:$0x2] =	stream.indirect.gather [hbm4b:s1+s30], $0x80, s3, s30, $0xb8;
	[tilespmem:$0x1C700] =	vst v63  }
0x6c: {  	_ =	swait.ge [sflag:s9], $0x4000  }
0x6d: {  	[sflag:s9] =	ssyncset.done $0x0  }
0x6e: {  	[sflag:s9] =	ssyncadd.s32 $0xFFFFC000  }
0x6f: {  	[spmem:s5] =	stream.indirect.scatter.add.f32 [tilespmem:s8], [sflag:$0x4], $0x80, s18, s30, $0xb8;
	[tilespmem:$0x1C700] =	vst v63  }
0x70: {  	_ = 	snop  }
0x71: {  	[spmem:s6] =	stream.indirect.scatter.add.f32 [tilespmem:s26], [sflag:$0x4], $0x1, s18, s30, $0xb8;
	[tilespmem:$0x1C700] =	vst v63  }
0x72: {  	_ =	swait.ge [sflag:s13], $0x4000  }
0x73: {  	[sflag:s13] =	ssyncset.done $0x0  }
0x74: {  	[sflag:s13] =	ssyncadd.s32 $0xFFFFC000  }
0x75: {  	_ =	swait.ge [sflag:s13], $0x80  }
0x76: {  	[sflag:s13] =	ssyncset.done $0x0  }
0x77: {  	s22 =	rddreg [dreg:$0x13];
	[sflag:s13] =	ssyncadd.s32 $0xFFFFFF80  }
0x78: {  	[tilespmem:s29], [sflag:$0x7] =	stream.linear.gather [hbm4b:s22+s7], $0x100, $0x38;
	[tilespmem:$0x1C700] =	vst v63  }
0x79: {  	_ =	swait.ge [sflag:s19], $0x100  }
0x7a: {  	[sflag:s19] =	ssyncset.done $0x0  }
0x7b: {  	[sflag:s19] =	ssyncadd.s32 $0xFFFFFF00  }
0x7c: {  	[tilespmem:s31], [sflag:$0x1] =	stream.indirect.gather [hbm4b:s1+s30], $0x80, s7, s30, $0xb8;
	[tilespmem:$0x1C700] =	vst v63  }
0x7d: {  	_ =	swait.ge [sflag:s0], $0x4000  }
0x7e: {  	[sflag:s0] =	ssyncset.done $0x0  }
0x7f: {  	[sflag:s0] =	ssyncadd.s32 $0xFFFFC000  }
0x80: {  	[spmem:s5] =	stream.indirect.scatter.add.f32 [tilespmem:s31], [sflag:$0x3], $0x80, s30, s30, $0xb8;
	[tilespmem:$0x1C700] =	vst v63  }
0x81: {  	_ = 	snop  }
0x82: {  	[spmem:s6] =	stream.indirect.scatter.add.f32 [tilespmem:s26], [sflag:$0x3], $0x1, s30, s30, $0xb8;
	[tilespmem:$0x1C700] =	vst v63  }
0x83: {  	_ =	swait.ge [sflag:s16], $0x4000  }
0x84: {  	[sflag:s16] =	ssyncset.done $0x0  }
0x85: {  	[sflag:s16] =	ssyncadd.s32 $0xFFFFC000  }
0x86: {  	_ =	swait.ge [sflag:s16], $0x80  }
0x87: {  	s24 =	rddreg [dreg:$0x7];
	[sflag:s16] =	ssyncset.done $0x0  }
0x88: {  	[sflag:s16] =	ssyncadd.s32 $0xFFFFFF80;
	s11 =	sadd.s32 $0x0, s24  }
0x89: {  	[tilespmem:s3], [sflag:$0x8] =	stream.linear.gather [hbm4b:s11+s7], $0x100, $0x38;
	[tilespmem:$0x1C700] =	vst v63  }
0x8a: {  	_ =	swait.ge [sflag:s4], $0x100  }
0x8b: {  	[sflag:s4] =	ssyncset.done $0x0  }
0x8c: {  	[sflag:s4] =	ssyncadd.s32 $0xFFFFFF00  }
0x8d: {  	[tilespmem:s8], [sflag:$0x2] =	stream.indirect.gather [hbm4b:s1+s30], $0x80, s28, s30, $0xb8;
	[tilespmem:$0x1C700] =	vst v63  }
0x8e: {  	_ =	swait.ge [sflag:s9], $0x4000  }
0x8f: {  	[sflag:s9] =	ssyncset.done $0x0  }
0x90: {  	[sflag:s9] =	ssyncadd.s32 $0xFFFFC000  }
0x91: {  	[spmem:s5] =	stream.indirect.scatter.add.f32 [tilespmem:s8], [sflag:$0x4], $0x80, s12, s30, $0xb8;
	[tilespmem:$0x1C700] =	vst v63  }
0x92: {  	_ = 	snop  }
0x93: {  	[spmem:s6] =	stream.indirect.scatter.add.f32 [tilespmem:s26], [sflag:$0x4], $0x1, s12, s30, $0xb8;
	[tilespmem:$0x1C700] =	vst v63  }
0x94: {  	_ =	swait.ge [sflag:s13], $0x4000  }
0x95: {  	[sflag:s13] =	ssyncset.done $0x0  }
0x96: {  	[sflag:s13] =	ssyncadd.s32 $0xFFFFC000  }
0x97: {  	_ =	swait.ge [sflag:s13], $0x80  }
0x98: {  	s20 =	rddreg [dreg:$0x8]  }
0x99: {  	[sflag:s13] =	ssyncset.done $0x0;
	s11 =	sadd.s32 $0x0, s20  }
0x9a: {  	[sflag:s13] =	ssyncadd.s32 $0xFFFFFF80;
	s22 =	sadd.s32 $0x2000, s11  }
0x9b: {  	[tilespmem:s7], [sflag:$0x5] =	stream.linear.gather [hbm4b:s22+s7], $0x100, $0x38;
	[tilespmem:$0x1C700] =	vst v63  }
0x9c: {  	_ =	swait.ge [sflag:s14], $0x100  }
0x9d: {  	[sflag:s14] =	ssyncset.done $0x0  }
0x9e: {  	[sflag:s14] =	ssyncadd.s32 $0xFFFFFF00  }
0x9f: {  	[tilespmem:s31], [sflag:$0x1] =	stream.indirect.gather [hbm4b:s1+s30], $0x80, s29, s30, $0xb8;
	[tilespmem:$0x1C700] =	vst v63  }
0xa0: {  	_ =	swait.ge [sflag:s0], $0x4000  }
0xa1: {  	[sflag:s0] =	ssyncset.done $0x0  }
0xa2: {  	[sflag:s0] =	ssyncadd.s32 $0xFFFFC000  }
0xa3: {  	[spmem:s5] =	stream.indirect.scatter.add.f32 [tilespmem:s31], [sflag:$0x3], $0x80, s15, s30, $0xb8;
	[tilespmem:$0x1C700] =	vst v63  }
0xa4: {  	_ = 	snop  }
0xa5: {  	[spmem:s6] =	stream.indirect.scatter.add.f32 [tilespmem:s26], [sflag:$0x3], $0x1, s15, s30, $0xb8;
	[tilespmem:$0x1C700] =	vst v63  }
0xa6: {  	_ =	swait.ge [sflag:s16], $0x4000  }
0xa7: {  	[sflag:s16] =	ssyncset.done $0x0  }
0xa8: {  	[sflag:s16] =	ssyncadd.s32 $0xFFFFC000  }
0xa9: {  	_ =	swait.ge [sflag:s16], $0x80  }
0xaa: {  	[sflag:s16] =	ssyncset.done $0x0  }
0xab: {  	s11 =	sadd.s32 $0x2400, s11;
	[sflag:s16] =	ssyncadd.s32 $0xFFFFFF80  }
0xac: {  	[tilespmem:s28], [sflag:$0x6] =	stream.linear.gather [hbm4b:s11+s7], $0x100, $0x38;
	[tilespmem:$0x1C700] =	vst v63  }
0xad: {  	_ =	swait.ge [sflag:s17], $0x100  }
0xae: {  	[sflag:s17] =	ssyncset.done $0x0  }
0xaf: {  	[sflag:s17] =	ssyncadd.s32 $0xFFFFFF00  }
0xb0: {  	[tilespmem:s8], [sflag:$0x2] =	stream.indirect.gather [hbm4b:s1+s30], $0x80, s3, s30, $0xb8;
	[tilespmem:$0x1C700] =	vst v63  }
0xb1: {  	_ =	swait.ge [sflag:s9], $0x4000  }
0xb2: {  	[sflag:s9] =	ssyncset.done $0x0  }
0xb3: {  	[sflag:s9] =	ssyncadd.s32 $0xFFFFC000  }
0xb4: {  	[spmem:s5] =	stream.indirect.scatter.add.f32 [tilespmem:s8], [sflag:$0x4], $0x80, s18, s30, $0xb8;
	[tilespmem:$0x1C700] =	vst v63  }
0xb5: {  	_ = 	snop  }
0xb6: {  	[spmem:s6] =	stream.indirect.scatter.add.f32 [tilespmem:s26], [sflag:$0x4], $0x1, s18, s30, $0xb8;
	[tilespmem:$0x1C700] =	vst v63  }
0xb7: {  	_ =	swait.ge [sflag:s13], $0x4000  }
0xb8: {  	[sflag:s13] =	ssyncset.done $0x0;
	s24 =	rddreg [dreg:$0x18]  }
0xb9: {  	[sflag:s13] =	ssyncadd.s32 $0xFFFFC000;
	p1 =	slt.s32 s24, $0x9C3;
	s11 =	smov.u32 s24  }
0xba: {  	_ =	swait.ge [sflag:s13], $0x80;
	s11 =	simm.s32 @!p1 $0x9C3  }
0xbb: {  	[sflag:s13] =	ssyncset.done $0x0;
	s11 =	sshll.u32 s11, $0x5  }
0xbc: {  	[sflag:s13] =	ssyncadd.s32 $0xFFFFFF80;
	s11 =	sadd.s32 s2, s11  }
0xbd: {  	[tilespmem:s29], [sflag:$0x7] =	stream.linear.gather [hbm4b:s11+s7], $0x100, $0x38;
	[tilespmem:$0x1C700] =	vst v63  }
0xbe: {  	_ =	swait.ge [sflag:s19], $0x100  }
0xbf: {  	[sflag:s19] =	ssyncset.done $0x0  }
0xc0: {  	s20 =	sadd.s32 $0x80, s24;
	s11 =	simm.s32 $0x1000;
	[sflag:s19] =	ssyncadd.s32 $0xFFFFFF00  }
.LBB2_2:
0xc1: {  	[tilespmem:s31], [sflag:$0x1] =	stream.indirect.gather [hbm4b:s1+s30], $0x80, s7, s30, $0xb8;
	[tilespmem:$0x1C700] =	vst v63  }
0xc2: {  	_ =	swait.ge [sflag:s0], $0x4000  }
0xc3: {  	[sflag:s0] =	ssyncset.done $0x0  }
0xc4: {  	[sflag:s0] =	ssyncadd.s32 $0xFFFFC000  }
0xc5: {  	[spmem:s5] =	stream.indirect.scatter.add.f32 [tilespmem:s31], [sflag:$0x3], $0x80, s30, s30, $0xb8;
	[tilespmem:$0x1C700] =	vst v63  }
0xc6: {  	_ = 	snop  }
0xc7: {  	[spmem:s6] =	stream.indirect.scatter.add.f32 [tilespmem:s26], [sflag:$0x3], $0x1, s30, s30, $0xb8;
	[tilespmem:$0x1C700] =	vst v63  }
0xc8: {  	_ =	swait.ge [sflag:s16], $0x4000  }
0xc9: {  	[sflag:s16] =	ssyncset.done $0x0  }
0xca: {  	[sflag:s16] =	ssyncadd.s32 $0xFFFFC000  }
0xcb: {  	_ =	swait.ge [sflag:s16], $0x80  }
0xcc: {  	s24 =	smov.u32 s11;
	s22 =	rddreg [dreg:$0x7];
	[sflag:s16] =	ssyncset.done $0x0  }
0xcd: {  	[sflag:s16] =	ssyncadd.s32 $0xFFFFFF80;
	s22 =	sadd.s32 s24, s22  }
0xce: {  	[tilespmem:s3], [sflag:$0x8] =	stream.linear.gather [hbm4b:s22+s7], $0x100, $0x38;
	[tilespmem:$0x1C700] =	vst v63  }
0xcf: {  	_ =	swait.ge [sflag:s4], $0x100  }
0xd0: {  	[sflag:s4] =	ssyncset.done $0x0  }
0xd1: {  	[sflag:s4] =	ssyncadd.s32 $0xFFFFFF00  }
0xd2: {  	[tilespmem:s8], [sflag:$0x2] =	stream.indirect.gather [hbm4b:s1+s30], $0x80, s28, s30, $0xb8;
	[tilespmem:$0x1C700] =	vst v63  }
0xd3: {  	_ =	swait.ge [sflag:s9], $0x4000  }
0xd4: {  	[sflag:s9] =	ssyncset.done $0x0  }
0xd5: {  	[sflag:s9] =	ssyncadd.s32 $0xFFFFC000  }
0xd6: {  	[spmem:s5] =	stream.indirect.scatter.add.f32 [tilespmem:s8], [sflag:$0x4], $0x80, s12, s30, $0xb8;
	[tilespmem:$0x1C700] =	vst v63  }
0xd7: {  	_ = 	snop  }
0xd8: {  	[spmem:s6] =	stream.indirect.scatter.add.f32 [tilespmem:s26], [sflag:$0x4], $0x1, s12, s30, $0xb8;
	[tilespmem:$0x1C700] =	vst v63  }
0xd9: {  	_ =	swait.ge [sflag:s13], $0x4000  }
0xda: {  	[sflag:s13] =	ssyncset.done $0x0  }
0xdb: {  	[sflag:s13] =	ssyncadd.s32 $0xFFFFC000  }
0xdc: {  	_ =	swait.ge [sflag:s13], $0x80  }
0xdd: {  	s22 =	rddreg [dreg:$0x8]  }
0xde: {  	[sflag:s13] =	ssyncset.done $0x0;
	s22 =	sadd.s32 s24, s22  }
0xdf: {  	[sflag:s13] =	ssyncadd.s32 $0xFFFFFF80;
	s24 =	sadd.s32 $0x2000, s22  }
0xe0: {  	[tilespmem:s7], [sflag:$0x5] =	stream.linear.gather [hbm4b:s24+s7], $0x100, $0x38;
	[tilespmem:$0x1C700] =	vst v63  }
0xe1: {  	_ =	swait.ge [sflag:s14], $0x100  }
0xe2: {  	[sflag:s14] =	ssyncset.done $0x0  }
0xe3: {  	[sflag:s14] =	ssyncadd.s32 $0xFFFFFF00  }
0xe4: {  	[tilespmem:s31], [sflag:$0x1] =	stream.indirect.gather [hbm4b:s1+s30], $0x80, s29, s30, $0xb8;
	[tilespmem:$0x1C700] =	vst v63  }
0xe5: {  	_ =	swait.ge [sflag:s0], $0x4000  }
0xe6: {  	[sflag:s0] =	ssyncset.done $0x0  }
0xe7: {  	[sflag:s0] =	ssyncadd.s32 $0xFFFFC000  }
0xe8: {  	[spmem:s5] =	stream.indirect.scatter.add.f32 [tilespmem:s31], [sflag:$0x3], $0x80, s15, s30, $0xb8;
	[tilespmem:$0x1C700] =	vst v63  }
0xe9: {  	_ = 	snop  }
0xea: {  	[spmem:s6] =	stream.indirect.scatter.add.f32 [tilespmem:s26], [sflag:$0x3], $0x1, s15, s30, $0xb8;
	[tilespmem:$0x1C700] =	vst v63  }
0xeb: {  	_ =	swait.ge [sflag:s16], $0x4000  }
0xec: {  	[sflag:s16] =	ssyncset.done $0x0  }
0xed: {  	[sflag:s16] =	ssyncadd.s32 $0xFFFFC000  }
0xee: {  	_ =	swait.ge [sflag:s16], $0x80  }
0xef: {  	[sflag:s16] =	ssyncset.done $0x0  }
0xf0: {  	s22 =	sadd.s32 $0x2400, s22;
	[sflag:s16] =	ssyncadd.s32 $0xFFFFFF80  }
0xf1: {  	[tilespmem:s28], [sflag:$0x6] =	stream.linear.gather [hbm4b:s22+s7], $0x100, $0x38;
	[tilespmem:$0x1C700] =	vst v63  }
0xf2: {  	_ =	swait.ge [sflag:s17], $0x100  }
0xf3: {  	[sflag:s17] =	ssyncset.done $0x0  }
0xf4: {  	[sflag:s17] =	ssyncadd.s32 $0xFFFFFF00  }
0xf5: {  	[tilespmem:s8], [sflag:$0x2] =	stream.indirect.gather [hbm4b:s1+s30], $0x80, s3, s30, $0xb8;
	[tilespmem:$0x1C700] =	vst v63  }
0xf6: {  	_ =	swait.ge [sflag:s9], $0x4000  }
0xf7: {  	[sflag:s9] =	ssyncset.done $0x0  }
0xf8: {  	[sflag:s9] =	ssyncadd.s32 $0xFFFFC000  }
0xf9: {  	[spmem:s5] =	stream.indirect.scatter.add.f32 [tilespmem:s8], [sflag:$0x4], $0x80, s18, s30, $0xb8;
	[tilespmem:$0x1C700] =	vst v63  }
0xfa: {  	_ = 	snop  }
0xfb: {  	[spmem:s6] =	stream.indirect.scatter.add.f32 [tilespmem:s26], [sflag:$0x4], $0x1, s18, s30, $0xb8;
	[tilespmem:$0x1C700] =	vst v63  }
0xfc: {  	_ =	swait.ge [sflag:s13], $0x4000  }
0xfd: {  	[sflag:s13] =	ssyncset.done $0x0  }
0xfe: {  	p2 =	slt.s32 s20, $0x9C3;
	s22 =	smov.u32 s20;
	[sflag:s13] =	ssyncadd.s32 $0xFFFFC000  }
0xff: {  	s22 =	simm.s32 @!p2 $0x9C3;
	_ =	swait.ge [sflag:s13], $0x80  }
0x100: {  	p1 =	sne.s32 s11, $0x11000;
	s22 =	sshll.u32 s22, $0x5;
	[sflag:s13] =	ssyncset.done $0x0  }
.Ltmp0:
0x101: {  	s22 =	sadd.s32 s2, s22;
	[sflag:s13] =	ssyncadd.s32 $0xFFFFFF80;
	(pc) =	sbr.rel @p1 .LBB2_2-.Ltmp0, $4  }
0x102: {  	[tilespmem:s29], [sflag:$0x7] =	stream.linear.gather [hbm4b:s22+s7], $0x100, $0x38;
	[tilespmem:$0x1C700] =	vst v63  }
0x103: {  	_ =	swait.ge [sflag:s19], $0x100  }
0x104: {  	[sflag:s19] =	ssyncset.done $0x0  }
0x105: {  	s11 =	sadd.s32 $0x1000, s11;
	s20 =	sadd.s32 $0x80, s20;
	[sflag:s19] =	ssyncadd.s32 $0xFFFFFF00  }
0x106: {  	[tilespmem:s31], [sflag:$0x1] =	stream.indirect.gather [hbm4b:s1+s30], $0x80, s7, s30, $0xb8;
	[tilespmem:$0x1C700] =	vst v63  }
0x107: {  	_ =	swait.ge [sflag:s0], $0x4000  }
0x108: {  	[sflag:s0] =	ssyncset.done $0x0  }
0x109: {  	[sflag:s0] =	ssyncadd.s32 $0xFFFFC000  }
0x10a: {  	[spmem:s5] =	stream.indirect.scatter.add.f32 [tilespmem:s31], [sflag:$0x3], $0x80, s30, s30, $0xb8;
	[tilespmem:$0x1C700] =	vst v63  }
0x10b: {  	_ = 	snop  }
0x10c: {  	[spmem:s6] =	stream.indirect.scatter.add.f32 [tilespmem:s26], [sflag:$0x3], $0x1, s30, s30, $0xb8;
	[tilespmem:$0x1C700] =	vst v63  }
0x10d: {  	_ =	swait.ge [sflag:s16], $0x4000  }
0x10e: {  	[sflag:s16] =	ssyncset.done $0x0  }
0x10f: {  	[sflag:s16] =	ssyncadd.s32 $0xFFFFC000  }
0x110: {  	_ =	swait.ge [sflag:s16], $0x80  }
0x111: {  	[sflag:s16] =	ssyncset.done $0x0  }
0x112: {  	s11 =	rddreg [dreg:$0x14];
	[sflag:s16] =	ssyncadd.s32 $0xFFFFFF80  }
0x113: {  	[tilespmem:s3], [sflag:$0x8] =	stream.linear.gather [hbm4b:s11+s7], $0x100, $0x38;
	[tilespmem:$0x1C700] =	vst v63  }
0x114: {  	_ =	swait.ge [sflag:s4], $0x100  }
0x115: {  	[sflag:s4] =	ssyncset.done $0x0  }
0x116: {  	[sflag:s4] =	ssyncadd.s32 $0xFFFFFF00  }
0x117: {  	[tilespmem:s8], [sflag:$0x2] =	stream.indirect.gather [hbm4b:s1+s30], $0x80, s28, s30, $0xb8;
	[tilespmem:$0x1C700] =	vst v63  }
0x118: {  	_ =	swait.ge [sflag:s9], $0x4000  }
0x119: {  	[sflag:s9] =	ssyncset.done $0x0  }
0x11a: {  	[sflag:s9] =	ssyncadd.s32 $0xFFFFC000  }
0x11b: {  	[spmem:s5] =	stream.indirect.scatter.add.f32 [tilespmem:s8], [sflag:$0x4], $0x80, s12, s30, $0xb8;
	[tilespmem:$0x1C700] =	vst v63  }
0x11c: {  	_ = 	snop  }
0x11d: {  	[spmem:s6] =	stream.indirect.scatter.add.f32 [tilespmem:s26], [sflag:$0x4], $0x1, s12, s30, $0xb8;
	[tilespmem:$0x1C700] =	vst v63  }
0x11e: {  	_ =	swait.ge [sflag:s13], $0x4000  }
0x11f: {  	[sflag:s13] =	ssyncset.done $0x0  }
0x120: {  	[sflag:s13] =	ssyncadd.s32 $0xFFFFC000  }
0x121: {  	_ =	swait.ge [sflag:s13], $0x80  }
0x122: {  	[sflag:s13] =	ssyncset.done $0x0  }
0x123: {  	[sflag:s13] =	ssyncadd.s32 $0xFFFFFF80  }
0x124: {  	[tilespmem:s7], [sflag:$0x5] =	stream.linear.gather [hbm4b:s11+s7], $0x100, $0x38;
	[tilespmem:$0x1C700] =	vst v63  }
0x125: {  	_ =	swait.ge [sflag:s14], $0x100  }
0x126: {  	[sflag:s14] =	ssyncset.done $0x0  }
0x127: {  	[sflag:s14] =	ssyncadd.s32 $0xFFFFFF00  }
0x128: {  	[tilespmem:s31], [sflag:$0x1] =	stream.indirect.gather [hbm4b:s1+s30], $0x80, s29, s30, $0xb8;
	[tilespmem:$0x1C700] =	vst v63  }
0x129: {  	_ =	swait.ge [sflag:s0], $0x4000  }
0x12a: {  	s20 =	simm.s32 @!p0 $0x280;
	[sflag:s0] =	ssyncset.done $0x0  }
0x12b: {  	s22 =	simm.s32 @!p0 $0x400;
	s11 =	simm.s32 @!p0 $0x80;
	[sflag:s0] =	ssyncadd.s32 $0xFFFFC000  }
0x12c: {  	[spmem:s5] =	stream.indirect.scatter.add.f32 @!p0 [tilespmem:s22], [sflag:$0x3], $0x80, s20, s11, $0xb8;
	[tilespmem:$0x1C700] =	vst v63  }
0x12d: {  	s22 =	simm.s32 @!p0 $0x8400  }
0x12e: {  	[spmem:s6] =	stream.indirect.scatter.add.f32 @!p0 [tilespmem:s22], [sflag:$0x3], $0x1, s20, s11, $0xb8;
	[tilespmem:$0x1C700] =	vst v63  }
0x12f: {  	s11 =	simm.s32 @!p0 $0x4  }
0x130: {  	_ =	swait.ge @!p0 [sflag:s11], $0x4000  }
0x131: {  	[sflag:s11] =	ssyncset.done @!p0 $0x0  }
0x132: {  	[sflag:s11] =	ssyncadd.s32 @!p0 $0xFFFFC000  }
0x133: {  	_ =	swait.ge @!p0 [sflag:s11], $0x80  }
0x134: {  	s20 =	simm.s32 @!p0 $0x3;
	[sflag:s11] =	ssyncset.done @!p0 $0x0  }
0x135: {  	s20 =	simm.s32 @p0 $0x4;
	[sflag:s11] =	ssyncadd.s32 @!p0 $0xFFFFFF80  }
0x136: {  	_ =	swait.ge [sflag:s20], $0x4000  }
0x137: {  	[sflag:s20] =	ssyncset.done $0x0  }
0x138: {  	[sflag:s20] =	ssyncadd.s32 $0xFFFFC000  }
0x139: {  	_ =	swait.ge [sflag:s20], $0x80  }
0x13a: {  	[sflag:s20] =	ssyncset.done $0x0  }
0x13b: {  	[sflag:s20] =	ssyncadd.s32 $0xFFFFFF80  }
0x13c: {  	_ =	swait.ge [sflag:s17], $0x100  }
0x13d: {  	[sflag:s17] =	ssyncset.done $0x0  }
0x13e: {  	[sflag:s17] =	ssyncadd.s32 $0xFFFFFF00  }
0x13f: {  	_ =	swait.ge [sflag:s19], $0x100  }
0x140: {  	[sflag:s19] =	ssyncset.done $0x0  }
0x141: {  	[sflag:s19] =	ssyncadd.s32 $0xFFFFFF00  }
0x142: {  	[bflag:$0x0] =	sbarrier.arrive $0xFFFF  }
0x143: {  	s22 =	rddreg [dreg:$0x15]  }
0x144: {  	s24 =	rddreg [dreg:$0x19]  }
0x145: {  	[hbm:s22], [sflag:s10] =	dma.local [spmem:s24], $0x2800  }
0x146: {  	_ =	swait.ge [sflag:s25], $0x2800  }
0x147: {  	s22 =	simm.s32 $0x20;
	[sflag:s25] =	ssyncset.done $0x0  }
0x148: {  	s24 =	simm.s32 $0x10;
	s20 =	rddreg [dreg:$0x16];
	[sflag:s25] =	ssyncadd.s32 $0xFFFFD800  }
0x149: {  	[hbm:s20@s22], [sflag:s10] =	dma.strided [spmem:s23@s24], $0x50, s0, $0x10   }
0x14a: {  	_ =	swait.ge [sflag:s25], $0x50  }
0x14b: {  	s21 =	sadd.s32 $0x1, s21;
	s24 =	rddreg [dreg:$0x17]  }
0x14c: {  	p1 =	sne.s32 s21, s24  }
.Ltmp1:
0x14d: {  	_ = 	snop;
	(pc) =	sbr.rel @p1 .LBB2_1-.Ltmp1, $3  }
0x14e: {  	_ =	sdelay $0x1  }
0x14f: {  	[sflag:s25] =	ssyncset.done $0x0  }
0x150: {  	[sflag:s25] =	ssyncadd.s32 $0xFFFFFFB0  }
0x151: {  	_ =	sfence.sel $0x180000  }
0x152: {  	[bflag:$0x0] =	sbarrier.arrive $0xFFFF  }
0x153: {  	_ =	strace $0x90000047  }
0x154: {  	s0 =	stileid.u32;
	[bflag:$0x2] =	sbarrier.arrive $0xFFFF  }
0x155: {  	p0 =	sne.s32 s0, $0x0;
	s0 =	rddreg [dreg:$0x6]  }
0x156: {  	s0 =	sadd.s32 @!p0 $0x100000, s0  }
0x157: {  	[sflag:s0] =	ssyncadd.tile.s32 @!p0 $0x1;
	_ =	shalt  }
.Lfunc_end2:
_tile_overlayer_lowered:
.L_overlay_start_2:
0x158: {  	(tag) =	ssettag $0x2  }
0x159: {  	s0 =	rddreg [dreg:$0x0];
	s2 =	stileid.u32  }
0x15a: {  	s1 =	rddreg [dreg:$0x1];
	p0 =	sne.s32 s2, $0x0  }
0x15b: {  	s3 =	rddreg [dreg:$0x2];
	[bflag:$0x3] =	sbarrier.arrive $0xFFFF;
	s2 =	simm.s32 @!p0 $0x1C09  }
0x15c: {  	[timem:s3], [sflag:s2] =	dma.local @!p0 [hbm:s0], s1  }
0x15d: {  	s0 =	simm.s32 @!p0 $0x9  }
0x15e: {  	_ =	swait.ge @!p0 [sflag:s0], s1  }
0x15f: {  	s1 =	ssub.s32 @!p0 $0x0, s1;
	[sflag:s0] =	ssyncset.done @!p0 $0x0  }
0x160: {  	[sflag:s0] =	ssyncadd.s32 @!p0 s1  }
0x161: {  	[bflag:$0x3] =	sbarrier.arrive $0xFFFF  }
0x162: {  	_ =	shalt  }

</sc_bundles>
